<compile_context>
chip_gen: v7x
topology: tpu7x:2x2x1
jax: 0.10.2.dev20260603
libtpu: 0.0.44.dev20260713+nightly
codegen_flags: <defaults>
</compile_context>

<pallas_src>
import functools

import jax
import jax.numpy as jnp
from jax import lax
from jax.experimental import pallas as pl
from jax.experimental.pallas import tpu as pltpu
from jax.experimental.pallas import tpu_sc as plsc

N = 10000
E = 320000
F = 128
NC, NS = 2, 16
NW = NC * NS
EPW = E // NW
K = 96
NCHUNK = EPW // K
TAIL = EPW - NCHUNK * K
NP = 10240
RPT = NP // NS
ZR = 32

_mesh = plsc.VectorSubcoreMesh(
    core_axis_name="c", subcore_axis_name="s", num_cores=NC, num_subcores=NS
)


@functools.partial(
    pl.kernel,
    out_type=jax.ShapeDtypeStruct((NC, NP), jnp.float32),
    mesh=_mesh,
    scratch_types=[
        pltpu.VMEM((RPT,), jnp.float32),
        pltpu.VMEM((K,), jnp.float32),
        pltpu.VMEM((TAIL,), jnp.float32),
        pltpu.VMEM((NCHUNK, K), jnp.int32),
        pltpu.VMEM((TAIL,), jnp.int32),
        pltpu.SemaphoreType.DMA,
        pltpu.VMEM_SHARED((NP,), jnp.float32),
    ],
)
def _sc_deg(dst_m_hbm, etail_hbm, out_hbm, zbuf, ones_v, ones_t,
            dst_all, dst_t, dsem, acc):
    cid = lax.axis_index("c")
    sid = lax.axis_index("s")
    wid = cid * NS + sid

    @pl.loop(0, RPT // 16)
    def _(i):
        zbuf[pl.ds(i * 16, 16)] = jnp.zeros((16,), jnp.float32)

    @pl.loop(0, K // 16)
    def _(i):
        ones_v[pl.ds(i * 16, 16)] = jnp.ones((16,), jnp.float32)

    ones_t[...] = jnp.ones((TAIL,), jnp.float32)

    pltpu.sync_copy(dst_m_hbm.at[wid], dst_all)
    pltpu.sync_copy(etail_hbm.at[wid, 1], dst_t)
    pltpu.sync_copy(zbuf, acc.at[pl.ds(sid * RPT, RPT)])
    plsc.subcore_barrier()

    @pl.loop(0, 8)
    def _(j):
        pltpu.async_copy(ones_v, acc.at[dst_all.at[j]], dsem, add=True)

    @pl.loop(8, NCHUNK)
    def _(j):
        pltpu.make_async_copy(ones_v, acc.at[dst_all.at[0]], dsem).wait()
        pltpu.async_copy(ones_v, acc.at[dst_all.at[j]], dsem, add=True)

    @pl.loop(0, 8)
    def _(j):
        pltpu.make_async_copy(ones_v, acc.at[dst_all.at[0]], dsem).wait()

    pltpu.sync_copy(ones_t, acc.at[dst_t], add=True)

    plsc.subcore_barrier()
    pltpu.sync_copy(
        acc.at[pl.ds(sid * RPT, RPT)], out_hbm.at[cid, pl.ds(sid * RPT, RPT)]
    )


@functools.partial(
    pl.kernel,
    out_type=jax.ShapeDtypeStruct((NC, NP, F), jnp.float32),
    mesh=_mesh,
    scratch_types=[
        pltpu.VMEM((ZR, F), jnp.float32),
        pltpu.VMEM((2, K), jnp.int32),
        pltpu.VMEM((2, K), jnp.int32),
        pltpu.VMEM((2, K), jnp.int32),
        pltpu.VMEM((2, K), jnp.int32),
        pltpu.VMEM((2, K), jnp.int32),
        pltpu.VMEM((2, K), jnp.int32),
        pltpu.VMEM((K, F), jnp.float32),
        pltpu.VMEM((K, F), jnp.float32),
        pltpu.VMEM((K, F), jnp.float32),
        pltpu.VMEM((2, TAIL), jnp.int32),
        pltpu.VMEM((TAIL, F), jnp.float32),
        pltpu.SemaphoreType.DMA,
        pltpu.SemaphoreType.DMA,
        pltpu.SemaphoreType.DMA,
        pltpu.SemaphoreType.DMA,
        pltpu.SemaphoreType.DMA,
        pltpu.SemaphoreType.DMA,
        pltpu.SemaphoreType.DMA,
        pltpu.SemaphoreType.DMA,
        pltpu.SemaphoreType.DMA,
        pltpu.VMEM_SHARED((NP, F), jnp.float32),
    ],
)
def _sc_agg(g_hbm, eidx_hbm, etail_hbm, out_hbm,
            zbuf, is0, is1, is2, is3, is4, is5, rb0, rb1, rb2, idx_t, rows_t,
            gs0, gs1, gs2, ism0, ism1, ism2, ism3, ism4, ism5, acc):
    cid = lax.axis_index("c")
    sid = lax.axis_index("s")
    wid = cid * NS + sid

    @pl.loop(0, ZR)
    def _(r):
        for c2 in range(F // 16):
            zbuf[r, pl.ds(c2 * 16, 16)] = jnp.zeros((16,), jnp.float32)

    @pl.loop(0, RPT // ZR)
    def _(i):
        pltpu.async_copy(zbuf, acc.at[pl.ds(sid * RPT + i * ZR, ZR)], gs0)

    @pl.loop(0, RPT // ZR)
    def _(i):
        pltpu.make_async_copy(zbuf, acc.at[pl.ds(sid * RPT, ZR)], gs0).wait()

    plsc.subcore_barrier()

    cbase = wid * NCHUNK
    slots = ((is0, ism0), (is1, ism1), (is2, ism2),
             (is3, ism3), (is4, ism4), (is5, ism5))
    rows = ((rb0, gs0), (rb1, gs1), (rb2, gs2))

    for q in range(3):
        pltpu.sync_copy(eidx_hbm.at[cbase + q], slots[q][0])
    for q in range(3, 6):
        pltpu.async_copy(eidx_hbm.at[cbase + q], slots[q][0], slots[q][1])
    for q in range(3):
        pltpu.async_copy(g_hbm.at[slots[q][0].at[0]], rows[q][0], rows[q][1])

    @pl.loop(0, (NCHUNK - 2) // 6)
    def _(t):
        c0 = 6 * t
        for q in range(6):
            idx_r, isem_r = slots[q]
            nidx_r, nisem_r = slots[(q + 3) % 6]
            rows_r, sem_r = rows[q % 3]
            pltpu.make_async_copy(g_hbm.at[idx_r.at[0]], rows_r, sem_r).wait()
            pltpu.sync_copy(rows_r, acc.at[idx_r.at[1]], add=True)
            pltpu.async_copy(eidx_hbm.at[cbase + c0 + q + 6], idx_r, isem_r)
            pltpu.make_async_copy(eidx_hbm.at[cbase], nidx_r, nisem_r).wait()
            pltpu.async_copy(g_hbm.at[nidx_r.at[0]], rows_r, sem_r)

    for q in range(2):
        idx_r, _ = slots[q]
        rows_r, sem_r = rows[q % 3]
        pltpu.make_async_copy(g_hbm.at[idx_r.at[0]], rows_r, sem_r).wait()
        pltpu.sync_copy(rows_r, acc.at[idx_r.at[1]], add=True)
    pltpu.make_async_copy(g_hbm.at[is2.at[0]], rb2, gs2).wait()
    for q in range(3, 6):
        pltpu.make_async_copy(eidx_hbm.at[cbase], slots[q][0], slots[q][1]).wait()

    pltpu.sync_copy(etail_hbm.at[wid], idx_t)
    pltpu.async_copy(g_hbm.at[idx_t.at[0]], rows_t, gs0).wait()
    pltpu.sync_copy(rows_t, acc.at[idx_t.at[1]], add=True)

    plsc.subcore_barrier()
    pltpu.sync_copy(
        acc.at[pl.ds(sid * RPT, RPT)], out_hbm.at[cid, pl.ds(sid * RPT, RPT)]
    )


BM = 2000

_CONTRACT_T = (((1,), (1,)), ((), ()))


def _tc1_body(d0, d1, x, w1, g_out, dinv_out):
    deg = d0[...] + d1[...] + 1.0
    dinv = lax.rsqrt(deg)
    h = lax.dot_general(x[...], w1[...], _CONTRACT_T,
                        preferred_element_type=jnp.float32)
    g_out[...] = dinv * h
    dinv_out[...] = dinv


_tc1 = pl.pallas_call(
    _tc1_body,
    grid=(N // BM,),
    in_specs=[
        pl.BlockSpec((BM, 1), lambda r: (r, 0)),
        pl.BlockSpec((BM, 1), lambda r: (r, 0)),
        pl.BlockSpec((BM, F), lambda r: (r, 0)),
        pl.BlockSpec((F, F), lambda r: (0, 0)),
    ],
    out_specs=[
        pl.BlockSpec((BM, F), lambda r: (r, 0)),
        pl.BlockSpec((BM, 1), lambda r: (r, 0)),
    ],
    out_shape=[
        jax.ShapeDtypeStruct((N, F), jnp.float32),
        jax.ShapeDtypeStruct((N, 1), jnp.float32),
    ],
)


def _tc2_body(acc, g1, dinv, b1, alpha, w2, g2_out):
    h = dinv[...] * (acc[0] + acc[1] + g1[...]) + b1[...]
    p = jnp.where(h > 0, h, alpha[...] * h)
    m = lax.dot_general(p, w2[...], _CONTRACT_T,
                        preferred_element_type=jnp.float32)
    g2_out[...] = dinv[...] * m


_tc2 = pl.pallas_call(
    _tc2_body,
    grid=(N // BM,),
    in_specs=[
        pl.BlockSpec((NC, BM, F), lambda r: (0, r, 0)),
        pl.BlockSpec((BM, F), lambda r: (r, 0)),
        pl.BlockSpec((BM, 1), lambda r: (r, 0)),
        pl.BlockSpec((1, F), lambda r: (0, 0)),
        pl.BlockSpec((1, F), lambda r: (0, 0)),
        pl.BlockSpec((F, F), lambda r: (0, 0)),
    ],
    out_specs=pl.BlockSpec((BM, F), lambda r: (r, 0)),
    out_shape=jax.ShapeDtypeStruct((N, F), jnp.float32),
)


def _tc3_body(acc, g2, dinv, b2, out):
    out[...] = dinv[...] * (acc[0] + acc[1] + g2[...]) + b2[...]


_tc3 = pl.pallas_call(
    _tc3_body,
    grid=(N // BM,),
    in_specs=[
        pl.BlockSpec((NC, BM, F), lambda r: (0, r, 0)),
        pl.BlockSpec((BM, F), lambda r: (r, 0)),
        pl.BlockSpec((BM, 1), lambda r: (r, 0)),
        pl.BlockSpec((1, F), lambda r: (0, 0)),
    ],
    out_specs=pl.BlockSpec((BM, F), lambda r: (r, 0)),
    out_shape=jax.ShapeDtypeStruct((N, F), jnp.float32),
)


def kernel(x, edge_index, W1, b1, W2, b2, alpha):
    ei = edge_index.reshape(2, NW, EPW)
    src_m = ei[0, :, : NCHUNK * K].reshape(NW, NCHUNK, K)
    dst_m = ei[1, :, : NCHUNK * K].reshape(NW, NCHUNK, K)
    eidx = jnp.concatenate(
        [jnp.stack([src_m, dst_m], axis=2).reshape(NW * NCHUNK, 2, K),
         jnp.zeros((4, 2, K), jnp.int32)])
    etail = ei[:, :, NCHUNK * K :].transpose(1, 0, 2)

    degp = _sc_deg(dst_m, etail)
    g1, dinv = _tc1(degp[0].reshape(NP, 1)[:N],
                    degp[1].reshape(NP, 1)[:N], x, W1)
    acc1 = _sc_agg(g1, eidx, etail)
    g2 = _tc2(acc1, g1, dinv, b1.reshape(1, F), alpha.reshape(1, F), W2)
    acc2 = _sc_agg(g2, eidx, etail)
    out = _tc3(acc2, g2, dinv, b2.reshape(1, F))
    return out

# --- scband reference (transcript-rebuilt; emitter-appended) ---
"""Pipeline reference for scband-gnnencoder-77068893159613 (READ-ONLY COPY).

The authoritative reference and input builder live on the scoring server;
editing this copy changes nothing except your own understanding.
"""

import jax, jax.numpy as jnp
import numpy as np

N = 10000
E = 320000
F_IN = 128
F_HID = 128


def setup_inputs(seed: int = 0) -> dict:
    key = jax.random.key(seed)
    ks = jax.random.split(key, 8)
    x = jax.random.normal(ks[0], (N, F_IN), dtype=jnp.float32)
    edge_index = jax.random.randint(ks[1], (2, E), 0, N, dtype=jnp.int32)
    # GCNConv layer 1 params (lin weight [out,in], bias [out])
    W1 = jax.random.normal(ks[2], (F_HID, F_IN), dtype=jnp.float32) * (1.0 / np.sqrt(F_IN))
    b1 = jnp.zeros((F_HID,), dtype=jnp.float32)
    # GCNConv layer 2 params
    W2 = jax.random.normal(ks[3], (F_HID, F_HID), dtype=jnp.float32) * (1.0 / np.sqrt(F_HID))
    b2 = jnp.zeros((F_HID,), dtype=jnp.float32)
    # PReLU per-channel alpha (torch default init 0.25)
    alpha = jnp.full((F_HID,), 0.25, dtype=jnp.float32)
    return {"x": x, "edge_index": edge_index, "W1": W1, "b1": b1, "W2": W2, "b2": b2, "alpha": alpha}


def _gcn_layer(x, W, b, src, dst, n):
    # x' = x @ W.T (lin without bias)
    h = x @ W.T
    # add self-loops (PyG GCNConv default add_self_loops=True)
    loop = jnp.arange(n, dtype=src.dtype)
    s = jnp.concatenate([src, loop])
    d = jnp.concatenate([dst, loop])
    # symmetric normalization: deg computed on dst with unit edge weights
    deg = jnp.zeros((n,), dtype=h.dtype).at[d].add(1.0)
    dinv = jnp.where(deg > 0, jax.lax.rsqrt(deg), 0.0)
    norm = dinv[s] * dinv[d]
    # gather messages from src, scale, scatter-add to dst
    msgs = h[s] * norm[:, None]
    out = jnp.zeros((n, h.shape[1]), dtype=h.dtype).at[d].add(msgs)
    return out + b


def reference(x, edge_index, W1, b1, W2, b2, alpha):
    src = edge_index[0]
    dst = edge_index[1]
    n = x.shape[0]
    h = _gcn_layer(x, W1, b1, src, dst, n)
    # PReLU (per-channel); dropout is identity in eval mode
    h = jnp.where(h > 0, h, alpha[None, :] * h)
    h = _gcn_layer(h, W2, b2, src, dst, n)
    return h

if __name__ == "__main__":
    import jax
    _d = setup_inputs()
    print(jax.jit(kernel)(*tuple(_d.values())))

</pallas_src>

<mosaic_0001>
#map = affine_map<(d0, d1) -> (0, 0)>
#map1 = affine_map<(d0, d1) -> (0, 0, 0)>
module attributes {stable_mosaic.version = 14 : i64} {
  func.func @_sc_agg(%arg0: i32, %arg1: i32, %arg2: memref<10000x128xf32, #tpu.memory_space<hbm>>, %arg3: memref<3332x2x96xi32, #tpu.memory_space<hbm>>, %arg4: memref<32x2x16xi32, #tpu.memory_space<hbm>>, %arg5: memref<2x10240x128xf32, #tpu.memory_space<hbm>>, %arg6: memref<32x128xf32, #tpu.memory_space<vmem>>, %arg7: memref<2x96xi32, #tpu.memory_space<vmem>>, %arg8: memref<2x96xi32, #tpu.memory_space<vmem>>, %arg9: memref<2x96xi32, #tpu.memory_space<vmem>>, %arg10: memref<2x96xi32, #tpu.memory_space<vmem>>, %arg11: memref<2x96xi32, #tpu.memory_space<vmem>>, %arg12: memref<2x96xi32, #tpu.memory_space<vmem>>, %arg13: memref<96x128xf32, #tpu.memory_space<vmem>>, %arg14: memref<96x128xf32, #tpu.memory_space<vmem>>, %arg15: memref<96x128xf32, #tpu.memory_space<vmem>>, %arg16: memref<2x16xi32, #tpu.memory_space<vmem>>, %arg17: memref<16x128xf32, #tpu.memory_space<vmem>>, %arg18: memref<!tpu.dma_semaphore, #tpu.memory_space<semaphore_mem>>, %arg19: memref<!tpu.dma_semaphore, #tpu.memory_space<semaphore_mem>>, %arg20: memref<!tpu.dma_semaphore, #tpu.memory_space<semaphore_mem>>, %arg21: memref<!tpu.dma_semaphore, #tpu.memory_space<semaphore_mem>>, %arg22: memref<!tpu.dma_semaphore, #tpu.memory_space<semaphore_mem>>, %arg23: memref<!tpu.dma_semaphore, #tpu.memory_space<semaphore_mem>>, %arg24: memref<!tpu.dma_semaphore, #tpu.memory_space<semaphore_mem>>, %arg25: memref<!tpu.dma_semaphore, #tpu.memory_space<semaphore_mem>>, %arg26: memref<!tpu.dma_semaphore, #tpu.memory_space<semaphore_mem>>, %arg27: memref<10240x128xf32, #tpu.memory_space<vmem_shared>>) attributes {dimension_semantics = [#tpu.dimension_semantics<core_parallel>, #tpu.dimension_semantics<subcore_parallel>], iteration_bounds = array<i64: 2, 16>, scalar_prefetch = 0 : i64, scratch_operands = 22 : i64, tpu.core_type = #tpu.core_type<sc_vector_subcore>, window_params = [{transform_indices = #map}, {transform_indices = #map1}, {transform_indices = #map1}, {transform_indices = #map1}]} {
    %mul3A = arith.constant 16 : i32
    %mul3A_0 = arith.muli %arg0, %mul3A : i32
    %add3A = arith.addi %mul3A_0, %arg1 : i32
    %scan3A = arith.constant 0 : i32
    %scan3A_1 = arith.constant 32 : i32
    %scan3A_2 = arith.addi %scan3A, %scan3A_1 : i32
    %scan3A_3 = arith.constant 1 : i32
    scf.for %scan3A_143 = %scan3A to %scan3A_2 step %scan3A_3  : i32 {
      %mul3A_144 = arith.constant 1 : i32
      %mul3A_145 = arith.muli %scan3A_143, %mul3A_144 : i32
      %add3A_146 = arith.constant 0 : i32
      %add3A_147 = arith.addi %add3A_146, %mul3A_145 : i32
      %broadcast_in_dim3A = arith.constant 0.000000e+00 : f32
      %broadcast_in_dim3A_148 = vector.broadcast %broadcast_in_dim3A : f32 to vector<16xf32>
      %swap3A = arith.index_cast %add3A_147 : i32 to index
      %swap3A_149 = arith.constant 0 : index
      %swap3A_150 = tpu.vector_load %arg6[%swap3A, %swap3A_149] {strides = array<i32>} : memref<32x128xf32, #tpu.memory_space<vmem>>, vector<1x16xf32>,
      %swap3A_151 = vector.shape_cast %swap3A_150 : vector<1x16xf32> to vector<16xf32>
      %swap3A_152 = vector.shape_cast %broadcast_in_dim3A_148 : vector<16xf32> to vector<1x16xf32>
      tpu.vector_store %arg6[%swap3A, %swap3A_149], %swap3A_152 {strides = array<i32>} : memref<32x128xf32, #tpu.memory_space<vmem>>, vector<1x16xf32>,
      %broadcast_in_dim3A_153 = arith.constant 0.000000e+00 : f32
      %broadcast_in_dim3A_154 = vector.broadcast %broadcast_in_dim3A_153 : f32 to vector<16xf32>
      %swap3A_155 = arith.index_cast %add3A_147 : i32 to index
      %swap3A_156 = arith.constant 16 : index
      %swap3A_157 = tpu.vector_load %arg6[%swap3A_155, %swap3A_156] {strides = array<i32>} : memref<32x128xf32, #tpu.memory_space<vmem>>, vector<1x16xf32>,
      %swap3A_158 = vector.shape_cast %swap3A_157 : vector<1x16xf32> to vector<16xf32>
      %swap3A_159 = vector.shape_cast %broadcast_in_dim3A_154 : vector<16xf32> to vector<1x16xf32>
      tpu.vector_store %arg6[%swap3A_155, %swap3A_156], %swap3A_159 {strides = array<i32>} : memref<32x128xf32, #tpu.memory_space<vmem>>, vector<1x16xf32>,
      %broadcast_in_dim3A_160 = arith.constant 0.000000e+00 : f32
      %broadcast_in_dim3A_161 = vector.broadcast %broadcast_in_dim3A_160 : f32 to vector<16xf32>
      %swap3A_162 = arith.index_cast %add3A_147 : i32 to index
      %swap3A_163 = arith.constant 32 : index
      %swap3A_164 = tpu.vector_load %arg6[%swap3A_162, %swap3A_163] {strides = array<i32>} : memref<32x128xf32, #tpu.memory_space<vmem>>, vector<1x16xf32>,
      %swap3A_165 = vector.shape_cast %swap3A_164 : vector<1x16xf32> to vector<16xf32>
      %swap3A_166 = vector.shape_cast %broadcast_in_dim3A_161 : vector<16xf32> to vector<1x16xf32>
      tpu.vector_store %arg6[%swap3A_162, %swap3A_163], %swap3A_166 {strides = array<i32>} : memref<32x128xf32, #tpu.memory_space<vmem>>, vector<1x16xf32>,
      %broadcast_in_dim3A_167 = arith.constant 0.000000e+00 : f32
      %broadcast_in_dim3A_168 = vector.broadcast %broadcast_in_dim3A_167 : f32 to vector<16xf32>
      %swap3A_169 = arith.index_cast %add3A_147 : i32 to index
      %swap3A_170 = arith.constant 48 : index
      %swap3A_171 = tpu.vector_load %arg6[%swap3A_169, %swap3A_170] {strides = array<i32>} : memref<32x128xf32, #tpu.memory_space<vmem>>, vector<1x16xf32>,
      %swap3A_172 = vector.shape_cast %swap3A_171 : vector<1x16xf32> to vector<16xf32>
      %swap3A_173 = vector.shape_cast %broadcast_in_dim3A_168 : vector<16xf32> to vector<1x16xf32>
      tpu.vector_store %arg6[%swap3A_169, %swap3A_170], %swap3A_173 {strides = array<i32>} : memref<32x128xf32, #tpu.memory_space<vmem>>, vector<1x16xf32>,
      %broadcast_in_dim3A_174 = arith.constant 0.000000e+00 : f32
      %broadcast_in_dim3A_175 = vector.broadcast %broadcast_in_dim3A_174 : f32 to vector<16xf32>
      %swap3A_176 = arith.index_cast %add3A_147 : i32 to index
      %swap3A_177 = arith.constant 64 : index
      %swap3A_178 = tpu.vector_load %arg6[%swap3A_176, %swap3A_177] {strides = array<i32>} : memref<32x128xf32, #tpu.memory_space<vmem>>, vector<1x16xf32>,
      %swap3A_179 = vector.shape_cast %swap3A_178 : vector<1x16xf32> to vector<16xf32>
      %swap3A_180 = vector.shape_cast %broadcast_in_dim3A_175 : vector<16xf32> to vector<1x16xf32>
      tpu.vector_store %arg6[%swap3A_176, %swap3A_177], %swap3A_180 {strides = array<i32>} : memref<32x128xf32, #tpu.memory_space<vmem>>, vector<1x16xf32>,
      %broadcast_in_dim3A_181 = arith.constant 0.000000e+00 : f32
      %broadcast_in_dim3A_182 = vector.broadcast %broadcast_in_dim3A_181 : f32 to vector<16xf32>
      %swap3A_183 = arith.index_cast %add3A_147 : i32 to index
      %swap3A_184 = arith.constant 80 : index
      %swap3A_185 = tpu.vector_load %arg6[%swap3A_183, %swap3A_184] {strides = array<i32>} : memref<32x128xf32, #tpu.memory_space<vmem>>, vector<1x16xf32>,
      %swap3A_186 = vector.shape_cast %swap3A_185 : vector<1x16xf32> to vector<16xf32>
      %swap3A_187 = vector.shape_cast %broadcast_in_dim3A_182 : vector<16xf32> to vector<1x16xf32>
      tpu.vector_store %arg6[%swap3A_183, %swap3A_184], %swap3A_187 {strides = array<i32>} : memref<32x128xf32, #tpu.memory_space<vmem>>, vector<1x16xf32>,
      %broadcast_in_dim3A_188 = arith.constant 0.000000e+00 : f32
      %broadcast_in_dim3A_189 = vector.broadcast %broadcast_in_dim3A_188 : f32 to vector<16xf32>
      %swap3A_190 = arith.index_cast %add3A_147 : i32 to index
      %swap3A_191 = arith.constant 96 : index
      %swap3A_192 = tpu.vector_load %arg6[%swap3A_190, %swap3A_191] {strides = array<i32>} : memref<32x128xf32, #tpu.memory_space<vmem>>, vector<1x16xf32>,
      %swap3A_193 = vector.shape_cast %swap3A_192 : vector<1x16xf32> to vector<16xf32>
      %swap3A_194 = vector.shape_cast %broadcast_in_dim3A_189 : vector<16xf32> to vector<1x16xf32>
      tpu.vector_store %arg6[%swap3A_190, %swap3A_191], %swap3A_194 {strides = array<i32>} : memref<32x128xf32, #tpu.memory_space<vmem>>, vector<1x16xf32>,
      %broadcast_in_dim3A_195 = arith.constant 0.000000e+00 : f32
      %broadcast_in_dim3A_196 = vector.broadcast %broadcast_in_dim3A_195 : f32 to vector<16xf32>
      %swap3A_197 = arith.index_cast %add3A_147 : i32 to index
      %swap3A_198 = arith.constant 112 : index
      %swap3A_199 = tpu.vector_load %arg6[%swap3A_197, %swap3A_198] {strides = array<i32>} : memref<32x128xf32, #tpu.memory_space<vmem>>, vector<1x16xf32>,
      %swap3A_200 = vector.shape_cast %swap3A_199 : vector<1x16xf32> to vector<16xf32>
      %swap3A_201 = vector.shape_cast %broadcast_in_dim3A_196 : vector<16xf32> to vector<1x16xf32>
      tpu.vector_store %arg6[%swap3A_197, %swap3A_198], %swap3A_201 {strides = array<i32>} : memref<32x128xf32, #tpu.memory_space<vmem>>, vector<1x16xf32>,
    }
    %scan3A_4 = arith.constant 32 : i32
    %scan3A_5 = arith.constant 0 : i32
    %scan3A_6 = arith.constant 20 : i32
    %scan3A_7 = arith.addi %scan3A_5, %scan3A_6 : i32
    %scan3A_8 = arith.constant 1 : i32
    scf.for %scan3A_143 = %scan3A_5 to %scan3A_7 step %scan3A_8  : i32 {
      %mul3A_144 = arith.constant 1 : i32
      %mul3A_145 = arith.muli %scan3A_143, %mul3A_144 : i32
      %add3A_146 = arith.constant 0 : i32
      %add3A_147 = arith.addi %add3A_146, %mul3A_145 : i32
      %mul3A_148 = arith.constant 640 : i32
      %mul3A_149 = arith.muli %arg1, %mul3A_148 : i32
      %mul3A_150 = arith.constant 32 : i32
      %mul3A_151 = arith.muli %add3A_147, %mul3A_150 : i32
      %add3A_152 = arith.addi %mul3A_149, %mul3A_151 : i32
      %dma_start3A_153 = arith.constant 0 : i32
      %dma_start3A_154 = tpu.memref_slice %arg27[%add3A_152, %dma_start3A_153] : memref<10240x128xf32, #tpu.memory_space<vmem_shared>> -> memref<32x128xf32, #tpu.memory_space<vmem_shared>>
      %dma_start3A_155 = arith.constant 0 : i32
      %dma_start3A_156 = tpu.memref_slice %arg27[%add3A_152, %dma_start3A_155] : memref<10240x128xf32, #tpu.memory_space<vmem_shared>> -> memref<32x128xf32, #tpu.memory_space<vmem_shared>>
      tpu.enqueue_dma source(%arg6 : memref<32x128xf32, #tpu.memory_space<vmem>>) target(%dma_start3A_156 : memref<32x128xf32, #tpu.memory_space<vmem_shared>>) target_semaphore(%arg18 : memref<!tpu.dma_semaphore, #tpu.memory_space<semaphore_mem>>)
    }
    %scan3A_9 = arith.constant 20 : i32
    %scan3A_10 = arith.constant 0 : i32
    %scan3A_11 = arith.constant 20 : i32
    %scan3A_12 = arith.addi %scan3A_10, %scan3A_11 : i32
    %scan3A_13 = arith.constant 1 : i32
    scf.for %scan3A_143 = %scan3A_10 to %scan3A_12 step %scan3A_13  : i32 {
      %mul3A_144 = arith.constant 1 : i32
      %mul3A_145 = arith.muli %scan3A_143, %mul3A_144 : i32
      %add3A_146 = arith.constant 0 : i32
      %add3A_147 = arith.addi %add3A_146, %mul3A_145 : i32
      %mul3A_148 = arith.constant 640 : i32
      %mul3A_149 = arith.muli %arg1, %mul3A_148 : i32
      %dma_wait3A_150 = arith.constant 0 : i32
      %dma_wait3A_151 = tpu.memref_slice %arg27[%mul3A_149, %dma_wait3A_150] : memref<10240x128xf32, #tpu.memory_space<vmem_shared>> -> memref<32x128xf32, #tpu.memory_space<vmem_shared>>
      %dma_wait3A_152 = arith.constant 0 : i32
      %dma_wait3A_153 = tpu.memref_slice %arg27[%mul3A_149, %dma_wait3A_152] : memref<10240x128xf32, #tpu.memory_space<vmem_shared>> -> memref<32x128xf32, #tpu.memory_space<vmem_shared>>
      tpu.wait_dma2 semaphore(%arg18 : memref<!tpu.dma_semaphore, #tpu.memory_space<semaphore_mem>>) src(%arg6 : memref<32x128xf32, #tpu.memory_space<vmem>>) dst(%dma_wait3A_153 : memref<32x128xf32, #tpu.memory_space<vmem_shared>>)
    }
    %scan3A_14 = arith.constant 20 : i32
    %barrier3A = arith.constant 0 : index
    tpu.barrier barrier_id(%barrier3A)
    %mul3A_15 = arith.constant 104 : i32
    %mul3A_16 = arith.muli %add3A, %mul3A_15 : i32
    %add3A_17 = arith.constant 0 : i32
    %add3A_18 = arith.addi %mul3A_16, %add3A_17 : i32
    "tpu.region"() ({
      %run_scoped3A_143 = tpu.sem_alloc : memref<!tpu.dma_semaphore, #tpu.memory_space<semaphore_mem>>
      %dma_start3A_144 = arith.constant 0 : i32
      %dma_start3A_145 = arith.constant 0 : i32
      %dma_start3A_146 = tpu.memref_slice %arg3[%add3A_18, %dma_start3A_144, %dma_start3A_145] : memref<3332x2x96xi32, #tpu.memory_space<hbm>> -> memref<1x2x96xi32, #tpu.memory_space<hbm>>
      %dma_start3A_147 = tpu.memref_squeeze %dma_start3A_146 : memref<1x2x96xi32, #tpu.memory_space<hbm>> -> memref<2x96xi32, #tpu.memory_space<hbm>>
      %dma_start3A_148 = arith.constant 0 : i32
      %dma_start3A_149 = arith.constant 0 : i32
      %dma_start3A_150 = tpu.memref_slice %arg3[%add3A_18, %dma_start3A_148, %dma_start3A_149] : memref<3332x2x96xi32, #tpu.memory_space<hbm>> -> memref<1x2x96xi32, #tpu.memory_space<hbm>>
      %dma_start3A_151 = tpu.memref_squeeze %dma_start3A_150 : memref<1x2x96xi32, #tpu.memory_space<hbm>> -> memref<2x96xi32, #tpu.memory_space<hbm>>
      tpu.enqueue_dma source(%dma_start3A_151 : memref<2x96xi32, #tpu.memory_space<hbm>>) target(%arg7 : memref<2x96xi32, #tpu.memory_space<vmem>>) target_semaphore(%run_scoped3A_143 : memref<!tpu.dma_semaphore, #tpu.memory_space<semaphore_mem>>)
      %dma_wait3A_152 = arith.constant 0 : i32
      %dma_wait3A_153 = arith.constant 0 : i32
      %dma_wait3A_154 = tpu.memref_slice %arg3[%add3A_18, %dma_wait3A_152, %dma_wait3A_153] : memref<3332x2x96xi32, #tpu.memory_space<hbm>> -> memref<1x2x96xi32, #tpu.memory_space<hbm>>
      %dma_wait3A_155 = tpu.memref_squeeze %dma_wait3A_154 : memref<1x2x96xi32, #tpu.memory_space<hbm>> -> memref<2x96xi32, #tpu.memory_space<hbm>>
      %dma_wait3A_156 = arith.constant 0 : i32
      %dma_wait3A_157 = arith.constant 0 : i32
      %dma_wait3A_158 = tpu.memref_slice %arg3[%add3A_18, %dma_wait3A_156, %dma_wait3A_157] : memref<3332x2x96xi32, #tpu.memory_space<hbm>> -> memref<1x2x96xi32, #tpu.memory_space<hbm>>
      %dma_wait3A_159 = tpu.memref_squeeze %dma_wait3A_158 : memref<1x2x96xi32, #tpu.memory_space<hbm>> -> memref<2x96xi32, #tpu.memory_space<hbm>>
      tpu.wait_dma2 semaphore(%run_scoped3A_143 : memref<!tpu.dma_semaphore, #tpu.memory_space<semaphore_mem>>) src(%dma_wait3A_159 : memref<2x96xi32, #tpu.memory_space<hbm>>) dst(%arg7 : memref<2x96xi32, #tpu.memory_space<vmem>>)
      tpu.yield
    }) : () -> ()
    %add3A_19 = arith.constant 1 : i32
    %add3A_20 = arith.addi %mul3A_16, %add3A_19 : i32
    "tpu.region"() ({
      %run_scoped3A_143 = tpu.sem_alloc : memref<!tpu.dma_semaphore, #tpu.memory_space<semaphore_mem>>
      %dma_start3A_144 = arith.constant 0 : i32
      %dma_start3A_145 = arith.constant 0 : i32
      %dma_start3A_146 = tpu.memref_slice %arg3[%add3A_20, %dma_start3A_144, %dma_start3A_145] : memref<3332x2x96xi32, #tpu.memory_space<hbm>> -> memref<1x2x96xi32, #tpu.memory_space<hbm>>
      %dma_start3A_147 = tpu.memref_squeeze %dma_start3A_146 : memref<1x2x96xi32, #tpu.memory_space<hbm>> -> memref<2x96xi32, #tpu.memory_space<hbm>>
      %dma_start3A_148 = arith.constant 0 : i32
      %dma_start3A_149 = arith.constant 0 : i32
      %dma_start3A_150 = tpu.memref_slice %arg3[%add3A_20, %dma_start3A_148, %dma_start3A_149] : memref<3332x2x96xi32, #tpu.memory_space<hbm>> -> memref<1x2x96xi32, #tpu.memory_space<hbm>>
      %dma_start3A_151 = tpu.memref_squeeze %dma_start3A_150 : memref<1x2x96xi32, #tpu.memory_space<hbm>> -> memref<2x96xi32, #tpu.memory_space<hbm>>
      tpu.enqueue_dma source(%dma_start3A_151 : memref<2x96xi32, #tpu.memory_space<hbm>>) target(%arg8 : memref<2x96xi32, #tpu.memory_space<vmem>>) target_semaphore(%run_scoped3A_143 : memref<!tpu.dma_semaphore, #tpu.memory_space<semaphore_mem>>)
      %dma_wait3A_152 = arith.constant 0 : i32
      %dma_wait3A_153 = arith.constant 0 : i32
      %dma_wait3A_154 = tpu.memref_slice %arg3[%add3A_20, %dma_wait3A_152, %dma_wait3A_153] : memref<3332x2x96xi32, #tpu.memory_space<hbm>> -> memref<1x2x96xi32, #tpu.memory_space<hbm>>
      %dma_wait3A_155 = tpu.memref_squeeze %dma_wait3A_154 : memref<1x2x96xi32, #tpu.memory_space<hbm>> -> memref<2x96xi32, #tpu.memory_space<hbm>>
      %dma_wait3A_156 = arith.constant 0 : i32
      %dma_wait3A_157 = arith.constant 0 : i32
      %dma_wait3A_158 = tpu.memref_slice %arg3[%add3A_20, %dma_wait3A_156, %dma_wait3A_157] : memref<3332x2x96xi32, #tpu.memory_space<hbm>> -> memref<1x2x96xi32, #tpu.memory_space<hbm>>
      %dma_wait3A_159 = tpu.memref_squeeze %dma_wait3A_158 : memref<1x2x96xi32, #tpu.memory_space<hbm>> -> memref<2x96xi32, #tpu.memory_space<hbm>>
      tpu.wait_dma2 semaphore(%run_scoped3A_143 : memref<!tpu.dma_semaphore, #tpu.memory_space<semaphore_mem>>) src(%dma_wait3A_159 : memref<2x96xi32, #tpu.memory_space<hbm>>) dst(%arg8 : memref<2x96xi32, #tpu.memory_space<vmem>>)
      tpu.yield
    }) : () -> ()
    %add3A_21 = arith.constant 2 : i32
    %add3A_22 = arith.addi %mul3A_16, %add3A_21 : i32
    "tpu.region"() ({
      %run_scoped3A_143 = tpu.sem_alloc : memref<!tpu.dma_semaphore, #tpu.memory_space<semaphore_mem>>
      %dma_start3A_144 = arith.constant 0 : i32
      %dma_start3A_145 = arith.constant 0 : i32
      %dma_start3A_146 = tpu.memref_slice %arg3[%add3A_22, %dma_start3A_144, %dma_start3A_145] : memref<3332x2x96xi32, #tpu.memory_space<hbm>> -> memref<1x2x96xi32, #tpu.memory_space<hbm>>
      %dma_start3A_147 = tpu.memref_squeeze %dma_start3A_146 : memref<1x2x96xi32, #tpu.memory_space<hbm>> -> memref<2x96xi32, #tpu.memory_space<hbm>>
      %dma_start3A_148 = arith.constant 0 : i32
      %dma_start3A_149 = arith.constant 0 : i32
      %dma_start3A_150 = tpu.memref_slice %arg3[%add3A_22, %dma_start3A_148, %dma_start3A_149] : memref<3332x2x96xi32, #tpu.memory_space<hbm>> -> memref<1x2x96xi32, #tpu.memory_space<hbm>>
      %dma_start3A_151 = tpu.memref_squeeze %dma_start3A_150 : memref<1x2x96xi32, #tpu.memory_space<hbm>> -> memref<2x96xi32, #tpu.memory_space<hbm>>
      tpu.enqueue_dma source(%dma_start3A_151 : memref<2x96xi32, #tpu.memory_space<hbm>>) target(%arg9 : memref<2x96xi32, #tpu.memory_space<vmem>>) target_semaphore(%run_scoped3A_143 : memref<!tpu.dma_semaphore, #tpu.memory_space<semaphore_mem>>)
      %dma_wait3A_152 = arith.constant 0 : i32
      %dma_wait3A_153 = arith.constant 0 : i32
      %dma_wait3A_154 = tpu.memref_slice %arg3[%add3A_22, %dma_wait3A_152, %dma_wait3A_153] : memref<3332x2x96xi32, #tpu.memory_space<hbm>> -> memref<1x2x96xi32, #tpu.memory_space<hbm>>
      %dma_wait3A_155 = tpu.memref_squeeze %dma_wait3A_154 : memref<1x2x96xi32, #tpu.memory_space<hbm>> -> memref<2x96xi32, #tpu.memory_space<hbm>>
      %dma_wait3A_156 = arith.constant 0 : i32
      %dma_wait3A_157 = arith.constant 0 : i32
      %dma_wait3A_158 = tpu.memref_slice %arg3[%add3A_22, %dma_wait3A_156, %dma_wait3A_157] : memref<3332x2x96xi32, #tpu.memory_space<hbm>> -> memref<1x2x96xi32, #tpu.memory_space<hbm>>
      %dma_wait3A_159 = tpu.memref_squeeze %dma_wait3A_158 : memref<1x2x96xi32, #tpu.memory_space<hbm>> -> memref<2x96xi32, #tpu.memory_space<hbm>>
      tpu.wait_dma2 semaphore(%run_scoped3A_143 : memref<!tpu.dma_semaphore, #tpu.memory_space<semaphore_mem>>) src(%dma_wait3A_159 : memref<2x96xi32, #tpu.memory_space<hbm>>) dst(%arg9 : memref<2x96xi32, #tpu.memory_space<vmem>>)
      tpu.yield
    }) : () -> ()
    %add3A_23 = arith.constant 3 : i32
    %add3A_24 = arith.addi %mul3A_16, %add3A_23 : i32
    %dma_start3A = arith.constant 0 : i32
    %dma_start3A_25 = arith.constant 0 : i32
    %dma_start3A_26 = tpu.memref_slice %arg3[%add3A_24, %dma_start3A, %dma_start3A_25] : memref<3332x2x96xi32, #tpu.memory_space<hbm>> -> memref<1x2x96xi32, #tpu.memory_space<hbm>>
    %dma_start3A_27 = tpu.memref_squeeze %dma_start3A_26 : memref<1x2x96xi32, #tpu.memory_space<hbm>> -> memref<2x96xi32, #tpu.memory_space<hbm>>
    %dma_start3A_28 = arith.constant 0 : i32
    %dma_start3A_29 = arith.constant 0 : i32
    %dma_start3A_30 = tpu.memref_slice %arg3[%add3A_24, %dma_start3A_28, %dma_start3A_29] : memref<3332x2x96xi32, #tpu.memory_space<hbm>> -> memref<1x2x96xi32, #tpu.memory_space<hbm>>
    %dma_start3A_31 = tpu.memref_squeeze %dma_start3A_30 : memref<1x2x96xi32, #tpu.memory_space<hbm>> -> memref<2x96xi32, #tpu.memory_space<hbm>>
    tpu.enqueue_dma source(%dma_start3A_31 : memref<2x96xi32, #tpu.memory_space<hbm>>) target(%arg10 : memref<2x96xi32, #tpu.memory_space<vmem>>) target_semaphore(%arg24 : memref<!tpu.dma_semaphore, #tpu.memory_space<semaphore_mem>>)
    %add3A_32 = arith.constant 4 : i32
    %add3A_33 = arith.addi %mul3A_16, %add3A_32 : i32
    %dma_start3A_34 = arith.constant 0 : i32
    %dma_start3A_35 = arith.constant 0 : i32
    %dma_start3A_36 = tpu.memref_slice %arg3[%add3A_33, %dma_start3A_34, %dma_start3A_35] : memref<3332x2x96xi32, #tpu.memory_space<hbm>> -> memref<1x2x96xi32, #tpu.memory_space<hbm>>
    %dma_start3A_37 = tpu.memref_squeeze %dma_start3A_36 : memref<1x2x96xi32, #tpu.memory_space<hbm>> -> memref<2x96xi32, #tpu.memory_space<hbm>>
    %dma_start3A_38 = arith.constant 0 : i32
    %dma_start3A_39 = arith.constant 0 : i32
    %dma_start3A_40 = tpu.memref_slice %arg3[%add3A_33, %dma_start3A_38, %dma_start3A_39] : memref<3332x2x96xi32, #tpu.memory_space<hbm>> -> memref<1x2x96xi32, #tpu.memory_space<hbm>>
    %dma_start3A_41 = tpu.memref_squeeze %dma_start3A_40 : memref<1x2x96xi32, #tpu.memory_space<hbm>> -> memref<2x96xi32, #tpu.memory_space<hbm>>
    tpu.enqueue_dma source(%dma_start3A_41 : memref<2x96xi32, #tpu.memory_space<hbm>>) target(%arg11 : memref<2x96xi32, #tpu.memory_space<vmem>>) target_semaphore(%arg25 : memref<!tpu.dma_semaphore, #tpu.memory_space<semaphore_mem>>)
    %add3A_42 = arith.constant 5 : i32
    %add3A_43 = arith.addi %mul3A_16, %add3A_42 : i32
    %dma_start3A_44 = arith.constant 0 : i32
    %dma_start3A_45 = arith.constant 0 : i32
    %dma_start3A_46 = tpu.memref_slice %arg3[%add3A_43, %dma_start3A_44, %dma_start3A_45] : memref<3332x2x96xi32, #tpu.memory_space<hbm>> -> memref<1x2x96xi32, #tpu.memory_space<hbm>>
    %dma_start3A_47 = tpu.memref_squeeze %dma_start3A_46 : memref<1x2x96xi32, #tpu.memory_space<hbm>> -> memref<2x96xi32, #tpu.memory_space<hbm>>
    %dma_start3A_48 = arith.constant 0 : i32
    %dma_start3A_49 = arith.constant 0 : i32
    %dma_start3A_50 = tpu.memref_slice %arg3[%add3A_43, %dma_start3A_48, %dma_start3A_49] : memref<3332x2x96xi32, #tpu.memory_space<hbm>> -> memref<1x2x96xi32, #tpu.memory_space<hbm>>
    %dma_start3A_51 = tpu.memref_squeeze %dma_start3A_50 : memref<1x2x96xi32, #tpu.memory_space<hbm>> -> memref<2x96xi32, #tpu.memory_space<hbm>>
    tpu.enqueue_dma source(%dma_start3A_51 : memref<2x96xi32, #tpu.memory_space<hbm>>) target(%arg12 : memref<2x96xi32, #tpu.memory_space<vmem>>) target_semaphore(%arg26 : memref<!tpu.dma_semaphore, #tpu.memory_space<semaphore_mem>>)
    %dma_start3A_52 = arith.constant 0 : i32
    %dma_start3A_53 = arith.constant 0 : i32
    %dma_start3A_54 = tpu.memref_slice %arg7[%dma_start3A_52, %dma_start3A_53] : memref<2x96xi32, #tpu.memory_space<vmem>> -> memref<1x96xi32, #tpu.memory_space<vmem>>
    %dma_start3A_55 = tpu.memref_squeeze %dma_start3A_54 : memref<1x96xi32, #tpu.memory_space<vmem>> -> memref<96xi32, #tpu.memory_space<vmem>>
    %dma_start3A_56 = arith.constant 0 : i32
    %dma_start3A_57 = arith.constant 0 : i32
    %dma_start3A_58 = tpu.memref_slice %arg2[%dma_start3A_56, %dma_start3A_57] : memref<10000x128xf32, #tpu.memory_space<hbm>> -> memref<10000x128xf32, #tpu.memory_space<hbm>>
    tpu.enqueue_indirect_dma source(%dma_start3A_58 : memref<10000x128xf32, #tpu.memory_space<hbm>>) target(%arg13 : memref<96x128xf32, #tpu.memory_space<vmem>>) offsets(%dma_start3A_55 : memref<96xi32, #tpu.memory_space<vmem>>) semaphore(%arg18 : memref<!tpu.dma_semaphore, #tpu.memory_space<semaphore_mem>>)
    %dma_start3A_59 = arith.constant 0 : i32
    %dma_start3A_60 = arith.constant 0 : i32
    %dma_start3A_61 = tpu.memref_slice %arg8[%dma_start3A_59, %dma_start3A_60] : memref<2x96xi32, #tpu.memory_space<vmem>> -> memref<1x96xi32, #tpu.memory_space<vmem>>
    %dma_start3A_62 = tpu.memref_squeeze %dma_start3A_61 : memref<1x96xi32, #tpu.memory_space<vmem>> -> memref<96xi32, #tpu.memory_space<vmem>>
    %dma_start3A_63 = arith.constant 0 : i32
    %dma_start3A_64 = arith.constant 0 : i32
    %dma_start3A_65 = tpu.memref_slice %arg2[%dma_start3A_63, %dma_start3A_64] : memref<10000x128xf32, #tpu.memory_space<hbm>> -> memref<10000x128xf32, #tpu.memory_space<hbm>>
    tpu.enqueue_indirect_dma source(%dma_start3A_65 : memref<10000x128xf32, #tpu.memory_space<hbm>>) target(%arg14 : memref<96x128xf32, #tpu.memory_space<vmem>>) offsets(%dma_start3A_62 : memref<96xi32, #tpu.memory_space<vmem>>) semaphore(%arg19 : memref<!tpu.dma_semaphore, #tpu.memory_space<semaphore_mem>>)
    %dma_start3A_66 = arith.constant 0 : i32
    %dma_start3A_67 = arith.constant 0 : i32
    %dma_start3A_68 = tpu.memref_slice %arg9[%dma_start3A_66, %dma_start3A_67] : memref<2x96xi32, #tpu.memory_space<vmem>> -> memref<1x96xi32, #tpu.memory_space<vmem>>
    %dma_start3A_69 = tpu.memref_squeeze %dma_start3A_68 : memref<1x96xi32, #tpu.memory_space<vmem>> -> memref<96xi32, #tpu.memory_space<vmem>>
    %dma_start3A_70 = arith.constant 0 : i32
    %dma_start3A_71 = arith.constant 0 : i32
    %dma_start3A_72 = tpu.memref_slice %arg2[%dma_start3A_70, %dma_start3A_71] : memref<10000x128xf32, #tpu.memory_space<hbm>> -> memref<10000x128xf32, #tpu.memory_space<hbm>>
    tpu.enqueue_indirect_dma source(%dma_start3A_72 : memref<10000x128xf32, #tpu.memory_space<hbm>>) target(%arg15 : memref<96x128xf32, #tpu.memory_space<vmem>>) offsets(%dma_start3A_69 : memref<96xi32, #tpu.memory_space<vmem>>) semaphore(%arg20 : memref<!tpu.dma_semaphore, #tpu.memory_space<semaphore_mem>>)
    %scan3A_73 = arith.constant 0 : i32
    %scan3A_74 = arith.constant 17 : i32
    %scan3A_75 = arith.addi %scan3A_73, %scan3A_74 : i32
    %scan3A_76 = arith.constant 1 : i32
    scf.for %scan3A_143 = %scan3A_73 to %scan3A_75 step %scan3A_76  : i32 {
      %mul3A_144 = arith.constant 1 : i32
      %mul3A_145 = arith.muli %scan3A_143, %mul3A_144 : i32
      %add3A_146 = arith.constant 0 : i32
      %add3A_147 = arith.addi %add3A_146, %mul3A_145 : i32
      %mul3A_148 = arith.constant 6 : i32
      %mul3A_149 = arith.muli %mul3A_148, %add3A_147 : i32
      %dma_wait3A_150 = arith.constant 0 : i32
      %dma_wait3A_151 = arith.constant 0 : i32
      %dma_wait3A_152 = tpu.memref_slice %arg7[%dma_wait3A_150, %dma_wait3A_151] : memref<2x96xi32, #tpu.memory_space<vmem>> -> memref<1x96xi32, #tpu.memory_space<vmem>>
      %dma_wait3A_153 = tpu.memref_squeeze %dma_wait3A_152 : memref<1x96xi32, #tpu.memory_space<vmem>> -> memref<96xi32, #tpu.memory_space<vmem>>
      %dma_wait3A_154 = arith.constant 0 : i32
      %dma_wait3A_155 = arith.constant 0 : i32
      %dma_wait3A_156 = tpu.memref_slice %arg2[%dma_wait3A_154, %dma_wait3A_155] : memref<10000x128xf32, #tpu.memory_space<hbm>> -> memref<10000x128xf32, #tpu.memory_space<hbm>>
      tpu.wait_indirect_dma semaphore(%arg18 : memref<!tpu.dma_semaphore, #tpu.memory_space<semaphore_mem>>) src(%dma_wait3A_156 : memref<10000x128xf32, #tpu.memory_space<hbm>>) dst(%arg13 : memref<96x128xf32, #tpu.memory_space<vmem>>)
      %run_scoped3A_157 = arith.constant 1 : i32
      "tpu.region"() ({
        %run_scoped3A_366 = tpu.sem_alloc : memref<!tpu.dma_semaphore, #tpu.memory_space<semaphore_mem>>
        %dma_start3A_367 = arith.constant 0 : i32
        %dma_start3A_368 = tpu.memref_slice %arg7[%run_scoped3A_157, %dma_start3A_367] : memref<2x96xi32, #tpu.memory_space<vmem>> -> memref<1x96xi32, #tpu.memory_space<vmem>>
        %dma_start3A_369 = tpu.memref_squeeze %dma_start3A_368 : memref<1x96xi32, #tpu.memory_space<vmem>> -> memref<96xi32, #tpu.memory_space<vmem>>
        %dma_start3A_370 = arith.constant 0 : i32
        %dma_start3A_371 = arith.constant 0 : i32
        %dma_start3A_372 = tpu.memref_slice %arg27[%dma_start3A_370, %dma_start3A_371] : memref<10240x128xf32, #tpu.memory_space<vmem_shared>> -> memref<10240x128xf32, #tpu.memory_space<vmem_shared>>
        tpu.enqueue_indirect_dma source(%arg13 : memref<96x128xf32, #tpu.memory_space<vmem>>) target(%dma_start3A_372 : memref<10240x128xf32, #tpu.memory_space<vmem_shared>>) offsets(%dma_start3A_369 : memref<96xi32, #tpu.memory_space<vmem>>) semaphore(%run_scoped3A_366 : memref<!tpu.dma_semaphore, #tpu.memory_space<semaphore_mem>>) {add = true}
        %dma_wait3A_373 = arith.constant 0 : i32
        %dma_wait3A_374 = tpu.memref_slice %arg7[%run_scoped3A_157, %dma_wait3A_373] : memref<2x96xi32, #tpu.memory_space<vmem>> -> memref<1x96xi32, #tpu.memory_space<vmem>>
        %dma_wait3A_375 = tpu.memref_squeeze %dma_wait3A_374 : memref<1x96xi32, #tpu.memory_space<vmem>> -> memref<96xi32, #tpu.memory_space<vmem>>
        %dma_wait3A_376 = arith.constant 0 : i32
        %dma_wait3A_377 = arith.constant 0 : i32
        %dma_wait3A_378 = tpu.memref_slice %arg27[%dma_wait3A_376, %dma_wait3A_377] : memref<10240x128xf32, #tpu.memory_space<vmem_shared>> -> memref<10240x128xf32, #tpu.memory_space<vmem_shared>>
        tpu.wait_indirect_dma semaphore(%run_scoped3A_366 : memref<!tpu.dma_semaphore, #tpu.memory_space<semaphore_mem>>) src(%arg13 : memref<96x128xf32, #tpu.memory_space<vmem>>) dst(%dma_wait3A_378 : memref<10240x128xf32, #tpu.memory_space<vmem_shared>>)
        tpu.yield
      }) : () -> ()
      %add3A_158 = arith.addi %mul3A_16, %mul3A_149 : i32
      %add3A_159 = arith.constant 0 : i32
      %add3A_160 = arith.addi %add3A_158, %add3A_159 : i32
      %add3A_161 = arith.constant 6 : i32
      %add3A_162 = arith.addi %add3A_160, %add3A_161 : i32
      %dma_start3A_163 = arith.constant 0 : i32
      %dma_start3A_164 = arith.constant 0 : i32
      %dma_start3A_165 = tpu.memref_slice %arg3[%add3A_162, %dma_start3A_163, %dma_start3A_164] : memref<3332x2x96xi32, #tpu.memory_space<hbm>> -> memref<1x2x96xi32, #tpu.memory_space<hbm>>
      %dma_start3A_166 = tpu.memref_squeeze %dma_start3A_165 : memref<1x2x96xi32, #tpu.memory_space<hbm>> -> memref<2x96xi32, #tpu.memory_space<hbm>>
      %dma_start3A_167 = arith.constant 0 : i32
      %dma_start3A_168 = arith.constant 0 : i32
      %dma_start3A_169 = tpu.memref_slice %arg3[%add3A_162, %dma_start3A_167, %dma_start3A_168] : memref<3332x2x96xi32, #tpu.memory_space<hbm>> -> memref<1x2x96xi32, #tpu.memory_space<hbm>>
      %dma_start3A_170 = tpu.memref_squeeze %dma_start3A_169 : memref<1x2x96xi32, #tpu.memory_space<hbm>> -> memref<2x96xi32, #tpu.memory_space<hbm>>
      tpu.enqueue_dma source(%dma_start3A_170 : memref<2x96xi32, #tpu.memory_space<hbm>>) target(%arg7 : memref<2x96xi32, #tpu.memory_space<vmem>>) target_semaphore(%arg21 : memref<!tpu.dma_semaphore, #tpu.memory_space<semaphore_mem>>)
      %dma_wait3A_171 = arith.constant 0 : i32
      %dma_wait3A_172 = arith.constant 0 : i32
      %dma_wait3A_173 = tpu.memref_slice %arg3[%mul3A_16, %dma_wait3A_171, %dma_wait3A_172] : memref<3332x2x96xi32, #tpu.memory_space<hbm>> -> memref<1x2x96xi32, #tpu.memory_space<hbm>>
      %dma_wait3A_174 = tpu.memref_squeeze %dma_wait3A_173 : memref<1x2x96xi32, #tpu.memory_space<hbm>> -> memref<2x96xi32, #tpu.memory_space<hbm>>
      %dma_wait3A_175 = arith.constant 0 : i32
      %dma_wait3A_176 = arith.constant 0 : i32
      %dma_wait3A_177 = tpu.memref_slice %arg3[%mul3A_16, %dma_wait3A_175, %dma_wait3A_176] : memref<3332x2x96xi32, #tpu.memory_space<hbm>> -> memref<1x2x96xi32, #tpu.memory_space<hbm>>
      %dma_wait3A_178 = tpu.memref_squeeze %dma_wait3A_177 : memref<1x2x96xi32, #tpu.memory_space<hbm>> -> memref<2x96xi32, #tpu.memory_space<hbm>>
      tpu.wait_dma2 semaphore(%arg24 : memref<!tpu.dma_semaphore, #tpu.memory_space<semaphore_mem>>) src(%dma_wait3A_178 : memref<2x96xi32, #tpu.memory_space<hbm>>) dst(%arg10 : memref<2x96xi32, #tpu.memory_space<vmem>>)
      %dma_start3A_179 = arith.constant 0 : i32
      %dma_start3A_180 = arith.constant 0 : i32
      %dma_start3A_181 = tpu.memref_slice %arg10[%dma_start3A_179, %dma_start3A_180] : memref<2x96xi32, #tpu.memory_space<vmem>> -> memref<1x96xi32, #tpu.memory_space<vmem>>
      %dma_start3A_182 = tpu.memref_squeeze %dma_start3A_181 : memref<1x96xi32, #tpu.memory_space<vmem>> -> memref<96xi32, #tpu.memory_space<vmem>>
      %dma_start3A_183 = arith.constant 0 : i32
      %dma_start3A_184 = arith.constant 0 : i32
      %dma_start3A_185 = tpu.memref_slice %arg2[%dma_start3A_183, %dma_start3A_184] : memref<10000x128xf32, #tpu.memory_space<hbm>> -> memref<10000x128xf32, #tpu.memory_space<hbm>>
      tpu.enqueue_indirect_dma source(%dma_start3A_185 : memref<10000x128xf32, #tpu.memory_space<hbm>>) target(%arg13 : memref<96x128xf32, #tpu.memory_space<vmem>>) offsets(%dma_start3A_182 : memref<96xi32, #tpu.memory_space<vmem>>) semaphore(%arg18 : memref<!tpu.dma_semaphore, #tpu.memory_space<semaphore_mem>>)
      %dma_wait3A_186 = arith.constant 0 : i32
      %dma_wait3A_187 = arith.constant 0 : i32
      %dma_wait3A_188 = tpu.memref_slice %arg8[%dma_wait3A_186, %dma_wait3A_187] : memref<2x96xi32, #tpu.memory_space<vmem>> -> memref<1x96xi32, #tpu.memory_space<vmem>>
      %dma_wait3A_189 = tpu.memref_squeeze %dma_wait3A_188 : memref<1x96xi32, #tpu.memory_space<vmem>> -> memref<96xi32, #tpu.memory_space<vmem>>
      %dma_wait3A_190 = arith.constant 0 : i32
      %dma_wait3A_191 = arith.constant 0 : i32
      %dma_wait3A_192 = tpu.memref_slice %arg2[%dma_wait3A_190, %dma_wait3A_191] : memref<10000x128xf32, #tpu.memory_space<hbm>> -> memref<10000x128xf32, #tpu.memory_space<hbm>>
      tpu.wait_indirect_dma semaphore(%arg19 : memref<!tpu.dma_semaphore, #tpu.memory_space<semaphore_mem>>) src(%dma_wait3A_192 : memref<10000x128xf32, #tpu.memory_space<hbm>>) dst(%arg14 : memref<96x128xf32, #tpu.memory_space<vmem>>)
      %run_scoped3A_193 = arith.constant 1 : i32
      "tpu.region"() ({
        %run_scoped3A_366 = tpu.sem_alloc : memref<!tpu.dma_semaphore, #tpu.memory_space<semaphore_mem>>
        %dma_start3A_367 = arith.constant 0 : i32
        %dma_start3A_368 = tpu.memref_slice %arg8[%run_scoped3A_193, %dma_start3A_367] : memref<2x96xi32, #tpu.memory_space<vmem>> -> memref<1x96xi32, #tpu.memory_space<vmem>>
        %dma_start3A_369 = tpu.memref_squeeze %dma_start3A_368 : memref<1x96xi32, #tpu.memory_space<vmem>> -> memref<96xi32, #tpu.memory_space<vmem>>
        %dma_start3A_370 = arith.constant 0 : i32
        %dma_start3A_371 = arith.constant 0 : i32
        %dma_start3A_372 = tpu.memref_slice %arg27[%dma_start3A_370, %dma_start3A_371] : memref<10240x128xf32, #tpu.memory_space<vmem_shared>> -> memref<10240x128xf32, #tpu.memory_space<vmem_shared>>
        tpu.enqueue_indirect_dma source(%arg14 : memref<96x128xf32, #tpu.memory_space<vmem>>) target(%dma_start3A_372 : memref<10240x128xf32, #tpu.memory_space<vmem_shared>>) offsets(%dma_start3A_369 : memref<96xi32, #tpu.memory_space<vmem>>) semaphore(%run_scoped3A_366 : memref<!tpu.dma_semaphore, #tpu.memory_space<semaphore_mem>>) {add = true}
        %dma_wait3A_373 = arith.constant 0 : i32
        %dma_wait3A_374 = tpu.memref_slice %arg8[%run_scoped3A_193, %dma_wait3A_373] : memref<2x96xi32, #tpu.memory_space<vmem>> -> memref<1x96xi32, #tpu.memory_space<vmem>>
        %dma_wait3A_375 = tpu.memref_squeeze %dma_wait3A_374 : memref<1x96xi32, #tpu.memory_space<vmem>> -> memref<96xi32, #tpu.memory_space<vmem>>
        %dma_wait3A_376 = arith.constant 0 : i32
        %dma_wait3A_377 = arith.constant 0 : i32
        %dma_wait3A_378 = tpu.memref_slice %arg27[%dma_wait3A_376, %dma_wait3A_377] : memref<10240x128xf32, #tpu.memory_space<vmem_shared>> -> memref<10240x128xf32, #tpu.memory_space<vmem_shared>>
        tpu.wait_indirect_dma semaphore(%run_scoped3A_366 : memref<!tpu.dma_semaphore, #tpu.memory_space<semaphore_mem>>) src(%arg14 : memref<96x128xf32, #tpu.memory_space<vmem>>) dst(%dma_wait3A_378 : memref<10240x128xf32, #tpu.memory_space<vmem_shared>>)
        tpu.yield
      }) : () -> ()
      %add3A_194 = arith.addi %mul3A_16, %mul3A_149 : i32
      %add3A_195 = arith.constant 1 : i32
      %add3A_196 = arith.addi %add3A_194, %add3A_195 : i32
      %add3A_197 = arith.constant 6 : i32
      %add3A_198 = arith.addi %add3A_196, %add3A_197 : i32
      %dma_start3A_199 = arith.constant 0 : i32
      %dma_start3A_200 = arith.constant 0 : i32
      %dma_start3A_201 = tpu.memref_slice %arg3[%add3A_198, %dma_start3A_199, %dma_start3A_200] : memref<3332x2x96xi32, #tpu.memory_space<hbm>> -> memref<1x2x96xi32, #tpu.memory_space<hbm>>
      %dma_start3A_202 = tpu.memref_squeeze %dma_start3A_201 : memref<1x2x96xi32, #tpu.memory_space<hbm>> -> memref<2x96xi32, #tpu.memory_space<hbm>>
      %dma_start3A_203 = arith.constant 0 : i32
      %dma_start3A_204 = arith.constant 0 : i32
      %dma_start3A_205 = tpu.memref_slice %arg3[%add3A_198, %dma_start3A_203, %dma_start3A_204] : memref<3332x2x96xi32, #tpu.memory_space<hbm>> -> memref<1x2x96xi32, #tpu.memory_space<hbm>>
      %dma_start3A_206 = tpu.memref_squeeze %dma_start3A_205 : memref<1x2x96xi32, #tpu.memory_space<hbm>> -> memref<2x96xi32, #tpu.memory_space<hbm>>
      tpu.enqueue_dma source(%dma_start3A_206 : memref<2x96xi32, #tpu.memory_space<hbm>>) target(%arg8 : memref<2x96xi32, #tpu.memory_space<vmem>>) target_semaphore(%arg22 : memref<!tpu.dma_semaphore, #tpu.memory_space<semaphore_mem>>)
      %dma_wait3A_207 = arith.constant 0 : i32
      %dma_wait3A_208 = arith.constant 0 : i32
      %dma_wait3A_209 = tpu.memref_slice %arg3[%mul3A_16, %dma_wait3A_207, %dma_wait3A_208] : memref<3332x2x96xi32, #tpu.memory_space<hbm>> -> memref<1x2x96xi32, #tpu.memory_space<hbm>>
      %dma_wait3A_210 = tpu.memref_squeeze %dma_wait3A_209 : memref<1x2x96xi32, #tpu.memory_space<hbm>> -> memref<2x96xi32, #tpu.memory_space<hbm>>
      %dma_wait3A_211 = arith.constant 0 : i32
      %dma_wait3A_212 = arith.constant 0 : i32
      %dma_wait3A_213 = tpu.memref_slice %arg3[%mul3A_16, %dma_wait3A_211, %dma_wait3A_212] : memref<3332x2x96xi32, #tpu.memory_space<hbm>> -> memref<1x2x96xi32, #tpu.memory_space<hbm>>
      %dma_wait3A_214 = tpu.memref_squeeze %dma_wait3A_213 : memref<1x2x96xi32, #tpu.memory_space<hbm>> -> memref<2x96xi32, #tpu.memory_space<hbm>>
      tpu.wait_dma2 semaphore(%arg25 : memref<!tpu.dma_semaphore, #tpu.memory_space<semaphore_mem>>) src(%dma_wait3A_214 : memref<2x96xi32, #tpu.memory_space<hbm>>) dst(%arg11 : memref<2x96xi32, #tpu.memory_space<vmem>>)
      %dma_start3A_215 = arith.constant 0 : i32
      %dma_start3A_216 = arith.constant 0 : i32
      %dma_start3A_217 = tpu.memref_slice %arg11[%dma_start3A_215, %dma_start3A_216] : memref<2x96xi32, #tpu.memory_space<vmem>> -> memref<1x96xi32, #tpu.memory_space<vmem>>
      %dma_start3A_218 = tpu.memref_squeeze %dma_start3A_217 : memref<1x96xi32, #tpu.memory_space<vmem>> -> memref<96xi32, #tpu.memory_space<vmem>>
      %dma_start3A_219 = arith.constant 0 : i32
      %dma_start3A_220 = arith.constant 0 : i32
      %dma_start3A_221 = tpu.memref_slice %arg2[%dma_start3A_219, %dma_start3A_220] : memref<10000x128xf32, #tpu.memory_space<hbm>> -> memref<10000x128xf32, #tpu.memory_space<hbm>>
      tpu.enqueue_indirect_dma source(%dma_start3A_221 : memref<10000x128xf32, #tpu.memory_space<hbm>>) target(%arg14 : memref<96x128xf32, #tpu.memory_space<vmem>>) offsets(%dma_start3A_218 : memref<96xi32, #tpu.memory_space<vmem>>) semaphore(%arg19 : memref<!tpu.dma_semaphore, #tpu.memory_space<semaphore_mem>>)
      %dma_wait3A_222 = arith.constant 0 : i32
      %dma_wait3A_223 = arith.constant 0 : i32
      %dma_wait3A_224 = tpu.memref_slice %arg9[%dma_wait3A_222, %dma_wait3A_223] : memref<2x96xi32, #tpu.memory_space<vmem>> -> memref<1x96xi32, #tpu.memory_space<vmem>>
      %dma_wait3A_225 = tpu.memref_squeeze %dma_wait3A_224 : memref<1x96xi32, #tpu.memory_space<vmem>> -> memref<96xi32, #tpu.memory_space<vmem>>
      %dma_wait3A_226 = arith.constant 0 : i32
      %dma_wait3A_227 = arith.constant 0 : i32
      %dma_wait3A_228 = tpu.memref_slice %arg2[%dma_wait3A_226, %dma_wait3A_227] : memref<10000x128xf32, #tpu.memory_space<hbm>> -> memref<10000x128xf32, #tpu.memory_space<hbm>>
      tpu.wait_indirect_dma semaphore(%arg20 : memref<!tpu.dma_semaphore, #tpu.memory_space<semaphore_mem>>) src(%dma_wait3A_228 : memref<10000x128xf32, #tpu.memory_space<hbm>>) dst(%arg15 : memref<96x128xf32, #tpu.memory_space<vmem>>)
      %run_scoped3A_229 = arith.constant 1 : i32
      "tpu.region"() ({
        %run_scoped3A_366 = tpu.sem_alloc : memref<!tpu.dma_semaphore, #tpu.memory_space<semaphore_mem>>
        %dma_start3A_367 = arith.constant 0 : i32
        %dma_start3A_368 = tpu.memref_slice %arg9[%run_scoped3A_229, %dma_start3A_367] : memref<2x96xi32, #tpu.memory_space<vmem>> -> memref<1x96xi32, #tpu.memory_space<vmem>>
        %dma_start3A_369 = tpu.memref_squeeze %dma_start3A_368 : memref<1x96xi32, #tpu.memory_space<vmem>> -> memref<96xi32, #tpu.memory_space<vmem>>
        %dma_start3A_370 = arith.constant 0 : i32
        %dma_start3A_371 = arith.constant 0 : i32
        %dma_start3A_372 = tpu.memref_slice %arg27[%dma_start3A_370, %dma_start3A_371] : memref<10240x128xf32, #tpu.memory_space<vmem_shared>> -> memref<10240x128xf32, #tpu.memory_space<vmem_shared>>
        tpu.enqueue_indirect_dma source(%arg15 : memref<96x128xf32, #tpu.memory_space<vmem>>) target(%dma_start3A_372 : memref<10240x128xf32, #tpu.memory_space<vmem_shared>>) offsets(%dma_start3A_369 : memref<96xi32, #tpu.memory_space<vmem>>) semaphore(%run_scoped3A_366 : memref<!tpu.dma_semaphore, #tpu.memory_space<semaphore_mem>>) {add = true}
        %dma_wait3A_373 = arith.constant 0 : i32
        %dma_wait3A_374 = tpu.memref_slice %arg9[%run_scoped3A_229, %dma_wait3A_373] : memref<2x96xi32, #tpu.memory_space<vmem>> -> memref<1x96xi32, #tpu.memory_space<vmem>>
        %dma_wait3A_375 = tpu.memref_squeeze %dma_wait3A_374 : memref<1x96xi32, #tpu.memory_space<vmem>> -> memref<96xi32, #tpu.memory_space<vmem>>
        %dma_wait3A_376 = arith.constant 0 : i32
        %dma_wait3A_377 = arith.constant 0 : i32
        %dma_wait3A_378 = tpu.memref_slice %arg27[%dma_wait3A_376, %dma_wait3A_377] : memref<10240x128xf32, #tpu.memory_space<vmem_shared>> -> memref<10240x128xf32, #tpu.memory_space<vmem_shared>>
        tpu.wait_indirect_dma semaphore(%run_scoped3A_366 : memref<!tpu.dma_semaphore, #tpu.memory_space<semaphore_mem>>) src(%arg15 : memref<96x128xf32, #tpu.memory_space<vmem>>) dst(%dma_wait3A_378 : memref<10240x128xf32, #tpu.memory_space<vmem_shared>>)
        tpu.yield
      }) : () -> ()
      %add3A_230 = arith.addi %mul3A_16, %mul3A_149 : i32
      %add3A_231 = arith.constant 2 : i32
      %add3A_232 = arith.addi %add3A_230, %add3A_231 : i32
      %add3A_233 = arith.constant 6 : i32
      %add3A_234 = arith.addi %add3A_232, %add3A_233 : i32
      %dma_start3A_235 = arith.constant 0 : i32
      %dma_start3A_236 = arith.constant 0 : i32
      %dma_start3A_237 = tpu.memref_slice %arg3[%add3A_234, %dma_start3A_235, %dma_start3A_236] : memref<3332x2x96xi32, #tpu.memory_space<hbm>> -> memref<1x2x96xi32, #tpu.memory_space<hbm>>
      %dma_start3A_238 = tpu.memref_squeeze %dma_start3A_237 : memref<1x2x96xi32, #tpu.memory_space<hbm>> -> memref<2x96xi32, #tpu.memory_space<hbm>>
      %dma_start3A_239 = arith.constant 0 : i32
      %dma_start3A_240 = arith.constant 0 : i32
      %dma_start3A_241 = tpu.memref_slice %arg3[%add3A_234, %dma_start3A_239, %dma_start3A_240] : memref<3332x2x96xi32, #tpu.memory_space<hbm>> -> memref<1x2x96xi32, #tpu.memory_space<hbm>>
      %dma_start3A_242 = tpu.memref_squeeze %dma_start3A_241 : memref<1x2x96xi32, #tpu.memory_space<hbm>> -> memref<2x96xi32, #tpu.memory_space<hbm>>
      tpu.enqueue_dma source(%dma_start3A_242 : memref<2x96xi32, #tpu.memory_space<hbm>>) target(%arg9 : memref<2x96xi32, #tpu.memory_space<vmem>>) target_semaphore(%arg23 : memref<!tpu.dma_semaphore, #tpu.memory_space<semaphore_mem>>)
      %dma_wait3A_243 = arith.constant 0 : i32
      %dma_wait3A_244 = arith.constant 0 : i32
      %dma_wait3A_245 = tpu.memref_slice %arg3[%mul3A_16, %dma_wait3A_243, %dma_wait3A_244] : memref<3332x2x96xi32, #tpu.memory_space<hbm>> -> memref<1x2x96xi32, #tpu.memory_space<hbm>>
      %dma_wait3A_246 = tpu.memref_squeeze %dma_wait3A_245 : memref<1x2x96xi32, #tpu.memory_space<hbm>> -> memref<2x96xi32, #tpu.memory_space<hbm>>
      %dma_wait3A_247 = arith.constant 0 : i32
      %dma_wait3A_248 = arith.constant 0 : i32
      %dma_wait3A_249 = tpu.memref_slice %arg3[%mul3A_16, %dma_wait3A_247, %dma_wait3A_248] : memref<3332x2x96xi32, #tpu.memory_space<hbm>> -> memref<1x2x96xi32, #tpu.memory_space<hbm>>
      %dma_wait3A_250 = tpu.memref_squeeze %dma_wait3A_249 : memref<1x2x96xi32, #tpu.memory_space<hbm>> -> memref<2x96xi32, #tpu.memory_space<hbm>>
      tpu.wait_dma2 semaphore(%arg26 : memref<!tpu.dma_semaphore, #tpu.memory_space<semaphore_mem>>) src(%dma_wait3A_250 : memref<2x96xi32, #tpu.memory_space<hbm>>) dst(%arg12 : memref<2x96xi32, #tpu.memory_space<vmem>>)
      %dma_start3A_251 = arith.constant 0 : i32
      %dma_start3A_252 = arith.constant 0 : i32
      %dma_start3A_253 = tpu.memref_slice %arg12[%dma_start3A_251, %dma_start3A_252] : memref<2x96xi32, #tpu.memory_space<vmem>> -> memref<1x96xi32, #tpu.memory_space<vmem>>
      %dma_start3A_254 = tpu.memref_squeeze %dma_start3A_253 : memref<1x96xi32, #tpu.memory_space<vmem>> -> memref<96xi32, #tpu.memory_space<vmem>>
      %dma_start3A_255 = arith.constant 0 : i32
      %dma_start3A_256 = arith.constant 0 : i32
      %dma_start3A_257 = tpu.memref_slice %arg2[%dma_start3A_255, %dma_start3A_256] : memref<10000x128xf32, #tpu.memory_space<hbm>> -> memref<10000x128xf32, #tpu.memory_space<hbm>>
      tpu.enqueue_indirect_dma source(%dma_start3A_257 : memref<10000x128xf32, #tpu.memory_space<hbm>>) target(%arg15 : memref<96x128xf32, #tpu.memory_space<vmem>>) offsets(%dma_start3A_254 : memref<96xi32, #tpu.memory_space<vmem>>) semaphore(%arg20 : memref<!tpu.dma_semaphore, #tpu.memory_space<semaphore_mem>>)
      %dma_wait3A_258 = arith.constant 0 : i32
      %dma_wait3A_259 = arith.constant 0 : i32
      %dma_wait3A_260 = tpu.memref_slice %arg10[%dma_wait3A_258, %dma_wait3A_259] : memref<2x96xi32, #tpu.memory_space<vmem>> -> memref<1x96xi32, #tpu.memory_space<vmem>>
      %dma_wait3A_261 = tpu.memref_squeeze %dma_wait3A_260 : memref<1x96xi32, #tpu.memory_space<vmem>> -> memref<96xi32, #tpu.memory_space<vmem>>
      %dma_wait3A_262 = arith.constant 0 : i32
      %dma_wait3A_263 = arith.constant 0 : i32
      %dma_wait3A_264 = tpu.memref_slice %arg2[%dma_wait3A_262, %dma_wait3A_263] : memref<10000x128xf32, #tpu.memory_space<hbm>> -> memref<10000x128xf32, #tpu.memory_space<hbm>>
      tpu.wait_indirect_dma semaphore(%arg18 : memref<!tpu.dma_semaphore, #tpu.memory_space<semaphore_mem>>) src(%dma_wait3A_264 : memref<10000x128xf32, #tpu.memory_space<hbm>>) dst(%arg13 : memref<96x128xf32, #tpu.memory_space<vmem>>)
      %run_scoped3A_265 = arith.constant 1 : i32
      "tpu.region"() ({
        %run_scoped3A_366 = tpu.sem_alloc : memref<!tpu.dma_semaphore, #tpu.memory_space<semaphore_mem>>
        %dma_start3A_367 = arith.constant 0 : i32
        %dma_start3A_368 = tpu.memref_slice %arg10[%run_scoped3A_265, %dma_start3A_367] : memref<2x96xi32, #tpu.memory_space<vmem>> -> memref<1x96xi32, #tpu.memory_space<vmem>>
        %dma_start3A_369 = tpu.memref_squeeze %dma_start3A_368 : memref<1x96xi32, #tpu.memory_space<vmem>> -> memref<96xi32, #tpu.memory_space<vmem>>
        %dma_start3A_370 = arith.constant 0 : i32
        %dma_start3A_371 = arith.constant 0 : i32
        %dma_start3A_372 = tpu.memref_slice %arg27[%dma_start3A_370, %dma_start3A_371] : memref<10240x128xf32, #tpu.memory_space<vmem_shared>> -> memref<10240x128xf32, #tpu.memory_space<vmem_shared>>
        tpu.enqueue_indirect_dma source(%arg13 : memref<96x128xf32, #tpu.memory_space<vmem>>) target(%dma_start3A_372 : memref<10240x128xf32, #tpu.memory_space<vmem_shared>>) offsets(%dma_start3A_369 : memref<96xi32, #tpu.memory_space<vmem>>) semaphore(%run_scoped3A_366 : memref<!tpu.dma_semaphore, #tpu.memory_space<semaphore_mem>>) {add = true}
        %dma_wait3A_373 = arith.constant 0 : i32
        %dma_wait3A_374 = tpu.memref_slice %arg10[%run_scoped3A_265, %dma_wait3A_373] : memref<2x96xi32, #tpu.memory_space<vmem>> -> memref<1x96xi32, #tpu.memory_space<vmem>>
        %dma_wait3A_375 = tpu.memref_squeeze %dma_wait3A_374 : memref<1x96xi32, #tpu.memory_space<vmem>> -> memref<96xi32, #tpu.memory_space<vmem>>
        %dma_wait3A_376 = arith.constant 0 : i32
        %dma_wait3A_377 = arith.constant 0 : i32
        %dma_wait3A_378 = tpu.memref_slice %arg27[%dma_wait3A_376, %dma_wait3A_377] : memref<10240x128xf32, #tpu.memory_space<vmem_shared>> -> memref<10240x128xf32, #tpu.memory_space<vmem_shared>>
        tpu.wait_indirect_dma semaphore(%run_scoped3A_366 : memref<!tpu.dma_semaphore, #tpu.memory_space<semaphore_mem>>) src(%arg13 : memref<96x128xf32, #tpu.memory_space<vmem>>) dst(%dma_wait3A_378 : memref<10240x128xf32, #tpu.memory_space<vmem_shared>>)
        tpu.yield
      }) : () -> ()
      %add3A_266 = arith.addi %mul3A_16, %mul3A_149 : i32
      %add3A_267 = arith.constant 3 : i32
      %add3A_268 = arith.addi %add3A_266, %add3A_267 : i32
      %add3A_269 = arith.constant 6 : i32
      %add3A_270 = arith.addi %add3A_268, %add3A_269 : i32
      %dma_start3A_271 = arith.constant 0 : i32
      %dma_start3A_272 = arith.constant 0 : i32
      %dma_start3A_273 = tpu.memref_slice %arg3[%add3A_270, %dma_start3A_271, %dma_start3A_272] : memref<3332x2x96xi32, #tpu.memory_space<hbm>> -> memref<1x2x96xi32, #tpu.memory_space<hbm>>
      %dma_start3A_274 = tpu.memref_squeeze %dma_start3A_273 : memref<1x2x96xi32, #tpu.memory_space<hbm>> -> memref<2x96xi32, #tpu.memory_space<hbm>>
      %dma_start3A_275 = arith.constant 0 : i32
      %dma_start3A_276 = arith.constant 0 : i32
      %dma_start3A_277 = tpu.memref_slice %arg3[%add3A_270, %dma_start3A_275, %dma_start3A_276] : memref<3332x2x96xi32, #tpu.memory_space<hbm>> -> memref<1x2x96xi32, #tpu.memory_space<hbm>>
      %dma_start3A_278 = tpu.memref_squeeze %dma_start3A_277 : memref<1x2x96xi32, #tpu.memory_space<hbm>> -> memref<2x96xi32, #tpu.memory_space<hbm>>
      tpu.enqueue_dma source(%dma_start3A_278 : memref<2x96xi32, #tpu.memory_space<hbm>>) target(%arg10 : memref<2x96xi32, #tpu.memory_space<vmem>>) target_semaphore(%arg24 : memref<!tpu.dma_semaphore, #tpu.memory_space<semaphore_mem>>)
      %dma_wait3A_279 = arith.constant 0 : i32
      %dma_wait3A_280 = arith.constant 0 : i32
      %dma_wait3A_281 = tpu.memref_slice %arg3[%mul3A_16, %dma_wait3A_279, %dma_wait3A_280] : memref<3332x2x96xi32, #tpu.memory_space<hbm>> -> memref<1x2x96xi32, #tpu.memory_space<hbm>>
      %dma_wait3A_282 = tpu.memref_squeeze %dma_wait3A_281 : memref<1x2x96xi32, #tpu.memory_space<hbm>> -> memref<2x96xi32, #tpu.memory_space<hbm>>
      %dma_wait3A_283 = arith.constant 0 : i32
      %dma_wait3A_284 = arith.constant 0 : i32
      %dma_wait3A_285 = tpu.memref_slice %arg3[%mul3A_16, %dma_wait3A_283, %dma_wait3A_284] : memref<3332x2x96xi32, #tpu.memory_space<hbm>> -> memref<1x2x96xi32, #tpu.memory_space<hbm>>
      %dma_wait3A_286 = tpu.memref_squeeze %dma_wait3A_285 : memref<1x2x96xi32, #tpu.memory_space<hbm>> -> memref<2x96xi32, #tpu.memory_space<hbm>>
      tpu.wait_dma2 semaphore(%arg21 : memref<!tpu.dma_semaphore, #tpu.memory_space<semaphore_mem>>) src(%dma_wait3A_286 : memref<2x96xi32, #tpu.memory_space<hbm>>) dst(%arg7 : memref<2x96xi32, #tpu.memory_space<vmem>>)
      %dma_start3A_287 = arith.constant 0 : i32
      %dma_start3A_288 = arith.constant 0 : i32
      %dma_start3A_289 = tpu.memref_slice %arg7[%dma_start3A_287, %dma_start3A_288] : memref<2x96xi32, #tpu.memory_space<vmem>> -> memref<1x96xi32, #tpu.memory_space<vmem>>
      %dma_start3A_290 = tpu.memref_squeeze %dma_start3A_289 : memref<1x96xi32, #tpu.memory_space<vmem>> -> memref<96xi32, #tpu.memory_space<vmem>>
      %dma_start3A_291 = arith.constant 0 : i32
      %dma_start3A_292 = arith.constant 0 : i32
      %dma_start3A_293 = tpu.memref_slice %arg2[%dma_start3A_291, %dma_start3A_292] : memref<10000x128xf32, #tpu.memory_space<hbm>> -> memref<10000x128xf32, #tpu.memory_space<hbm>>
      tpu.enqueue_indirect_dma source(%dma_start3A_293 : memref<10000x128xf32, #tpu.memory_space<hbm>>) target(%arg13 : memref<96x128xf32, #tpu.memory_space<vmem>>) offsets(%dma_start3A_290 : memref<96xi32, #tpu.memory_space<vmem>>) semaphore(%arg18 : memref<!tpu.dma_semaphore, #tpu.memory_space<semaphore_mem>>)
      %dma_wait3A_294 = arith.constant 0 : i32
      %dma_wait3A_295 = arith.constant 0 : i32
      %dma_wait3A_296 = tpu.memref_slice %arg11[%dma_wait3A_294, %dma_wait3A_295] : memref<2x96xi32, #tpu.memory_space<vmem>> -> memref<1x96xi32, #tpu.memory_space<vmem>>
      %dma_wait3A_297 = tpu.memref_squeeze %dma_wait3A_296 : memref<1x96xi32, #tpu.memory_space<vmem>> -> memref<96xi32, #tpu.memory_space<vmem>>
      %dma_wait3A_298 = arith.constant 0 : i32
      %dma_wait3A_299 = arith.constant 0 : i32
      %dma_wait3A_300 = tpu.memref_slice %arg2[%dma_wait3A_298, %dma_wait3A_299] : memref<10000x128xf32, #tpu.memory_space<hbm>> -> memref<10000x128xf32, #tpu.memory_space<hbm>>
      tpu.wait_indirect_dma semaphore(%arg19 : memref<!tpu.dma_semaphore, #tpu.memory_space<semaphore_mem>>) src(%dma_wait3A_300 : memref<10000x128xf32, #tpu.memory_space<hbm>>) dst(%arg14 : memref<96x128xf32, #tpu.memory_space<vmem>>)
      %run_scoped3A_301 = arith.constant 1 : i32
      "tpu.region"() ({
        %run_scoped3A_366 = tpu.sem_alloc : memref<!tpu.dma_semaphore, #tpu.memory_space<semaphore_mem>>
        %dma_start3A_367 = arith.constant 0 : i32
        %dma_start3A_368 = tpu.memref_slice %arg11[%run_scoped3A_301, %dma_start3A_367] : memref<2x96xi32, #tpu.memory_space<vmem>> -> memref<1x96xi32, #tpu.memory_space<vmem>>
        %dma_start3A_369 = tpu.memref_squeeze %dma_start3A_368 : memref<1x96xi32, #tpu.memory_space<vmem>> -> memref<96xi32, #tpu.memory_space<vmem>>
        %dma_start3A_370 = arith.constant 0 : i32
        %dma_start3A_371 = arith.constant 0 : i32
        %dma_start3A_372 = tpu.memref_slice %arg27[%dma_start3A_370, %dma_start3A_371] : memref<10240x128xf32, #tpu.memory_space<vmem_shared>> -> memref<10240x128xf32, #tpu.memory_space<vmem_shared>>
        tpu.enqueue_indirect_dma source(%arg14 : memref<96x128xf32, #tpu.memory_space<vmem>>) target(%dma_start3A_372 : memref<10240x128xf32, #tpu.memory_space<vmem_shared>>) offsets(%dma_start3A_369 : memref<96xi32, #tpu.memory_space<vmem>>) semaphore(%run_scoped3A_366 : memref<!tpu.dma_semaphore, #tpu.memory_space<semaphore_mem>>) {add = true}
        %dma_wait3A_373 = arith.constant 0 : i32
        %dma_wait3A_374 = tpu.memref_slice %arg11[%run_scoped3A_301, %dma_wait3A_373] : memref<2x96xi32, #tpu.memory_space<vmem>> -> memref<1x96xi32, #tpu.memory_space<vmem>>
        %dma_wait3A_375 = tpu.memref_squeeze %dma_wait3A_374 : memref<1x96xi32, #tpu.memory_space<vmem>> -> memref<96xi32, #tpu.memory_space<vmem>>
        %dma_wait3A_376 = arith.constant 0 : i32
        %dma_wait3A_377 = arith.constant 0 : i32
        %dma_wait3A_378 = tpu.memref_slice %arg27[%dma_wait3A_376, %dma_wait3A_377] : memref<10240x128xf32, #tpu.memory_space<vmem_shared>> -> memref<10240x128xf32, #tpu.memory_space<vmem_shared>>
        tpu.wait_indirect_dma semaphore(%run_scoped3A_366 : memref<!tpu.dma_semaphore, #tpu.memory_space<semaphore_mem>>) src(%arg14 : memref<96x128xf32, #tpu.memory_space<vmem>>) dst(%dma_wait3A_378 : memref<10240x128xf32, #tpu.memory_space<vmem_shared>>)
        tpu.yield
      }) : () -> ()
      %add3A_302 = arith.addi %mul3A_16, %mul3A_149 : i32
      %add3A_303 = arith.constant 4 : i32
      %add3A_304 = arith.addi %add3A_302, %add3A_303 : i32
      %add3A_305 = arith.constant 6 : i32
      %add3A_306 = arith.addi %add3A_304, %add3A_305 : i32
      %dma_start3A_307 = arith.constant 0 : i32
      %dma_start3A_308 = arith.constant 0 : i32
      %dma_start3A_309 = tpu.memref_slice %arg3[%add3A_306, %dma_start3A_307, %dma_start3A_308] : memref<3332x2x96xi32, #tpu.memory_space<hbm>> -> memref<1x2x96xi32, #tpu.memory_space<hbm>>
      %dma_start3A_310 = tpu.memref_squeeze %dma_start3A_309 : memref<1x2x96xi32, #tpu.memory_space<hbm>> -> memref<2x96xi32, #tpu.memory_space<hbm>>
      %dma_start3A_311 = arith.constant 0 : i32
      %dma_start3A_312 = arith.constant 0 : i32
      %dma_start3A_313 = tpu.memref_slice %arg3[%add3A_306, %dma_start3A_311, %dma_start3A_312] : memref<3332x2x96xi32, #tpu.memory_space<hbm>> -> memref<1x2x96xi32, #tpu.memory_space<hbm>>
      %dma_start3A_314 = tpu.memref_squeeze %dma_start3A_313 : memref<1x2x96xi32, #tpu.memory_space<hbm>> -> memref<2x96xi32, #tpu.memory_space<hbm>>
      tpu.enqueue_dma source(%dma_start3A_314 : memref<2x96xi32, #tpu.memory_space<hbm>>) target(%arg11 : memref<2x96xi32, #tpu.memory_space<vmem>>) target_semaphore(%arg25 : memref<!tpu.dma_semaphore, #tpu.memory_space<semaphore_mem>>)
      %dma_wait3A_315 = arith.constant 0 : i32
      %dma_wait3A_316 = arith.constant 0 : i32
      %dma_wait3A_317 = tpu.memref_slice %arg3[%mul3A_16, %dma_wait3A_315, %dma_wait3A_316] : memref<3332x2x96xi32, #tpu.memory_space<hbm>> -> memref<1x2x96xi32, #tpu.memory_space<hbm>>
      %dma_wait3A_318 = tpu.memref_squeeze %dma_wait3A_317 : memref<1x2x96xi32, #tpu.memory_space<hbm>> -> memref<2x96xi32, #tpu.memory_space<hbm>>
      %dma_wait3A_319 = arith.constant 0 : i32
      %dma_wait3A_320 = arith.constant 0 : i32
      %dma_wait3A_321 = tpu.memref_slice %arg3[%mul3A_16, %dma_wait3A_319, %dma_wait3A_320] : memref<3332x2x96xi32, #tpu.memory_space<hbm>> -> memref<1x2x96xi32, #tpu.memory_space<hbm>>
      %dma_wait3A_322 = tpu.memref_squeeze %dma_wait3A_321 : memref<1x2x96xi32, #tpu.memory_space<hbm>> -> memref<2x96xi32, #tpu.memory_space<hbm>>
      tpu.wait_dma2 semaphore(%arg22 : memref<!tpu.dma_semaphore, #tpu.memory_space<semaphore_mem>>) src(%dma_wait3A_322 : memref<2x96xi32, #tpu.memory_space<hbm>>) dst(%arg8 : memref<2x96xi32, #tpu.memory_space<vmem>>)
      %dma_start3A_323 = arith.constant 0 : i32
      %dma_start3A_324 = arith.constant 0 : i32
      %dma_start3A_325 = tpu.memref_slice %arg8[%dma_start3A_323, %dma_start3A_324] : memref<2x96xi32, #tpu.memory_space<vmem>> -> memref<1x96xi32, #tpu.memory_space<vmem>>
      %dma_start3A_326 = tpu.memref_squeeze %dma_start3A_325 : memref<1x96xi32, #tpu.memory_space<vmem>> -> memref<96xi32, #tpu.memory_space<vmem>>
      %dma_start3A_327 = arith.constant 0 : i32
      %dma_start3A_328 = arith.constant 0 : i32
      %dma_start3A_329 = tpu.memref_slice %arg2[%dma_start3A_327, %dma_start3A_328] : memref<10000x128xf32, #tpu.memory_space<hbm>> -> memref<10000x128xf32, #tpu.memory_space<hbm>>
      tpu.enqueue_indirect_dma source(%dma_start3A_329 : memref<10000x128xf32, #tpu.memory_space<hbm>>) target(%arg14 : memref<96x128xf32, #tpu.memory_space<vmem>>) offsets(%dma_start3A_326 : memref<96xi32, #tpu.memory_space<vmem>>) semaphore(%arg19 : memref<!tpu.dma_semaphore, #tpu.memory_space<semaphore_mem>>)
      %dma_wait3A_330 = arith.constant 0 : i32
      %dma_wait3A_331 = arith.constant 0 : i32
      %dma_wait3A_332 = tpu.memref_slice %arg12[%dma_wait3A_330, %dma_wait3A_331] : memref<2x96xi32, #tpu.memory_space<vmem>> -> memref<1x96xi32, #tpu.memory_space<vmem>>
      %dma_wait3A_333 = tpu.memref_squeeze %dma_wait3A_332 : memref<1x96xi32, #tpu.memory_space<vmem>> -> memref<96xi32, #tpu.memory_space<vmem>>
      %dma_wait3A_334 = arith.constant 0 : i32
      %dma_wait3A_335 = arith.constant 0 : i32
      %dma_wait3A_336 = tpu.memref_slice %arg2[%dma_wait3A_334, %dma_wait3A_335] : memref<10000x128xf32, #tpu.memory_space<hbm>> -> memref<10000x128xf32, #tpu.memory_space<hbm>>
      tpu.wait_indirect_dma semaphore(%arg20 : memref<!tpu.dma_semaphore, #tpu.memory_space<semaphore_mem>>) src(%dma_wait3A_336 : memref<10000x128xf32, #tpu.memory_space<hbm>>) dst(%arg15 : memref<96x128xf32, #tpu.memory_space<vmem>>)
      %run_scoped3A_337 = arith.constant 1 : i32
      "tpu.region"() ({
        %run_scoped3A_366 = tpu.sem_alloc : memref<!tpu.dma_semaphore, #tpu.memory_space<semaphore_mem>>
        %dma_start3A_367 = arith.constant 0 : i32
        %dma_start3A_368 = tpu.memref_slice %arg12[%run_scoped3A_337, %dma_start3A_367] : memref<2x96xi32, #tpu.memory_space<vmem>> -> memref<1x96xi32, #tpu.memory_space<vmem>>
        %dma_start3A_369 = tpu.memref_squeeze %dma_start3A_368 : memref<1x96xi32, #tpu.memory_space<vmem>> -> memref<96xi32, #tpu.memory_space<vmem>>
        %dma_start3A_370 = arith.constant 0 : i32
        %dma_start3A_371 = arith.constant 0 : i32
        %dma_start3A_372 = tpu.memref_slice %arg27[%dma_start3A_370, %dma_start3A_371] : memref<10240x128xf32, #tpu.memory_space<vmem_shared>> -> memref<10240x128xf32, #tpu.memory_space<vmem_shared>>
        tpu.enqueue_indirect_dma source(%arg15 : memref<96x128xf32, #tpu.memory_space<vmem>>) target(%dma_start3A_372 : memref<10240x128xf32, #tpu.memory_space<vmem_shared>>) offsets(%dma_start3A_369 : memref<96xi32, #tpu.memory_space<vmem>>) semaphore(%run_scoped3A_366 : memref<!tpu.dma_semaphore, #tpu.memory_space<semaphore_mem>>) {add = true}
        %dma_wait3A_373 = arith.constant 0 : i32
        %dma_wait3A_374 = tpu.memref_slice %arg12[%run_scoped3A_337, %dma_wait3A_373] : memref<2x96xi32, #tpu.memory_space<vmem>> -> memref<1x96xi32, #tpu.memory_space<vmem>>
        %dma_wait3A_375 = tpu.memref_squeeze %dma_wait3A_374 : memref<1x96xi32, #tpu.memory_space<vmem>> -> memref<96xi32, #tpu.memory_space<vmem>>
        %dma_wait3A_376 = arith.constant 0 : i32
        %dma_wait3A_377 = arith.constant 0 : i32
        %dma_wait3A_378 = tpu.memref_slice %arg27[%dma_wait3A_376, %dma_wait3A_377] : memref<10240x128xf32, #tpu.memory_space<vmem_shared>> -> memref<10240x128xf32, #tpu.memory_space<vmem_shared>>
        tpu.wait_indirect_dma semaphore(%run_scoped3A_366 : memref<!tpu.dma_semaphore, #tpu.memory_space<semaphore_mem>>) src(%arg15 : memref<96x128xf32, #tpu.memory_space<vmem>>) dst(%dma_wait3A_378 : memref<10240x128xf32, #tpu.memory_space<vmem_shared>>)
        tpu.yield
      }) : () -> ()
      %add3A_338 = arith.addi %mul3A_16, %mul3A_149 : i32
      %add3A_339 = arith.constant 5 : i32
      %add3A_340 = arith.addi %add3A_338, %add3A_339 : i32
      %add3A_341 = arith.constant 6 : i32
      %add3A_342 = arith.addi %add3A_340, %add3A_341 : i32
      %dma_start3A_343 = arith.constant 0 : i32
      %dma_start3A_344 = arith.constant 0 : i32
      %dma_start3A_345 = tpu.memref_slice %arg3[%add3A_342, %dma_start3A_343, %dma_start3A_344] : memref<3332x2x96xi32, #tpu.memory_space<hbm>> -> memref<1x2x96xi32, #tpu.memory_space<hbm>>
      %dma_start3A_346 = tpu.memref_squeeze %dma_start3A_345 : memref<1x2x96xi32, #tpu.memory_space<hbm>> -> memref<2x96xi32, #tpu.memory_space<hbm>>
      %dma_start3A_347 = arith.constant 0 : i32
      %dma_start3A_348 = arith.constant 0 : i32
      %dma_start3A_349 = tpu.memref_slice %arg3[%add3A_342, %dma_start3A_347, %dma_start3A_348] : memref<3332x2x96xi32, #tpu.memory_space<hbm>> -> memref<1x2x96xi32, #tpu.memory_space<hbm>>
      %dma_start3A_350 = tpu.memref_squeeze %dma_start3A_349 : memref<1x2x96xi32, #tpu.memory_space<hbm>> -> memref<2x96xi32, #tpu.memory_space<hbm>>
      tpu.enqueue_dma source(%dma_start3A_350 : memref<2x96xi32, #tpu.memory_space<hbm>>) target(%arg12 : memref<2x96xi32, #tpu.memory_space<vmem>>) target_semaphore(%arg26 : memref<!tpu.dma_semaphore, #tpu.memory_space<semaphore_mem>>)
      %dma_wait3A_351 = arith.constant 0 : i32
      %dma_wait3A_352 = arith.constant 0 : i32
      %dma_wait3A_353 = tpu.memref_slice %arg3[%mul3A_16, %dma_wait3A_351, %dma_wait3A_352] : memref<3332x2x96xi32, #tpu.memory_space<hbm>> -> memref<1x2x96xi32, #tpu.memory_space<hbm>>
      %dma_wait3A_354 = tpu.memref_squeeze %dma_wait3A_353 : memref<1x2x96xi32, #tpu.memory_space<hbm>> -> memref<2x96xi32, #tpu.memory_space<hbm>>
      %dma_wait3A_355 = arith.constant 0 : i32
      %dma_wait3A_356 = arith.constant 0 : i32
      %dma_wait3A_357 = tpu.memref_slice %arg3[%mul3A_16, %dma_wait3A_355, %dma_wait3A_356] : memref<3332x2x96xi32, #tpu.memory_space<hbm>> -> memref<1x2x96xi32, #tpu.memory_space<hbm>>
      %dma_wait3A_358 = tpu.memref_squeeze %dma_wait3A_357 : memref<1x2x96xi32, #tpu.memory_space<hbm>> -> memref<2x96xi32, #tpu.memory_space<hbm>>
      tpu.wait_dma2 semaphore(%arg23 : memref<!tpu.dma_semaphore, #tpu.memory_space<semaphore_mem>>) src(%dma_wait3A_358 : memref<2x96xi32, #tpu.memory_space<hbm>>) dst(%arg9 : memref<2x96xi32, #tpu.memory_space<vmem>>)
      %dma_start3A_359 = arith.constant 0 : i32
      %dma_start3A_360 = arith.constant 0 : i32
      %dma_start3A_361 = tpu.memref_slice %arg9[%dma_start3A_359, %dma_start3A_360] : memref<2x96xi32, #tpu.memory_space<vmem>> -> memref<1x96xi32, #tpu.memory_space<vmem>>
      %dma_start3A_362 = tpu.memref_squeeze %dma_start3A_361 : memref<1x96xi32, #tpu.memory_space<vmem>> -> memref<96xi32, #tpu.memory_space<vmem>>
      %dma_start3A_363 = arith.constant 0 : i32
      %dma_start3A_364 = arith.constant 0 : i32
      %dma_start3A_365 = tpu.memref_slice %arg2[%dma_start3A_363, %dma_start3A_364] : memref<10000x128xf32, #tpu.memory_space<hbm>> -> memref<10000x128xf32, #tpu.memory_space<hbm>>
      tpu.enqueue_indirect_dma source(%dma_start3A_365 : memref<10000x128xf32, #tpu.memory_space<hbm>>) target(%arg15 : memref<96x128xf32, #tpu.memory_space<vmem>>) offsets(%dma_start3A_362 : memref<96xi32, #tpu.memory_space<vmem>>) semaphore(%arg20 : memref<!tpu.dma_semaphore, #tpu.memory_space<semaphore_mem>>)
    }
    %scan3A_77 = arith.constant 17 : i32
    %dma_wait3A = arith.constant 0 : i32
    %dma_wait3A_78 = arith.constant 0 : i32
    %dma_wait3A_79 = tpu.memref_slice %arg7[%dma_wait3A, %dma_wait3A_78] : memref<2x96xi32, #tpu.memory_space<vmem>> -> memref<1x96xi32, #tpu.memory_space<vmem>>
    %dma_wait3A_80 = tpu.memref_squeeze %dma_wait3A_79 : memref<1x96xi32, #tpu.memory_space<vmem>> -> memref<96xi32, #tpu.memory_space<vmem>>
    %dma_wait3A_81 = arith.constant 0 : i32
    %dma_wait3A_82 = arith.constant 0 : i32
    %dma_wait3A_83 = tpu.memref_slice %arg2[%dma_wait3A_81, %dma_wait3A_82] : memref<10000x128xf32, #tpu.memory_space<hbm>> -> memref<10000x128xf32, #tpu.memory_space<hbm>>
    tpu.wait_indirect_dma semaphore(%arg18 : memref<!tpu.dma_semaphore, #tpu.memory_space<semaphore_mem>>) src(%dma_wait3A_83 : memref<10000x128xf32, #tpu.memory_space<hbm>>) dst(%arg13 : memref<96x128xf32, #tpu.memory_space<vmem>>)
    %run_scoped3A = arith.constant 1 : i32
    "tpu.region"() ({
      %run_scoped3A_143 = tpu.sem_alloc : memref<!tpu.dma_semaphore, #tpu.memory_space<semaphore_mem>>
      %dma_start3A_144 = arith.constant 0 : i32
      %dma_start3A_145 = tpu.memref_slice %arg7[%run_scoped3A, %dma_start3A_144] : memref<2x96xi32, #tpu.memory_space<vmem>> -> memref<1x96xi32, #tpu.memory_space<vmem>>
      %dma_start3A_146 = tpu.memref_squeeze %dma_start3A_145 : memref<1x96xi32, #tpu.memory_space<vmem>> -> memref<96xi32, #tpu.memory_space<vmem>>
      %dma_start3A_147 = arith.constant 0 : i32
      %dma_start3A_148 = arith.constant 0 : i32
      %dma_start3A_149 = tpu.memref_slice %arg27[%dma_start3A_147, %dma_start3A_148] : memref<10240x128xf32, #tpu.memory_space<vmem_shared>> -> memref<10240x128xf32, #tpu.memory_space<vmem_shared>>
      tpu.enqueue_indirect_dma source(%arg13 : memref<96x128xf32, #tpu.memory_space<vmem>>) target(%dma_start3A_149 : memref<10240x128xf32, #tpu.memory_space<vmem_shared>>) offsets(%dma_start3A_146 : memref<96xi32, #tpu.memory_space<vmem>>) semaphore(%run_scoped3A_143 : memref<!tpu.dma_semaphore, #tpu.memory_space<semaphore_mem>>) {add = true}
      %dma_wait3A_150 = arith.constant 0 : i32
      %dma_wait3A_151 = tpu.memref_slice %arg7[%run_scoped3A, %dma_wait3A_150] : memref<2x96xi32, #tpu.memory_space<vmem>> -> memref<1x96xi32, #tpu.memory_space<vmem>>
      %dma_wait3A_152 = tpu.memref_squeeze %dma_wait3A_151 : memref<1x96xi32, #tpu.memory_space<vmem>> -> memref<96xi32, #tpu.memory_space<vmem>>
      %dma_wait3A_153 = arith.constant 0 : i32
      %dma_wait3A_154 = arith.constant 0 : i32
      %dma_wait3A_155 = tpu.memref_slice %arg27[%dma_wait3A_153, %dma_wait3A_154] : memref<10240x128xf32, #tpu.memory_space<vmem_shared>> -> memref<10240x128xf32, #tpu.memory_space<vmem_shared>>
      tpu.wait_indirect_dma semaphore(%run_scoped3A_143 : memref<!tpu.dma_semaphore, #tpu.memory_space<semaphore_mem>>) src(%arg13 : memref<96x128xf32, #tpu.memory_space<vmem>>) dst(%dma_wait3A_155 : memref<10240x128xf32, #tpu.memory_space<vmem_shared>>)
      tpu.yield
    }) : () -> ()
    %dma_wait3A_84 = arith.constant 0 : i32
    %dma_wait3A_85 = arith.constant 0 : i32
    %dma_wait3A_86 = tpu.memref_slice %arg8[%dma_wait3A_84, %dma_wait3A_85] : memref<2x96xi32, #tpu.memory_space<vmem>> -> memref<1x96xi32, #tpu.memory_space<vmem>>
    %dma_wait3A_87 = tpu.memref_squeeze %dma_wait3A_86 : memref<1x96xi32, #tpu.memory_space<vmem>> -> memref<96xi32, #tpu.memory_space<vmem>>
    %dma_wait3A_88 = arith.constant 0 : i32
    %dma_wait3A_89 = arith.constant 0 : i32
    %dma_wait3A_90 = tpu.memref_slice %arg2[%dma_wait3A_88, %dma_wait3A_89] : memref<10000x128xf32, #tpu.memory_space<hbm>> -> memref<10000x128xf32, #tpu.memory_space<hbm>>
    tpu.wait_indirect_dma semaphore(%arg19 : memref<!tpu.dma_semaphore, #tpu.memory_space<semaphore_mem>>) src(%dma_wait3A_90 : memref<10000x128xf32, #tpu.memory_space<hbm>>) dst(%arg14 : memref<96x128xf32, #tpu.memory_space<vmem>>)
    %run_scoped3A_91 = arith.constant 1 : i32
    "tpu.region"() ({
      %run_scoped3A_143 = tpu.sem_alloc : memref<!tpu.dma_semaphore, #tpu.memory_space<semaphore_mem>>
      %dma_start3A_144 = arith.constant 0 : i32
      %dma_start3A_145 = tpu.memref_slice %arg8[%run_scoped3A_91, %dma_start3A_144] : memref<2x96xi32, #tpu.memory_space<vmem>> -> memref<1x96xi32, #tpu.memory_space<vmem>>
      %dma_start3A_146 = tpu.memref_squeeze %dma_start3A_145 : memref<1x96xi32, #tpu.memory_space<vmem>> -> memref<96xi32, #tpu.memory_space<vmem>>
      %dma_start3A_147 = arith.constant 0 : i32
      %dma_start3A_148 = arith.constant 0 : i32
      %dma_start3A_149 = tpu.memref_slice %arg27[%dma_start3A_147, %dma_start3A_148] : memref<10240x128xf32, #tpu.memory_space<vmem_shared>> -> memref<10240x128xf32, #tpu.memory_space<vmem_shared>>
      tpu.enqueue_indirect_dma source(%arg14 : memref<96x128xf32, #tpu.memory_space<vmem>>) target(%dma_start3A_149 : memref<10240x128xf32, #tpu.memory_space<vmem_shared>>) offsets(%dma_start3A_146 : memref<96xi32, #tpu.memory_space<vmem>>) semaphore(%run_scoped3A_143 : memref<!tpu.dma_semaphore, #tpu.memory_space<semaphore_mem>>) {add = true}
      %dma_wait3A_150 = arith.constant 0 : i32
      %dma_wait3A_151 = tpu.memref_slice %arg8[%run_scoped3A_91, %dma_wait3A_150] : memref<2x96xi32, #tpu.memory_space<vmem>> -> memref<1x96xi32, #tpu.memory_space<vmem>>
      %dma_wait3A_152 = tpu.memref_squeeze %dma_wait3A_151 : memref<1x96xi32, #tpu.memory_space<vmem>> -> memref<96xi32, #tpu.memory_space<vmem>>
      %dma_wait3A_153 = arith.constant 0 : i32
      %dma_wait3A_154 = arith.constant 0 : i32
      %dma_wait3A_155 = tpu.memref_slice %arg27[%dma_wait3A_153, %dma_wait3A_154] : memref<10240x128xf32, #tpu.memory_space<vmem_shared>> -> memref<10240x128xf32, #tpu.memory_space<vmem_shared>>
      tpu.wait_indirect_dma semaphore(%run_scoped3A_143 : memref<!tpu.dma_semaphore, #tpu.memory_space<semaphore_mem>>) src(%arg14 : memref<96x128xf32, #tpu.memory_space<vmem>>) dst(%dma_wait3A_155 : memref<10240x128xf32, #tpu.memory_space<vmem_shared>>)
      tpu.yield
    }) : () -> ()
    %dma_wait3A_92 = arith.constant 0 : i32
    %dma_wait3A_93 = arith.constant 0 : i32
    %dma_wait3A_94 = tpu.memref_slice %arg9[%dma_wait3A_92, %dma_wait3A_93] : memref<2x96xi32, #tpu.memory_space<vmem>> -> memref<1x96xi32, #tpu.memory_space<vmem>>
    %dma_wait3A_95 = tpu.memref_squeeze %dma_wait3A_94 : memref<1x96xi32, #tpu.memory_space<vmem>> -> memref<96xi32, #tpu.memory_space<vmem>>
    %dma_wait3A_96 = arith.constant 0 : i32
    %dma_wait3A_97 = arith.constant 0 : i32
    %dma_wait3A_98 = tpu.memref_slice %arg2[%dma_wait3A_96, %dma_wait3A_97] : memref<10000x128xf32, #tpu.memory_space<hbm>> -> memref<10000x128xf32, #tpu.memory_space<hbm>>
    tpu.wait_indirect_dma semaphore(%arg20 : memref<!tpu.dma_semaphore, #tpu.memory_space<semaphore_mem>>) src(%dma_wait3A_98 : memref<10000x128xf32, #tpu.memory_space<hbm>>) dst(%arg15 : memref<96x128xf32, #tpu.memory_space<vmem>>)
    %dma_wait3A_99 = arith.constant 0 : i32
    %dma_wait3A_100 = arith.constant 0 : i32
    %dma_wait3A_101 = tpu.memref_slice %arg3[%mul3A_16, %dma_wait3A_99, %dma_wait3A_100] : memref<3332x2x96xi32, #tpu.memory_space<hbm>> -> memref<1x2x96xi32, #tpu.memory_space<hbm>>
    %dma_wait3A_102 = tpu.memref_squeeze %dma_wait3A_101 : memref<1x2x96xi32, #tpu.memory_space<hbm>> -> memref<2x96xi32, #tpu.memory_space<hbm>>
    %dma_wait3A_103 = arith.constant 0 : i32
    %dma_wait3A_104 = arith.constant 0 : i32
    %dma_wait3A_105 = tpu.memref_slice %arg3[%mul3A_16, %dma_wait3A_103, %dma_wait3A_104] : memref<3332x2x96xi32, #tpu.memory_space<hbm>> -> memref<1x2x96xi32, #tpu.memory_space<hbm>>
    %dma_wait3A_106 = tpu.memref_squeeze %dma_wait3A_105 : memref<1x2x96xi32, #tpu.memory_space<hbm>> -> memref<2x96xi32, #tpu.memory_space<hbm>>
    tpu.wait_dma2 semaphore(%arg24 : memref<!tpu.dma_semaphore, #tpu.memory_space<semaphore_mem>>) src(%dma_wait3A_106 : memref<2x96xi32, #tpu.memory_space<hbm>>) dst(%arg10 : memref<2x96xi32, #tpu.memory_space<vmem>>)
    %dma_wait3A_107 = arith.constant 0 : i32
    %dma_wait3A_108 = arith.constant 0 : i32
    %dma_wait3A_109 = tpu.memref_slice %arg3[%mul3A_16, %dma_wait3A_107, %dma_wait3A_108] : memref<3332x2x96xi32, #tpu.memory_space<hbm>> -> memref<1x2x96xi32, #tpu.memory_space<hbm>>
    %dma_wait3A_110 = tpu.memref_squeeze %dma_wait3A_109 : memref<1x2x96xi32, #tpu.memory_space<hbm>> -> memref<2x96xi32, #tpu.memory_space<hbm>>
    %dma_wait3A_111 = arith.constant 0 : i32
    %dma_wait3A_112 = arith.constant 0 : i32
    %dma_wait3A_113 = tpu.memref_slice %arg3[%mul3A_16, %dma_wait3A_111, %dma_wait3A_112] : memref<3332x2x96xi32, #tpu.memory_space<hbm>> -> memref<1x2x96xi32, #tpu.memory_space<hbm>>
    %dma_wait3A_114 = tpu.memref_squeeze %dma_wait3A_113 : memref<1x2x96xi32, #tpu.memory_space<hbm>> -> memref<2x96xi32, #tpu.memory_space<hbm>>
    tpu.wait_dma2 semaphore(%arg25 : memref<!tpu.dma_semaphore, #tpu.memory_space<semaphore_mem>>) src(%dma_wait3A_114 : memref<2x96xi32, #tpu.memory_space<hbm>>) dst(%arg11 : memref<2x96xi32, #tpu.memory_space<vmem>>)
    %dma_wait3A_115 = arith.constant 0 : i32
    %dma_wait3A_116 = arith.constant 0 : i32
    %dma_wait3A_117 = tpu.memref_slice %arg3[%mul3A_16, %dma_wait3A_115, %dma_wait3A_116] : memref<3332x2x96xi32, #tpu.memory_space<hbm>> -> memref<1x2x96xi32, #tpu.memory_space<hbm>>
    %dma_wait3A_118 = tpu.memref_squeeze %dma_wait3A_117 : memref<1x2x96xi32, #tpu.memory_space<hbm>> -> memref<2x96xi32, #tpu.memory_space<hbm>>
    %dma_wait3A_119 = arith.constant 0 : i32
    %dma_wait3A_120 = arith.constant 0 : i32
    %dma_wait3A_121 = tpu.memref_slice %arg3[%mul3A_16, %dma_wait3A_119, %dma_wait3A_120] : memref<3332x2x96xi32, #tpu.memory_space<hbm>> -> memref<1x2x96xi32, #tpu.memory_space<hbm>>
    %dma_wait3A_122 = tpu.memref_squeeze %dma_wait3A_121 : memref<1x2x96xi32, #tpu.memory_space<hbm>> -> memref<2x96xi32, #tpu.memory_space<hbm>>
    tpu.wait_dma2 semaphore(%arg26 : memref<!tpu.dma_semaphore, #tpu.memory_space<semaphore_mem>>) src(%dma_wait3A_122 : memref<2x96xi32, #tpu.memory_space<hbm>>) dst(%arg12 : memref<2x96xi32, #tpu.memory_space<vmem>>)
    "tpu.region"() ({
      %run_scoped3A_143 = tpu.sem_alloc : memref<!tpu.dma_semaphore, #tpu.memory_space<semaphore_mem>>
      %dma_start3A_144 = arith.constant 0 : i32
      %dma_start3A_145 = arith.constant 0 : i32
      %dma_start3A_146 = tpu.memref_slice %arg4[%add3A, %dma_start3A_144, %dma_start3A_145] : memref<32x2x16xi32, #tpu.memory_space<hbm>> -> memref<1x2x16xi32, #tpu.memory_space<hbm>>
      %dma_start3A_147 = tpu.memref_squeeze %dma_start3A_146 : memref<1x2x16xi32, #tpu.memory_space<hbm>> -> memref<2x16xi32, #tpu.memory_space<hbm>>
      %dma_start3A_148 = arith.constant 0 : i32
      %dma_start3A_149 = arith.constant 0 : i32
      %dma_start3A_150 = tpu.memref_slice %arg4[%add3A, %dma_start3A_148, %dma_start3A_149] : memref<32x2x16xi32, #tpu.memory_space<hbm>> -> memref<1x2x16xi32, #tpu.memory_space<hbm>>
      %dma_start3A_151 = tpu.memref_squeeze %dma_start3A_150 : memref<1x2x16xi32, #tpu.memory_space<hbm>> -> memref<2x16xi32, #tpu.memory_space<hbm>>
      tpu.enqueue_dma source(%dma_start3A_151 : memref<2x16xi32, #tpu.memory_space<hbm>>) target(%arg16 : memref<2x16xi32, #tpu.memory_space<vmem>>) target_semaphore(%run_scoped3A_143 : memref<!tpu.dma_semaphore, #tpu.memory_space<semaphore_mem>>)
      %dma_wait3A_152 = arith.constant 0 : i32
      %dma_wait3A_153 = arith.constant 0 : i32
      %dma_wait3A_154 = tpu.memref_slice %arg4[%add3A, %dma_wait3A_152, %dma_wait3A_153] : memref<32x2x16xi32, #tpu.memory_space<hbm>> -> memref<1x2x16xi32, #tpu.memory_space<hbm>>
      %dma_wait3A_155 = tpu.memref_squeeze %dma_wait3A_154 : memref<1x2x16xi32, #tpu.memory_space<hbm>> -> memref<2x16xi32, #tpu.memory_space<hbm>>
      %dma_wait3A_156 = arith.constant 0 : i32
      %dma_wait3A_157 = arith.constant 0 : i32
      %dma_wait3A_158 = tpu.memref_slice %arg4[%add3A, %dma_wait3A_156, %dma_wait3A_157] : memref<32x2x16xi32, #tpu.memory_space<hbm>> -> memref<1x2x16xi32, #tpu.memory_space<hbm>>
      %dma_wait3A_159 = tpu.memref_squeeze %dma_wait3A_158 : memref<1x2x16xi32, #tpu.memory_space<hbm>> -> memref<2x16xi32, #tpu.memory_space<hbm>>
      tpu.wait_dma2 semaphore(%run_scoped3A_143 : memref<!tpu.dma_semaphore, #tpu.memory_space<semaphore_mem>>) src(%dma_wait3A_159 : memref<2x16xi32, #tpu.memory_space<hbm>>) dst(%arg16 : memref<2x16xi32, #tpu.memory_space<vmem>>)
      tpu.yield
    }) : () -> ()
    %dma_start3A_123 = arith.constant 0 : i32
    %dma_start3A_124 = arith.constant 0 : i32
    %dma_start3A_125 = tpu.memref_slice %arg16[%dma_start3A_123, %dma_start3A_124] : memref<2x16xi32, #tpu.memory_space<vmem>> -> memref<1x16xi32, #tpu.memory_space<vmem>>
    %dma_start3A_126 = tpu.memref_squeeze %dma_start3A_125 : memref<1x16xi32, #tpu.memory_space<vmem>> -> memref<16xi32, #tpu.memory_space<vmem>>
    %dma_start3A_127 = arith.constant 0 : i32
    %dma_start3A_128 = arith.constant 0 : i32
    %dma_start3A_129 = tpu.memref_slice %arg2[%dma_start3A_127, %dma_start3A_128] : memref<10000x128xf32, #tpu.memory_space<hbm>> -> memref<10000x128xf32, #tpu.memory_space<hbm>>
    tpu.enqueue_indirect_dma source(%dma_start3A_129 : memref<10000x128xf32, #tpu.memory_space<hbm>>) target(%arg17 : memref<16x128xf32, #tpu.memory_space<vmem>>) offsets(%dma_start3A_126 : memref<16xi32, #tpu.memory_space<vmem>>) semaphore(%arg18 : memref<!tpu.dma_semaphore, #tpu.memory_space<semaphore_mem>>)
    %dma_wait3A_130 = arith.constant 0 : i32
    %dma_wait3A_131 = arith.constant 0 : i32
    %dma_wait3A_132 = tpu.memref_slice %arg16[%dma_wait3A_130, %dma_wait3A_131] : memref<2x16xi32, #tpu.memory_space<vmem>> -> memref<1x16xi32, #tpu.memory_space<vmem>>
    %dma_wait3A_133 = tpu.memref_squeeze %dma_wait3A_132 : memref<1x16xi32, #tpu.memory_space<vmem>> -> memref<16xi32, #tpu.memory_space<vmem>>
    %dma_wait3A_134 = arith.constant 0 : i32
    %dma_wait3A_135 = arith.constant 0 : i32
    %dma_wait3A_136 = tpu.memref_slice %arg2[%dma_wait3A_134, %dma_wait3A_135] : memref<10000x128xf32, #tpu.memory_space<hbm>> -> memref<10000x128xf32, #tpu.memory_space<hbm>>
    tpu.wait_indirect_dma semaphore(%arg18 : memref<!tpu.dma_semaphore, #tpu.memory_space<semaphore_mem>>) src(%dma_wait3A_136 : memref<10000x128xf32, #tpu.memory_space<hbm>>) dst(%arg17 : memref<16x128xf32, #tpu.memory_space<vmem>>)
    %run_scoped3A_137 = arith.constant 1 : i32
    "tpu.region"() ({
      %run_scoped3A_143 = tpu.sem_alloc : memref<!tpu.dma_semaphore, #tpu.memory_space<semaphore_mem>>
      %dma_start3A_144 = arith.constant 0 : i32
      %dma_start3A_145 = tpu.memref_slice %arg16[%run_scoped3A_137, %dma_start3A_144] : memref<2x16xi32, #tpu.memory_space<vmem>> -> memref<1x16xi32, #tpu.memory_space<vmem>>
      %dma_start3A_146 = tpu.memref_squeeze %dma_start3A_145 : memref<1x16xi32, #tpu.memory_space<vmem>> -> memref<16xi32, #tpu.memory_space<vmem>>
      %dma_start3A_147 = arith.constant 0 : i32
      %dma_start3A_148 = arith.constant 0 : i32
      %dma_start3A_149 = tpu.memref_slice %arg27[%dma_start3A_147, %dma_start3A_148] : memref<10240x128xf32, #tpu.memory_space<vmem_shared>> -> memref<10240x128xf32, #tpu.memory_space<vmem_shared>>
      tpu.enqueue_indirect_dma source(%arg17 : memref<16x128xf32, #tpu.memory_space<vmem>>) target(%dma_start3A_149 : memref<10240x128xf32, #tpu.memory_space<vmem_shared>>) offsets(%dma_start3A_146 : memref<16xi32, #tpu.memory_space<vmem>>) semaphore(%run_scoped3A_143 : memref<!tpu.dma_semaphore, #tpu.memory_space<semaphore_mem>>) {add = true}
      %dma_wait3A_150 = arith.constant 0 : i32
      %dma_wait3A_151 = tpu.memref_slice %arg16[%run_scoped3A_137, %dma_wait3A_150] : memref<2x16xi32, #tpu.memory_space<vmem>> -> memref<1x16xi32, #tpu.memory_space<vmem>>
      %dma_wait3A_152 = tpu.memref_squeeze %dma_wait3A_151 : memref<1x16xi32, #tpu.memory_space<vmem>> -> memref<16xi32, #tpu.memory_space<vmem>>
      %dma_wait3A_153 = arith.constant 0 : i32
      %dma_wait3A_154 = arith.constant 0 : i32
      %dma_wait3A_155 = tpu.memref_slice %arg27[%dma_wait3A_153, %dma_wait3A_154] : memref<10240x128xf32, #tpu.memory_space<vmem_shared>> -> memref<10240x128xf32, #tpu.memory_space<vmem_shared>>
      tpu.wait_indirect_dma semaphore(%run_scoped3A_143 : memref<!tpu.dma_semaphore, #tpu.memory_space<semaphore_mem>>) src(%arg17 : memref<16x128xf32, #tpu.memory_space<vmem>>) dst(%dma_wait3A_155 : memref<10240x128xf32, #tpu.memory_space<vmem_shared>>)
      tpu.yield
    }) : () -> ()
    %barrier3A_138 = arith.constant 0 : index
    tpu.barrier barrier_id(%barrier3A_138)
    %mul3A_139 = arith.constant 640 : i32
    %mul3A_140 = arith.muli %arg1, %mul3A_139 : i32
    %mul3A_141 = arith.constant 640 : i32
    %mul3A_142 = arith.muli %arg1, %mul3A_141 : i32
    "tpu.region"() ({
      %run_scoped3A_143 = tpu.sem_alloc : memref<!tpu.dma_semaphore, #tpu.memory_space<semaphore_mem>>
      %dma_start3A_144 = arith.constant 0 : i32
      %dma_start3A_145 = tpu.memref_slice %arg5[%arg0, %mul3A_142, %dma_start3A_144] : memref<2x10240x128xf32, #tpu.memory_space<hbm>> -> memref<1x640x128xf32, #tpu.memory_space<hbm>>
      %dma_start3A_146 = tpu.memref_squeeze %dma_start3A_145 : memref<1x640x128xf32, #tpu.memory_space<hbm>> -> memref<640x128xf32, #tpu.memory_space<hbm>>
      %dma_start3A_147 = arith.constant 0 : i32
      %dma_start3A_148 = tpu.memref_slice %arg27[%mul3A_140, %dma_start3A_147] : memref<10240x128xf32, #tpu.memory_space<vmem_shared>> -> memref<640x128xf32, #tpu.memory_space<vmem_shared>>
      tpu.enqueue_dma source(%dma_start3A_148 : memref<640x128xf32, #tpu.memory_space<vmem_shared>>) target(%dma_start3A_146 : memref<640x128xf32, #tpu.memory_space<hbm>>) target_semaphore(%run_scoped3A_143 : memref<!tpu.dma_semaphore, #tpu.memory_space<semaphore_mem>>)
      %dma_wait3A_149 = arith.constant 0 : i32
      %dma_wait3A_150 = tpu.memref_slice %arg5[%arg0, %mul3A_142, %dma_wait3A_149] : memref<2x10240x128xf32, #tpu.memory_space<hbm>> -> memref<1x640x128xf32, #tpu.memory_space<hbm>>
      %dma_wait3A_151 = tpu.memref_squeeze %dma_wait3A_150 : memref<1x640x128xf32, #tpu.memory_space<hbm>> -> memref<640x128xf32, #tpu.memory_space<hbm>>
      %dma_wait3A_152 = arith.constant 0 : i32
      %dma_wait3A_153 = tpu.memref_slice %arg27[%mul3A_140, %dma_wait3A_152] : memref<10240x128xf32, #tpu.memory_space<vmem_shared>> -> memref<640x128xf32, #tpu.memory_space<vmem_shared>>
      tpu.wait_dma2 semaphore(%run_scoped3A_143 : memref<!tpu.dma_semaphore, #tpu.memory_space<semaphore_mem>>) src(%dma_wait3A_153 : memref<640x128xf32, #tpu.memory_space<vmem_shared>>) dst(%dma_wait3A_151 : memref<640x128xf32, #tpu.memory_space<hbm>>)
      tpu.yield
    }) : () -> ()
    return
  }
}

#map = affine_map<(d0, d1) -> (0, 0, 0)>
#map1 = affine_map<(d0, d1) -> (0, 0)>
module attributes {stable_mosaic.version = 14 : i64} {
  func.func @_sc_deg(%arg0: i32, %arg1: i32, %arg2: memref<32x104x96xi32, #tpu.memory_space<hbm>>, %arg3: memref<32x2x16xi32, #tpu.memory_space<hbm>>, %arg4: memref<2x10240xf32, #tpu.memory_space<hbm>>, %arg5: memref<640xf32, #tpu.memory_space<vmem>>, %arg6: memref<96xf32, #tpu.memory_space<vmem>>, %arg7: memref<16xf32, #tpu.memory_space<vmem>>, %arg8: memref<104x96xi32, #tpu.memory_space<vmem>>, %arg9: memref<16xi32, #tpu.memory_space<vmem>>, %arg10: memref<!tpu.dma_semaphore, #tpu.memory_space<semaphore_mem>>, %arg11: memref<10240xf32, #tpu.memory_space<vmem_shared>>) attributes {dimension_semantics = [#tpu.dimension_semantics<core_parallel>, #tpu.dimension_semantics<subcore_parallel>], iteration_bounds = array<i64: 2, 16>, scalar_prefetch = 0 : i64, scratch_operands = 7 : i64, tpu.core_type = #tpu.core_type<sc_vector_subcore>, window_params = [{transform_indices = #map}, {transform_indices = #map}, {transform_indices = #map1}]} {
    %mul3A = arith.constant 16 : i32
    %mul3A_0 = arith.muli %arg0, %mul3A : i32
    %add3A = arith.addi %mul3A_0, %arg1 : i32
    %scan3A = arith.constant 0 : i32
    %scan3A_1 = arith.constant 40 : i32
    %scan3A_2 = arith.addi %scan3A, %scan3A_1 : i32
    %scan3A_3 = arith.constant 1 : i32
    scf.for %scan3A_36 = %scan3A to %scan3A_2 step %scan3A_3  : i32 {
      %mul3A_37 = arith.constant 1 : i32
      %mul3A_38 = arith.muli %scan3A_36, %mul3A_37 : i32
      %add3A_39 = arith.constant 0 : i32
      %add3A_40 = arith.addi %add3A_39, %mul3A_38 : i32
      %broadcast_in_dim3A_41 = arith.constant 0.000000e+00 : f32
      %broadcast_in_dim3A_42 = vector.broadcast %broadcast_in_dim3A_41 : f32 to vector<16xf32>
      %mul3A_43 = arith.constant 16 : i32
      %mul3A_44 = arith.muli %add3A_40, %mul3A_43 : i32
      %swap3A_45 = arith.index_cast %mul3A_44 : i32 to index
      %swap3A_46 = tpu.vector_load %arg5[%swap3A_45] {strides = array<i32>} : memref<640xf32, #tpu.memory_space<vmem>>, vector<16xf32>,
      %swap3A_47 = vector.shape_cast %swap3A_46 : vector<16xf32> to vector<16xf32>
      %swap3A_48 = vector.shape_cast %broadcast_in_dim3A_42 : vector<16xf32> to vector<16xf32>
      tpu.vector_store %arg5[%swap3A_45], %swap3A_48 {strides = array<i32>} : memref<640xf32, #tpu.memory_space<vmem>>, vector<16xf32>,
    }
    %scan3A_4 = arith.constant 40 : i32
    %scan3A_5 = arith.constant 0 : i32
    %scan3A_6 = arith.constant 6 : i32
    %scan3A_7 = arith.addi %scan3A_5, %scan3A_6 : i32
    %scan3A_8 = arith.constant 1 : i32
    scf.for %scan3A_36 = %scan3A_5 to %scan3A_7 step %scan3A_8  : i32 {
      %mul3A_37 = arith.constant 1 : i32
      %mul3A_38 = arith.muli %scan3A_36, %mul3A_37 : i32
      %add3A_39 = arith.constant 0 : i32
      %add3A_40 = arith.addi %add3A_39, %mul3A_38 : i32
      %broadcast_in_dim3A_41 = arith.constant 1.000000e+00 : f32
      %broadcast_in_dim3A_42 = vector.broadcast %broadcast_in_dim3A_41 : f32 to vector<16xf32>
      %mul3A_43 = arith.constant 16 : i32
      %mul3A_44 = arith.muli %add3A_40, %mul3A_43 : i32
      %swap3A_45 = arith.index_cast %mul3A_44 : i32 to index
      %swap3A_46 = tpu.vector_load %arg6[%swap3A_45] {strides = array<i32>} : memref<96xf32, #tpu.memory_space<vmem>>, vector<16xf32>,
      %swap3A_47 = vector.shape_cast %swap3A_46 : vector<16xf32> to vector<16xf32>
      %swap3A_48 = vector.shape_cast %broadcast_in_dim3A_42 : vector<16xf32> to vector<16xf32>
      tpu.vector_store %arg6[%swap3A_45], %swap3A_48 {strides = array<i32>} : memref<96xf32, #tpu.memory_space<vmem>>, vector<16xf32>,
    }
    %scan3A_9 = arith.constant 6 : i32
    %broadcast_in_dim3A = arith.constant 1.000000e+00 : f32
    %broadcast_in_dim3A_10 = vector.broadcast %broadcast_in_dim3A : f32 to vector<16xf32>
    %swap3A = arith.constant 0 : index
    %swap3A_11 = tpu.vector_load %arg7[%swap3A] {strides = array<i32>} : memref<16xf32, #tpu.memory_space<vmem>>, vector<16xf32>,
    %swap3A_12 = vector.shape_cast %swap3A_11 : vector<16xf32> to vector<16xf32>
    %swap3A_13 = vector.shape_cast %broadcast_in_dim3A_10 : vector<16xf32> to vector<16xf32>
    tpu.vector_store %arg7[%swap3A], %swap3A_13 {strides = array<i32>} : memref<16xf32, #tpu.memory_space<vmem>>, vector<16xf32>,
    "tpu.region"() ({
      %run_scoped3A_36 = tpu.sem_alloc : memref<!tpu.dma_semaphore, #tpu.memory_space<semaphore_mem>>
      %dma_start3A = arith.constant 0 : i32
      %dma_start3A_37 = arith.constant 0 : i32
      %dma_start3A_38 = tpu.memref_slice %arg2[%add3A, %dma_start3A, %dma_start3A_37] : memref<32x104x96xi32, #tpu.memory_space<hbm>> -> memref<1x104x96xi32, #tpu.memory_space<hbm>>
      %dma_start3A_39 = tpu.memref_squeeze %dma_start3A_38 : memref<1x104x96xi32, #tpu.memory_space<hbm>> -> memref<104x96xi32, #tpu.memory_space<hbm>>
      %dma_start3A_40 = arith.constant 0 : i32
      %dma_start3A_41 = arith.constant 0 : i32
      %dma_start3A_42 = tpu.memref_slice %arg2[%add3A, %dma_start3A_40, %dma_start3A_41] : memref<32x104x96xi32, #tpu.memory_space<hbm>> -> memref<1x104x96xi32, #tpu.memory_space<hbm>>
      %dma_start3A_43 = tpu.memref_squeeze %dma_start3A_42 : memref<1x104x96xi32, #tpu.memory_space<hbm>> -> memref<104x96xi32, #tpu.memory_space<hbm>>
      tpu.enqueue_dma source(%dma_start3A_43 : memref<104x96xi32, #tpu.memory_space<hbm>>) target(%arg8 : memref<104x96xi32, #tpu.memory_space<vmem>>) target_semaphore(%run_scoped3A_36 : memref<!tpu.dma_semaphore, #tpu.memory_space<semaphore_mem>>)
      %dma_wait3A = arith.constant 0 : i32
      %dma_wait3A_44 = arith.constant 0 : i32
      %dma_wait3A_45 = tpu.memref_slice %arg2[%add3A, %dma_wait3A, %dma_wait3A_44] : memref<32x104x96xi32, #tpu.memory_space<hbm>> -> memref<1x104x96xi32, #tpu.memory_space<hbm>>
      %dma_wait3A_46 = tpu.memref_squeeze %dma_wait3A_45 : memref<1x104x96xi32, #tpu.memory_space<hbm>> -> memref<104x96xi32, #tpu.memory_space<hbm>>
      %dma_wait3A_47 = arith.constant 0 : i32
      %dma_wait3A_48 = arith.constant 0 : i32
      %dma_wait3A_49 = tpu.memref_slice %arg2[%add3A, %dma_wait3A_47, %dma_wait3A_48] : memref<32x104x96xi32, #tpu.memory_space<hbm>> -> memref<1x104x96xi32, #tpu.memory_space<hbm>>
      %dma_wait3A_50 = tpu.memref_squeeze %dma_wait3A_49 : memref<1x104x96xi32, #tpu.memory_space<hbm>> -> memref<104x96xi32, #tpu.memory_space<hbm>>
      tpu.wait_dma2 semaphore(%run_scoped3A_36 : memref<!tpu.dma_semaphore, #tpu.memory_space<semaphore_mem>>) src(%dma_wait3A_50 : memref<104x96xi32, #tpu.memory_space<hbm>>) dst(%arg8 : memref<104x96xi32, #tpu.memory_space<vmem>>)
      tpu.yield
    }) : () -> ()
    %run_scoped3A = arith.constant 1 : i32
    "tpu.region"() ({
      %run_scoped3A_36 = tpu.sem_alloc : memref<!tpu.dma_semaphore, #tpu.memory_space<semaphore_mem>>
      %dma_start3A = arith.constant 0 : i32
      %dma_start3A_37 = tpu.memref_slice %arg3[%add3A, %run_scoped3A, %dma_start3A] : memref<32x2x16xi32, #tpu.memory_space<hbm>> -> memref<1x1x16xi32, #tpu.memory_space<hbm>>
      %dma_start3A_38 = tpu.memref_squeeze %dma_start3A_37 : memref<1x1x16xi32, #tpu.memory_space<hbm>> -> memref<16xi32, #tpu.memory_space<hbm>>
      %dma_start3A_39 = arith.constant 0 : i32
      %dma_start3A_40 = tpu.memref_slice %arg3[%add3A, %run_scoped3A, %dma_start3A_39] : memref<32x2x16xi32, #tpu.memory_space<hbm>> -> memref<1x1x16xi32, #tpu.memory_space<hbm>>
      %dma_start3A_41 = tpu.memref_squeeze %dma_start3A_40 : memref<1x1x16xi32, #tpu.memory_space<hbm>> -> memref<16xi32, #tpu.memory_space<hbm>>
      tpu.enqueue_dma source(%dma_start3A_41 : memref<16xi32, #tpu.memory_space<hbm>>) target(%arg9 : memref<16xi32, #tpu.memory_space<vmem>>) target_semaphore(%run_scoped3A_36 : memref<!tpu.dma_semaphore, #tpu.memory_space<semaphore_mem>>)
      %dma_wait3A = arith.constant 0 : i32
      %dma_wait3A_42 = tpu.memref_slice %arg3[%add3A, %run_scoped3A, %dma_wait3A] : memref<32x2x16xi32, #tpu.memory_space<hbm>> -> memref<1x1x16xi32, #tpu.memory_space<hbm>>
      %dma_wait3A_43 = tpu.memref_squeeze %dma_wait3A_42 : memref<1x1x16xi32, #tpu.memory_space<hbm>> -> memref<16xi32, #tpu.memory_space<hbm>>
      %dma_wait3A_44 = arith.constant 0 : i32
      %dma_wait3A_45 = tpu.memref_slice %arg3[%add3A, %run_scoped3A, %dma_wait3A_44] : memref<32x2x16xi32, #tpu.memory_space<hbm>> -> memref<1x1x16xi32, #tpu.memory_space<hbm>>
      %dma_wait3A_46 = tpu.memref_squeeze %dma_wait3A_45 : memref<1x1x16xi32, #tpu.memory_space<hbm>> -> memref<16xi32, #tpu.memory_space<hbm>>
      tpu.wait_dma2 semaphore(%run_scoped3A_36 : memref<!tpu.dma_semaphore, #tpu.memory_space<semaphore_mem>>) src(%dma_wait3A_46 : memref<16xi32, #tpu.memory_space<hbm>>) dst(%arg9 : memref<16xi32, #tpu.memory_space<vmem>>)
      tpu.yield
    }) : () -> ()
    %mul3A_14 = arith.constant 640 : i32
    %mul3A_15 = arith.muli %arg1, %mul3A_14 : i32
    "tpu.region"() ({
      %run_scoped3A_36 = tpu.sem_alloc : memref<!tpu.dma_semaphore, #tpu.memory_space<semaphore_mem>>
      %dma_start3A = tpu.memref_slice %arg11[%mul3A_15] : memref<10240xf32, #tpu.memory_space<vmem_shared>> -> memref<640xf32, #tpu.memory_space<vmem_shared>>
      %dma_start3A_37 = tpu.memref_slice %arg11[%mul3A_15] : memref<10240xf32, #tpu.memory_space<vmem_shared>> -> memref<640xf32, #tpu.memory_space<vmem_shared>>
      tpu.enqueue_dma source(%arg5 : memref<640xf32, #tpu.memory_space<vmem>>) target(%dma_start3A_37 : memref<640xf32, #tpu.memory_space<vmem_shared>>) target_semaphore(%run_scoped3A_36 : memref<!tpu.dma_semaphore, #tpu.memory_space<semaphore_mem>>)
      %dma_wait3A = tpu.memref_slice %arg11[%mul3A_15] : memref<10240xf32, #tpu.memory_space<vmem_shared>> -> memref<640xf32, #tpu.memory_space<vmem_shared>>
      %dma_wait3A_38 = tpu.memref_slice %arg11[%mul3A_15] : memref<10240xf32, #tpu.memory_space<vmem_shared>> -> memref<640xf32, #tpu.memory_space<vmem_shared>>
      tpu.wait_dma2 semaphore(%run_scoped3A_36 : memref<!tpu.dma_semaphore, #tpu.memory_space<semaphore_mem>>) src(%arg5 : memref<640xf32, #tpu.memory_space<vmem>>) dst(%dma_wait3A_38 : memref<640xf32, #tpu.memory_space<vmem_shared>>)
      tpu.yield
    }) : () -> ()
    %barrier3A = arith.constant 0 : index
    tpu.barrier barrier_id(%barrier3A)
    %scan3A_16 = arith.constant 0 : i32
    %scan3A_17 = arith.constant 8 : i32
    %scan3A_18 = arith.addi %scan3A_16, %scan3A_17 : i32
    %scan3A_19 = arith.constant 1 : i32
    scf.for %scan3A_36 = %scan3A_16 to %scan3A_18 step %scan3A_19  : i32 {
      %mul3A_37 = arith.constant 1 : i32
      %mul3A_38 = arith.muli %scan3A_36, %mul3A_37 : i32
      %add3A_39 = arith.constant 0 : i32
      %add3A_40 = arith.addi %add3A_39, %mul3A_38 : i32
      %dma_start3A = arith.constant 0 : i32
      %dma_start3A_41 = tpu.memref_slice %arg8[%add3A_40, %dma_start3A] : memref<104x96xi32, #tpu.memory_space<vmem>> -> memref<1x96xi32, #tpu.memory_space<vmem>>
      %dma_start3A_42 = tpu.memref_squeeze %dma_start3A_41 : memref<1x96xi32, #tpu.memory_space<vmem>> -> memref<96xi32, #tpu.memory_space<vmem>>
      %dma_start3A_43 = arith.constant 0 : i32
      %dma_start3A_44 = tpu.memref_slice %arg11[%dma_start3A_43] : memref<10240xf32, #tpu.memory_space<vmem_shared>> -> memref<10240xf32, #tpu.memory_space<vmem_shared>>
      tpu.enqueue_indirect_dma source(%arg6 : memref<96xf32, #tpu.memory_space<vmem>>) target(%dma_start3A_44 : memref<10240xf32, #tpu.memory_space<vmem_shared>>) offsets(%dma_start3A_42 : memref<96xi32, #tpu.memory_space<vmem>>) semaphore(%arg10 : memref<!tpu.dma_semaphore, #tpu.memory_space<semaphore_mem>>) {add = true}
    }
    %scan3A_20 = arith.constant 8 : i32
    %scan3A_21 = arith.constant 0 : i32
    %scan3A_22 = arith.constant 96 : i32
    %scan3A_23 = arith.addi %scan3A_21, %scan3A_22 : i32
    %scan3A_24 = arith.constant 1 : i32
    scf.for %scan3A_36 = %scan3A_21 to %scan3A_23 step %scan3A_24  : i32 {
      %mul3A_37 = arith.constant 1 : i32
      %mul3A_38 = arith.muli %scan3A_36, %mul3A_37 : i32
      %add3A_39 = arith.constant 8 : i32
      %add3A_40 = arith.addi %add3A_39, %mul3A_38 : i32
      %dma_wait3A = arith.constant 0 : i32
      %dma_wait3A_41 = arith.constant 0 : i32
      %dma_wait3A_42 = tpu.memref_slice %arg8[%dma_wait3A, %dma_wait3A_41] : memref<104x96xi32, #tpu.memory_space<vmem>> -> memref<1x96xi32, #tpu.memory_space<vmem>>
      %dma_wait3A_43 = tpu.memref_squeeze %dma_wait3A_42 : memref<1x96xi32, #tpu.memory_space<vmem>> -> memref<96xi32, #tpu.memory_space<vmem>>
      %dma_wait3A_44 = arith.constant 0 : i32
      %dma_wait3A_45 = tpu.memref_slice %arg11[%dma_wait3A_44] : memref<10240xf32, #tpu.memory_space<vmem_shared>> -> memref<10240xf32, #tpu.memory_space<vmem_shared>>
      tpu.wait_indirect_dma semaphore(%arg10 : memref<!tpu.dma_semaphore, #tpu.memory_space<semaphore_mem>>) src(%arg6 : memref<96xf32, #tpu.memory_space<vmem>>) dst(%dma_wait3A_45 : memref<10240xf32, #tpu.memory_space<vmem_shared>>)
      %dma_start3A = arith.constant 0 : i32
      %dma_start3A_46 = tpu.memref_slice %arg8[%add3A_40, %dma_start3A] : memref<104x96xi32, #tpu.memory_space<vmem>> -> memref<1x96xi32, #tpu.memory_space<vmem>>
      %dma_start3A_47 = tpu.memref_squeeze %dma_start3A_46 : memref<1x96xi32, #tpu.memory_space<vmem>> -> memref<96xi32, #tpu.memory_space<vmem>>
      %dma_start3A_48 = arith.constant 0 : i32
      %dma_start3A_49 = tpu.memref_slice %arg11[%dma_start3A_48] : memref<10240xf32, #tpu.memory_space<vmem_shared>> -> memref<10240xf32, #tpu.memory_space<vmem_shared>>
      tpu.enqueue_indirect_dma source(%arg6 : memref<96xf32, #tpu.memory_space<vmem>>) target(%dma_start3A_49 : memref<10240xf32, #tpu.memory_space<vmem_shared>>) offsets(%dma_start3A_47 : memref<96xi32, #tpu.memory_space<vmem>>) semaphore(%arg10 : memref<!tpu.dma_semaphore, #tpu.memory_space<semaphore_mem>>) {add = true}
    }
    %scan3A_25 = arith.constant 96 : i32
    %scan3A_26 = arith.constant 0 : i32
    %scan3A_27 = arith.constant 8 : i32
    %scan3A_28 = arith.addi %scan3A_26, %scan3A_27 : i32
    %scan3A_29 = arith.constant 1 : i32
    scf.for %scan3A_36 = %scan3A_26 to %scan3A_28 step %scan3A_29  : i32 {
      %mul3A_37 = arith.constant 1 : i32
      %mul3A_38 = arith.muli %scan3A_36, %mul3A_37 : i32
      %add3A_39 = arith.constant 0 : i32
      %add3A_40 = arith.addi %add3A_39, %mul3A_38 : i32
      %dma_wait3A = arith.constant 0 : i32
      %dma_wait3A_41 = arith.constant 0 : i32
      %dma_wait3A_42 = tpu.memref_slice %arg8[%dma_wait3A, %dma_wait3A_41] : memref<104x96xi32, #tpu.memory_space<vmem>> -> memref<1x96xi32, #tpu.memory_space<vmem>>
      %dma_wait3A_43 = tpu.memref_squeeze %dma_wait3A_42 : memref<1x96xi32, #tpu.memory_space<vmem>> -> memref<96xi32, #tpu.memory_space<vmem>>
      %dma_wait3A_44 = arith.constant 0 : i32
      %dma_wait3A_45 = tpu.memref_slice %arg11[%dma_wait3A_44] : memref<10240xf32, #tpu.memory_space<vmem_shared>> -> memref<10240xf32, #tpu.memory_space<vmem_shared>>
      tpu.wait_indirect_dma semaphore(%arg10 : memref<!tpu.dma_semaphore, #tpu.memory_space<semaphore_mem>>) src(%arg6 : memref<96xf32, #tpu.memory_space<vmem>>) dst(%dma_wait3A_45 : memref<10240xf32, #tpu.memory_space<vmem_shared>>)
    }
    %scan3A_30 = arith.constant 8 : i32
    "tpu.region"() ({
      %run_scoped3A_36 = tpu.sem_alloc : memref<!tpu.dma_semaphore, #tpu.memory_space<semaphore_mem>>
      %dma_start3A = arith.constant 0 : i32
      %dma_start3A_37 = tpu.memref_slice %arg11[%dma_start3A] : memref<10240xf32, #tpu.memory_space<vmem_shared>> -> memref<10240xf32, #tpu.memory_space<vmem_shared>>
      tpu.enqueue_indirect_dma source(%arg7 : memref<16xf32, #tpu.memory_space<vmem>>) target(%dma_start3A_37 : memref<10240xf32, #tpu.memory_space<vmem_shared>>) offsets(%arg9 : memref<16xi32, #tpu.memory_space<vmem>>) semaphore(%run_scoped3A_36 : memref<!tpu.dma_semaphore, #tpu.memory_space<semaphore_mem>>) {add = true}
      %dma_wait3A = arith.constant 0 : i32
      %dma_wait3A_38 = tpu.memref_slice %arg11[%dma_wait3A] : memref<10240xf32, #tpu.memory_space<vmem_shared>> -> memref<10240xf32, #tpu.memory_space<vmem_shared>>
      tpu.wait_indirect_dma semaphore(%run_scoped3A_36 : memref<!tpu.dma_semaphore, #tpu.memory_space<semaphore_mem>>) src(%arg7 : memref<16xf32, #tpu.memory_space<vmem>>) dst(%dma_wait3A_38 : memref<10240xf32, #tpu.memory_space<vmem_shared>>)
      tpu.yield
    }) : () -> ()
    %barrier3A_31 = arith.constant 0 : index
    tpu.barrier barrier_id(%barrier3A_31)
    %mul3A_32 = arith.constant 640 : i32
    %mul3A_33 = arith.muli %arg1, %mul3A_32 : i32
    %mul3A_34 = arith.constant 640 : i32
    %mul3A_35 = arith.muli %arg1, %mul3A_34 : i32
    "tpu.region"() ({
      %run_scoped3A_36 = tpu.sem_alloc : memref<!tpu.dma_semaphore, #tpu.memory_space<semaphore_mem>>
      %dma_start3A = tpu.memref_slice %arg4[%arg0, %mul3A_35] : memref<2x10240xf32, #tpu.memory_space<hbm>> -> memref<1x640xf32, #tpu.memory_space<hbm>>
      %dma_start3A_37 = tpu.memref_squeeze %dma_start3A : memref<1x640xf32, #tpu.memory_space<hbm>> -> memref<640xf32, #tpu.memory_space<hbm>>
      %dma_start3A_38 = tpu.memref_slice %arg11[%mul3A_33] : memref<10240xf32, #tpu.memory_space<vmem_shared>> -> memref<640xf32, #tpu.memory_space<vmem_shared>>
      tpu.enqueue_dma source(%dma_start3A_38 : memref<640xf32, #tpu.memory_space<vmem_shared>>) target(%dma_start3A_37 : memref<640xf32, #tpu.memory_space<hbm>>) target_semaphore(%run_scoped3A_36 : memref<!tpu.dma_semaphore, #tpu.memory_space<semaphore_mem>>)
      %dma_wait3A = tpu.memref_slice %arg4[%arg0, %mul3A_35] : memref<2x10240xf32, #tpu.memory_space<hbm>> -> memref<1x640xf32, #tpu.memory_space<hbm>>
      %dma_wait3A_39 = tpu.memref_squeeze %dma_wait3A : memref<1x640xf32, #tpu.memory_space<hbm>> -> memref<640xf32, #tpu.memory_space<hbm>>
      %dma_wait3A_40 = tpu.memref_slice %arg11[%mul3A_33] : memref<10240xf32, #tpu.memory_space<vmem_shared>> -> memref<640xf32, #tpu.memory_space<vmem_shared>>
      tpu.wait_dma2 semaphore(%run_scoped3A_36 : memref<!tpu.dma_semaphore, #tpu.memory_space<semaphore_mem>>) src(%dma_wait3A_40 : memref<640xf32, #tpu.memory_space<vmem_shared>>) dst(%dma_wait3A_39 : memref<640xf32, #tpu.memory_space<hbm>>)
      tpu.yield
    }) : () -> ()
    return
  }
}

#map = affine_map<(d0, d1) -> (0, 0)>
#map1 = affine_map<(d0, d1) -> (0, 0, 0)>
module attributes {stable_mosaic.version = 14 : i64} {
  func.func @_sc_agg(%arg0: i32, %arg1: i32, %arg2: memref<10000x128xf32, #tpu.memory_space<hbm>>, %arg3: memref<3332x2x96xi32, #tpu.memory_space<hbm>>, %arg4: memref<32x2x16xi32, #tpu.memory_space<hbm>>, %arg5: memref<2x10240x128xf32, #tpu.memory_space<hbm>>, %arg6: memref<32x128xf32, #tpu.memory_space<vmem>>, %arg7: memref<2x96xi32, #tpu.memory_space<vmem>>, %arg8: memref<2x96xi32, #tpu.memory_space<vmem>>, %arg9: memref<2x96xi32, #tpu.memory_space<vmem>>, %arg10: memref<2x96xi32, #tpu.memory_space<vmem>>, %arg11: memref<2x96xi32, #tpu.memory_space<vmem>>, %arg12: memref<2x96xi32, #tpu.memory_space<vmem>>, %arg13: memref<96x128xf32, #tpu.memory_space<vmem>>, %arg14: memref<96x128xf32, #tpu.memory_space<vmem>>, %arg15: memref<96x128xf32, #tpu.memory_space<vmem>>, %arg16: memref<2x16xi32, #tpu.memory_space<vmem>>, %arg17: memref<16x128xf32, #tpu.memory_space<vmem>>, %arg18: memref<!tpu.dma_semaphore, #tpu.memory_space<semaphore_mem>>, %arg19: memref<!tpu.dma_semaphore, #tpu.memory_space<semaphore_mem>>, %arg20: memref<!tpu.dma_semaphore, #tpu.memory_space<semaphore_mem>>, %arg21: memref<!tpu.dma_semaphore, #tpu.memory_space<semaphore_mem>>, %arg22: memref<!tpu.dma_semaphore, #tpu.memory_space<semaphore_mem>>, %arg23: memref<!tpu.dma_semaphore, #tpu.memory_space<semaphore_mem>>, %arg24: memref<!tpu.dma_semaphore, #tpu.memory_space<semaphore_mem>>, %arg25: memref<!tpu.dma_semaphore, #tpu.memory_space<semaphore_mem>>, %arg26: memref<!tpu.dma_semaphore, #tpu.memory_space<semaphore_mem>>, %arg27: memref<10240x128xf32, #tpu.memory_space<vmem_shared>>) attributes {dimension_semantics = [#tpu.dimension_semantics<core_parallel>, #tpu.dimension_semantics<subcore_parallel>], iteration_bounds = array<i64: 2, 16>, scalar_prefetch = 0 : i64, scratch_operands = 22 : i64, tpu.core_type = #tpu.core_type<sc_vector_subcore>, window_params = [{transform_indices = #map}, {transform_indices = #map1}, {transform_indices = #map1}, {transform_indices = #map1}]} {
    %mul3A = arith.constant 16 : i32
    %mul3A_0 = arith.muli %arg0, %mul3A : i32
    %add3A = arith.addi %mul3A_0, %arg1 : i32
    %scan3A = arith.constant 0 : i32
    %scan3A_1 = arith.constant 32 : i32
    %scan3A_2 = arith.addi %scan3A, %scan3A_1 : i32
    %scan3A_3 = arith.constant 1 : i32
    scf.for %scan3A_143 = %scan3A to %scan3A_2 step %scan3A_3  : i32 {
      %mul3A_144 = arith.constant 1 : i32
      %mul3A_145 = arith.muli %scan3A_143, %mul3A_144 : i32
      %add3A_146 = arith.constant 0 : i32
      %add3A_147 = arith.addi %add3A_146, %mul3A_145 : i32
      %broadcast_in_dim3A = arith.constant 0.000000e+00 : f32
      %broadcast_in_dim3A_148 = vector.broadcast %broadcast_in_dim3A : f32 to vector<16xf32>
      %swap3A = arith.index_cast %add3A_147 : i32 to index
      %swap3A_149 = arith.constant 0 : index
      %swap3A_150 = tpu.vector_load %arg6[%swap3A, %swap3A_149] {strides = array<i32>} : memref<32x128xf32, #tpu.memory_space<vmem>>, vector<1x16xf32>,
      %swap3A_151 = vector.shape_cast %swap3A_150 : vector<1x16xf32> to vector<16xf32>
      %swap3A_152 = vector.shape_cast %broadcast_in_dim3A_148 : vector<16xf32> to vector<1x16xf32>
      tpu.vector_store %arg6[%swap3A, %swap3A_149], %swap3A_152 {strides = array<i32>} : memref<32x128xf32, #tpu.memory_space<vmem>>, vector<1x16xf32>,
      %broadcast_in_dim3A_153 = arith.constant 0.000000e+00 : f32
      %broadcast_in_dim3A_154 = vector.broadcast %broadcast_in_dim3A_153 : f32 to vector<16xf32>
      %swap3A_155 = arith.index_cast %add3A_147 : i32 to index
      %swap3A_156 = arith.constant 16 : index
      %swap3A_157 = tpu.vector_load %arg6[%swap3A_155, %swap3A_156] {strides = array<i32>} : memref<32x128xf32, #tpu.memory_space<vmem>>, vector<1x16xf32>,
      %swap3A_158 = vector.shape_cast %swap3A_157 : vector<1x16xf32> to vector<16xf32>
      %swap3A_159 = vector.shape_cast %broadcast_in_dim3A_154 : vector<16xf32> to vector<1x16xf32>
      tpu.vector_store %arg6[%swap3A_155, %swap3A_156], %swap3A_159 {strides = array<i32>} : memref<32x128xf32, #tpu.memory_space<vmem>>, vector<1x16xf32>,
      %broadcast_in_dim3A_160 = arith.constant 0.000000e+00 : f32
      %broadcast_in_dim3A_161 = vector.broadcast %broadcast_in_dim3A_160 : f32 to vector<16xf32>
      %swap3A_162 = arith.index_cast %add3A_147 : i32 to index
      %swap3A_163 = arith.constant 32 : index
      %swap3A_164 = tpu.vector_load %arg6[%swap3A_162, %swap3A_163] {strides = array<i32>} : memref<32x128xf32, #tpu.memory_space<vmem>>, vector<1x16xf32>,
      %swap3A_165 = vector.shape_cast %swap3A_164 : vector<1x16xf32> to vector<16xf32>
      %swap3A_166 = vector.shape_cast %broadcast_in_dim3A_161 : vector<16xf32> to vector<1x16xf32>
      tpu.vector_store %arg6[%swap3A_162, %swap3A_163], %swap3A_166 {strides = array<i32>} : memref<32x128xf32, #tpu.memory_space<vmem>>, vector<1x16xf32>,
      %broadcast_in_dim3A_167 = arith.constant 0.000000e+00 : f32
      %broadcast_in_dim3A_168 = vector.broadcast %broadcast_in_dim3A_167 : f32 to vector<16xf32>
      %swap3A_169 = arith.index_cast %add3A_147 : i32 to index
      %swap3A_170 = arith.constant 48 : index
      %swap3A_171 = tpu.vector_load %arg6[%swap3A_169, %swap3A_170] {strides = array<i32>} : memref<32x128xf32, #tpu.memory_space<vmem>>, vector<1x16xf32>,
      %swap3A_172 = vector.shape_cast %swap3A_171 : vector<1x16xf32> to vector<16xf32>
      %swap3A_173 = vector.shape_cast %broadcast_in_dim3A_168 : vector<16xf32> to vector<1x16xf32>
      tpu.vector_store %arg6[%swap3A_169, %swap3A_170], %swap3A_173 {strides = array<i32>} : memref<32x128xf32, #tpu.memory_space<vmem>>, vector<1x16xf32>,
      %broadcast_in_dim3A_174 = arith.constant 0.000000e+00 : f32
      %broadcast_in_dim3A_175 = vector.broadcast %broadcast_in_dim3A_174 : f32 to vector<16xf32>
      %swap3A_176 = arith.index_cast %add3A_147 : i32 to index
      %swap3A_177 = arith.constant 64 : index
      %swap3A_178 = tpu.vector_load %arg6[%swap3A_176, %swap3A_177] {strides = array<i32>} : memref<32x128xf32, #tpu.memory_space<vmem>>, vector<1x16xf32>,
      %swap3A_179 = vector.shape_cast %swap3A_178 : vector<1x16xf32> to vector<16xf32>
      %swap3A_180 = vector.shape_cast %broadcast_in_dim3A_175 : vector<16xf32> to vector<1x16xf32>
      tpu.vector_store %arg6[%swap3A_176, %swap3A_177], %swap3A_180 {strides = array<i32>} : memref<32x128xf32, #tpu.memory_space<vmem>>, vector<1x16xf32>,
      %broadcast_in_dim3A_181 = arith.constant 0.000000e+00 : f32
      %broadcast_in_dim3A_182 = vector.broadcast %broadcast_in_dim3A_181 : f32 to vector<16xf32>
      %swap3A_183 = arith.index_cast %add3A_147 : i32 to index
      %swap3A_184 = arith.constant 80 : index
      %swap3A_185 = tpu.vector_load %arg6[%swap3A_183, %swap3A_184] {strides = array<i32>} : memref<32x128xf32, #tpu.memory_space<vmem>>, vector<1x16xf32>,
      %swap3A_186 = vector.shape_cast %swap3A_185 : vector<1x16xf32> to vector<16xf32>
      %swap3A_187 = vector.shape_cast %broadcast_in_dim3A_182 : vector<16xf32> to vector<1x16xf32>
      tpu.vector_store %arg6[%swap3A_183, %swap3A_184], %swap3A_187 {strides = array<i32>} : memref<32x128xf32, #tpu.memory_space<vmem>>, vector<1x16xf32>,
      %broadcast_in_dim3A_188 = arith.constant 0.000000e+00 : f32
      %broadcast_in_dim3A_189 = vector.broadcast %broadcast_in_dim3A_188 : f32 to vector<16xf32>
      %swap3A_190 = arith.index_cast %add3A_147 : i32 to index
      %swap3A_191 = arith.constant 96 : index
      %swap3A_192 = tpu.vector_load %arg6[%swap3A_190, %swap3A_191] {strides = array<i32>} : memref<32x128xf32, #tpu.memory_space<vmem>>, vector<1x16xf32>,
      %swap3A_193 = vector.shape_cast %swap3A_192 : vector<1x16xf32> to vector<16xf32>
      %swap3A_194 = vector.shape_cast %broadcast_in_dim3A_189 : vector<16xf32> to vector<1x16xf32>
      tpu.vector_store %arg6[%swap3A_190, %swap3A_191], %swap3A_194 {strides = array<i32>} : memref<32x128xf32, #tpu.memory_space<vmem>>, vector<1x16xf32>,
      %broadcast_in_dim3A_195 = arith.constant 0.000000e+00 : f32
      %broadcast_in_dim3A_196 = vector.broadcast %broadcast_in_dim3A_195 : f32 to vector<16xf32>
      %swap3A_197 = arith.index_cast %add3A_147 : i32 to index
      %swap3A_198 = arith.constant 112 : index
      %swap3A_199 = tpu.vector_load %arg6[%swap3A_197, %swap3A_198] {strides = array<i32>} : memref<32x128xf32, #tpu.memory_space<vmem>>, vector<1x16xf32>,
      %swap3A_200 = vector.shape_cast %swap3A_199 : vector<1x16xf32> to vector<16xf32>
      %swap3A_201 = vector.shape_cast %broadcast_in_dim3A_196 : vector<16xf32> to vector<1x16xf32>
      tpu.vector_store %arg6[%swap3A_197, %swap3A_198], %swap3A_201 {strides = array<i32>} : memref<32x128xf32, #tpu.memory_space<vmem>>, vector<1x16xf32>,
    }
    %scan3A_4 = arith.constant 32 : i32
    %scan3A_5 = arith.constant 0 : i32
    %scan3A_6 = arith.constant 20 : i32
    %scan3A_7 = arith.addi %scan3A_5, %scan3A_6 : i32
    %scan3A_8 = arith.constant 1 : i32
    scf.for %scan3A_143 = %scan3A_5 to %scan3A_7 step %scan3A_8  : i32 {
      %mul3A_144 = arith.constant 1 : i32
      %mul3A_145 = arith.muli %scan3A_143, %mul3A_144 : i32
      %add3A_146 = arith.constant 0 : i32
      %add3A_147 = arith.addi %add3A_146, %mul3A_145 : i32
      %mul3A_148 = arith.constant 640 : i32
      %mul3A_149 = arith.muli %arg1, %mul3A_148 : i32
      %mul3A_150 = arith.constant 32 : i32
      %mul3A_151 = arith.muli %add3A_147, %mul3A_150 : i32
      %add3A_152 = arith.addi %mul3A_149, %mul3A_151 : i32
      %dma_start3A_153 = arith.constant 0 : i32
      %dma_start3A_154 = tpu.memref_slice %arg27[%add3A_152, %dma_start3A_153] : memref<10240x128xf32, #tpu.memory_space<vmem_shared>> -> memref<32x128xf32, #tpu.memory_space<vmem_shared>>
      %dma_start3A_155 = arith.constant 0 : i32
      %dma_start3A_156 = tpu.memref_slice %arg27[%add3A_152, %dma_start3A_155] : memref<10240x128xf32, #tpu.memory_space<vmem_shared>> -> memref<32x128xf32, #tpu.memory_space<vmem_shared>>
      tpu.enqueue_dma source(%arg6 : memref<32x128xf32, #tpu.memory_space<vmem>>) target(%dma_start3A_156 : memref<32x128xf32, #tpu.memory_space<vmem_shared>>) target_semaphore(%arg18 : memref<!tpu.dma_semaphore, #tpu.memory_space<semaphore_mem>>)
    }
    %scan3A_9 = arith.constant 20 : i32
    %scan3A_10 = arith.constant 0 : i32
    %scan3A_11 = arith.constant 20 : i32
    %scan3A_12 = arith.addi %scan3A_10, %scan3A_11 : i32
    %scan3A_13 = arith.constant 1 : i32
    scf.for %scan3A_143 = %scan3A_10 to %scan3A_12 step %scan3A_13  : i32 {
      %mul3A_144 = arith.constant 1 : i32
      %mul3A_145 = arith.muli %scan3A_143, %mul3A_144 : i32
      %add3A_146 = arith.constant 0 : i32
      %add3A_147 = arith.addi %add3A_146, %mul3A_145 : i32
      %mul3A_148 = arith.constant 640 : i32
      %mul3A_149 = arith.muli %arg1, %mul3A_148 : i32
      %dma_wait3A_150 = arith.constant 0 : i32
      %dma_wait3A_151 = tpu.memref_slice %arg27[%mul3A_149, %dma_wait3A_150] : memref<10240x128xf32, #tpu.memory_space<vmem_shared>> -> memref<32x128xf32, #tpu.memory_space<vmem_shared>>
      %dma_wait3A_152 = arith.constant 0 : i32
      %dma_wait3A_153 = tpu.memref_slice %arg27[%mul3A_149, %dma_wait3A_152] : memref<10240x128xf32, #tpu.memory_space<vmem_shared>> -> memref<32x128xf32, #tpu.memory_space<vmem_shared>>
      tpu.wait_dma2 semaphore(%arg18 : memref<!tpu.dma_semaphore, #tpu.memory_space<semaphore_mem>>) src(%arg6 : memref<32x128xf32, #tpu.memory_space<vmem>>) dst(%dma_wait3A_153 : memref<32x128xf32, #tpu.memory_space<vmem_shared>>)
    }
    %scan3A_14 = arith.constant 20 : i32
    %barrier3A = arith.constant 0 : index
    tpu.barrier barrier_id(%barrier3A)
    %mul3A_15 = arith.constant 104 : i32
    %mul3A_16 = arith.muli %add3A, %mul3A_15 : i32
    %add3A_17 = arith.constant 0 : i32
    %add3A_18 = arith.addi %mul3A_16, %add3A_17 : i32
    "tpu.region"() ({
      %run_scoped3A_143 = tpu.sem_alloc : memref<!tpu.dma_semaphore, #tpu.memory_space<semaphore_mem>>
      %dma_start3A_144 = arith.constant 0 : i32
      %dma_start3A_145 = arith.constant 0 : i32
      %dma_start3A_146 = tpu.memref_slice %arg3[%add3A_18, %dma_start3A_144, %dma_start3A_145] : memref<3332x2x96xi32, #tpu.memory_space<hbm>> -> memref<1x2x96xi32, #tpu.memory_space<hbm>>
      %dma_start3A_147 = tpu.memref_squeeze %dma_start3A_146 : memref<1x2x96xi32, #tpu.memory_space<hbm>> -> memref<2x96xi32, #tpu.memory_space<hbm>>
      %dma_start3A_148 = arith.constant 0 : i32
      %dma_start3A_149 = arith.constant 0 : i32
      %dma_start3A_150 = tpu.memref_slice %arg3[%add3A_18, %dma_start3A_148, %dma_start3A_149] : memref<3332x2x96xi32, #tpu.memory_space<hbm>> -> memref<1x2x96xi32, #tpu.memory_space<hbm>>
      %dma_start3A_151 = tpu.memref_squeeze %dma_start3A_150 : memref<1x2x96xi32, #tpu.memory_space<hbm>> -> memref<2x96xi32, #tpu.memory_space<hbm>>
      tpu.enqueue_dma source(%dma_start3A_151 : memref<2x96xi32, #tpu.memory_space<hbm>>) target(%arg7 : memref<2x96xi32, #tpu.memory_space<vmem>>) target_semaphore(%run_scoped3A_143 : memref<!tpu.dma_semaphore, #tpu.memory_space<semaphore_mem>>)
      %dma_wait3A_152 = arith.constant 0 : i32
      %dma_wait3A_153 = arith.constant 0 : i32
      %dma_wait3A_154 = tpu.memref_slice %arg3[%add3A_18, %dma_wait3A_152, %dma_wait3A_153] : memref<3332x2x96xi32, #tpu.memory_space<hbm>> -> memref<1x2x96xi32, #tpu.memory_space<hbm>>
      %dma_wait3A_155 = tpu.memref_squeeze %dma_wait3A_154 : memref<1x2x96xi32, #tpu.memory_space<hbm>> -> memref<2x96xi32, #tpu.memory_space<hbm>>
      %dma_wait3A_156 = arith.constant 0 : i32
      %dma_wait3A_157 = arith.constant 0 : i32
      %dma_wait3A_158 = tpu.memref_slice %arg3[%add3A_18, %dma_wait3A_156, %dma_wait3A_157] : memref<3332x2x96xi32, #tpu.memory_space<hbm>> -> memref<1x2x96xi32, #tpu.memory_space<hbm>>
      %dma_wait3A_159 = tpu.memref_squeeze %dma_wait3A_158 : memref<1x2x96xi32, #tpu.memory_space<hbm>> -> memref<2x96xi32, #tpu.memory_space<hbm>>
      tpu.wait_dma2 semaphore(%run_scoped3A_143 : memref<!tpu.dma_semaphore, #tpu.memory_space<semaphore_mem>>) src(%dma_wait3A_159 : memref<2x96xi32, #tpu.memory_space<hbm>>) dst(%arg7 : memref<2x96xi32, #tpu.memory_space<vmem>>)
      tpu.yield
    }) : () -> ()
    %add3A_19 = arith.constant 1 : i32
    %add3A_20 = arith.addi %mul3A_16, %add3A_19 : i32
    "tpu.region"() ({
      %run_scoped3A_143 = tpu.sem_alloc : memref<!tpu.dma_semaphore, #tpu.memory_space<semaphore_mem>>
      %dma_start3A_144 = arith.constant 0 : i32
      %dma_start3A_145 = arith.constant 0 : i32
      %dma_start3A_146 = tpu.memref_slice %arg3[%add3A_20, %dma_start3A_144, %dma_start3A_145] : memref<3332x2x96xi32, #tpu.memory_space<hbm>> -> memref<1x2x96xi32, #tpu.memory_space<hbm>>
      %dma_start3A_147 = tpu.memref_squeeze %dma_start3A_146 : memref<1x2x96xi32, #tpu.memory_space<hbm>> -> memref<2x96xi32, #tpu.memory_space<hbm>>
      %dma_start3A_148 = arith.constant 0 : i32
      %dma_start3A_149 = arith.constant 0 : i32
      %dma_start3A_150 = tpu.memref_slice %arg3[%add3A_20, %dma_start3A_148, %dma_start3A_149] : memref<3332x2x96xi32, #tpu.memory_space<hbm>> -> memref<1x2x96xi32, #tpu.memory_space<hbm>>
      %dma_start3A_151 = tpu.memref_squeeze %dma_start3A_150 : memref<1x2x96xi32, #tpu.memory_space<hbm>> -> memref<2x96xi32, #tpu.memory_space<hbm>>
      tpu.enqueue_dma source(%dma_start3A_151 : memref<2x96xi32, #tpu.memory_space<hbm>>) target(%arg8 : memref<2x96xi32, #tpu.memory_space<vmem>>) target_semaphore(%run_scoped3A_143 : memref<!tpu.dma_semaphore, #tpu.memory_space<semaphore_mem>>)
      %dma_wait3A_152 = arith.constant 0 : i32
      %dma_wait3A_153 = arith.constant 0 : i32
      %dma_wait3A_154 = tpu.memref_slice %arg3[%add3A_20, %dma_wait3A_152, %dma_wait3A_153] : memref<3332x2x96xi32, #tpu.memory_space<hbm>> -> memref<1x2x96xi32, #tpu.memory_space<hbm>>
      %dma_wait3A_155 = tpu.memref_squeeze %dma_wait3A_154 : memref<1x2x96xi32, #tpu.memory_space<hbm>> -> memref<2x96xi32, #tpu.memory_space<hbm>>
      %dma_wait3A_156 = arith.constant 0 : i32
      %dma_wait3A_157 = arith.constant 0 : i32
      %dma_wait3A_158 = tpu.memref_slice %arg3[%add3A_20, %dma_wait3A_156, %dma_wait3A_157] : memref<3332x2x96xi32, #tpu.memory_space<hbm>> -> memref<1x2x96xi32, #tpu.memory_space<hbm>>
      %dma_wait3A_159 = tpu.memref_squeeze %dma_wait3A_158 : memref<1x2x96xi32, #tpu.memory_space<hbm>> -> memref<2x96xi32, #tpu.memory_space<hbm>>
      tpu.wait_dma2 semaphore(%run_scoped3A_143 : memref<!tpu.dma_semaphore, #tpu.memory_space<semaphore_mem>>) src(%dma_wait3A_159 : memref<2x96xi32, #tpu.memory_space<hbm>>) dst(%arg8 : memref<2x96xi32, #tpu.memory_space<vmem>>)
      tpu.yield
    }) : () -> ()
    %add3A_21 = arith.constant 2 : i32
    %add3A_22 = arith.addi %mul3A_16, %add3A_21 : i32
    "tpu.region"() ({
      %run_scoped3A_143 = tpu.sem_alloc : memref<!tpu.dma_semaphore, #tpu.memory_space<semaphore_mem>>
      %dma_start3A_144 = arith.constant 0 : i32
      %dma_start3A_145 = arith.constant 0 : i32
      %dma_start3A_146 = tpu.memref_slice %arg3[%add3A_22, %dma_start3A_144, %dma_start3A_145] : memref<3332x2x96xi32, #tpu.memory_space<hbm>> -> memref<1x2x96xi32, #tpu.memory_space<hbm>>
      %dma_start3A_147 = tpu.memref_squeeze %dma_start3A_146 : memref<1x2x96xi32, #tpu.memory_space<hbm>> -> memref<2x96xi32, #tpu.memory_space<hbm>>
      %dma_start3A_148 = arith.constant 0 : i32
      %dma_start3A_149 = arith.constant 0 : i32
      %dma_start3A_150 = tpu.memref_slice %arg3[%add3A_22, %dma_start3A_148, %dma_start3A_149] : memref<3332x2x96xi32, #tpu.memory_space<hbm>> -> memref<1x2x96xi32, #tpu.memory_space<hbm>>
      %dma_start3A_151 = tpu.memref_squeeze %dma_start3A_150 : memref<1x2x96xi32, #tpu.memory_space<hbm>> -> memref<2x96xi32, #tpu.memory_space<hbm>>
      tpu.enqueue_dma source(%dma_start3A_151 : memref<2x96xi32, #tpu.memory_space<hbm>>) target(%arg9 : memref<2x96xi32, #tpu.memory_space<vmem>>) target_semaphore(%run_scoped3A_143 : memref<!tpu.dma_semaphore, #tpu.memory_space<semaphore_mem>>)
      %dma_wait3A_152 = arith.constant 0 : i32
      %dma_wait3A_153 = arith.constant 0 : i32
      %dma_wait3A_154 = tpu.memref_slice %arg3[%add3A_22, %dma_wait3A_152, %dma_wait3A_153] : memref<3332x2x96xi32, #tpu.memory_space<hbm>> -> memref<1x2x96xi32, #tpu.memory_space<hbm>>
      %dma_wait3A_155 = tpu.memref_squeeze %dma_wait3A_154 : memref<1x2x96xi32, #tpu.memory_space<hbm>> -> memref<2x96xi32, #tpu.memory_space<hbm>>
      %dma_wait3A_156 = arith.constant 0 : i32
      %dma_wait3A_157 = arith.constant 0 : i32
      %dma_wait3A_158 = tpu.memref_slice %arg3[%add3A_22, %dma_wait3A_156, %dma_wait3A_157] : memref<3332x2x96xi32, #tpu.memory_space<hbm>> -> memref<1x2x96xi32, #tpu.memory_space<hbm>>
      %dma_wait3A_159 = tpu.memref_squeeze %dma_wait3A_158 : memref<1x2x96xi32, #tpu.memory_space<hbm>> -> memref<2x96xi32, #tpu.memory_space<hbm>>
      tpu.wait_dma2 semaphore(%run_scoped3A_143 : memref<!tpu.dma_semaphore, #tpu.memory_space<semaphore_mem>>) src(%dma_wait3A_159 : memref<2x96xi32, #tpu.memory_space<hbm>>) dst(%arg9 : memref<2x96xi32, #tpu.memory_space<vmem>>)
      tpu.yield
    }) : () -> ()
    %add3A_23 = arith.constant 3 : i32
    %add3A_24 = arith.addi %mul3A_16, %add3A_23 : i32
    %dma_start3A = arith.constant 0 : i32
    %dma_start3A_25 = arith.constant 0 : i32
    %dma_start3A_26 = tpu.memref_slice %arg3[%add3A_24, %dma_start3A, %dma_start3A_25] : memref<3332x2x96xi32, #tpu.memory_space<hbm>> -> memref<1x2x96xi32, #tpu.memory_space<hbm>>
    %dma_start3A_27 = tpu.memref_squeeze %dma_start3A_26 : memref<1x2x96xi32, #tpu.memory_space<hbm>> -> memref<2x96xi32, #tpu.memory_space<hbm>>
    %dma_start3A_28 = arith.constant 0 : i32
    %dma_start3A_29 = arith.constant 0 : i32
    %dma_start3A_30 = tpu.memref_slice %arg3[%add3A_24, %dma_start3A_28, %dma_start3A_29] : memref<3332x2x96xi32, #tpu.memory_space<hbm>> -> memref<1x2x96xi32, #tpu.memory_space<hbm>>
    %dma_start3A_31 = tpu.memref_squeeze %dma_start3A_30 : memref<1x2x96xi32, #tpu.memory_space<hbm>> -> memref<2x96xi32, #tpu.memory_space<hbm>>
    tpu.enqueue_dma source(%dma_start3A_31 : memref<2x96xi32, #tpu.memory_space<hbm>>) target(%arg10 : memref<2x96xi32, #tpu.memory_space<vmem>>) target_semaphore(%arg24 : memref<!tpu.dma_semaphore, #tpu.memory_space<semaphore_mem>>)
    %add3A_32 = arith.constant 4 : i32
    %add3A_33 = arith.addi %mul3A_16, %add3A_32 : i32
    %dma_start3A_34 = arith.constant 0 : i32
    %dma_start3A_35 = arith.constant 0 : i32
    %dma_start3A_36 = tpu.memref_slice %arg3[%add3A_33, %dma_start3A_34, %dma_start3A_35] : memref<3332x2x96xi32, #tpu.memory_space<hbm>> -> memref<1x2x96xi32, #tpu.memory_space<hbm>>
    %dma_start3A_37 = tpu.memref_squeeze %dma_start3A_36 : memref<1x2x96xi32, #tpu.memory_space<hbm>> -> memref<2x96xi32, #tpu.memory_space<hbm>>
    %dma_start3A_38 = arith.constant 0 : i32
    %dma_start3A_39 = arith.constant 0 : i32
    %dma_start3A_40 = tpu.memref_slice %arg3[%add3A_33, %dma_start3A_38, %dma_start3A_39] : memref<3332x2x96xi32, #tpu.memory_space<hbm>> -> memref<1x2x96xi32, #tpu.memory_space<hbm>>
    %dma_start3A_41 = tpu.memref_squeeze %dma_start3A_40 : memref<1x2x96xi32, #tpu.memory_space<hbm>> -> memref<2x96xi32, #tpu.memory_space<hbm>>
    tpu.enqueue_dma source(%dma_start3A_41 : memref<2x96xi32, #tpu.memory_space<hbm>>) target(%arg11 : memref<2x96xi32, #tpu.memory_space<vmem>>) target_semaphore(%arg25 : memref<!tpu.dma_semaphore, #tpu.memory_space<semaphore_mem>>)
    %add3A_42 = arith.constant 5 : i32
    %add3A_43 = arith.addi %mul3A_16, %add3A_42 : i32
    %dma_start3A_44 = arith.constant 0 : i32
    %dma_start3A_45 = arith.constant 0 : i32
    %dma_start3A_46 = tpu.memref_slice %arg3[%add3A_43, %dma_start3A_44, %dma_start3A_45] : memref<3332x2x96xi32, #tpu.memory_space<hbm>> -> memref<1x2x96xi32, #tpu.memory_space<hbm>>
    %dma_start3A_47 = tpu.memref_squeeze %dma_start3A_46 : memref<1x2x96xi32, #tpu.memory_space<hbm>> -> memref<2x96xi32, #tpu.memory_space<hbm>>
    %dma_start3A_48 = arith.constant 0 : i32
    %dma_start3A_49 = arith.constant 0 : i32
    %dma_start3A_50 = tpu.memref_slice %arg3[%add3A_43, %dma_start3A_48, %dma_start3A_49] : memref<3332x2x96xi32, #tpu.memory_space<hbm>> -> memref<1x2x96xi32, #tpu.memory_space<hbm>>
    %dma_start3A_51 = tpu.memref_squeeze %dma_start3A_50 : memref<1x2x96xi32, #tpu.memory_space<hbm>> -> memref<2x96xi32, #tpu.memory_space<hbm>>
    tpu.enqueue_dma source(%dma_start3A_51 : memref<2x96xi32, #tpu.memory_space<hbm>>) target(%arg12 : memref<2x96xi32, #tpu.memory_space<vmem>>) target_semaphore(%arg26 : memref<!tpu.dma_semaphore, #tpu.memory_space<semaphore_mem>>)
    %dma_start3A_52 = arith.constant 0 : i32
    %dma_start3A_53 = arith.constant 0 : i32
    %dma_start3A_54 = tpu.memref_slice %arg7[%dma_start3A_52, %dma_start3A_53] : memref<2x96xi32, #tpu.memory_space<vmem>> -> memref<1x96xi32, #tpu.memory_space<vmem>>
    %dma_start3A_55 = tpu.memref_squeeze %dma_start3A_54 : memref<1x96xi32, #tpu.memory_space<vmem>> -> memref<96xi32, #tpu.memory_space<vmem>>
    %dma_start3A_56 = arith.constant 0 : i32
    %dma_start3A_57 = arith.constant 0 : i32
    %dma_start3A_58 = tpu.memref_slice %arg2[%dma_start3A_56, %dma_start3A_57] : memref<10000x128xf32, #tpu.memory_space<hbm>> -> memref<10000x128xf32, #tpu.memory_space<hbm>>
    tpu.enqueue_indirect_dma source(%dma_start3A_58 : memref<10000x128xf32, #tpu.memory_space<hbm>>) target(%arg13 : memref<96x128xf32, #tpu.memory_space<vmem>>) offsets(%dma_start3A_55 : memref<96xi32, #tpu.memory_space<vmem>>) semaphore(%arg18 : memref<!tpu.dma_semaphore, #tpu.memory_space<semaphore_mem>>)
    %dma_start3A_59 = arith.constant 0 : i32
    %dma_start3A_60 = arith.constant 0 : i32
    %dma_start3A_61 = tpu.memref_slice %arg8[%dma_start3A_59, %dma_start3A_60] : memref<2x96xi32, #tpu.memory_space<vmem>> -> memref<1x96xi32, #tpu.memory_space<vmem>>
    %dma_start3A_62 = tpu.memref_squeeze %dma_start3A_61 : memref<1x96xi32, #tpu.memory_space<vmem>> -> memref<96xi32, #tpu.memory_space<vmem>>
    %dma_start3A_63 = arith.constant 0 : i32
    %dma_start3A_64 = arith.constant 0 : i32
    %dma_start3A_65 = tpu.memref_slice %arg2[%dma_start3A_63, %dma_start3A_64] : memref<10000x128xf32, #tpu.memory_space<hbm>> -> memref<10000x128xf32, #tpu.memory_space<hbm>>
    tpu.enqueue_indirect_dma source(%dma_start3A_65 : memref<10000x128xf32, #tpu.memory_space<hbm>>) target(%arg14 : memref<96x128xf32, #tpu.memory_space<vmem>>) offsets(%dma_start3A_62 : memref<96xi32, #tpu.memory_space<vmem>>) semaphore(%arg19 : memref<!tpu.dma_semaphore, #tpu.memory_space<semaphore_mem>>)
    %dma_start3A_66 = arith.constant 0 : i32
    %dma_start3A_67 = arith.constant 0 : i32
    %dma_start3A_68 = tpu.memref_slice %arg9[%dma_start3A_66, %dma_start3A_67] : memref<2x96xi32, #tpu.memory_space<vmem>> -> memref<1x96xi32, #tpu.memory_space<vmem>>
    %dma_start3A_69 = tpu.memref_squeeze %dma_start3A_68 : memref<1x96xi32, #tpu.memory_space<vmem>> -> memref<96xi32, #tpu.memory_space<vmem>>
    %dma_start3A_70 = arith.constant 0 : i32
    %dma_start3A_71 = arith.constant 0 : i32
    %dma_start3A_72 = tpu.memref_slice %arg2[%dma_start3A_70, %dma_start3A_71] : memref<10000x128xf32, #tpu.memory_space<hbm>> -> memref<10000x128xf32, #tpu.memory_space<hbm>>
    tpu.enqueue_indirect_dma source(%dma_start3A_72 : memref<10000x128xf32, #tpu.memory_space<hbm>>) target(%arg15 : memref<96x128xf32, #tpu.memory_space<vmem>>) offsets(%dma_start3A_69 : memref<96xi32, #tpu.memory_space<vmem>>) semaphore(%arg20 : memref<!tpu.dma_semaphore, #tpu.memory_space<semaphore_mem>>)
    %scan3A_73 = arith.constant 0 : i32
    %scan3A_74 = arith.constant 17 : i32
    %scan3A_75 = arith.addi %scan3A_73, %scan3A_74 : i32
    %scan3A_76 = arith.constant 1 : i32
    scf.for %scan3A_143 = %scan3A_73 to %scan3A_75 step %scan3A_76  : i32 {
      %mul3A_144 = arith.constant 1 : i32
      %mul3A_145 = arith.muli %scan3A_143, %mul3A_144 : i32
      %add3A_146 = arith.constant 0 : i32
      %add3A_147 = arith.addi %add3A_146, %mul3A_145 : i32
      %mul3A_148 = arith.constant 6 : i32
      %mul3A_149 = arith.muli %mul3A_148, %add3A_147 : i32
      %dma_wait3A_150 = arith.constant 0 : i32
      %dma_wait3A_151 = arith.constant 0 : i32
      %dma_wait3A_152 = tpu.memref_slice %arg7[%dma_wait3A_150, %dma_wait3A_151] : memref<2x96xi32, #tpu.memory_space<vmem>> -> memref<1x96xi32, #tpu.memory_space<vmem>>
      %dma_wait3A_153 = tpu.memref_squeeze %dma_wait3A_152 : memref<1x96xi32, #tpu.memory_space<vmem>> -> memref<96xi32, #tpu.memory_space<vmem>>
      %dma_wait3A_154 = arith.constant 0 : i32
      %dma_wait3A_155 = arith.constant 0 : i32
      %dma_wait3A_156 = tpu.memref_slice %arg2[%dma_wait3A_154, %dma_wait3A_155] : memref<10000x128xf32, #tpu.memory_space<hbm>> -> memref<10000x128xf32, #tpu.memory_space<hbm>>
      tpu.wait_indirect_dma semaphore(%arg18 : memref<!tpu.dma_semaphore, #tpu.memory_space<semaphore_mem>>) src(%dma_wait3A_156 : memref<10000x128xf32, #tpu.memory_space<hbm>>) dst(%arg13 : memref<96x128xf32, #tpu.memory_space<vmem>>)
      %run_scoped3A_157 = arith.constant 1 : i32
      "tpu.region"() ({
        %run_scoped3A_366 = tpu.sem_alloc : memref<!tpu.dma_semaphore, #tpu.memory_space<semaphore_mem>>
        %dma_start3A_367 = arith.constant 0 : i32
        %dma_start3A_368 = tpu.memref_slice %arg7[%run_scoped3A_157, %dma_start3A_367] : memref<2x96xi32, #tpu.memory_space<vmem>> -> memref<1x96xi32, #tpu.memory_space<vmem>>
        %dma_start3A_369 = tpu.memref_squeeze %dma_start3A_368 : memref<1x96xi32, #tpu.memory_space<vmem>> -> memref<96xi32, #tpu.memory_space<vmem>>
        %dma_start3A_370 = arith.constant 0 : i32
        %dma_start3A_371 = arith.constant 0 : i32
        %dma_start3A_372 = tpu.memref_slice %arg27[%dma_start3A_370, %dma_start3A_371] : memref<10240x128xf32, #tpu.memory_space<vmem_shared>> -> memref<10240x128xf32, #tpu.memory_space<vmem_shared>>
        tpu.enqueue_indirect_dma source(%arg13 : memref<96x128xf32, #tpu.memory_space<vmem>>) target(%dma_start3A_372 : memref<10240x128xf32, #tpu.memory_space<vmem_shared>>) offsets(%dma_start3A_369 : memref<96xi32, #tpu.memory_space<vmem>>) semaphore(%run_scoped3A_366 : memref<!tpu.dma_semaphore, #tpu.memory_space<semaphore_mem>>) {add = true}
        %dma_wait3A_373 = arith.constant 0 : i32
        %dma_wait3A_374 = tpu.memref_slice %arg7[%run_scoped3A_157, %dma_wait3A_373] : memref<2x96xi32, #tpu.memory_space<vmem>> -> memref<1x96xi32, #tpu.memory_space<vmem>>
        %dma_wait3A_375 = tpu.memref_squeeze %dma_wait3A_374 : memref<1x96xi32, #tpu.memory_space<vmem>> -> memref<96xi32, #tpu.memory_space<vmem>>
        %dma_wait3A_376 = arith.constant 0 : i32
        %dma_wait3A_377 = arith.constant 0 : i32
        %dma_wait3A_378 = tpu.memref_slice %arg27[%dma_wait3A_376, %dma_wait3A_377] : memref<10240x128xf32, #tpu.memory_space<vmem_shared>> -> memref<10240x128xf32, #tpu.memory_space<vmem_shared>>
        tpu.wait_indirect_dma semaphore(%run_scoped3A_366 : memref<!tpu.dma_semaphore, #tpu.memory_space<semaphore_mem>>) src(%arg13 : memref<96x128xf32, #tpu.memory_space<vmem>>) dst(%dma_wait3A_378 : memref<10240x128xf32, #tpu.memory_space<vmem_shared>>)
        tpu.yield
      }) : () -> ()
      %add3A_158 = arith.addi %mul3A_16, %mul3A_149 : i32
      %add3A_159 = arith.constant 0 : i32
      %add3A_160 = arith.addi %add3A_158, %add3A_159 : i32
      %add3A_161 = arith.constant 6 : i32
      %add3A_162 = arith.addi %add3A_160, %add3A_161 : i32
      %dma_start3A_163 = arith.constant 0 : i32
      %dma_start3A_164 = arith.constant 0 : i32
      %dma_start3A_165 = tpu.memref_slice %arg3[%add3A_162, %dma_start3A_163, %dma_start3A_164] : memref<3332x2x96xi32, #tpu.memory_space<hbm>> -> memref<1x2x96xi32, #tpu.memory_space<hbm>>
      %dma_start3A_166 = tpu.memref_squeeze %dma_start3A_165 : memref<1x2x96xi32, #tpu.memory_space<hbm>> -> memref<2x96xi32, #tpu.memory_space<hbm>>
      %dma_start3A_167 = arith.constant 0 : i32
      %dma_start3A_168 = arith.constant 0 : i32
      %dma_start3A_169 = tpu.memref_slice %arg3[%add3A_162, %dma_start3A_167, %dma_start3A_168] : memref<3332x2x96xi32, #tpu.memory_space<hbm>> -> memref<1x2x96xi32, #tpu.memory_space<hbm>>
      %dma_start3A_170 = tpu.memref_squeeze %dma_start3A_169 : memref<1x2x96xi32, #tpu.memory_space<hbm>> -> memref<2x96xi32, #tpu.memory_space<hbm>>
      tpu.enqueue_dma source(%dma_start3A_170 : memref<2x96xi32, #tpu.memory_space<hbm>>) target(%arg7 : memref<2x96xi32, #tpu.memory_space<vmem>>) target_semaphore(%arg21 : memref<!tpu.dma_semaphore, #tpu.memory_space<semaphore_mem>>)
      %dma_wait3A_171 = arith.constant 0 : i32
      %dma_wait3A_172 = arith.constant 0 : i32
      %dma_wait3A_173 = tpu.memref_slice %arg3[%mul3A_16, %dma_wait3A_171, %dma_wait3A_172] : memref<3332x2x96xi32, #tpu.memory_space<hbm>> -> memref<1x2x96xi32, #tpu.memory_space<hbm>>
      %dma_wait3A_174 = tpu.memref_squeeze %dma_wait3A_173 : memref<1x2x96xi32, #tpu.memory_space<hbm>> -> memref<2x96xi32, #tpu.memory_space<hbm>>
      %dma_wait3A_175 = arith.constant 0 : i32
      %dma_wait3A_176 = arith.constant 0 : i32
      %dma_wait3A_177 = tpu.memref_slice %arg3[%mul3A_16, %dma_wait3A_175, %dma_wait3A_176] : memref<3332x2x96xi32, #tpu.memory_space<hbm>> -> memref<1x2x96xi32, #tpu.memory_space<hbm>>
      %dma_wait3A_178 = tpu.memref_squeeze %dma_wait3A_177 : memref<1x2x96xi32, #tpu.memory_space<hbm>> -> memref<2x96xi32, #tpu.memory_space<hbm>>
      tpu.wait_dma2 semaphore(%arg24 : memref<!tpu.dma_semaphore, #tpu.memory_space<semaphore_mem>>) src(%dma_wait3A_178 : memref<2x96xi32, #tpu.memory_space<hbm>>) dst(%arg10 : memref<2x96xi32, #tpu.memory_space<vmem>>)
      %dma_start3A_179 = arith.constant 0 : i32
      %dma_start3A_180 = arith.constant 0 : i32
      %dma_start3A_181 = tpu.memref_slice %arg10[%dma_start3A_179, %dma_start3A_180] : memref<2x96xi32, #tpu.memory_space<vmem>> -> memref<1x96xi32, #tpu.memory_space<vmem>>
      %dma_start3A_182 = tpu.memref_squeeze %dma_start3A_181 : memref<1x96xi32, #tpu.memory_space<vmem>> -> memref<96xi32, #tpu.memory_space<vmem>>
      %dma_start3A_183 = arith.constant 0 : i32
      %dma_start3A_184 = arith.constant 0 : i32
      %dma_start3A_185 = tpu.memref_slice %arg2[%dma_start3A_183, %dma_start3A_184] : memref<10000x128xf32, #tpu.memory_space<hbm>> -> memref<10000x128xf32, #tpu.memory_space<hbm>>
      tpu.enqueue_indirect_dma source(%dma_start3A_185 : memref<10000x128xf32, #tpu.memory_space<hbm>>) target(%arg13 : memref<96x128xf32, #tpu.memory_space<vmem>>) offsets(%dma_start3A_182 : memref<96xi32, #tpu.memory_space<vmem>>) semaphore(%arg18 : memref<!tpu.dma_semaphore, #tpu.memory_space<semaphore_mem>>)
      %dma_wait3A_186 = arith.constant 0 : i32
      %dma_wait3A_187 = arith.constant 0 : i32
      %dma_wait3A_188 = tpu.memref_slice %arg8[%dma_wait3A_186, %dma_wait3A_187] : memref<2x96xi32, #tpu.memory_space<vmem>> -> memref<1x96xi32, #tpu.memory_space<vmem>>
      %dma_wait3A_189 = tpu.memref_squeeze %dma_wait3A_188 : memref<1x96xi32, #tpu.memory_space<vmem>> -> memref<96xi32, #tpu.memory_space<vmem>>
      %dma_wait3A_190 = arith.constant 0 : i32
      %dma_wait3A_191 = arith.constant 0 : i32
      %dma_wait3A_192 = tpu.memref_slice %arg2[%dma_wait3A_190, %dma_wait3A_191] : memref<10000x128xf32, #tpu.memory_space<hbm>> -> memref<10000x128xf32, #tpu.memory_space<hbm>>
      tpu.wait_indirect_dma semaphore(%arg19 : memref<!tpu.dma_semaphore, #tpu.memory_space<semaphore_mem>>) src(%dma_wait3A_192 : memref<10000x128xf32, #tpu.memory_space<hbm>>) dst(%arg14 : memref<96x128xf32, #tpu.memory_space<vmem>>)
      %run_scoped3A_193 = arith.constant 1 : i32
      "tpu.region"() ({
        %run_scoped3A_366 = tpu.sem_alloc : memref<!tpu.dma_semaphore, #tpu.memory_space<semaphore_mem>>
        %dma_start3A_367 = arith.constant 0 : i32
        %dma_start3A_368 = tpu.memref_slice %arg8[%run_scoped3A_193, %dma_start3A_367] : memref<2x96xi32, #tpu.memory_space<vmem>> -> memref<1x96xi32, #tpu.memory_space<vmem>>
        %dma_start3A_369 = tpu.memref_squeeze %dma_start3A_368 : memref<1x96xi32, #tpu.memory_space<vmem>> -> memref<96xi32, #tpu.memory_space<vmem>>
        %dma_start3A_370 = arith.constant 0 : i32
        %dma_start3A_371 = arith.constant 0 : i32
        %dma_start3A_372 = tpu.memref_slice %arg27[%dma_start3A_370, %dma_start3A_371] : memref<10240x128xf32, #tpu.memory_space<vmem_shared>> -> memref<10240x128xf32, #tpu.memory_space<vmem_shared>>
        tpu.enqueue_indirect_dma source(%arg14 : memref<96x128xf32, #tpu.memory_space<vmem>>) target(%dma_start3A_372 : memref<10240x128xf32, #tpu.memory_space<vmem_shared>>) offsets(%dma_start3A_369 : memref<96xi32, #tpu.memory_space<vmem>>) semaphore(%run_scoped3A_366 : memref<!tpu.dma_semaphore, #tpu.memory_space<semaphore_mem>>) {add = true}
        %dma_wait3A_373 = arith.constant 0 : i32
        %dma_wait3A_374 = tpu.memref_slice %arg8[%run_scoped3A_193, %dma_wait3A_373] : memref<2x96xi32, #tpu.memory_space<vmem>> -> memref<1x96xi32, #tpu.memory_space<vmem>>
        %dma_wait3A_375 = tpu.memref_squeeze %dma_wait3A_374 : memref<1x96xi32, #tpu.memory_space<vmem>> -> memref<96xi32, #tpu.memory_space<vmem>>
        %dma_wait3A_376 = arith.constant 0 : i32
        %dma_wait3A_377 = arith.constant 0 : i32
        %dma_wait3A_378 = tpu.memref_slice %arg27[%dma_wait3A_376, %dma_wait3A_377] : memref<10240x128xf32, #tpu.memory_space<vmem_shared>> -> memref<10240x128xf32, #tpu.memory_space<vmem_shared>>
        tpu.wait_indirect_dma semaphore(%run_scoped3A_366 : memref<!tpu.dma_semaphore, #tpu.memory_space<semaphore_mem>>) src(%arg14 : memref<96x128xf32, #tpu.memory_space<vmem>>) dst(%dma_wait3A_378 : memref<10240x128xf32, #tpu.memory_space<vmem_shared>>)
        tpu.yield
      }) : () -> ()
      %add3A_194 = arith.addi %mul3A_16, %mul3A_149 : i32
      %add3A_195 = arith.constant 1 : i32
      %add3A_196 = arith.addi %add3A_194, %add3A_195 : i32
      %add3A_197 = arith.constant 6 : i32
      %add3A_198 = arith.addi %add3A_196, %add3A_197 : i32
      %dma_start3A_199 = arith.constant 0 : i32
      %dma_start3A_200 = arith.constant 0 : i32
      %dma_start3A_201 = tpu.memref_slice %arg3[%add3A_198, %dma_start3A_199, %dma_start3A_200] : memref<3332x2x96xi32, #tpu.memory_space<hbm>> -> memref<1x2x96xi32, #tpu.memory_space<hbm>>
      %dma_start3A_202 = tpu.memref_squeeze %dma_start3A_201 : memref<1x2x96xi32, #tpu.memory_space<hbm>> -> memref<2x96xi32, #tpu.memory_space<hbm>>
      %dma_start3A_203 = arith.constant 0 : i32
      %dma_start3A_204 = arith.constant 0 : i32
      %dma_start3A_205 = tpu.memref_slice %arg3[%add3A_198, %dma_start3A_203, %dma_start3A_204] : memref<3332x2x96xi32, #tpu.memory_space<hbm>> -> memref<1x2x96xi32, #tpu.memory_space<hbm>>
      %dma_start3A_206 = tpu.memref_squeeze %dma_start3A_205 : memref<1x2x96xi32, #tpu.memory_space<hbm>> -> memref<2x96xi32, #tpu.memory_space<hbm>>
      tpu.enqueue_dma source(%dma_start3A_206 : memref<2x96xi32, #tpu.memory_space<hbm>>) target(%arg8 : memref<2x96xi32, #tpu.memory_space<vmem>>) target_semaphore(%arg22 : memref<!tpu.dma_semaphore, #tpu.memory_space<semaphore_mem>>)
      %dma_wait3A_207 = arith.constant 0 : i32
      %dma_wait3A_208 = arith.constant 0 : i32
      %dma_wait3A_209 = tpu.memref_slice %arg3[%mul3A_16, %dma_wait3A_207, %dma_wait3A_208] : memref<3332x2x96xi32, #tpu.memory_space<hbm>> -> memref<1x2x96xi32, #tpu.memory_space<hbm>>
      %dma_wait3A_210 = tpu.memref_squeeze %dma_wait3A_209 : memref<1x2x96xi32, #tpu.memory_space<hbm>> -> memref<2x96xi32, #tpu.memory_space<hbm>>
      %dma_wait3A_211 = arith.constant 0 : i32
      %dma_wait3A_212 = arith.constant 0 : i32
      %dma_wait3A_213 = tpu.memref_slice %arg3[%mul3A_16, %dma_wait3A_211, %dma_wait3A_212] : memref<3332x2x96xi32, #tpu.memory_space<hbm>> -> memref<1x2x96xi32, #tpu.memory_space<hbm>>
      %dma_wait3A_214 = tpu.memref_squeeze %dma_wait3A_213 : memref<1x2x96xi32, #tpu.memory_space<hbm>> -> memref<2x96xi32, #tpu.memory_space<hbm>>
      tpu.wait_dma2 semaphore(%arg25 : memref<!tpu.dma_semaphore, #tpu.memory_space<semaphore_mem>>) src(%dma_wait3A_214 : memref<2x96xi32, #tpu.memory_space<hbm>>) dst(%arg11 : memref<2x96xi32, #tpu.memory_space<vmem>>)
      %dma_start3A_215 = arith.constant 0 : i32
      %dma_start3A_216 = arith.constant 0 : i32
      %dma_start3A_217 = tpu.memref_slice %arg11[%dma_start3A_215, %dma_start3A_216] : memref<2x96xi32, #tpu.memory_space<vmem>> -> memref<1x96xi32, #tpu.memory_space<vmem>>
      %dma_start3A_218 = tpu.memref_squeeze %dma_start3A_217 : memref<1x96xi32, #tpu.memory_space<vmem>> -> memref<96xi32, #tpu.memory_space<vmem>>
      %dma_start3A_219 = arith.constant 0 : i32
      %dma_start3A_220 = arith.constant 0 : i32
      %dma_start3A_221 = tpu.memref_slice %arg2[%dma_start3A_219, %dma_start3A_220] : memref<10000x128xf32, #tpu.memory_space<hbm>> -> memref<10000x128xf32, #tpu.memory_space<hbm>>
      tpu.enqueue_indirect_dma source(%dma_start3A_221 : memref<10000x128xf32, #tpu.memory_space<hbm>>) target(%arg14 : memref<96x128xf32, #tpu.memory_space<vmem>>) offsets(%dma_start3A_218 : memref<96xi32, #tpu.memory_space<vmem>>) semaphore(%arg19 : memref<!tpu.dma_semaphore, #tpu.memory_space<semaphore_mem>>)
      %dma_wait3A_222 = arith.constant 0 : i32
      %dma_wait3A_223 = arith.constant 0 : i32
      %dma_wait3A_224 = tpu.memref_slice %arg9[%dma_wait3A_222, %dma_wait3A_223] : memref<2x96xi32, #tpu.memory_space<vmem>> -> memref<1x96xi32, #tpu.memory_space<vmem>>
      %dma_wait3A_225 = tpu.memref_squeeze %dma_wait3A_224 : memref<1x96xi32, #tpu.memory_space<vmem>> -> memref<96xi32, #tpu.memory_space<vmem>>
      %dma_wait3A_226 = arith.constant 0 : i32
      %dma_wait3A_227 = arith.constant 0 : i32
      %dma_wait3A_228 = tpu.memref_slice %arg2[%dma_wait3A_226, %dma_wait3A_227] : memref<10000x128xf32, #tpu.memory_space<hbm>> -> memref<10000x128xf32, #tpu.memory_space<hbm>>
      tpu.wait_indirect_dma semaphore(%arg20 : memref<!tpu.dma_semaphore, #tpu.memory_space<semaphore_mem>>) src(%dma_wait3A_228 : memref<10000x128xf32, #tpu.memory_space<hbm>>) dst(%arg15 : memref<96x128xf32, #tpu.memory_space<vmem>>)
      %run_scoped3A_229 = arith.constant 1 : i32
      "tpu.region"() ({
        %run_scoped3A_366 = tpu.sem_alloc : memref<!tpu.dma_semaphore, #tpu.memory_space<semaphore_mem>>
        %dma_start3A_367 = arith.constant 0 : i32
        %dma_start3A_368 = tpu.memref_slice %arg9[%run_scoped3A_229, %dma_start3A_367] : memref<2x96xi32, #tpu.memory_space<vmem>> -> memref<1x96xi32, #tpu.memory_space<vmem>>
        %dma_start3A_369 = tpu.memref_squeeze %dma_start3A_368 : memref<1x96xi32, #tpu.memory_space<vmem>> -> memref<96xi32, #tpu.memory_space<vmem>>
        %dma_start3A_370 = arith.constant 0 : i32
        %dma_start3A_371 = arith.constant 0 : i32
        %dma_start3A_372 = tpu.memref_slice %arg27[%dma_start3A_370, %dma_start3A_371] : memref<10240x128xf32, #tpu.memory_space<vmem_shared>> -> memref<10240x128xf32, #tpu.memory_space<vmem_shared>>
        tpu.enqueue_indirect_dma source(%arg15 : memref<96x128xf32, #tpu.memory_space<vmem>>) target(%dma_start3A_372 : memref<10240x128xf32, #tpu.memory_space<vmem_shared>>) offsets(%dma_start3A_369 : memref<96xi32, #tpu.memory_space<vmem>>) semaphore(%run_scoped3A_366 : memref<!tpu.dma_semaphore, #tpu.memory_space<semaphore_mem>>) {add = true}
        %dma_wait3A_373 = arith.constant 0 : i32
        %dma_wait3A_374 = tpu.memref_slice %arg9[%run_scoped3A_229, %dma_wait3A_373] : memref<2x96xi32, #tpu.memory_space<vmem>> -> memref<1x96xi32, #tpu.memory_space<vmem>>
        %dma_wait3A_375 = tpu.memref_squeeze %dma_wait3A_374 : memref<1x96xi32, #tpu.memory_space<vmem>> -> memref<96xi32, #tpu.memory_space<vmem>>
        %dma_wait3A_376 = arith.constant 0 : i32
        %dma_wait3A_377 = arith.constant 0 : i32
        %dma_wait3A_378 = tpu.memref_slice %arg27[%dma_wait3A_376, %dma_wait3A_377] : memref<10240x128xf32, #tpu.memory_space<vmem_shared>> -> memref<10240x128xf32, #tpu.memory_space<vmem_shared>>
        tpu.wait_indirect_dma semaphore(%run_scoped3A_366 : memref<!tpu.dma_semaphore, #tpu.memory_space<semaphore_mem>>) src(%arg15 : memref<96x128xf32, #tpu.memory_space<vmem>>) dst(%dma_wait3A_378 : memref<10240x128xf32, #tpu.memory_space<vmem_shared>>)
        tpu.yield
      }) : () -> ()
      %add3A_230 = arith.addi %mul3A_16, %mul3A_149 : i32
      %add3A_231 = arith.constant 2 : i32
      %add3A_232 = arith.addi %add3A_230, %add3A_231 : i32
      %add3A_233 = arith.constant 6 : i32
      %add3A_234 = arith.addi %add3A_232, %add3A_233 : i32
      %dma_start3A_235 = arith.constant 0 : i32
      %dma_start3A_236 = arith.constant 0 : i32
      %dma_start3A_237 = tpu.memref_slice %arg3[%add3A_234, %dma_start3A_235, %dma_start3A_236] : memref<3332x2x96xi32, #tpu.memory_space<hbm>> -> memref<1x2x96xi32, #tpu.memory_space<hbm>>
      %dma_start3A_238 = tpu.memref_squeeze %dma_start3A_237 : memref<1x2x96xi32, #tpu.memory_space<hbm>> -> memref<2x96xi32, #tpu.memory_space<hbm>>
      %dma_start3A_239 = arith.constant 0 : i32
      %dma_start3A_240 = arith.constant 0 : i32
      %dma_start3A_241 = tpu.memref_slice %arg3[%add3A_234, %dma_start3A_239, %dma_start3A_240] : memref<3332x2x96xi32, #tpu.memory_space<hbm>> -> memref<1x2x96xi32, #tpu.memory_space<hbm>>
      %dma_start3A_242 = tpu.memref_squeeze %dma_start3A_241 : memref<1x2x96xi32, #tpu.memory_space<hbm>> -> memref<2x96xi32, #tpu.memory_space<hbm>>
      tpu.enqueue_dma source(%dma_start3A_242 : memref<2x96xi32, #tpu.memory_space<hbm>>) target(%arg9 : memref<2x96xi32, #tpu.memory_space<vmem>>) target_semaphore(%arg23 : memref<!tpu.dma_semaphore, #tpu.memory_space<semaphore_mem>>)
      %dma_wait3A_243 = arith.constant 0 : i32
      %dma_wait3A_244 = arith.constant 0 : i32
      %dma_wait3A_245 = tpu.memref_slice %arg3[%mul3A_16, %dma_wait3A_243, %dma_wait3A_244] : memref<3332x2x96xi32, #tpu.memory_space<hbm>> -> memref<1x2x96xi32, #tpu.memory_space<hbm>>
      %dma_wait3A_246 = tpu.memref_squeeze %dma_wait3A_245 : memref<1x2x96xi32, #tpu.memory_space<hbm>> -> memref<2x96xi32, #tpu.memory_space<hbm>>
      %dma_wait3A_247 = arith.constant 0 : i32
      %dma_wait3A_248 = arith.constant 0 : i32
      %dma_wait3A_249 = tpu.memref_slice %arg3[%mul3A_16, %dma_wait3A_247, %dma_wait3A_248] : memref<3332x2x96xi32, #tpu.memory_space<hbm>> -> memref<1x2x96xi32, #tpu.memory_space<hbm>>
      %dma_wait3A_250 = tpu.memref_squeeze %dma_wait3A_249 : memref<1x2x96xi32, #tpu.memory_space<hbm>> -> memref<2x96xi32, #tpu.memory_space<hbm>>
      tpu.wait_dma2 semaphore(%arg26 : memref<!tpu.dma_semaphore, #tpu.memory_space<semaphore_mem>>) src(%dma_wait3A_250 : memref<2x96xi32, #tpu.memory_space<hbm>>) dst(%arg12 : memref<2x96xi32, #tpu.memory_space<vmem>>)
      %dma_start3A_251 = arith.constant 0 : i32
      %dma_start3A_252 = arith.constant 0 : i32
      %dma_start3A_253 = tpu.memref_slice %arg12[%dma_start3A_251, %dma_start3A_252] : memref<2x96xi32, #tpu.memory_space<vmem>> -> memref<1x96xi32, #tpu.memory_space<vmem>>
      %dma_start3A_254 = tpu.memref_squeeze %dma_start3A_253 : memref<1x96xi32, #tpu.memory_space<vmem>> -> memref<96xi32, #tpu.memory_space<vmem>>
      %dma_start3A_255 = arith.constant 0 : i32
      %dma_start3A_256 = arith.constant 0 : i32
      %dma_start3A_257 = tpu.memref_slice %arg2[%dma_start3A_255, %dma_start3A_256] : memref<10000x128xf32, #tpu.memory_space<hbm>> -> memref<10000x128xf32, #tpu.memory_space<hbm>>
      tpu.enqueue_indirect_dma source(%dma_start3A_257 : memref<10000x128xf32, #tpu.memory_space<hbm>>) target(%arg15 : memref<96x128xf32, #tpu.memory_space<vmem>>) offsets(%dma_start3A_254 : memref<96xi32, #tpu.memory_space<vmem>>) semaphore(%arg20 : memref<!tpu.dma_semaphore, #tpu.memory_space<semaphore_mem>>)
      %dma_wait3A_258 = arith.constant 0 : i32
      %dma_wait3A_259 = arith.constant 0 : i32
      %dma_wait3A_260 = tpu.memref_slice %arg10[%dma_wait3A_258, %dma_wait3A_259] : memref<2x96xi32, #tpu.memory_space<vmem>> -> memref<1x96xi32, #tpu.memory_space<vmem>>
      %dma_wait3A_261 = tpu.memref_squeeze %dma_wait3A_260 : memref<1x96xi32, #tpu.memory_space<vmem>> -> memref<96xi32, #tpu.memory_space<vmem>>
      %dma_wait3A_262 = arith.constant 0 : i32
      %dma_wait3A_263 = arith.constant 0 : i32
      %dma_wait3A_264 = tpu.memref_slice %arg2[%dma_wait3A_262, %dma_wait3A_263] : memref<10000x128xf32, #tpu.memory_space<hbm>> -> memref<10000x128xf32, #tpu.memory_space<hbm>>
      tpu.wait_indirect_dma semaphore(%arg18 : memref<!tpu.dma_semaphore, #tpu.memory_space<semaphore_mem>>) src(%dma_wait3A_264 : memref<10000x128xf32, #tpu.memory_space<hbm>>) dst(%arg13 : memref<96x128xf32, #tpu.memory_space<vmem>>)
      %run_scoped3A_265 = arith.constant 1 : i32
      "tpu.region"() ({
        %run_scoped3A_366 = tpu.sem_alloc : memref<!tpu.dma_semaphore, #tpu.memory_space<semaphore_mem>>
        %dma_start3A_367 = arith.constant 0 : i32
        %dma_start3A_368 = tpu.memref_slice %arg10[%run_scoped3A_265, %dma_start3A_367] : memref<2x96xi32, #tpu.memory_space<vmem>> -> memref<1x96xi32, #tpu.memory_space<vmem>>
        %dma_start3A_369 = tpu.memref_squeeze %dma_start3A_368 : memref<1x96xi32, #tpu.memory_space<vmem>> -> memref<96xi32, #tpu.memory_space<vmem>>
        %dma_start3A_370 = arith.constant 0 : i32
        %dma_start3A_371 = arith.constant 0 : i32
        %dma_start3A_372 = tpu.memref_slice %arg27[%dma_start3A_370, %dma_start3A_371] : memref<10240x128xf32, #tpu.memory_space<vmem_shared>> -> memref<10240x128xf32, #tpu.memory_space<vmem_shared>>
        tpu.enqueue_indirect_dma source(%arg13 : memref<96x128xf32, #tpu.memory_space<vmem>>) target(%dma_start3A_372 : memref<10240x128xf32, #tpu.memory_space<vmem_shared>>) offsets(%dma_start3A_369 : memref<96xi32, #tpu.memory_space<vmem>>) semaphore(%run_scoped3A_366 : memref<!tpu.dma_semaphore, #tpu.memory_space<semaphore_mem>>) {add = true}
        %dma_wait3A_373 = arith.constant 0 : i32
        %dma_wait3A_374 = tpu.memref_slice %arg10[%run_scoped3A_265, %dma_wait3A_373] : memref<2x96xi32, #tpu.memory_space<vmem>> -> memref<1x96xi32, #tpu.memory_space<vmem>>
        %dma_wait3A_375 = tpu.memref_squeeze %dma_wait3A_374 : memref<1x96xi32, #tpu.memory_space<vmem>> -> memref<96xi32, #tpu.memory_space<vmem>>
        %dma_wait3A_376 = arith.constant 0 : i32
        %dma_wait3A_377 = arith.constant 0 : i32
        %dma_wait3A_378 = tpu.memref_slice %arg27[%dma_wait3A_376, %dma_wait3A_377] : memref<10240x128xf32, #tpu.memory_space<vmem_shared>> -> memref<10240x128xf32, #tpu.memory_space<vmem_shared>>
        tpu.wait_indirect_dma semaphore(%run_scoped3A_366 : memref<!tpu.dma_semaphore, #tpu.memory_space<semaphore_mem>>) src(%arg13 : memref<96x128xf32, #tpu.memory_space<vmem>>) dst(%dma_wait3A_378 : memref<10240x128xf32, #tpu.memory_space<vmem_shared>>)
        tpu.yield
      }) : () -> ()
      %add3A_266 = arith.addi %mul3A_16, %mul3A_149 : i32
      %add3A_267 = arith.constant 3 : i32
      %add3A_268 = arith.addi %add3A_266, %add3A_267 : i32
      %add3A_269 = arith.constant 6 : i32
      %add3A_270 = arith.addi %add3A_268, %add3A_269 : i32
      %dma_start3A_271 = arith.constant 0 : i32
      %dma_start3A_272 = arith.constant 0 : i32
      %dma_start3A_273 = tpu.memref_slice %arg3[%add3A_270, %dma_start3A_271, %dma_start3A_272] : memref<3332x2x96xi32, #tpu.memory_space<hbm>> -> memref<1x2x96xi32, #tpu.memory_space<hbm>>
      %dma_start3A_274 = tpu.memref_squeeze %dma_start3A_273 : memref<1x2x96xi32, #tpu.memory_space<hbm>> -> memref<2x96xi32, #tpu.memory_space<hbm>>
      %dma_start3A_275 = arith.constant 0 : i32
      %dma_start3A_276 = arith.constant 0 : i32
      %dma_start3A_277 = tpu.memref_slice %arg3[%add3A_270, %dma_start3A_275, %dma_start3A_276] : memref<3332x2x96xi32, #tpu.memory_space<hbm>> -> memref<1x2x96xi32, #tpu.memory_space<hbm>>
      %dma_start3A_278 = tpu.memref_squeeze %dma_start3A_277 : memref<1x2x96xi32, #tpu.memory_space<hbm>> -> memref<2x96xi32, #tpu.memory_space<hbm>>
      tpu.enqueue_dma source(%dma_start3A_278 : memref<2x96xi32, #tpu.memory_space<hbm>>) target(%arg10 : memref<2x96xi32, #tpu.memory_space<vmem>>) target_semaphore(%arg24 : memref<!tpu.dma_semaphore, #tpu.memory_space<semaphore_mem>>)
      %dma_wait3A_279 = arith.constant 0 : i32
      %dma_wait3A_280 = arith.constant 0 : i32
      %dma_wait3A_281 = tpu.memref_slice %arg3[%mul3A_16, %dma_wait3A_279, %dma_wait3A_280] : memref<3332x2x96xi32, #tpu.memory_space<hbm>> -> memref<1x2x96xi32, #tpu.memory_space<hbm>>
      %dma_wait3A_282 = tpu.memref_squeeze %dma_wait3A_281 : memref<1x2x96xi32, #tpu.memory_space<hbm>> -> memref<2x96xi32, #tpu.memory_space<hbm>>
      %dma_wait3A_283 = arith.constant 0 : i32
      %dma_wait3A_284 = arith.constant 0 : i32
      %dma_wait3A_285 = tpu.memref_slice %arg3[%mul3A_16, %dma_wait3A_283, %dma_wait3A_284] : memref<3332x2x96xi32, #tpu.memory_space<hbm>> -> memref<1x2x96xi32, #tpu.memory_space<hbm>>
      %dma_wait3A_286 = tpu.memref_squeeze %dma_wait3A_285 : memref<1x2x96xi32, #tpu.memory_space<hbm>> -> memref<2x96xi32, #tpu.memory_space<hbm>>
      tpu.wait_dma2 semaphore(%arg21 : memref<!tpu.dma_semaphore, #tpu.memory_space<semaphore_mem>>) src(%dma_wait3A_286 : memref<2x96xi32, #tpu.memory_space<hbm>>) dst(%arg7 : memref<2x96xi32, #tpu.memory_space<vmem>>)
      %dma_start3A_287 = arith.constant 0 : i32
      %dma_start3A_288 = arith.constant 0 : i32
      %dma_start3A_289 = tpu.memref_slice %arg7[%dma_start3A_287, %dma_start3A_288] : memref<2x96xi32, #tpu.memory_space<vmem>> -> memref<1x96xi32, #tpu.memory_space<vmem>>
      %dma_start3A_290 = tpu.memref_squeeze %dma_start3A_289 : memref<1x96xi32, #tpu.memory_space<vmem>> -> memref<96xi32, #tpu.memory_space<vmem>>
      %dma_start3A_291 = arith.constant 0 : i32
      %dma_start3A_292 = arith.constant 0 : i32
      %dma_start3A_293 = tpu.memref_slice %arg2[%dma_start3A_291, %dma_start3A_292] : memref<10000x128xf32, #tpu.memory_space<hbm>> -> memref<10000x128xf32, #tpu.memory_space<hbm>>
      tpu.enqueue_indirect_dma source(%dma_start3A_293 : memref<10000x128xf32, #tpu.memory_space<hbm>>) target(%arg13 : memref<96x128xf32, #tpu.memory_space<vmem>>) offsets(%dma_start3A_290 : memref<96xi32, #tpu.memory_space<vmem>>) semaphore(%arg18 : memref<!tpu.dma_semaphore, #tpu.memory_space<semaphore_mem>>)
      %dma_wait3A_294 = arith.constant 0 : i32
      %dma_wait3A_295 = arith.constant 0 : i32
      %dma_wait3A_296 = tpu.memref_slice %arg11[%dma_wait3A_294, %dma_wait3A_295] : memref<2x96xi32, #tpu.memory_space<vmem>> -> memref<1x96xi32, #tpu.memory_space<vmem>>
      %dma_wait3A_297 = tpu.memref_squeeze %dma_wait3A_296 : memref<1x96xi32, #tpu.memory_space<vmem>> -> memref<96xi32, #tpu.memory_space<vmem>>
      %dma_wait3A_298 = arith.constant 0 : i32
      %dma_wait3A_299 = arith.constant 0 : i32
      %dma_wait3A_300 = tpu.memref_slice %arg2[%dma_wait3A_298, %dma_wait3A_299] : memref<10000x128xf32, #tpu.memory_space<hbm>> -> memref<10000x128xf32, #tpu.memory_space<hbm>>
      tpu.wait_indirect_dma semaphore(%arg19 : memref<!tpu.dma_semaphore, #tpu.memory_space<semaphore_mem>>) src(%dma_wait3A_300 : memref<10000x128xf32, #tpu.memory_space<hbm>>) dst(%arg14 : memref<96x128xf32, #tpu.memory_space<vmem>>)
      %run_scoped3A_301 = arith.constant 1 : i32
      "tpu.region"() ({
        %run_scoped3A_366 = tpu.sem_alloc : memref<!tpu.dma_semaphore, #tpu.memory_space<semaphore_mem>>
        %dma_start3A_367 = arith.constant 0 : i32
        %dma_start3A_368 = tpu.memref_slice %arg11[%run_scoped3A_301, %dma_start3A_367] : memref<2x96xi32, #tpu.memory_space<vmem>> -> memref<1x96xi32, #tpu.memory_space<vmem>>
        %dma_start3A_369 = tpu.memref_squeeze %dma_start3A_368 : memref<1x96xi32, #tpu.memory_space<vmem>> -> memref<96xi32, #tpu.memory_space<vmem>>
        %dma_start3A_370 = arith.constant 0 : i32
        %dma_start3A_371 = arith.constant 0 : i32
        %dma_start3A_372 = tpu.memref_slice %arg27[%dma_start3A_370, %dma_start3A_371] : memref<10240x128xf32, #tpu.memory_space<vmem_shared>> -> memref<10240x128xf32, #tpu.memory_space<vmem_shared>>
        tpu.enqueue_indirect_dma source(%arg14 : memref<96x128xf32, #tpu.memory_space<vmem>>) target(%dma_start3A_372 : memref<10240x128xf32, #tpu.memory_space<vmem_shared>>) offsets(%dma_start3A_369 : memref<96xi32, #tpu.memory_space<vmem>>) semaphore(%run_scoped3A_366 : memref<!tpu.dma_semaphore, #tpu.memory_space<semaphore_mem>>) {add = true}
        %dma_wait3A_373 = arith.constant 0 : i32
        %dma_wait3A_374 = tpu.memref_slice %arg11[%run_scoped3A_301, %dma_wait3A_373] : memref<2x96xi32, #tpu.memory_space<vmem>> -> memref<1x96xi32, #tpu.memory_space<vmem>>
        %dma_wait3A_375 = tpu.memref_squeeze %dma_wait3A_374 : memref<1x96xi32, #tpu.memory_space<vmem>> -> memref<96xi32, #tpu.memory_space<vmem>>
        %dma_wait3A_376 = arith.constant 0 : i32
        %dma_wait3A_377 = arith.constant 0 : i32
        %dma_wait3A_378 = tpu.memref_slice %arg27[%dma_wait3A_376, %dma_wait3A_377] : memref<10240x128xf32, #tpu.memory_space<vmem_shared>> -> memref<10240x128xf32, #tpu.memory_space<vmem_shared>>
        tpu.wait_indirect_dma semaphore(%run_scoped3A_366 : memref<!tpu.dma_semaphore, #tpu.memory_space<semaphore_mem>>) src(%arg14 : memref<96x128xf32, #tpu.memory_space<vmem>>) dst(%dma_wait3A_378 : memref<10240x128xf32, #tpu.memory_space<vmem_shared>>)
        tpu.yield
      }) : () -> ()
      %add3A_302 = arith.addi %mul3A_16, %mul3A_149 : i32
      %add3A_303 = arith.constant 4 : i32
      %add3A_304 = arith.addi %add3A_302, %add3A_303 : i32
      %add3A_305 = arith.constant 6 : i32
      %add3A_306 = arith.addi %add3A_304, %add3A_305 : i32
      %dma_start3A_307 = arith.constant 0 : i32
      %dma_start3A_308 = arith.constant 0 : i32
      %dma_start3A_309 = tpu.memref_slice %arg3[%add3A_306, %dma_start3A_307, %dma_start3A_308] : memref<3332x2x96xi32, #tpu.memory_space<hbm>> -> memref<1x2x96xi32, #tpu.memory_space<hbm>>
      %dma_start3A_310 = tpu.memref_squeeze %dma_start3A_309 : memref<1x2x96xi32, #tpu.memory_space<hbm>> -> memref<2x96xi32, #tpu.memory_space<hbm>>
      %dma_start3A_311 = arith.constant 0 : i32
      %dma_start3A_312 = arith.constant 0 : i32
      %dma_start3A_313 = tpu.memref_slice %arg3[%add3A_306, %dma_start3A_311, %dma_start3A_312] : memref<3332x2x96xi32, #tpu.memory_space<hbm>> -> memref<1x2x96xi32, #tpu.memory_space<hbm>>
      %dma_start3A_314 = tpu.memref_squeeze %dma_start3A_313 : memref<1x2x96xi32, #tpu.memory_space<hbm>> -> memref<2x96xi32, #tpu.memory_space<hbm>>
      tpu.enqueue_dma source(%dma_start3A_314 : memref<2x96xi32, #tpu.memory_space<hbm>>) target(%arg11 : memref<2x96xi32, #tpu.memory_space<vmem>>) target_semaphore(%arg25 : memref<!tpu.dma_semaphore, #tpu.memory_space<semaphore_mem>>)
      %dma_wait3A_315 = arith.constant 0 : i32
      %dma_wait3A_316 = arith.constant 0 : i32
      %dma_wait3A_317 = tpu.memref_slice %arg3[%mul3A_16, %dma_wait3A_315, %dma_wait3A_316] : memref<3332x2x96xi32, #tpu.memory_space<hbm>> -> memref<1x2x96xi32, #tpu.memory_space<hbm>>
      %dma_wait3A_318 = tpu.memref_squeeze %dma_wait3A_317 : memref<1x2x96xi32, #tpu.memory_space<hbm>> -> memref<2x96xi32, #tpu.memory_space<hbm>>
      %dma_wait3A_319 = arith.constant 0 : i32
      %dma_wait3A_320 = arith.constant 0 : i32
      %dma_wait3A_321 = tpu.memref_slice %arg3[%mul3A_16, %dma_wait3A_319, %dma_wait3A_320] : memref<3332x2x96xi32, #tpu.memory_space<hbm>> -> memref<1x2x96xi32, #tpu.memory_space<hbm>>
      %dma_wait3A_322 = tpu.memref_squeeze %dma_wait3A_321 : memref<1x2x96xi32, #tpu.memory_space<hbm>> -> memref<2x96xi32, #tpu.memory_space<hbm>>
      tpu.wait_dma2 semaphore(%arg22 : memref<!tpu.dma_semaphore, #tpu.memory_space<semaphore_mem>>) src(%dma_wait3A_322 : memref<2x96xi32, #tpu.memory_space<hbm>>) dst(%arg8 : memref<2x96xi32, #tpu.memory_space<vmem>>)
      %dma_start3A_323 = arith.constant 0 : i32
      %dma_start3A_324 = arith.constant 0 : i32
      %dma_start3A_325 = tpu.memref_slice %arg8[%dma_start3A_323, %dma_start3A_324] : memref<2x96xi32, #tpu.memory_space<vmem>> -> memref<1x96xi32, #tpu.memory_space<vmem>>
      %dma_start3A_326 = tpu.memref_squeeze %dma_start3A_325 : memref<1x96xi32, #tpu.memory_space<vmem>> -> memref<96xi32, #tpu.memory_space<vmem>>
      %dma_start3A_327 = arith.constant 0 : i32
      %dma_start3A_328 = arith.constant 0 : i32
      %dma_start3A_329 = tpu.memref_slice %arg2[%dma_start3A_327, %dma_start3A_328] : memref<10000x128xf32, #tpu.memory_space<hbm>> -> memref<10000x128xf32, #tpu.memory_space<hbm>>
      tpu.enqueue_indirect_dma source(%dma_start3A_329 : memref<10000x128xf32, #tpu.memory_space<hbm>>) target(%arg14 : memref<96x128xf32, #tpu.memory_space<vmem>>) offsets(%dma_start3A_326 : memref<96xi32, #tpu.memory_space<vmem>>) semaphore(%arg19 : memref<!tpu.dma_semaphore, #tpu.memory_space<semaphore_mem>>)
      %dma_wait3A_330 = arith.constant 0 : i32
      %dma_wait3A_331 = arith.constant 0 : i32
      %dma_wait3A_332 = tpu.memref_slice %arg12[%dma_wait3A_330, %dma_wait3A_331] : memref<2x96xi32, #tpu.memory_space<vmem>> -> memref<1x96xi32, #tpu.memory_space<vmem>>
      %dma_wait3A_333 = tpu.memref_squeeze %dma_wait3A_332 : memref<1x96xi32, #tpu.memory_space<vmem>> -> memref<96xi32, #tpu.memory_space<vmem>>
      %dma_wait3A_334 = arith.constant 0 : i32
      %dma_wait3A_335 = arith.constant 0 : i32
      %dma_wait3A_336 = tpu.memref_slice %arg2[%dma_wait3A_334, %dma_wait3A_335] : memref<10000x128xf32, #tpu.memory_space<hbm>> -> memref<10000x128xf32, #tpu.memory_space<hbm>>
      tpu.wait_indirect_dma semaphore(%arg20 : memref<!tpu.dma_semaphore, #tpu.memory_space<semaphore_mem>>) src(%dma_wait3A_336 : memref<10000x128xf32, #tpu.memory_space<hbm>>) dst(%arg15 : memref<96x128xf32, #tpu.memory_space<vmem>>)
      %run_scoped3A_337 = arith.constant 1 : i32
      "tpu.region"() ({
        %run_scoped3A_366 = tpu.sem_alloc : memref<!tpu.dma_semaphore, #tpu.memory_space<semaphore_mem>>
        %dma_start3A_367 = arith.constant 0 : i32
        %dma_start3A_368 = tpu.memref_slice %arg12[%run_scoped3A_337, %dma_start3A_367] : memref<2x96xi32, #tpu.memory_space<vmem>> -> memref<1x96xi32, #tpu.memory_space<vmem>>
        %dma_start3A_369 = tpu.memref_squeeze %dma_start3A_368 : memref<1x96xi32, #tpu.memory_space<vmem>> -> memref<96xi32, #tpu.memory_space<vmem>>
        %dma_start3A_370 = arith.constant 0 : i32
        %dma_start3A_371 = arith.constant 0 : i32
        %dma_start3A_372 = tpu.memref_slice %arg27[%dma_start3A_370, %dma_start3A_371] : memref<10240x128xf32, #tpu.memory_space<vmem_shared>> -> memref<10240x128xf32, #tpu.memory_space<vmem_shared>>
        tpu.enqueue_indirect_dma source(%arg15 : memref<96x128xf32, #tpu.memory_space<vmem>>) target(%dma_start3A_372 : memref<10240x128xf32, #tpu.memory_space<vmem_shared>>) offsets(%dma_start3A_369 : memref<96xi32, #tpu.memory_space<vmem>>) semaphore(%run_scoped3A_366 : memref<!tpu.dma_semaphore, #tpu.memory_space<semaphore_mem>>) {add = true}
        %dma_wait3A_373 = arith.constant 0 : i32
        %dma_wait3A_374 = tpu.memref_slice %arg12[%run_scoped3A_337, %dma_wait3A_373] : memref<2x96xi32, #tpu.memory_space<vmem>> -> memref<1x96xi32, #tpu.memory_space<vmem>>
        %dma_wait3A_375 = tpu.memref_squeeze %dma_wait3A_374 : memref<1x96xi32, #tpu.memory_space<vmem>> -> memref<96xi32, #tpu.memory_space<vmem>>
        %dma_wait3A_376 = arith.constant 0 : i32
        %dma_wait3A_377 = arith.constant 0 : i32
        %dma_wait3A_378 = tpu.memref_slice %arg27[%dma_wait3A_376, %dma_wait3A_377] : memref<10240x128xf32, #tpu.memory_space<vmem_shared>> -> memref<10240x128xf32, #tpu.memory_space<vmem_shared>>
        tpu.wait_indirect_dma semaphore(%run_scoped3A_366 : memref<!tpu.dma_semaphore, #tpu.memory_space<semaphore_mem>>) src(%arg15 : memref<96x128xf32, #tpu.memory_space<vmem>>) dst(%dma_wait3A_378 : memref<10240x128xf32, #tpu.memory_space<vmem_shared>>)
        tpu.yield
      }) : () -> ()
      %add3A_338 = arith.addi %mul3A_16, %mul3A_149 : i32
      %add3A_339 = arith.constant 5 : i32
      %add3A_340 = arith.addi %add3A_338, %add3A_339 : i32
      %add3A_341 = arith.constant 6 : i32
      %add3A_342 = arith.addi %add3A_340, %add3A_341 : i32
      %dma_start3A_343 = arith.constant 0 : i32
      %dma_start3A_344 = arith.constant 0 : i32
      %dma_start3A_345 = tpu.memref_slice %arg3[%add3A_342, %dma_start3A_343, %dma_start3A_344] : memref<3332x2x96xi32, #tpu.memory_space<hbm>> -> memref<1x2x96xi32, #tpu.memory_space<hbm>>
      %dma_start3A_346 = tpu.memref_squeeze %dma_start3A_345 : memref<1x2x96xi32, #tpu.memory_space<hbm>> -> memref<2x96xi32, #tpu.memory_space<hbm>>
      %dma_start3A_347 = arith.constant 0 : i32
      %dma_start3A_348 = arith.constant 0 : i32
      %dma_start3A_349 = tpu.memref_slice %arg3[%add3A_342, %dma_start3A_347, %dma_start3A_348] : memref<3332x2x96xi32, #tpu.memory_space<hbm>> -> memref<1x2x96xi32, #tpu.memory_space<hbm>>
      %dma_start3A_350 = tpu.memref_squeeze %dma_start3A_349 : memref<1x2x96xi32, #tpu.memory_space<hbm>> -> memref<2x96xi32, #tpu.memory_space<hbm>>
      tpu.enqueue_dma source(%dma_start3A_350 : memref<2x96xi32, #tpu.memory_space<hbm>>) target(%arg12 : memref<2x96xi32, #tpu.memory_space<vmem>>) target_semaphore(%arg26 : memref<!tpu.dma_semaphore, #tpu.memory_space<semaphore_mem>>)
      %dma_wait3A_351 = arith.constant 0 : i32
      %dma_wait3A_352 = arith.constant 0 : i32
      %dma_wait3A_353 = tpu.memref_slice %arg3[%mul3A_16, %dma_wait3A_351, %dma_wait3A_352] : memref<3332x2x96xi32, #tpu.memory_space<hbm>> -> memref<1x2x96xi32, #tpu.memory_space<hbm>>
      %dma_wait3A_354 = tpu.memref_squeeze %dma_wait3A_353 : memref<1x2x96xi32, #tpu.memory_space<hbm>> -> memref<2x96xi32, #tpu.memory_space<hbm>>
      %dma_wait3A_355 = arith.constant 0 : i32
      %dma_wait3A_356 = arith.constant 0 : i32
      %dma_wait3A_357 = tpu.memref_slice %arg3[%mul3A_16, %dma_wait3A_355, %dma_wait3A_356] : memref<3332x2x96xi32, #tpu.memory_space<hbm>> -> memref<1x2x96xi32, #tpu.memory_space<hbm>>
      %dma_wait3A_358 = tpu.memref_squeeze %dma_wait3A_357 : memref<1x2x96xi32, #tpu.memory_space<hbm>> -> memref<2x96xi32, #tpu.memory_space<hbm>>
      tpu.wait_dma2 semaphore(%arg23 : memref<!tpu.dma_semaphore, #tpu.memory_space<semaphore_mem>>) src(%dma_wait3A_358 : memref<2x96xi32, #tpu.memory_space<hbm>>) dst(%arg9 : memref<2x96xi32, #tpu.memory_space<vmem>>)
      %dma_start3A_359 = arith.constant 0 : i32
      %dma_start3A_360 = arith.constant 0 : i32
      %dma_start3A_361 = tpu.memref_slice %arg9[%dma_start3A_359, %dma_start3A_360] : memref<2x96xi32, #tpu.memory_space<vmem>> -> memref<1x96xi32, #tpu.memory_space<vmem>>
      %dma_start3A_362 = tpu.memref_squeeze %dma_start3A_361 : memref<1x96xi32, #tpu.memory_space<vmem>> -> memref<96xi32, #tpu.memory_space<vmem>>
      %dma_start3A_363 = arith.constant 0 : i32
      %dma_start3A_364 = arith.constant 0 : i32
      %dma_start3A_365 = tpu.memref_slice %arg2[%dma_start3A_363, %dma_start3A_364] : memref<10000x128xf32, #tpu.memory_space<hbm>> -> memref<10000x128xf32, #tpu.memory_space<hbm>>
      tpu.enqueue_indirect_dma source(%dma_start3A_365 : memref<10000x128xf32, #tpu.memory_space<hbm>>) target(%arg15 : memref<96x128xf32, #tpu.memory_space<vmem>>) offsets(%dma_start3A_362 : memref<96xi32, #tpu.memory_space<vmem>>) semaphore(%arg20 : memref<!tpu.dma_semaphore, #tpu.memory_space<semaphore_mem>>)
    }
    %scan3A_77 = arith.constant 17 : i32
    %dma_wait3A = arith.constant 0 : i32
    %dma_wait3A_78 = arith.constant 0 : i32
    %dma_wait3A_79 = tpu.memref_slice %arg7[%dma_wait3A, %dma_wait3A_78] : memref<2x96xi32, #tpu.memory_space<vmem>> -> memref<1x96xi32, #tpu.memory_space<vmem>>
    %dma_wait3A_80 = tpu.memref_squeeze %dma_wait3A_79 : memref<1x96xi32, #tpu.memory_space<vmem>> -> memref<96xi32, #tpu.memory_space<vmem>>
    %dma_wait3A_81 = arith.constant 0 : i32
    %dma_wait3A_82 = arith.constant 0 : i32
    %dma_wait3A_83 = tpu.memref_slice %arg2[%dma_wait3A_81, %dma_wait3A_82] : memref<10000x128xf32, #tpu.memory_space<hbm>> -> memref<10000x128xf32, #tpu.memory_space<hbm>>
    tpu.wait_indirect_dma semaphore(%arg18 : memref<!tpu.dma_semaphore, #tpu.memory_space<semaphore_mem>>) src(%dma_wait3A_83 : memref<10000x128xf32, #tpu.memory_space<hbm>>) dst(%arg13 : memref<96x128xf32, #tpu.memory_space<vmem>>)
    %run_scoped3A = arith.constant 1 : i32
    "tpu.region"() ({
      %run_scoped3A_143 = tpu.sem_alloc : memref<!tpu.dma_semaphore, #tpu.memory_space<semaphore_mem>>
      %dma_start3A_144 = arith.constant 0 : i32
      %dma_start3A_145 = tpu.memref_slice %arg7[%run_scoped3A, %dma_start3A_144] : memref<2x96xi32, #tpu.memory_space<vmem>> -> memref<1x96xi32, #tpu.memory_space<vmem>>
      %dma_start3A_146 = tpu.memref_squeeze %dma_start3A_145 : memref<1x96xi32, #tpu.memory_space<vmem>> -> memref<96xi32, #tpu.memory_space<vmem>>
      %dma_start3A_147 = arith.constant 0 : i32
      %dma_start3A_148 = arith.constant 0 : i32
      %dma_start3A_149 = tpu.memref_slice %arg27[%dma_start3A_147, %dma_start3A_148] : memref<10240x128xf32, #tpu.memory_space<vmem_shared>> -> memref<10240x128xf32, #tpu.memory_space<vmem_shared>>
      tpu.enqueue_indirect_dma source(%arg13 : memref<96x128xf32, #tpu.memory_space<vmem>>) target(%dma_start3A_149 : memref<10240x128xf32, #tpu.memory_space<vmem_shared>>) offsets(%dma_start3A_146 : memref<96xi32, #tpu.memory_space<vmem>>) semaphore(%run_scoped3A_143 : memref<!tpu.dma_semaphore, #tpu.memory_space<semaphore_mem>>) {add = true}
      %dma_wait3A_150 = arith.constant 0 : i32
      %dma_wait3A_151 = tpu.memref_slice %arg7[%run_scoped3A, %dma_wait3A_150] : memref<2x96xi32, #tpu.memory_space<vmem>> -> memref<1x96xi32, #tpu.memory_space<vmem>>
      %dma_wait3A_152 = tpu.memref_squeeze %dma_wait3A_151 : memref<1x96xi32, #tpu.memory_space<vmem>> -> memref<96xi32, #tpu.memory_space<vmem>>
      %dma_wait3A_153 = arith.constant 0 : i32
      %dma_wait3A_154 = arith.constant 0 : i32
      %dma_wait3A_155 = tpu.memref_slice %arg27[%dma_wait3A_153, %dma_wait3A_154] : memref<10240x128xf32, #tpu.memory_space<vmem_shared>> -> memref<10240x128xf32, #tpu.memory_space<vmem_shared>>
      tpu.wait_indirect_dma semaphore(%run_scoped3A_143 : memref<!tpu.dma_semaphore, #tpu.memory_space<semaphore_mem>>) src(%arg13 : memref<96x128xf32, #tpu.memory_space<vmem>>) dst(%dma_wait3A_155 : memref<10240x128xf32, #tpu.memory_space<vmem_shared>>)
      tpu.yield
    }) : () -> ()
    %dma_wait3A_84 = arith.constant 0 : i32
    %dma_wait3A_85 = arith.constant 0 : i32
    %dma_wait3A_86 = tpu.memref_slice %arg8[%dma_wait3A_84, %dma_wait3A_85] : memref<2x96xi32, #tpu.memory_space<vmem>> -> memref<1x96xi32, #tpu.memory_space<vmem>>
    %dma_wait3A_87 = tpu.memref_squeeze %dma_wait3A_86 : memref<1x96xi32, #tpu.memory_space<vmem>> -> memref<96xi32, #tpu.memory_space<vmem>>
    %dma_wait3A_88 = arith.constant 0 : i32
    %dma_wait3A_89 = arith.constant 0 : i32
    %dma_wait3A_90 = tpu.memref_slice %arg2[%dma_wait3A_88, %dma_wait3A_89] : memref<10000x128xf32, #tpu.memory_space<hbm>> -> memref<10000x128xf32, #tpu.memory_space<hbm>>
    tpu.wait_indirect_dma semaphore(%arg19 : memref<!tpu.dma_semaphore, #tpu.memory_space<semaphore_mem>>) src(%dma_wait3A_90 : memref<10000x128xf32, #tpu.memory_space<hbm>>) dst(%arg14 : memref<96x128xf32, #tpu.memory_space<vmem>>)
    %run_scoped3A_91 = arith.constant 1 : i32
    "tpu.region"() ({
      %run_scoped3A_143 = tpu.sem_alloc : memref<!tpu.dma_semaphore, #tpu.memory_space<semaphore_mem>>
      %dma_start3A_144 = arith.constant 0 : i32
      %dma_start3A_145 = tpu.memref_slice %arg8[%run_scoped3A_91, %dma_start3A_144] : memref<2x96xi32, #tpu.memory_space<vmem>> -> memref<1x96xi32, #tpu.memory_space<vmem>>
      %dma_start3A_146 = tpu.memref_squeeze %dma_start3A_145 : memref<1x96xi32, #tpu.memory_space<vmem>> -> memref<96xi32, #tpu.memory_space<vmem>>
      %dma_start3A_147 = arith.constant 0 : i32
      %dma_start3A_148 = arith.constant 0 : i32
      %dma_start3A_149 = tpu.memref_slice %arg27[%dma_start3A_147, %dma_start3A_148] : memref<10240x128xf32, #tpu.memory_space<vmem_shared>> -> memref<10240x128xf32, #tpu.memory_space<vmem_shared>>
      tpu.enqueue_indirect_dma source(%arg14 : memref<96x128xf32, #tpu.memory_space<vmem>>) target(%dma_start3A_149 : memref<10240x128xf32, #tpu.memory_space<vmem_shared>>) offsets(%dma_start3A_146 : memref<96xi32, #tpu.memory_space<vmem>>) semaphore(%run_scoped3A_143 : memref<!tpu.dma_semaphore, #tpu.memory_space<semaphore_mem>>) {add = true}
      %dma_wait3A_150 = arith.constant 0 : i32
      %dma_wait3A_151 = tpu.memref_slice %arg8[%run_scoped3A_91, %dma_wait3A_150] : memref<2x96xi32, #tpu.memory_space<vmem>> -> memref<1x96xi32, #tpu.memory_space<vmem>>
      %dma_wait3A_152 = tpu.memref_squeeze %dma_wait3A_151 : memref<1x96xi32, #tpu.memory_space<vmem>> -> memref<96xi32, #tpu.memory_space<vmem>>
      %dma_wait3A_153 = arith.constant 0 : i32
      %dma_wait3A_154 = arith.constant 0 : i32
      %dma_wait3A_155 = tpu.memref_slice %arg27[%dma_wait3A_153, %dma_wait3A_154] : memref<10240x128xf32, #tpu.memory_space<vmem_shared>> -> memref<10240x128xf32, #tpu.memory_space<vmem_shared>>
      tpu.wait_indirect_dma semaphore(%run_scoped3A_143 : memref<!tpu.dma_semaphore, #tpu.memory_space<semaphore_mem>>) src(%arg14 : memref<96x128xf32, #tpu.memory_space<vmem>>) dst(%dma_wait3A_155 : memref<10240x128xf32, #tpu.memory_space<vmem_shared>>)
      tpu.yield
    }) : () -> ()
    %dma_wait3A_92 = arith.constant 0 : i32
    %dma_wait3A_93 = arith.constant 0 : i32
    %dma_wait3A_94 = tpu.memref_slice %arg9[%dma_wait3A_92, %dma_wait3A_93] : memref<2x96xi32, #tpu.memory_space<vmem>> -> memref<1x96xi32, #tpu.memory_space<vmem>>
    %dma_wait3A_95 = tpu.memref_squeeze %dma_wait3A_94 : memref<1x96xi32, #tpu.memory_space<vmem>> -> memref<96xi32, #tpu.memory_space<vmem>>
    %dma_wait3A_96 = arith.constant 0 : i32
    %dma_wait3A_97 = arith.constant 0 : i32
    %dma_wait3A_98 = tpu.memref_slice %arg2[%dma_wait3A_96, %dma_wait3A_97] : memref<10000x128xf32, #tpu.memory_space<hbm>> -> memref<10000x128xf32, #tpu.memory_space<hbm>>
    tpu.wait_indirect_dma semaphore(%arg20 : memref<!tpu.dma_semaphore, #tpu.memory_space<semaphore_mem>>) src(%dma_wait3A_98 : memref<10000x128xf32, #tpu.memory_space<hbm>>) dst(%arg15 : memref<96x128xf32, #tpu.memory_space<vmem>>)
    %dma_wait3A_99 = arith.constant 0 : i32
    %dma_wait3A_100 = arith.constant 0 : i32
    %dma_wait3A_101 = tpu.memref_slice %arg3[%mul3A_16, %dma_wait3A_99, %dma_wait3A_100] : memref<3332x2x96xi32, #tpu.memory_space<hbm>> -> memref<1x2x96xi32, #tpu.memory_space<hbm>>
    %dma_wait3A_102 = tpu.memref_squeeze %dma_wait3A_101 : memref<1x2x96xi32, #tpu.memory_space<hbm>> -> memref<2x96xi32, #tpu.memory_space<hbm>>
    %dma_wait3A_103 = arith.constant 0 : i32
    %dma_wait3A_104 = arith.constant 0 : i32
    %dma_wait3A_105 = tpu.memref_slice %arg3[%mul3A_16, %dma_wait3A_103, %dma_wait3A_104] : memref<3332x2x96xi32, #tpu.memory_space<hbm>> -> memref<1x2x96xi32, #tpu.memory_space<hbm>>
    %dma_wait3A_106 = tpu.memref_squeeze %dma_wait3A_105 : memref<1x2x96xi32, #tpu.memory_space<hbm>> -> memref<2x96xi32, #tpu.memory_space<hbm>>
    tpu.wait_dma2 semaphore(%arg24 : memref<!tpu.dma_semaphore, #tpu.memory_space<semaphore_mem>>) src(%dma_wait3A_106 : memref<2x96xi32, #tpu.memory_space<hbm>>) dst(%arg10 : memref<2x96xi32, #tpu.memory_space<vmem>>)
    %dma_wait3A_107 = arith.constant 0 : i32
    %dma_wait3A_108 = arith.constant 0 : i32
    %dma_wait3A_109 = tpu.memref_slice %arg3[%mul3A_16, %dma_wait3A_107, %dma_wait3A_108] : memref<3332x2x96xi32, #tpu.memory_space<hbm>> -> memref<1x2x96xi32, #tpu.memory_space<hbm>>
    %dma_wait3A_110 = tpu.memref_squeeze %dma_wait3A_109 : memref<1x2x96xi32, #tpu.memory_space<hbm>> -> memref<2x96xi32, #tpu.memory_space<hbm>>
    %dma_wait3A_111 = arith.constant 0 : i32
    %dma_wait3A_112 = arith.constant 0 : i32
    %dma_wait3A_113 = tpu.memref_slice %arg3[%mul3A_16, %dma_wait3A_111, %dma_wait3A_112] : memref<3332x2x96xi32, #tpu.memory_space<hbm>> -> memref<1x2x96xi32, #tpu.memory_space<hbm>>
    %dma_wait3A_114 = tpu.memref_squeeze %dma_wait3A_113 : memref<1x2x96xi32, #tpu.memory_space<hbm>> -> memref<2x96xi32, #tpu.memory_space<hbm>>
    tpu.wait_dma2 semaphore(%arg25 : memref<!tpu.dma_semaphore, #tpu.memory_space<semaphore_mem>>) src(%dma_wait3A_114 : memref<2x96xi32, #tpu.memory_space<hbm>>) dst(%arg11 : memref<2x96xi32, #tpu.memory_space<vmem>>)
    %dma_wait3A_115 = arith.constant 0 : i32
    %dma_wait3A_116 = arith.constant 0 : i32
    %dma_wait3A_117 = tpu.memref_slice %arg3[%mul3A_16, %dma_wait3A_115, %dma_wait3A_116] : memref<3332x2x96xi32, #tpu.memory_space<hbm>> -> memref<1x2x96xi32, #tpu.memory_space<hbm>>
    %dma_wait3A_118 = tpu.memref_squeeze %dma_wait3A_117 : memref<1x2x96xi32, #tpu.memory_space<hbm>> -> memref<2x96xi32, #tpu.memory_space<hbm>>
    %dma_wait3A_119 = arith.constant 0 : i32
    %dma_wait3A_120 = arith.constant 0 : i32
    %dma_wait3A_121 = tpu.memref_slice %arg3[%mul3A_16, %dma_wait3A_119, %dma_wait3A_120] : memref<3332x2x96xi32, #tpu.memory_space<hbm>> -> memref<1x2x96xi32, #tpu.memory_space<hbm>>
    %dma_wait3A_122 = tpu.memref_squeeze %dma_wait3A_121 : memref<1x2x96xi32, #tpu.memory_space<hbm>> -> memref<2x96xi32, #tpu.memory_space<hbm>>
    tpu.wait_dma2 semaphore(%arg26 : memref<!tpu.dma_semaphore, #tpu.memory_space<semaphore_mem>>) src(%dma_wait3A_122 : memref<2x96xi32, #tpu.memory_space<hbm>>) dst(%arg12 : memref<2x96xi32, #tpu.memory_space<vmem>>)
    "tpu.region"() ({
      %run_scoped3A_143 = tpu.sem_alloc : memref<!tpu.dma_semaphore, #tpu.memory_space<semaphore_mem>>
      %dma_start3A_144 = arith.constant 0 : i32
      %dma_start3A_145 = arith.constant 0 : i32
      %dma_start3A_146 = tpu.memref_slice %arg4[%add3A, %dma_start3A_144, %dma_start3A_145] : memref<32x2x16xi32, #tpu.memory_space<hbm>> -> memref<1x2x16xi32, #tpu.memory_space<hbm>>
      %dma_start3A_147 = tpu.memref_squeeze %dma_start3A_146 : memref<1x2x16xi32, #tpu.memory_space<hbm>> -> memref<2x16xi32, #tpu.memory_space<hbm>>
      %dma_start3A_148 = arith.constant 0 : i32
      %dma_start3A_149 = arith.constant 0 : i32
      %dma_start3A_150 = tpu.memref_slice %arg4[%add3A, %dma_start3A_148, %dma_start3A_149] : memref<32x2x16xi32, #tpu.memory_space<hbm>> -> memref<1x2x16xi32, #tpu.memory_space<hbm>>
      %dma_start3A_151 = tpu.memref_squeeze %dma_start3A_150 : memref<1x2x16xi32, #tpu.memory_space<hbm>> -> memref<2x16xi32, #tpu.memory_space<hbm>>
      tpu.enqueue_dma source(%dma_start3A_151 : memref<2x16xi32, #tpu.memory_space<hbm>>) target(%arg16 : memref<2x16xi32, #tpu.memory_space<vmem>>) target_semaphore(%run_scoped3A_143 : memref<!tpu.dma_semaphore, #tpu.memory_space<semaphore_mem>>)
      %dma_wait3A_152 = arith.constant 0 : i32
      %dma_wait3A_153 = arith.constant 0 : i32
      %dma_wait3A_154 = tpu.memref_slice %arg4[%add3A, %dma_wait3A_152, %dma_wait3A_153] : memref<32x2x16xi32, #tpu.memory_space<hbm>> -> memref<1x2x16xi32, #tpu.memory_space<hbm>>
      %dma_wait3A_155 = tpu.memref_squeeze %dma_wait3A_154 : memref<1x2x16xi32, #tpu.memory_space<hbm>> -> memref<2x16xi32, #tpu.memory_space<hbm>>
      %dma_wait3A_156 = arith.constant 0 : i32
      %dma_wait3A_157 = arith.constant 0 : i32
      %dma_wait3A_158 = tpu.memref_slice %arg4[%add3A, %dma_wait3A_156, %dma_wait3A_157] : memref<32x2x16xi32, #tpu.memory_space<hbm>> -> memref<1x2x16xi32, #tpu.memory_space<hbm>>
      %dma_wait3A_159 = tpu.memref_squeeze %dma_wait3A_158 : memref<1x2x16xi32, #tpu.memory_space<hbm>> -> memref<2x16xi32, #tpu.memory_space<hbm>>
      tpu.wait_dma2 semaphore(%run_scoped3A_143 : memref<!tpu.dma_semaphore, #tpu.memory_space<semaphore_mem>>) src(%dma_wait3A_159 : memref<2x16xi32, #tpu.memory_space<hbm>>) dst(%arg16 : memref<2x16xi32, #tpu.memory_space<vmem>>)
      tpu.yield
    }) : () -> ()
    %dma_start3A_123 = arith.constant 0 : i32
    %dma_start3A_124 = arith.constant 0 : i32
    %dma_start3A_125 = tpu.memref_slice %arg16[%dma_start3A_123, %dma_start3A_124] : memref<2x16xi32, #tpu.memory_space<vmem>> -> memref<1x16xi32, #tpu.memory_space<vmem>>
    %dma_start3A_126 = tpu.memref_squeeze %dma_start3A_125 : memref<1x16xi32, #tpu.memory_space<vmem>> -> memref<16xi32, #tpu.memory_space<vmem>>
    %dma_start3A_127 = arith.constant 0 : i32
    %dma_start3A_128 = arith.constant 0 : i32
    %dma_start3A_129 = tpu.memref_slice %arg2[%dma_start3A_127, %dma_start3A_128] : memref<10000x128xf32, #tpu.memory_space<hbm>> -> memref<10000x128xf32, #tpu.memory_space<hbm>>
    tpu.enqueue_indirect_dma source(%dma_start3A_129 : memref<10000x128xf32, #tpu.memory_space<hbm>>) target(%arg17 : memref<16x128xf32, #tpu.memory_space<vmem>>) offsets(%dma_start3A_126 : memref<16xi32, #tpu.memory_space<vmem>>) semaphore(%arg18 : memref<!tpu.dma_semaphore, #tpu.memory_space<semaphore_mem>>)
    %dma_wait3A_130 = arith.constant 0 : i32
    %dma_wait3A_131 = arith.constant 0 : i32
    %dma_wait3A_132 = tpu.memref_slice %arg16[%dma_wait3A_130, %dma_wait3A_131] : memref<2x16xi32, #tpu.memory_space<vmem>> -> memref<1x16xi32, #tpu.memory_space<vmem>>
    %dma_wait3A_133 = tpu.memref_squeeze %dma_wait3A_132 : memref<1x16xi32, #tpu.memory_space<vmem>> -> memref<16xi32, #tpu.memory_space<vmem>>
    %dma_wait3A_134 = arith.constant 0 : i32
    %dma_wait3A_135 = arith.constant 0 : i32
    %dma_wait3A_136 = tpu.memref_slice %arg2[%dma_wait3A_134, %dma_wait3A_135] : memref<10000x128xf32, #tpu.memory_space<hbm>> -> memref<10000x128xf32, #tpu.memory_space<hbm>>
    tpu.wait_indirect_dma semaphore(%arg18 : memref<!tpu.dma_semaphore, #tpu.memory_space<semaphore_mem>>) src(%dma_wait3A_136 : memref<10000x128xf32, #tpu.memory_space<hbm>>) dst(%arg17 : memref<16x128xf32, #tpu.memory_space<vmem>>)
    %run_scoped3A_137 = arith.constant 1 : i32
    "tpu.region"() ({
      %run_scoped3A_143 = tpu.sem_alloc : memref<!tpu.dma_semaphore, #tpu.memory_space<semaphore_mem>>
      %dma_start3A_144 = arith.constant 0 : i32
      %dma_start3A_145 = tpu.memref_slice %arg16[%run_scoped3A_137, %dma_start3A_144] : memref<2x16xi32, #tpu.memory_space<vmem>> -> memref<1x16xi32, #tpu.memory_space<vmem>>
      %dma_start3A_146 = tpu.memref_squeeze %dma_start3A_145 : memref<1x16xi32, #tpu.memory_space<vmem>> -> memref<16xi32, #tpu.memory_space<vmem>>
      %dma_start3A_147 = arith.constant 0 : i32
      %dma_start3A_148 = arith.constant 0 : i32
      %dma_start3A_149 = tpu.memref_slice %arg27[%dma_start3A_147, %dma_start3A_148] : memref<10240x128xf32, #tpu.memory_space<vmem_shared>> -> memref<10240x128xf32, #tpu.memory_space<vmem_shared>>
      tpu.enqueue_indirect_dma source(%arg17 : memref<16x128xf32, #tpu.memory_space<vmem>>) target(%dma_start3A_149 : memref<10240x128xf32, #tpu.memory_space<vmem_shared>>) offsets(%dma_start3A_146 : memref<16xi32, #tpu.memory_space<vmem>>) semaphore(%run_scoped3A_143 : memref<!tpu.dma_semaphore, #tpu.memory_space<semaphore_mem>>) {add = true}
      %dma_wait3A_150 = arith.constant 0 : i32
      %dma_wait3A_151 = tpu.memref_slice %arg16[%run_scoped3A_137, %dma_wait3A_150] : memref<2x16xi32, #tpu.memory_space<vmem>> -> memref<1x16xi32, #tpu.memory_space<vmem>>
      %dma_wait3A_152 = tpu.memref_squeeze %dma_wait3A_151 : memref<1x16xi32, #tpu.memory_space<vmem>> -> memref<16xi32, #tpu.memory_space<vmem>>
      %dma_wait3A_153 = arith.constant 0 : i32
      %dma_wait3A_154 = arith.constant 0 : i32
      %dma_wait3A_155 = tpu.memref_slice %arg27[%dma_wait3A_153, %dma_wait3A_154] : memref<10240x128xf32, #tpu.memory_space<vmem_shared>> -> memref<10240x128xf32, #tpu.memory_space<vmem_shared>>
      tpu.wait_indirect_dma semaphore(%run_scoped3A_143 : memref<!tpu.dma_semaphore, #tpu.memory_space<semaphore_mem>>) src(%arg17 : memref<16x128xf32, #tpu.memory_space<vmem>>) dst(%dma_wait3A_155 : memref<10240x128xf32, #tpu.memory_space<vmem_shared>>)
      tpu.yield
    }) : () -> ()
    %barrier3A_138 = arith.constant 0 : index
    tpu.barrier barrier_id(%barrier3A_138)
    %mul3A_139 = arith.constant 640 : i32
    %mul3A_140 = arith.muli %arg1, %mul3A_139 : i32
    %mul3A_141 = arith.constant 640 : i32
    %mul3A_142 = arith.muli %arg1, %mul3A_141 : i32
    "tpu.region"() ({
      %run_scoped3A_143 = tpu.sem_alloc : memref<!tpu.dma_semaphore, #tpu.memory_space<semaphore_mem>>
      %dma_start3A_144 = arith.constant 0 : i32
      %dma_start3A_145 = tpu.memref_slice %arg5[%arg0, %mul3A_142, %dma_start3A_144] : memref<2x10240x128xf32, #tpu.memory_space<hbm>> -> memref<1x640x128xf32, #tpu.memory_space<hbm>>
      %dma_start3A_146 = tpu.memref_squeeze %dma_start3A_145 : memref<1x640x128xf32, #tpu.memory_space<hbm>> -> memref<640x128xf32, #tpu.memory_space<hbm>>
      %dma_start3A_147 = arith.constant 0 : i32
      %dma_start3A_148 = tpu.memref_slice %arg27[%mul3A_140, %dma_start3A_147] : memref<10240x128xf32, #tpu.memory_space<vmem_shared>> -> memref<640x128xf32, #tpu.memory_space<vmem_shared>>
      tpu.enqueue_dma source(%dma_start3A_148 : memref<640x128xf32, #tpu.memory_space<vmem_shared>>) target(%dma_start3A_146 : memref<640x128xf32, #tpu.memory_space<hbm>>) target_semaphore(%run_scoped3A_143 : memref<!tpu.dma_semaphore, #tpu.memory_space<semaphore_mem>>)
      %dma_wait3A_149 = arith.constant 0 : i32
      %dma_wait3A_150 = tpu.memref_slice %arg5[%arg0, %mul3A_142, %dma_wait3A_149] : memref<2x10240x128xf32, #tpu.memory_space<hbm>> -> memref<1x640x128xf32, #tpu.memory_space<hbm>>
      %dma_wait3A_151 = tpu.memref_squeeze %dma_wait3A_150 : memref<1x640x128xf32, #tpu.memory_space<hbm>> -> memref<640x128xf32, #tpu.memory_space<hbm>>
      %dma_wait3A_152 = arith.constant 0 : i32
      %dma_wait3A_153 = tpu.memref_slice %arg27[%mul3A_140, %dma_wait3A_152] : memref<10240x128xf32, #tpu.memory_space<vmem_shared>> -> memref<640x128xf32, #tpu.memory_space<vmem_shared>>
      tpu.wait_dma2 semaphore(%run_scoped3A_143 : memref<!tpu.dma_semaphore, #tpu.memory_space<semaphore_mem>>) src(%dma_wait3A_153 : memref<640x128xf32, #tpu.memory_space<vmem_shared>>) dst(%dma_wait3A_151 : memref<640x128xf32, #tpu.memory_space<hbm>>)
      tpu.yield
    }) : () -> ()
    return
  }
}

module attributes {stable_mosaic.version = 14 : i64} {
  func.func @_tc1_body(%arg0: i32, %arg1: memref<2000x1xf32, #tpu.memory_space<vmem>>, %arg2: memref<2000x1xf32, #tpu.memory_space<vmem>>, %arg3: memref<2000x128xf32, #tpu.memory_space<vmem>>, %arg4: memref<128x128xf32, #tpu.memory_space<vmem>>, %arg5: memref<2000x128xf32, #tpu.memory_space<vmem>>, %arg6: memref<2000x1xf32, #tpu.memory_space<vmem>>) attributes {dimension_semantics = [#tpu.dimension_semantics<arbitrary>], iteration_bounds = array<i64: 5>, scalar_prefetch = 0 : i64, scratch_operands = 0 : i64, tpu.core_type = #tpu.core_type<tc>, window_params = [{transform_indices = @transform_0, window_bounds = array<i64: 2000, 1>}, {transform_indices = @transform_1, window_bounds = array<i64: 2000, 1>}, {transform_indices = @transform_2, window_bounds = array<i64: 2000, 128>}, {pipeline_mode = #tpu.pipeline_mode<synchronous>, transform_indices = @transform_3, window_bounds = array<i64: 128, 128>}, {transform_indices = @transform_4, window_bounds = array<i64: 2000, 128>}, {transform_indices = @transform_5, window_bounds = array<i64: 2000, 1>}]} {
    %get3A = arith.constant 0 : index
    %get3A_0 = arith.constant 0 : index
    %get3A_1 = vector.load %arg1[%get3A, %get3A_0] : memref<2000x1xf32, #tpu.memory_space<vmem>>, vector<2000x1xf32>
    %get3A_2 = arith.constant 0 : index
    %get3A_3 = arith.constant 0 : index
    %get3A_4 = vector.load %arg2[%get3A_2, %get3A_3] : memref<2000x1xf32, #tpu.memory_space<vmem>>, vector<2000x1xf32>
    %add3A = arith.addf %get3A_1, %get3A_4 : vector<2000x1xf32>
    %add3A_5 = arith.constant 1.000000e+00 : f32
    %add3A_6 = vector.broadcast %add3A_5 : f32 to vector<2000x1xf32>
    %add3A_7 = arith.addf %add3A, %add3A_6 : vector<2000x1xf32>
    %rsqrt3A = math.rsqrt %add3A_7 : vector<2000x1xf32>
    %get3A_8 = arith.constant 0 : index
    %get3A_9 = arith.constant 0 : index
    %get3A_10 = vector.load %arg3[%get3A_8, %get3A_9] : memref<2000x128xf32, #tpu.memory_space<vmem>>, vector<2000x128xf32>
    %get3A_11 = arith.constant 0 : index
    %get3A_12 = arith.constant 0 : index
    %get3A_13 = vector.load %arg4[%get3A_11, %get3A_12] : memref<128x128xf32, #tpu.memory_space<vmem>>, vector<128x128xf32>
    %dot_general3A = arith.constant dense<0.000000e+00> : vector<2000x128xf32>
    %dot_general3A_14 = tpu.matmul %get3A_10, %get3A_13, %dot_general3A {dimension_numbers = #tpu.dot_dimension_numbers<[1], [1], [0], [0], [0, 0, 1, 0], [], []>, transpose_lhs_hint = false} : vector<2000x128xf32>, vector<128x128xf32>, vector<2000x128xf32> -> vector<2000x128xf32>
    %mul3A = vector.broadcast %rsqrt3A : vector<2000x1xf32> to vector<2000x128xf32>
    %mul3A_15 = arith.mulf %mul3A, %dot_general3A_14 : vector<2000x128xf32>
    %swap3A = arith.constant 0 : index
    %swap3A_16 = arith.constant 0 : index
    %swap3A_17 = vector.load %arg5[%swap3A, %swap3A_16] : memref<2000x128xf32, #tpu.memory_space<vmem>>, vector<2000x128xf32>
    tpu.vector_store %arg5[%swap3A, %swap3A_16], %mul3A_15 {strides = array<i32>} : memref<2000x128xf32, #tpu.memory_space<vmem>>, vector<2000x128xf32>,
    %swap3A_18 = arith.constant 0 : index
    %swap3A_19 = arith.constant 0 : index
    %swap3A_20 = vector.load %arg6[%swap3A_18, %swap3A_19] : memref<2000x1xf32, #tpu.memory_space<vmem>>, vector<2000x1xf32>
    tpu.vector_store %arg6[%swap3A_18, %swap3A_19], %rsqrt3A {strides = array<i32>} : memref<2000x1xf32, #tpu.memory_space<vmem>>, vector<2000x1xf32>,
    return
  }
  func.func @transform_0(%arg0: i32) -> (i32, i32) {
    %c0_i32 = arith.constant 0 : i32
    %c0_i32_0 = arith.constant 0 : i32
    return %arg0, %c0_i32 : i32, i32
  }
  func.func @transform_1(%arg0: i32) -> (i32, i32) {
    %c0_i32 = arith.constant 0 : i32
    %c0_i32_0 = arith.constant 0 : i32
    return %arg0, %c0_i32 : i32, i32
  }
  func.func @transform_2(%arg0: i32) -> (i32, i32) {
    %c0_i32 = arith.constant 0 : i32
    %c0_i32_0 = arith.constant 0 : i32
    return %arg0, %c0_i32 : i32, i32
  }
  func.func @transform_3(%arg0: i32) -> (i32, i32) {
    %c0_i32 = arith.constant 0 : i32
    %c0_i32_0 = arith.constant 0 : i32
    %c0_i32_1 = arith.constant 0 : i32
    return %c0_i32, %c0_i32_0 : i32, i32
  }
  func.func @transform_4(%arg0: i32) -> (i32, i32) {
    %c0_i32 = arith.constant 0 : i32
    %c0_i32_0 = arith.constant 0 : i32
    return %arg0, %c0_i32 : i32, i32
  }
  func.func @transform_5(%arg0: i32) -> (i32, i32) {
    %c0_i32 = arith.constant 0 : i32
    %c0_i32_0 = arith.constant 0 : i32
    return %arg0, %c0_i32 : i32, i32
  }
}

module attributes {stable_mosaic.version = 14 : i64} {
  func.func @_tc2_body(%arg0: i32, %arg1: memref<2x2000x128xf32, #tpu.memory_space<vmem>>, %arg2: memref<2000x128xf32, #tpu.memory_space<vmem>>, %arg3: memref<2000x1xf32, #tpu.memory_space<vmem>>, %arg4: memref<1x128xf32, #tpu.memory_space<vmem>>, %arg5: memref<1x128xf32, #tpu.memory_space<vmem>>, %arg6: memref<128x128xf32, #tpu.memory_space<vmem>>, %arg7: memref<2000x128xf32, #tpu.memory_space<vmem>>) attributes {dimension_semantics = [#tpu.dimension_semantics<arbitrary>], iteration_bounds = array<i64: 5>, scalar_prefetch = 0 : i64, scratch_operands = 0 : i64, tpu.core_type = #tpu.core_type<tc>, window_params = [{transform_indices = @transform_0, window_bounds = array<i64: 2, 2000, 128>}, {transform_indices = @transform_1, window_bounds = array<i64: 2000, 128>}, {transform_indices = @transform_2, window_bounds = array<i64: 2000, 1>}, {pipeline_mode = #tpu.pipeline_mode<synchronous>, transform_indices = @transform_3, window_bounds = array<i64: 1, 128>}, {pipeline_mode = #tpu.pipeline_mode<synchronous>, transform_indices = @transform_4, window_bounds = array<i64: 1, 128>}, {pipeline_mode = #tpu.pipeline_mode<synchronous>, transform_indices = @transform_5, window_bounds = array<i64: 128, 128>}, {transform_indices = @transform_6, window_bounds = array<i64: 2000, 128>}]} {
    %get3A = arith.constant 0 : index
    %get3A_0 = arith.constant 0 : index
    %get3A_1 = vector.load %arg3[%get3A, %get3A_0] : memref<2000x1xf32, #tpu.memory_space<vmem>>, vector<2000x1xf32>
    %get3A_2 = arith.constant 0 : index
    %get3A_3 = arith.constant 0 : index
    %get3A_4 = arith.constant 0 : index
    %get3A_5 = vector.load %arg1[%get3A_2, %get3A_3, %get3A_4] : memref<2x2000x128xf32, #tpu.memory_space<vmem>>, vector<1x2000x128xf32>
    %get3A_6 = vector.shape_cast %get3A_5 : vector<1x2000x128xf32> to vector<2000x128xf32>
    %get3A_7 = arith.constant 1 : index
    %get3A_8 = arith.constant 0 : index
    %get3A_9 = arith.constant 0 : index
    %get3A_10 = vector.load %arg1[%get3A_7, %get3A_8, %get3A_9] : memref<2x2000x128xf32, #tpu.memory_space<vmem>>, vector<1x2000x128xf32>
    %get3A_11 = vector.shape_cast %get3A_10 : vector<1x2000x128xf32> to vector<2000x128xf32>
    %add3A = arith.addf %get3A_6, %get3A_11 : vector<2000x128xf32>
    %get3A_12 = arith.constant 0 : index
    %get3A_13 = arith.constant 0 : index
    %get3A_14 = vector.load %arg2[%get3A_12, %get3A_13] : memref<2000x128xf32, #tpu.memory_space<vmem>>, vector<2000x128xf32>
    %add3A_15 = arith.addf %add3A, %get3A_14 : vector<2000x128xf32>
    %mul3A = vector.broadcast %get3A_1 : vector<2000x1xf32> to vector<2000x128xf32>
    %mul3A_16 = arith.mulf %mul3A, %add3A_15 : vector<2000x128xf32>
    %get3A_17 = arith.constant 0 : index
    %get3A_18 = arith.constant 0 : index
    %get3A_19 = vector.load %arg4[%get3A_17, %get3A_18] : memref<1x128xf32, #tpu.memory_space<vmem>>, vector<1x128xf32>
    %add3A_20 = vector.broadcast %get3A_19 : vector<1x128xf32> to vector<2000x128xf32>
    %add3A_21 = arith.addf %mul3A_16, %add3A_20 : vector<2000x128xf32>
    %gt3A = arith.constant 0.000000e+00 : f32
    %gt3A_22 = vector.broadcast %gt3A : f32 to vector<2000x128xf32>
    %gt3A_23 = arith.cmpf ogt, %add3A_21, %gt3A_22 : vector<2000x128xf32>
    %get3A_24 = arith.constant 0 : index
    %get3A_25 = arith.constant 0 : index
    %get3A_26 = vector.load %arg5[%get3A_24, %get3A_25] : memref<1x128xf32, #tpu.memory_space<vmem>>, vector<1x128xf32>
    %mul3A_27 = vector.broadcast %get3A_26 : vector<1x128xf32> to vector<2000x128xf32>
    %mul3A_28 = arith.mulf %mul3A_27, %add3A_21 : vector<2000x128xf32>
    %select_n3A = arith.select %gt3A_23, %add3A_21, %mul3A_28 : vector<2000x128xi1>, vector<2000x128xf32>
    %get3A_29 = arith.constant 0 : index
    %get3A_30 = arith.constant 0 : index
    %get3A_31 = vector.load %arg6[%get3A_29, %get3A_30] : memref<128x128xf32, #tpu.memory_space<vmem>>, vector<128x128xf32>
    %dot_general3A = arith.constant dense<0.000000e+00> : vector<2000x128xf32>
    %dot_general3A_32 = tpu.matmul %select_n3A, %get3A_31, %dot_general3A {dimension_numbers = #tpu.dot_dimension_numbers<[1], [1], [0], [0], [0, 0, 1, 0], [], []>, transpose_lhs_hint = false} : vector<2000x128xf32>, vector<128x128xf32>, vector<2000x128xf32> -> vector<2000x128xf32>
    %get3A_33 = arith.constant 0 : index
    %get3A_34 = arith.constant 0 : index
    %get3A_35 = vector.load %arg3[%get3A_33, %get3A_34] : memref<2000x1xf32, #tpu.memory_space<vmem>>, vector<2000x1xf32>
    %mul3A_36 = vector.broadcast %get3A_35 : vector<2000x1xf32> to vector<2000x128xf32>
    %mul3A_37 = arith.mulf %mul3A_36, %dot_general3A_32 : vector<2000x128xf32>
    %swap3A = arith.constant 0 : index
    %swap3A_38 = arith.constant 0 : index
    %swap3A_39 = vector.load %arg7[%swap3A, %swap3A_38] : memref<2000x128xf32, #tpu.memory_space<vmem>>, vector<2000x128xf32>
    tpu.vector_store %arg7[%swap3A, %swap3A_38], %mul3A_37 {strides = array<i32>} : memref<2000x128xf32, #tpu.memory_space<vmem>>, vector<2000x128xf32>,
    return
  }
  func.func @transform_0(%arg0: i32) -> (i32, i32, i32) {
    %c0_i32 = arith.constant 0 : i32
    %c0_i32_0 = arith.constant 0 : i32
    %c0_i32_1 = arith.constant 0 : i32
    return %c0_i32, %arg0, %c0_i32_0 : i32, i32, i32
  }
  func.func @transform_1(%arg0: i32) -> (i32, i32) {
    %c0_i32 = arith.constant 0 : i32
    %c0_i32_0 = arith.constant 0 : i32
    return %arg0, %c0_i32 : i32, i32
  }
  func.func @transform_2(%arg0: i32) -> (i32, i32) {
    %c0_i32 = arith.constant 0 : i32
    %c0_i32_0 = arith.constant 0 : i32
    return %arg0, %c0_i32 : i32, i32
  }
  func.func @transform_3(%arg0: i32) -> (i32, i32) {
    %c0_i32 = arith.constant 0 : i32
    %c0_i32_0 = arith.constant 0 : i32
    %c0_i32_1 = arith.constant 0 : i32
    return %c0_i32, %c0_i32_0 : i32, i32
  }
  func.func @transform_4(%arg0: i32) -> (i32, i32) {
    %c0_i32 = arith.constant 0 : i32
    %c0_i32_0 = arith.constant 0 : i32
    %c0_i32_1 = arith.constant 0 : i32
    return %c0_i32, %c0_i32_0 : i32, i32
  }
  func.func @transform_5(%arg0: i32) -> (i32, i32) {
    %c0_i32 = arith.constant 0 : i32
    %c0_i32_0 = arith.constant 0 : i32
    %c0_i32_1 = arith.constant 0 : i32
    return %c0_i32, %c0_i32_0 : i32, i32
  }
  func.func @transform_6(%arg0: i32) -> (i32, i32) {
    %c0_i32 = arith.constant 0 : i32
    %c0_i32_0 = arith.constant 0 : i32
    return %arg0, %c0_i32 : i32, i32
  }
}

module attributes {stable_mosaic.version = 14 : i64} {
  func.func @_tc3_body(%arg0: i32, %arg1: memref<2x2000x128xf32, #tpu.memory_space<vmem>>, %arg2: memref<2000x128xf32, #tpu.memory_space<vmem>>, %arg3: memref<2000x1xf32, #tpu.memory_space<vmem>>, %arg4: memref<1x128xf32, #tpu.memory_space<vmem>>, %arg5: memref<2000x128xf32, #tpu.memory_space<vmem>>) attributes {dimension_semantics = [#tpu.dimension_semantics<arbitrary>], iteration_bounds = array<i64: 5>, scalar_prefetch = 0 : i64, scratch_operands = 0 : i64, tpu.core_type = #tpu.core_type<tc>, window_params = [{transform_indices = @transform_0, window_bounds = array<i64: 2, 2000, 128>}, {transform_indices = @transform_1, window_bounds = array<i64: 2000, 128>}, {transform_indices = @transform_2, window_bounds = array<i64: 2000, 1>}, {pipeline_mode = #tpu.pipeline_mode<synchronous>, transform_indices = @transform_3, window_bounds = array<i64: 1, 128>}, {transform_indices = @transform_4, window_bounds = array<i64: 2000, 128>}]} {
    %get3A = arith.constant 0 : index
    %get3A_0 = arith.constant 0 : index
    %get3A_1 = vector.load %arg3[%get3A, %get3A_0] : memref<2000x1xf32, #tpu.memory_space<vmem>>, vector<2000x1xf32>
    %get3A_2 = arith.constant 0 : index
    %get3A_3 = arith.constant 0 : index
    %get3A_4 = arith.constant 0 : index
    %get3A_5 = vector.load %arg1[%get3A_2, %get3A_3, %get3A_4] : memref<2x2000x128xf32, #tpu.memory_space<vmem>>, vector<1x2000x128xf32>
    %get3A_6 = vector.shape_cast %get3A_5 : vector<1x2000x128xf32> to vector<2000x128xf32>
    %get3A_7 = arith.constant 1 : index
    %get3A_8 = arith.constant 0 : index
    %get3A_9 = arith.constant 0 : index
    %get3A_10 = vector.load %arg1[%get3A_7, %get3A_8, %get3A_9] : memref<2x2000x128xf32, #tpu.memory_space<vmem>>, vector<1x2000x128xf32>
    %get3A_11 = vector.shape_cast %get3A_10 : vector<1x2000x128xf32> to vector<2000x128xf32>
    %add3A = arith.addf %get3A_6, %get3A_11 : vector<2000x128xf32>
    %get3A_12 = arith.constant 0 : index
    %get3A_13 = arith.constant 0 : index
    %get3A_14 = vector.load %arg2[%get3A_12, %get3A_13] : memref<2000x128xf32, #tpu.memory_space<vmem>>, vector<2000x128xf32>
    %add3A_15 = arith.addf %add3A, %get3A_14 : vector<2000x128xf32>
    %mul3A = vector.broadcast %get3A_1 : vector<2000x1xf32> to vector<2000x128xf32>
    %mul3A_16 = arith.mulf %mul3A, %add3A_15 : vector<2000x128xf32>
    %get3A_17 = arith.constant 0 : index
    %get3A_18 = arith.constant 0 : index
    %get3A_19 = vector.load %arg4[%get3A_17, %get3A_18] : memref<1x128xf32, #tpu.memory_space<vmem>>, vector<1x128xf32>
    %add3A_20 = vector.broadcast %get3A_19 : vector<1x128xf32> to vector<2000x128xf32>
    %add3A_21 = arith.addf %mul3A_16, %add3A_20 : vector<2000x128xf32>
    %swap3A = arith.constant 0 : index
    %swap3A_22 = arith.constant 0 : index
    %swap3A_23 = vector.load %arg5[%swap3A, %swap3A_22] : memref<2000x128xf32, #tpu.memory_space<vmem>>, vector<2000x128xf32>
    tpu.vector_store %arg5[%swap3A, %swap3A_22], %add3A_21 {strides = array<i32>} : memref<2000x128xf32, #tpu.memory_space<vmem>>, vector<2000x128xf32>,
    return
  }
  func.func @transform_0(%arg0: i32) -> (i32, i32, i32) {
    %c0_i32 = arith.constant 0 : i32
    %c0_i32_0 = arith.constant 0 : i32
    %c0_i32_1 = arith.constant 0 : i32
    return %c0_i32, %arg0, %c0_i32_0 : i32, i32, i32
  }
  func.func @transform_1(%arg0: i32) -> (i32, i32) {
    %c0_i32 = arith.constant 0 : i32
    %c0_i32_0 = arith.constant 0 : i32
    return %arg0, %c0_i32 : i32, i32
  }
  func.func @transform_2(%arg0: i32) -> (i32, i32) {
    %c0_i32 = arith.constant 0 : i32
    %c0_i32_0 = arith.constant 0 : i32
    return %arg0, %c0_i32 : i32, i32
  }
  func.func @transform_3(%arg0: i32) -> (i32, i32) {
    %c0_i32 = arith.constant 0 : i32
    %c0_i32_0 = arith.constant 0 : i32
    %c0_i32_1 = arith.constant 0 : i32
    return %c0_i32, %c0_i32_0 : i32, i32
  }
  func.func @transform_4(%arg0: i32) -> (i32, i32) {
    %c0_i32 = arith.constant 0 : i32
    %c0_i32_0 = arith.constant 0 : i32
    return %arg0, %c0_i32 : i32, i32
  }
}

</mosaic_0001>

<sc_bundles>
// kernel: kernel.11.cloned.1.call-start
scs
__scs_entry_jumppad:
0x0: {  	(pc) =	sbr.rel $0x88, $3  }
0x1: {  	(tag) =	ssettag $0x0;
	lr =	simm.s32 $0x1  }
0x2: {  	[smem:$0x3F9A] =	sst lr;
	_ =	strace $0xD0000000  }
0x3: {  	_ = 	snop  }
0x4: {  	_ = 	snop  }
0x5: {  	_ = 	snop  }
0x6: {  	_ = 	snop  }
0x7: {  	_ = 	snop  }
__scs_overlays_trampoline_lowered:
0x8: {  	[smem:$0x3FA9] =	sst s0  }
0x9: {  	[smem:$0x3FAA] =	sst s1  }
0xa: {  	[smem:$0x3FAB] =	sst s2  }
0xb: {  	[smem:$0x3FAC] =	sst s3  }
0xc: {  	[smem:$0x3FAD] =	sst s4  }
0xd: {  	[smem:$0x3FAE] =	sst s5  }
0xe: {  	[smem:$0x3FAF] =	sst s6  }
0xf: {  	[smem:$0x3FB0] =	sst s7  }
0x10: {  	[smem:$0x3FB1] =	sst s8  }
0x11: {  	[smem:$0x3FB2] =	sst s9;
	s0 =	simm.s32 @!p0 $0x0  }
0x12: {  	s1 =	sld [smem:$0x3F98];
	s0 =	simm.s32 @p0 $0x1  }
0x13: {  	[smem:$0x3FB3] =	sst s0;
	s0 =	simm.s32 @!p1 $0x0  }
0x14: {  	s2 =	sld [smem:$0x3F97];
	s0 =	simm.s32 @p1 $0x1  }
0x15: {  	[smem:$0x3FB4] =	sst s0;
	s0 =	simm.s32 @!p2 $0x0  }
0x16: {  	s3 =	sld [smem:$0x3FDB];
	s0 =	simm.s32 @p2 $0x1  }
0x17: {  	s4 =	simm.s32 $0x1BF5;
	[smem:$0x3FB6] =	sst s0  }
0x18: {  	s0 =	sld [smem:$0x3F99];
	_ =	swait.ge [sflag:s4], $0x0  }
0x19: {  	s7 =	sld [smem:$0x3F9A]  }
0x1a: {  	s8 =	sadd.s32 $0xFFFFE003, lr  }
0x1b: {  	s9 =	sadd.s32 $0xFFFFFEF7, lr;
	s5 =	simm.s32 $0xFFFFFFFF;
	p2 =	slt.u32 s8, $0xFFFFF086  }
0x1c: {  	p1 =	slt.u32 s9, $0xF7A;
	s5 =	simm.s32 @!p2 $0x0  }
0x1d: {  	s5 =	simm.s32 @p1 $0x1;
	p0 =	seq.s32 s7, s2  }
0x1e: {  	s7 =	smul.u32 @!p0 $0xF7A, s2;
	p2 =	seq.s32 @!p0 s5, $0x0  }
0x1f: {  	s9 =	smul.u32 $0xF7A, s1;
	s8 =	simm.s32 @!p0 $0x1BF5;
	p2 =	por !p2, p0  }
0x20: {  	[sflag:s8] =	ssyncset.s32 @!p0 $0xFFFFF086;
	s6 =	sadd.s32 @!p0 s3, s7;
	s7 =	simm.s32 @!p0 $0x108  }
0x21: {  	s3 =	sadd.s32 s3, s9;
	s6 =	sadd.s32 @!p0 $0x88, s6;
	s7 =	simm.s32 @p2 $0x1082  }
0x22: {  	[simem:s7], [sflag:s8] =	dma.local @!p0 [hbm:s6], $0xF7A  }
0x23: {  	s9 =	sor.u32 $0xD0000000, s2;
	s6 =	simm.s32 $0x108;
	_ =	swait.ge @!p0 [sflag:s8], $0x0  }
0x24: {  	s3 =	sadd.s32 $0x88, s3;
	s6 =	simm.s32 @!p1 $0x1082;
	[sflag:s4] =	ssyncset.s32 $0xFFFFF086  }
0x25: {  	[simem:s6], [sflag:s4] =	dma.local [hbm:s3], $0xF7A  }
0x26: {  	[smem:$0x3F9A] =	sst s1;
	(tag) =	ssettag s2;
	_ =	strace s9  }
0x27: {  	s1 =	sld [smem:$0x3FAA]  }
0x28: {  	s2 =	sld [smem:$0x3FAB]  }
0x29: {  	s4 =	sld [smem:$0x3FAD]  }
0x2a: {  	p0 =	seq.s32 s5, $0x0;
	s5 =	sld [smem:$0x3FAE]  }
0x2b: {  	s6 =	sld [smem:$0x3FAF]  }
0x2c: {  	s7 =	sld [smem:$0x3FB0]  }
0x2d: {  	s3 =	simm.s32 $0x108;
	s8 =	sld [smem:$0x3FB1]  }
0x2e: {  	s3 =	simm.s32 @!p0 $0x1082;
	s9 =	sld [smem:$0x3FB2]  }
0x2f: {  	lr =	sadd.s32 s0, s3;
	s0 =	sld [smem:$0x3FA9]  }
0x30: {  	s3 =	sld [smem:$0x3FAC]  }
0x31: {  	[smem:$0x3FB5] =	sst s10  }
0x32: {  	s10 =	sld [smem:$0x3FB3];
	_ =	sdelay $0x3  }
0x33: {  	p0 =	seq.s32 s10, $0x1;
	s10 =	sld [smem:$0x3FB5];
	_ =	sdelay $0x3  }
0x34: {  	[smem:$0x3FB5] =	sst s10  }
0x35: {  	s10 =	sld [smem:$0x3FB4];
	_ =	sdelay $0x3  }
0x36: {  	p1 =	seq.s32 s10, $0x1;
	s10 =	sld [smem:$0x3FB5];
	_ =	sdelay $0x3  }
0x37: {  	[smem:$0x3FB5] =	sst s10  }
0x38: {  	s10 =	sld [smem:$0x3FB6]  }
0x39: {  	_ = 	snop;
	(pc) =	sbr.ind lr, $3  }
0x3a: {  	_ = 	snop  }
0x3b: {  	_ = 	snop  }
0x3c: {  	p2 =	seq.s32 s10, $0x1;
	s10 =	sld [smem:$0x3FB5]  }
0x3d: {  	_ =	shalt  }
0x3e: {  	_ =	shalt  }
0x3f: {  	_ =	shalt  }
0x40: {  	_ =	shalt  }
0x41: {  	_ =	shalt  }
0x42: {  	_ =	shalt  }
0x43: {  	_ =	shalt  }
0x44: {  	_ =	shalt  }
0x45: {  	_ =	shalt  }
0x46: {  	_ =	shalt  }
0x47: {  	_ =	shalt  }
0x48: {  	_ =	shalt  }
0x49: {  	_ =	shalt  }
0x4a: {  	_ =	shalt  }
0x4b: {  	_ =	shalt  }
0x4c: {  	_ =	shalt  }
0x4d: {  	_ =	shalt  }
0x4e: {  	_ =	shalt  }
0x4f: {  	_ =	shalt  }
0x50: {  	_ =	shalt  }
0x51: {  	_ =	shalt  }
0x52: {  	_ =	shalt  }
0x53: {  	_ =	shalt  }
0x54: {  	_ =	shalt  }
0x55: {  	_ =	shalt  }
0x56: {  	_ =	shalt  }
0x57: {  	_ =	shalt  }
0x58: {  	_ =	shalt  }
0x59: {  	_ =	shalt  }
0x5a: {  	_ =	shalt  }
0x5b: {  	_ =	shalt  }
0x5c: {  	_ =	shalt  }
0x5d: {  	_ =	shalt  }
0x5e: {  	_ =	shalt  }
0x5f: {  	_ =	shalt  }
0x60: {  	_ =	shalt  }
0x61: {  	_ =	shalt  }
0x62: {  	_ =	shalt  }
0x63: {  	_ =	shalt  }
0x64: {  	_ =	shalt  }
0x65: {  	_ =	shalt  }
0x66: {  	_ =	shalt  }
0x67: {  	_ =	shalt  }
0x68: {  	_ =	shalt  }
0x69: {  	_ =	shalt  }
0x6a: {  	_ =	shalt  }
0x6b: {  	_ =	shalt  }
0x6c: {  	_ =	shalt  }
0x6d: {  	_ =	shalt  }
0x6e: {  	_ =	shalt  }
0x6f: {  	_ =	shalt  }
0x70: {  	_ =	shalt  }
0x71: {  	_ =	shalt  }
0x72: {  	_ =	shalt  }
0x73: {  	_ =	shalt  }
0x74: {  	_ =	shalt  }
0x75: {  	_ =	shalt  }
0x76: {  	_ =	shalt  }
0x77: {  	_ =	shalt  }
0x78: {  	_ =	shalt  }
0x79: {  	_ =	shalt  }
0x7a: {  	_ =	shalt  }
0x7b: {  	_ =	shalt  }
0x7c: {  	_ =	shalt  }
0x7d: {  	_ =	shalt  }
0x7e: {  	_ =	shalt  }
0x7f: {  	_ =	shalt  }
0x80: {  	_ =	shalt  }
0x81: {  	_ =	shalt  }
0x82: {  	_ =	shalt  }
0x83: {  	_ =	shalt  }
0x84: {  	_ =	shalt  }
0x85: {  	_ =	shalt  }
0x86: {  	_ =	shalt  }
0x87: {  	_ =	shalt  }
.Lfunc_end0:
.L_simem_size_0:
called_computation.1_lowered:
.L_overlay_start_0:
0x88: {  	s2 =	sld [smem:$0x3FD9]  }
0x89: {  	s3 =	sld [smem:$0x3FFE];
	_ =	sdelay $0x1  }
0x8a: {  	s1 =	srdreg.scid  }
0x8b: {  	s0 =	sand.u32 $0x1, s1  }
0x8c: {  	s17 =	sshll.u32 s0, $0xA;
	s2 =	sadd.s32 s3, s2  }
0x8d: {  	s2 =	sadd.s32 s2, s17  }
0x8e: {  	[smem:$0x3FC1] =	sst s2  }
0x8f: {  	_ = 	snop  }
0x90: {  	s2 =	sld [smem:$0x3FD0];
	(tm) =	ssettm $0x1  }
0x91: {  	s18 =	sld [smem:$0x3FFB];
	_ =	sdelay $0x3  }
0x92: {  	_ =	strace s18  }
0x93: {  	s3 =	sld [smem:$0x3FFC];
	_ =	sdelay $0x3  }
0x94: {  	_ =	strace s3  }
0x95: {  	s3 =	sld [smem:$0x3FFD];
	_ =	sdelay $0x3  }
0x96: {  	_ =	strace s3  }
0x97: {  	_ =	strace $0x8FFFFFFF  }
0x98: {  	s19 =	sld [smem:$0x3FDB];
	_ =	sdelay $0x1  }
0x99: {  	s4 =	simm.s32 $_scs_section_size  }
0x9a: {  	s5 =	simm.s32 $_size__tile_overlayer_lowered;
	s6 =	simm.s32 $_tile_overlayer_lowered  }
0x9b: {  	s22 =	simm.s32 $0x1BFF;
	s21 =	sshll.u32 s6, $0x1;
	s3 =	sadd.s32 s4, s19  }
0x9c: {  	s7 =	simm.s32 $0x0;
	s20 =	sshll.u32 s5, $0x1;
	s5 =	sadd.s32 s21, s3  }
0x9d: {  	[timem:s7], [sflag:s22] =	dma.local [hbm:s5], s20  }
0x9e: {  	_ =	swait.ge [sflag:s22], s20  }
0x9f: {  	s4 =	ssub.s32 $0x0, s20;
	[sflag:s22] =	ssyncset.done $0x0  }
0xa0: {  	[sflag:s22] =	ssyncadd.s32 s4;
	_ =	sdelay $0x1  }
0xa1: {  	s23 =	simm.s32 $0x1B8B  }
0xa2: {  	_ =	swait.ge [sflag:s23], $0x1  }
0xa3: {  	[sflag:s23] =	ssyncset.done $0x0  }
0xa4: {  	s25 =	simm.s32 $0x1B8E;
	s24 =	sld [smem:$0x3FFE];
	[sflag:s23] =	ssyncadd.s32 $0xFFFFFFFF  }
0xa5: {  	s26 =	simm.s32 $execute0_lowered;
	[smem:$0x3FD2] =	sst s25  }
0xa6: {  	s5 =	sshll.u32 s26, $0x1;
	_ =	strace $0x80000049;
	[dreg:$0x1] =	wrdreg $0xFFFFFFFF  }
0xa7: {  	s28 =	simm.s32 $_size_execute0_lowered;
	s3 =	sadd.s32 s3, s5;
	[dreg:$0x0] =	wrdreg $0x0  }
0xa8: {  	s5 =	sshll.u32 s28, $0x1;
	[dreg:$0x2] =	wrdreg s3  }
0xa9: {  	[dreg:$0x3] =	wrdreg s5  }
0xaa: {  	[dreg:$0x4] =	wrdreg $0xC0  }
0xab: {  	_ =	task [dreg:s7], $0x5FFFF  }
0xac: {  	[dreg:$0x1] =	wrdreg $0xFFFFFFFF  }
0xad: {  	[dreg:$0x0] =	wrdreg $0x60  }
0xae: {  	[dreg:$0x2] =	wrdreg s2  }
0xaf: {  	[dreg:$0x3] =	wrdreg s24  }
0xb0: {  	[dreg:$0x4] =	wrdreg $0xAF000  }
0xb1: {  	[dreg:$0x5] =	wrdreg $0x9  }
0xb2: {  	_ =	task.clear_ibuf [dreg:s7], $0x6FFFF;
	_ =	strace $0x90000049  }
0xb3: {  	s29 =	simm.s32 $0x9;
	_ =	strace $0x8000004B  }
0xb4: {  	_ =	swait.ge [sflag:s29], $0x1  }
0xb5: {  	[sflag:s29] =	ssyncadd.s32 $0xFFFFFFFF  }
0xb6: {  	_ =	strace $0x9000004B  }
0xb7: {  	_ =	sfence  }
0xb8: {  	s30 =	sld [smem:$0x0];
	_ =	sdelay $0x2  }
0xb9: {  	s31 =	sshll.u32 s1, $0xD;
	s1 =	sshrl.u32 s1, $0x2  }
0xba: {  	s3 =	sand.u32 $0x4000, s31;
	s1 =	sadd.s32 s1, s30  }
0xbb: {  	s0 =	sor.u32 s3, s0;
	s1 =	sshll.u32 s1, $0x11  }
0xbc: {  	s0 =	sor.u32 s1, s0  }
0xbd: {  	s0 =	sadd.s32 $0x8F2B, s0  }
0xbe: {  	[sflag:s0] =	ssyncadd.remote.s32 $0x1  }
0xbf: {  	_ =	sfence.sel $0xFFFF  }
0xc0: {  	[dreg:$0x0] =	wrdreg $0xFFFFFFFF;
	(pc) =	sbr.abs _section_cstart, $3  }
0xc1: {  	[dreg:$0x1] =	wrdreg $0xFFFFFFFF  }
0xc2: {  	_ =	task.clear_ibuf [dreg:s7], $0x2FFFF;
	_ =	strace $0x9FFFFFFF  }
0xc3: {  	(tm) =	ssettm $0x7FFFFFFF  }
tec
execute0_lowered:
.L_overlay_start_1:
0x0: {  	(tag) =	ssettag $0x1  }
0x1: {  	s1 =	rddreg [dreg:$0x0]  }
0x2: {  	s0 =	rddreg [dreg:$0x1];
	s12 =	stileid.u32  }
0x3: {  	s2 =	rddreg [dreg:$0x2];
	s6 =	smul.u32 $0x14000, s12  }
0x4: {  	s3 =	srdreg.scid;
	s4 =	simm.s32 $0x0;
	s16 =	smul.u32 $0x50000, s12  }
0x5: {  	s14 =	simm.s32 $0x1480;
	s3 =	sand.u32 $0x1, s3;
	s24 =	smul.u32 $0xD00, s12  }
0x6: {  	[smem:$0x7FF] =	sst s4;
	s7 =	sadd.s32 $0x3A00, s0;
	s5 =	smul.u32 $0x140000, s3  }
0x7: {  	_ =	strace $0x8000004A;
	s8 =	sshll.u32 s3, $0x4;
	s10 =	ssub.s32 $0x2, s3  }
0x8: {  	[dreg:$0x7] =	wrdreg s14;
	s8 =	sor.u32 s12, s8;
	s11 =	sshrl.u32 s10, $0x1  }
0x9: {  	s12 =	simm.s32 $0x1380;
	s5 =	sadd.s32 s6, s5;
	s9 =	sshll.u32 s8, $0x5  }
0xa: {  	s17 =	ssub.s32 s10, s11;
	s10 =	simm.s32 $0x1280;
	[dreg:$0x6] =	wrdreg s12  }
0xb: {  	s6 =	sshrl.u32 s16, $0x2;
	s16 =	simm.s32 $0x1580;
	[dreg:$0x5] =	wrdreg s10  }
0xc: {  	s9 =	sadd.s32 s9, s0;
	s23 =	smax.u32 s17, $0x1;
	[dreg:$0x8] =	wrdreg s16  }
0xd: {  	s6 =	sadd.s32 s6, s2;
	s9 =	sadd.s32 $0x2C00, s9;
	[dreg:$0x10] =	wrdreg s23  }
0xe: {  	s8 =	smul.u32 $0xD00, s8;
	s25 =	sadd.s32 $0x1000, s6;
	[dreg:$0xe] =	wrdreg s9  }
0xf: {  	s5 =	sshrl.u32 s5, $0x3;
	s26 =	sadd.s32 $0x2000, s6;
	[dreg:$0x11] =	wrdreg s25  }
0x10: {  	s0 =	sadd.s32 s5, s0;
	s31 =	sadd.s32 $0x3000, s6;
	[dreg:$0x12] =	wrdreg s26  }
0x11: {  	s5 =	sadd.s32 s7, s8;
	s8 =	sadd.s32 $0x4000, s6;
	[dreg:$0x13] =	wrdreg s31  }
0x12: {  	s11 =	sadd.s32 $0x6000, s6;
	[dreg:$0x14] =	wrdreg s8  }
0x13: {  	s13 =	sadd.s32 $0x7000, s6;
	[dreg:$0x16] =	wrdreg s11  }
0x14: {  	s15 =	sadd.s32 $0x8000, s6;
	[dreg:$0x17] =	wrdreg s13  }
0x15: {  	s17 =	sadd.s32 $0x9000, s6;
	[dreg:$0x18] =	wrdreg s15  }
0x16: {  	s23 =	sadd.s32 $0xF000, s6;
	[dreg:$0x19] =	wrdreg s17  }
0x17: {  	s28 =	simm.s32 $0x4;
	s18 =	sadd.s32 $0x20, s5;
	[dreg:$0x1f] =	wrdreg s23  }
0x18: {  	s29 =	simm.s32 $0x5;
	s19 =	sadd.s32 $0x40, s5;
	[dreg:$0x9] =	wrdreg s18  }
0x19: {  	s30 =	simm.s32 $0x6;
	s20 =	sadd.s32 $0x60, s5;
	[dreg:$0xa] =	wrdreg s19  }
0x1a: {  	s3 =	smul.u32 $0xD000, s3;
	s21 =	sadd.s32 $0x80, s5;
	[dreg:$0xb] =	wrdreg s20  }
0x1b: {  	s14 =	simm.s32 $0x1400;
	s22 =	sadd.s32 $0xA0, s5;
	[dreg:$0xc] =	wrdreg s21  }
0x1c: {  	s3 =	sadd.s32 s3, s7;
	s0 =	sadd.s32 $0x1DC00, s0;
	[dreg:$0xd] =	wrdreg s22  }
0x1d: {  	s12 =	simm.s32 $0x1200;
	s9 =	sadd.s32 $0x5000, s6;
	[dreg:$0xf] =	wrdreg s0  }
0x1e: {  	s10 =	simm.s32 $0xA;
	s25 =	sadd.s32 $0x11000, s6;
	[dreg:$0x15] =	wrdreg s9  }
0x1f: {  	s16 =	simm.s32 $0x60;
	s26 =	sadd.s32 $0x12000, s6;
	[smem:$0x7FB] =	sst s25  }
0x20: {  	s7 =	simm.s32 $0x0;
	s31 =	sadd.s32 $0x13000, s6;
	[smem:$0x7FC] =	sst s26  }
0x21: {  	s8 =	simm.s32 $0x1;
	s0 =	sadd.s32 s24, s3;
	[smem:$0x7FD] =	sst s31  }
0x22: {  	s11 =	simm.s32 $0x1100;
	s18 =	sadd.s32 $0xA000, s6;
	[dreg:$0x4] =	wrdreg s0  }
0x23: {  	s13 =	simm.s32 $0x1300;
	s19 =	sadd.s32 $0xB000, s6;
	[dreg:$0x1a] =	wrdreg s18  }
0x24: {  	s15 =	simm.s32 $0x1500;
	s20 =	sadd.s32 $0xC000, s6;
	[dreg:$0x1b] =	wrdreg s19  }
0x25: {  	s17 =	simm.s32 $0x1600;
	s21 =	sadd.s32 $0xD000, s6;
	[dreg:$0x1c] =	wrdreg s20  }
0x26: {  	s23 =	simm.s32 $0x1180;
	s22 =	sadd.s32 $0xE000, s6;
	[dreg:$0x1d] =	wrdreg s21  }
0x27: {  	s24 =	sadd.s32 $0x10000, s6;
	s9 =	simm.s32 $0x1000;
	[dreg:$0x1e] =	wrdreg s22  }
0x28: {  	s25 =	simm.s32 $0x3;
	s26 =	simm.s32 $0x9;
	[smem:$0x7FA] =	sst s24  }
0x29: {  	s18 =	simm.s32 $0x4600;
	s19 =	simm.s32 $0x7600;
	s20 =	simm.s32 $0x1080  }
0x2a: {  	v0 =	vimm.f32 $0.0e+00;
	s21 =	simm.s32 $0x7;
	s22 =	simm.s32 $0x2;
	s24 =	simm.s32 $0x8  }
.LBB2_1:
0x2b: {  	s0 =	simm.s32 $0x0;
	s31 =	simm.s32 $0x200  }
.LBB2_2:
0x2c: {  	p0 =	sne.s32 s31, $0x3E00;
	[tilespmem:s0+$0x70] =	vst v0  }
0x2d: {  	[tilespmem:s0+$0x0] =	vst v0  }
0x2e: {  	[tilespmem:s0+$0x10] =	vst v0  }
.Ltmp0:
0x2f: {  	[tilespmem:s0+$0x20] =	vst v0;
	(pc) =	sbr.rel @p0 .LBB2_2-.Ltmp0, $4  }
0x30: {  	[tilespmem:s0+$0x30] =	vst v0  }
0x31: {  	[tilespmem:s0+$0x40] =	vst v0  }
0x32: {  	[tilespmem:s0+$0x50] =	vst v0  }
0x33: {  	[tilespmem:s0+$0x60] =	vst v0;
	s0 =	sshra.s32 s31, $0x2;
	s31 =	sadd.s32 $0x200, s31  }
0x34: {  	[tilespmem:s0+$0x70] =	vst v0  }
0x35: {  	[tilespmem:s0+$0x0] =	vst v0  }
0x36: {  	[tilespmem:s0+$0x10] =	vst v0  }
0x37: {  	[tilespmem:s0+$0x20] =	vst v0  }
0x38: {  	[tilespmem:s0+$0x30] =	vst v0  }
0x39: {  	[tilespmem:s0+$0x40] =	vst v0  }
0x3a: {  	[tilespmem:s0+$0x50] =	vst v0  }
0x3b: {  	[tilespmem:s0+$0x60] =	vst v0;
	s0 =	simm.s32 $0x0  }
0x3c: {  	[spmem:s6] =	stream.linear.scatter [tilespmem:s0], [sflag:$0x1], $0x1000, $0x38;
	[tilespmem:$0x1EF00] =	vst v63  }
0x3d: {  	s3 =	rddreg [dreg:$0x11]  }
0x3e: {  	[spmem:s3] =	stream.linear.scatter [tilespmem:s0], [sflag:$0x1], $0x1000, $0x38;
	[tilespmem:$0x1EF00] =	vst v63  }
0x3f: {  	s3 =	rddreg [dreg:$0x12]  }
0x40: {  	[spmem:s3] =	stream.linear.scatter [tilespmem:s0], [sflag:$0x1], $0x1000, $0x38;
	[tilespmem:$0x1EF00] =	vst v63  }
0x41: {  	s3 =	rddreg [dreg:$0x13]  }
0x42: {  	[spmem:s3] =	stream.linear.scatter [tilespmem:s0], [sflag:$0x1], $0x1000, $0x38;
	[tilespmem:$0x1EF00] =	vst v63  }
0x43: {  	s3 =	rddreg [dreg:$0x14]  }
0x44: {  	[spmem:s3] =	stream.linear.scatter [tilespmem:s0], [sflag:$0x1], $0x1000, $0x38;
	[tilespmem:$0x1EF00] =	vst v63  }
0x45: {  	s3 =	rddreg [dreg:$0x15]  }
0x46: {  	[spmem:s3] =	stream.linear.scatter [tilespmem:s0], [sflag:$0x1], $0x1000, $0x38;
	[tilespmem:$0x1EF00] =	vst v63  }
0x47: {  	s3 =	rddreg [dreg:$0x16]  }
0x48: {  	[spmem:s3] =	stream.linear.scatter [tilespmem:s0], [sflag:$0x1], $0x1000, $0x38;
	[tilespmem:$0x1EF00] =	vst v63  }
0x49: {  	s3 =	rddreg [dreg:$0x17]  }
0x4a: {  	[spmem:s3] =	stream.linear.scatter [tilespmem:s0], [sflag:$0x1], $0x1000, $0x38;
	[tilespmem:$0x1EF00] =	vst v63  }
0x4b: {  	s3 =	rddreg [dreg:$0x18]  }
0x4c: {  	[spmem:s3] =	stream.linear.scatter [tilespmem:s0], [sflag:$0x1], $0x1000, $0x38;
	[tilespmem:$0x1EF00] =	vst v63  }
0x4d: {  	s3 =	rddreg [dreg:$0x19]  }
0x4e: {  	[spmem:s3] =	stream.linear.scatter [tilespmem:s0], [sflag:$0x1], $0x1000, $0x38;
	[tilespmem:$0x1EF00] =	vst v63  }
0x4f: {  	s3 =	rddreg [dreg:$0x1a]  }
0x50: {  	[spmem:s3] =	stream.linear.scatter [tilespmem:s0], [sflag:$0x1], $0x1000, $0x38;
	[tilespmem:$0x1EF00] =	vst v63  }
0x51: {  	s3 =	rddreg [dreg:$0x1b]  }
0x52: {  	[spmem:s3] =	stream.linear.scatter [tilespmem:s0], [sflag:$0x1], $0x1000, $0x38;
	[tilespmem:$0x1EF00] =	vst v63  }
0x53: {  	s3 =	rddreg [dreg:$0x1c]  }
0x54: {  	[spmem:s3] =	stream.linear.scatter [tilespmem:s0], [sflag:$0x1], $0x1000, $0x38;
	[tilespmem:$0x1EF00] =	vst v63  }
0x55: {  	s3 =	rddreg [dreg:$0x1d]  }
0x56: {  	[spmem:s3] =	stream.linear.scatter [tilespmem:s0], [sflag:$0x1], $0x1000, $0x38;
	[tilespmem:$0x1EF00] =	vst v63  }
0x57: {  	s3 =	rddreg [dreg:$0x1e]  }
0x58: {  	[spmem:s3] =	stream.linear.scatter [tilespmem:s0], [sflag:$0x1], $0x1000, $0x38;
	[tilespmem:$0x1EF00] =	vst v63  }
0x59: {  	s3 =	rddreg [dreg:$0x1f]  }
0x5a: {  	[spmem:s3] =	stream.linear.scatter [tilespmem:s0], [sflag:$0x1], $0x1000, $0x38;
	[tilespmem:$0x1EF00] =	vst v63  }
0x5b: {  	s3 =	sld [smem:$0x7FA];
	_ =	sdelay $0x2  }
0x5c: {  	[spmem:s3] =	stream.linear.scatter [tilespmem:s0], [sflag:$0x1], $0x1000, $0x38;
	[tilespmem:$0x1EF00] =	vst v63  }
0x5d: {  	s3 =	sld [smem:$0x7FB];
	_ =	sdelay $0x2  }
0x5e: {  	[spmem:s3] =	stream.linear.scatter [tilespmem:s0], [sflag:$0x1], $0x1000, $0x38;
	[tilespmem:$0x1EF00] =	vst v63  }
0x5f: {  	s3 =	sld [smem:$0x7FC];
	_ =	sdelay $0x2  }
0x60: {  	[spmem:s3] =	stream.linear.scatter [tilespmem:s0], [sflag:$0x1], $0x1000, $0x38;
	[tilespmem:$0x1EF00] =	vst v63  }
0x61: {  	s3 =	sld [smem:$0x7FD];
	_ =	sdelay $0x2  }
0x62: {  	[spmem:s3] =	stream.linear.scatter [tilespmem:s0], [sflag:$0x1], $0x1000, $0x38;
	[tilespmem:$0x1EF00] =	vst v63  }
0x63: {  	_ =	swait.ge [sflag:s8], $0x1000  }
0x64: {  	[sflag:s8] =	ssyncset.done $0x0  }
0x65: {  	[sflag:s8] =	ssyncadd.s32 $0xFFFFF000  }
0x66: {  	_ =	swait.ge [sflag:s8], $0x1000  }
0x67: {  	[sflag:s8] =	ssyncset.done $0x0  }
0x68: {  	[sflag:s8] =	ssyncadd.s32 $0xFFFFF000  }
0x69: {  	_ =	swait.ge [sflag:s8], $0x1000  }
0x6a: {  	[sflag:s8] =	ssyncset.done $0x0  }
0x6b: {  	[sflag:s8] =	ssyncadd.s32 $0xFFFFF000  }
0x6c: {  	_ =	swait.ge [sflag:s8], $0x1000  }
0x6d: {  	[sflag:s8] =	ssyncset.done $0x0  }
0x6e: {  	[sflag:s8] =	ssyncadd.s32 $0xFFFFF000  }
0x6f: {  	_ =	swait.ge [sflag:s8], $0x1000  }
0x70: {  	[sflag:s8] =	ssyncset.done $0x0  }
0x71: {  	[sflag:s8] =	ssyncadd.s32 $0xFFFFF000  }
0x72: {  	_ =	swait.ge [sflag:s8], $0x1000  }
0x73: {  	[sflag:s8] =	ssyncset.done $0x0  }
0x74: {  	[sflag:s8] =	ssyncadd.s32 $0xFFFFF000  }
0x75: {  	_ =	swait.ge [sflag:s8], $0x1000  }
0x76: {  	[sflag:s8] =	ssyncset.done $0x0  }
0x77: {  	[sflag:s8] =	ssyncadd.s32 $0xFFFFF000  }
0x78: {  	_ =	swait.ge [sflag:s8], $0x1000  }
0x79: {  	[sflag:s8] =	ssyncset.done $0x0  }
0x7a: {  	[sflag:s8] =	ssyncadd.s32 $0xFFFFF000  }
0x7b: {  	_ =	swait.ge [sflag:s8], $0x1000  }
0x7c: {  	[sflag:s8] =	ssyncset.done $0x0  }
0x7d: {  	[sflag:s8] =	ssyncadd.s32 $0xFFFFF000  }
0x7e: {  	_ =	swait.ge [sflag:s8], $0x1000  }
0x7f: {  	[sflag:s8] =	ssyncset.done $0x0  }
0x80: {  	[sflag:s8] =	ssyncadd.s32 $0xFFFFF000  }
0x81: {  	_ =	swait.ge [sflag:s8], $0x1000  }
0x82: {  	[sflag:s8] =	ssyncset.done $0x0  }
0x83: {  	[sflag:s8] =	ssyncadd.s32 $0xFFFFF000  }
0x84: {  	_ =	swait.ge [sflag:s8], $0x1000  }
0x85: {  	[sflag:s8] =	ssyncset.done $0x0  }
0x86: {  	[sflag:s8] =	ssyncadd.s32 $0xFFFFF000  }
0x87: {  	_ =	swait.ge [sflag:s8], $0x1000  }
0x88: {  	[sflag:s8] =	ssyncset.done $0x0  }
0x89: {  	[sflag:s8] =	ssyncadd.s32 $0xFFFFF000  }
0x8a: {  	_ =	swait.ge [sflag:s8], $0x1000  }
0x8b: {  	[sflag:s8] =	ssyncset.done $0x0  }
0x8c: {  	[sflag:s8] =	ssyncadd.s32 $0xFFFFF000  }
0x8d: {  	_ =	swait.ge [sflag:s8], $0x1000  }
0x8e: {  	[sflag:s8] =	ssyncset.done $0x0  }
0x8f: {  	[sflag:s8] =	ssyncadd.s32 $0xFFFFF000  }
0x90: {  	_ =	swait.ge [sflag:s8], $0x1000  }
0x91: {  	[sflag:s8] =	ssyncset.done $0x0  }
0x92: {  	[sflag:s8] =	ssyncadd.s32 $0xFFFFF000  }
0x93: {  	_ =	swait.ge [sflag:s8], $0x1000  }
0x94: {  	[sflag:s8] =	ssyncset.done $0x0  }
0x95: {  	[sflag:s8] =	ssyncadd.s32 $0xFFFFF000  }
0x96: {  	_ =	swait.ge [sflag:s8], $0x1000  }
0x97: {  	[sflag:s8] =	ssyncset.done $0x0  }
0x98: {  	[sflag:s8] =	ssyncadd.s32 $0xFFFFF000  }
0x99: {  	_ =	swait.ge [sflag:s8], $0x1000  }
0x9a: {  	[sflag:s8] =	ssyncset.done $0x0  }
0x9b: {  	[sflag:s8] =	ssyncadd.s32 $0xFFFFF000  }
0x9c: {  	_ =	swait.ge [sflag:s8], $0x1000  }
0x9d: {  	[sflag:s8] =	ssyncset.done $0x0  }
0x9e: {  	[sflag:s8] =	ssyncadd.s32 $0xFFFFF000  }
0x9f: {  	[bflag:$0x0] =	sbarrier.arrive $0xFFFF  }
0xa0: {  	[tilespmem:s9], [sflag:$0xA] =	stream.linear.gather [hbm4b:s5+s0], $0x100, $0x38;
	[tilespmem:$0x1EF00] =	vst v63  }
0xa1: {  	_ =	swait.ge [sflag:s10], $0x100  }
0xa2: {  	[sflag:s10] =	ssyncset.done $0x0  }
0xa3: {  	s3 =	rddreg [dreg:$0x9];
	[sflag:s10] =	ssyncadd.s32 $0xFFFFFF00  }
0xa4: {  	[tilespmem:s11], [sflag:$0xA] =	stream.linear.gather [hbm4b:s3+s0], $0x100, $0x38;
	[tilespmem:$0x1EF00] =	vst v63  }
0xa5: {  	_ =	swait.ge [sflag:s10], $0x100  }
0xa6: {  	[sflag:s10] =	ssyncset.done $0x0  }
0xa7: {  	s3 =	rddreg [dreg:$0xa];
	[sflag:s10] =	ssyncadd.s32 $0xFFFFFF00  }
0xa8: {  	[tilespmem:s12], [sflag:$0xA] =	stream.linear.gather [hbm4b:s3+s0], $0x100, $0x38;
	[tilespmem:$0x1EF00] =	vst v63  }
0xa9: {  	_ =	swait.ge [sflag:s10], $0x100  }
0xaa: {  	[sflag:s10] =	ssyncset.done $0x0  }
0xab: {  	s3 =	rddreg [dreg:$0xb];
	[sflag:s10] =	ssyncadd.s32 $0xFFFFFF00  }
0xac: {  	[tilespmem:s13], [sflag:$0x7] =	stream.linear.gather [hbm4b:s3+s0], $0x100, $0x38;
	[tilespmem:$0x1EF00] =	vst v63  }
0xad: {  	s3 =	rddreg [dreg:$0xc]  }
0xae: {  	[tilespmem:s14], [sflag:$0x8] =	stream.linear.gather [hbm4b:s3+s0], $0x100, $0x38;
	[tilespmem:$0x1EF00] =	vst v63  }
0xaf: {  	s3 =	rddreg [dreg:$0xd]  }
0xb0: {  	[tilespmem:s15], [sflag:$0x9] =	stream.linear.gather [hbm4b:s3+s0], $0x100, $0x38;
	[tilespmem:$0x1EF00] =	vst v63  }
0xb1: {  	_ = 	snop  }
0xb2: {  	[tilespmem:s17], [sflag:$0x1] =	stream.indirect.gather [hbm4b:s1+s16], $0x80, s9, s16, $0xb8;
	[tilespmem:$0x1EF00] =	vst v63  }
0xb3: {  	_ = 	snop  }
0xb4: {  	[tilespmem:s18], [sflag:$0x2] =	stream.indirect.gather [hbm4b:s1+s16], $0x80, s11, s16, $0xb8;
	[tilespmem:$0x1EF00] =	vst v63  }
0xb5: {  	_ = 	snop  }
0xb6: {  	[tilespmem:s19], [sflag:$0x3] =	stream.indirect.gather [hbm4b:s1+s16], $0x80, s12, s16, $0xb8;
	[tilespmem:$0x1EF00] =	vst v63  }
0xb7: {  	_ =	swait.ge [sflag:s8], $0x3000  }
0xb8: {  	[sflag:s8] =	ssyncset.done $0x0  }
0xb9: {  	[sflag:s8] =	ssyncadd.s32 $0xFFFFD000  }
0xba: {  	[spmem:s2] =	stream.indirect.scatter.add.f32 [tilespmem:s17], [sflag:$0xA], $0x80, s20, s16, $0xb8;
	[tilespmem:$0x1EF00] =	vst v63  }
0xbb: {  	_ =	swait.ge [sflag:s10], $0x3000  }
0xbc: {  	s3 =	rddreg [dreg:$0x4]  }
0xbd: {  	[sflag:s10] =	ssyncset.done $0x0;
	s0 =	sadd.s32 $0x0, s3  }
0xbe: {  	[sflag:s10] =	ssyncadd.s32 $0xFFFFD000;
	s31 =	sadd.s32 $0xC0, s0  }
0xbf: {  	[tilespmem:s9], [sflag:$0x4] =	stream.linear.gather [hbm4b:s31+s4], $0x100, $0x38;
	[tilespmem:$0x1EF00] =	vst v63  }
0xc0: {  	_ =	swait.ge [sflag:s21], $0x100  }
0xc1: {  	[sflag:s21] =	ssyncset.done $0x0  }
0xc2: {  	[sflag:s21] =	ssyncadd.s32 $0xFFFFFF00  }
0xc3: {  	[tilespmem:s17], [sflag:$0x1] =	stream.indirect.gather [hbm4b:s1+s16], $0x80, s13, s16, $0xb8;
	[tilespmem:$0x1EF00] =	vst v63  }
0xc4: {  	_ =	swait.ge [sflag:s22], $0x3000  }
0xc5: {  	[sflag:s22] =	ssyncset.done $0x0  }
0xc6: {  	[sflag:s22] =	ssyncadd.s32 $0xFFFFD000  }
0xc7: {  	[spmem:s2] =	stream.indirect.scatter.add.f32 [tilespmem:s18], [sflag:$0xA], $0x80, s23, s16, $0xb8;
	[tilespmem:$0x1EF00] =	vst v63  }
0xc8: {  	_ =	swait.ge [sflag:s10], $0x3000  }
0xc9: {  	[sflag:s10] =	ssyncset.done $0x0  }
0xca: {  	s31 =	sadd.s32 $0xE0, s0;
	[sflag:s10] =	ssyncadd.s32 $0xFFFFD000  }
0xcb: {  	[tilespmem:s11], [sflag:$0x5] =	stream.linear.gather [hbm4b:s31+s4], $0x100, $0x38;
	[tilespmem:$0x1EF00] =	vst v63  }
0xcc: {  	_ =	swait.ge [sflag:s24], $0x100  }
0xcd: {  	[sflag:s24] =	ssyncset.done $0x0  }
0xce: {  	[sflag:s24] =	ssyncadd.s32 $0xFFFFFF00  }
0xcf: {  	[tilespmem:s18], [sflag:$0x2] =	stream.indirect.gather [hbm4b:s1+s16], $0x80, s14, s16, $0xb8;
	[tilespmem:$0x1EF00] =	vst v63  }
0xd0: {  	_ =	swait.ge [sflag:s25], $0x3000  }
0xd1: {  	[sflag:s25] =	ssyncset.done $0x0  }
0xd2: {  	s31 =	rddreg [dreg:$0x5];
	[sflag:s25] =	ssyncadd.s32 $0xFFFFD000  }
0xd3: {  	[spmem:s2] =	stream.indirect.scatter.add.f32 [tilespmem:s19], [sflag:$0xA], $0x80, s31, s16, $0xb8;
	[tilespmem:$0x1EF00] =	vst v63  }
0xd4: {  	_ =	swait.ge [sflag:s10], $0x3000  }
0xd5: {  	[sflag:s10] =	ssyncset.done $0x0  }
0xd6: {  	s31 =	sadd.s32 $0x100, s0;
	[sflag:s10] =	ssyncadd.s32 $0xFFFFD000  }
0xd7: {  	[tilespmem:s12], [sflag:$0x6] =	stream.linear.gather [hbm4b:s31+s4], $0x100, $0x38;
	[tilespmem:$0x1EF00] =	vst v63  }
0xd8: {  	_ =	swait.ge [sflag:s26], $0x100  }
0xd9: {  	[sflag:s26] =	ssyncset.done $0x0  }
0xda: {  	[sflag:s26] =	ssyncadd.s32 $0xFFFFFF00  }
0xdb: {  	[tilespmem:s19], [sflag:$0x3] =	stream.indirect.gather [hbm4b:s1+s16], $0x80, s15, s16, $0xb8;
	[tilespmem:$0x1EF00] =	vst v63  }
0xdc: {  	_ =	swait.ge [sflag:s8], $0x3000  }
0xdd: {  	[sflag:s8] =	ssyncset.done $0x0  }
0xde: {  	s31 =	rddreg [dreg:$0x6];
	[sflag:s8] =	ssyncadd.s32 $0xFFFFD000  }
0xdf: {  	[spmem:s2] =	stream.indirect.scatter.add.f32 [tilespmem:s17], [sflag:$0xA], $0x80, s31, s16, $0xb8;
	[tilespmem:$0x1EF00] =	vst v63  }
0xe0: {  	_ =	swait.ge [sflag:s10], $0x3000  }
0xe1: {  	[sflag:s10] =	ssyncset.done $0x0  }
0xe2: {  	s31 =	sadd.s32 $0x120, s0;
	[sflag:s10] =	ssyncadd.s32 $0xFFFFD000  }
0xe3: {  	[tilespmem:s13], [sflag:$0x7] =	stream.linear.gather [hbm4b:s31+s4], $0x100, $0x38;
	[tilespmem:$0x1EF00] =	vst v63  }
0xe4: {  	_ =	swait.ge [sflag:s28], $0x100  }
0xe5: {  	[sflag:s28] =	ssyncset.done $0x0  }
0xe6: {  	[sflag:s28] =	ssyncadd.s32 $0xFFFFFF00  }
0xe7: {  	[tilespmem:s17], [sflag:$0x1] =	stream.indirect.gather [hbm4b:s1+s16], $0x80, s9, s16, $0xb8;
	[tilespmem:$0x1EF00] =	vst v63  }
0xe8: {  	_ =	swait.ge [sflag:s22], $0x3000  }
0xe9: {  	[sflag:s22] =	ssyncset.done $0x0  }
0xea: {  	s31 =	rddreg [dreg:$0x7];
	[sflag:s22] =	ssyncadd.s32 $0xFFFFD000  }
0xeb: {  	[spmem:s2] =	stream.indirect.scatter.add.f32 [tilespmem:s18], [sflag:$0xA], $0x80, s31, s16, $0xb8;
	[tilespmem:$0x1EF00] =	vst v63  }
0xec: {  	_ =	swait.ge [sflag:s10], $0x3000  }
0xed: {  	[sflag:s10] =	ssyncset.done $0x0  }
0xee: {  	s31 =	sadd.s32 $0x140, s0;
	[sflag:s10] =	ssyncadd.s32 $0xFFFFD000  }
0xef: {  	[tilespmem:s14], [sflag:$0x8] =	stream.linear.gather [hbm4b:s31+s4], $0x100, $0x38;
	[tilespmem:$0x1EF00] =	vst v63  }
0xf0: {  	_ =	swait.ge [sflag:s29], $0x100  }
0xf1: {  	[sflag:s29] =	ssyncset.done $0x0  }
0xf2: {  	[sflag:s29] =	ssyncadd.s32 $0xFFFFFF00  }
0xf3: {  	[tilespmem:s18], [sflag:$0x2] =	stream.indirect.gather [hbm4b:s1+s16], $0x80, s11, s16, $0xb8;
	[tilespmem:$0x1EF00] =	vst v63  }
0xf4: {  	_ =	swait.ge [sflag:s25], $0x3000  }
0xf5: {  	[sflag:s25] =	ssyncset.done $0x0  }
0xf6: {  	s31 =	rddreg [dreg:$0x8];
	[sflag:s25] =	ssyncadd.s32 $0xFFFFD000  }
0xf7: {  	[spmem:s2] =	stream.indirect.scatter.add.f32 [tilespmem:s19], [sflag:$0xA], $0x80, s31, s16, $0xb8;
	[tilespmem:$0x1EF00] =	vst v63  }
0xf8: {  	_ =	swait.ge [sflag:s10], $0x3000  }
0xf9: {  	[sflag:s10] =	ssyncset.done $0x0  }
0xfa: {  	s0 =	sadd.s32 $0x160, s0;
	[sflag:s10] =	ssyncadd.s32 $0xFFFFD000  }
0xfb: {  	[tilespmem:s15], [sflag:$0x9] =	stream.linear.gather [hbm4b:s0+s4], $0x100, $0x38;
	[tilespmem:$0x1EF00] =	vst v63  }
0xfc: {  	_ =	swait.ge [sflag:s30], $0x100  }
0xfd: {  	[sflag:s30] =	ssyncset.done $0x0  }
0xfe: {  	s31 =	simm.s32 $0xC0;
	[sflag:s30] =	ssyncadd.s32 $0xFFFFFF00  }
.LBB2_4:
0xff: {  	[tilespmem:s19], [sflag:$0x3] =	stream.indirect.gather [hbm4b:s1+s16], $0x80, s12, s16, $0xb8;
	[tilespmem:$0x1EF00] =	vst v63  }
0x100: {  	_ =	swait.ge [sflag:s8], $0x3000  }
0x101: {  	[sflag:s8] =	ssyncset.done $0x0  }
0x102: {  	[sflag:s8] =	ssyncadd.s32 $0xFFFFD000  }
0x103: {  	[spmem:s2] =	stream.indirect.scatter.add.f32 [tilespmem:s17], [sflag:$0xA], $0x80, s20, s16, $0xb8;
	[tilespmem:$0x1EF00] =	vst v63  }
0x104: {  	_ =	swait.ge [sflag:s10], $0x3000  }
0x105: {  	s0 =	smov.u32 s31;
	s3 =	rddreg [dreg:$0x4]  }
0x106: {  	[sflag:s10] =	ssyncset.done $0x0;
	s0 =	sadd.s32 s0, s3  }
0x107: {  	[sflag:s10] =	ssyncadd.s32 $0xFFFFD000;
	s3 =	sadd.s32 $0xC0, s0  }
0x108: {  	[tilespmem:s9], [sflag:$0x4] =	stream.linear.gather [hbm4b:s3+s4], $0x100, $0x38;
	[tilespmem:$0x1EF00] =	vst v63  }
0x109: {  	_ =	swait.ge [sflag:s21], $0x100  }
0x10a: {  	[sflag:s21] =	ssyncset.done $0x0  }
0x10b: {  	[sflag:s21] =	ssyncadd.s32 $0xFFFFFF00  }
0x10c: {  	[tilespmem:s17], [sflag:$0x1] =	stream.indirect.gather [hbm4b:s1+s16], $0x80, s13, s16, $0xb8;
	[tilespmem:$0x1EF00] =	vst v63  }
0x10d: {  	_ =	swait.ge [sflag:s22], $0x3000  }
0x10e: {  	[sflag:s22] =	ssyncset.done $0x0  }
0x10f: {  	[sflag:s22] =	ssyncadd.s32 $0xFFFFD000  }
0x110: {  	[spmem:s2] =	stream.indirect.scatter.add.f32 [tilespmem:s18], [sflag:$0xA], $0x80, s23, s16, $0xb8;
	[tilespmem:$0x1EF00] =	vst v63  }
0x111: {  	_ =	swait.ge [sflag:s10], $0x3000  }
0x112: {  	[sflag:s10] =	ssyncset.done $0x0  }
0x113: {  	s3 =	sadd.s32 $0xE0, s0;
	[sflag:s10] =	ssyncadd.s32 $0xFFFFD000  }
0x114: {  	[tilespmem:s11], [sflag:$0x5] =	stream.linear.gather [hbm4b:s3+s4], $0x100, $0x38;
	[tilespmem:$0x1EF00] =	vst v63  }
0x115: {  	_ =	swait.ge [sflag:s24], $0x100  }
0x116: {  	[sflag:s24] =	ssyncset.done $0x0  }
0x117: {  	[sflag:s24] =	ssyncadd.s32 $0xFFFFFF00  }
0x118: {  	[tilespmem:s18], [sflag:$0x2] =	stream.indirect.gather [hbm4b:s1+s16], $0x80, s14, s16, $0xb8;
	[tilespmem:$0x1EF00] =	vst v63  }
0x119: {  	_ =	swait.ge [sflag:s25], $0x3000  }
0x11a: {  	[sflag:s25] =	ssyncset.done $0x0  }
0x11b: {  	s3 =	rddreg [dreg:$0x5];
	[sflag:s25] =	ssyncadd.s32 $0xFFFFD000  }
0x11c: {  	[spmem:s2] =	stream.indirect.scatter.add.f32 [tilespmem:s19], [sflag:$0xA], $0x80, s3, s16, $0xb8;
	[tilespmem:$0x1EF00] =	vst v63  }
0x11d: {  	_ =	swait.ge [sflag:s10], $0x3000  }
0x11e: {  	[sflag:s10] =	ssyncset.done $0x0  }
0x11f: {  	s3 =	sadd.s32 $0x100, s0;
	[sflag:s10] =	ssyncadd.s32 $0xFFFFD000  }
0x120: {  	[tilespmem:s12], [sflag:$0x6] =	stream.linear.gather [hbm4b:s3+s4], $0x100, $0x38;
	[tilespmem:$0x1EF00] =	vst v63  }
0x121: {  	_ =	swait.ge [sflag:s26], $0x100  }
0x122: {  	[sflag:s26] =	ssyncset.done $0x0  }
0x123: {  	[sflag:s26] =	ssyncadd.s32 $0xFFFFFF00  }
0x124: {  	[tilespmem:s19], [sflag:$0x3] =	stream.indirect.gather [hbm4b:s1+s16], $0x80, s15, s16, $0xb8;
	[tilespmem:$0x1EF00] =	vst v63  }
0x125: {  	_ =	swait.ge [sflag:s8], $0x3000  }
0x126: {  	[sflag:s8] =	ssyncset.done $0x0  }
0x127: {  	s3 =	rddreg [dreg:$0x6];
	[sflag:s8] =	ssyncadd.s32 $0xFFFFD000  }
0x128: {  	[spmem:s2] =	stream.indirect.scatter.add.f32 [tilespmem:s17], [sflag:$0xA], $0x80, s3, s16, $0xb8;
	[tilespmem:$0x1EF00] =	vst v63  }
0x129: {  	_ =	swait.ge [sflag:s10], $0x3000  }
0x12a: {  	[sflag:s10] =	ssyncset.done $0x0  }
0x12b: {  	s3 =	sadd.s32 $0x120, s0;
	[sflag:s10] =	ssyncadd.s32 $0xFFFFD000  }
0x12c: {  	[tilespmem:s13], [sflag:$0x7] =	stream.linear.gather [hbm4b:s3+s4], $0x100, $0x38;
	[tilespmem:$0x1EF00] =	vst v63  }
0x12d: {  	_ =	swait.ge [sflag:s28], $0x100  }
0x12e: {  	[sflag:s28] =	ssyncset.done $0x0  }
0x12f: {  	[sflag:s28] =	ssyncadd.s32 $0xFFFFFF00  }
0x130: {  	[tilespmem:s17], [sflag:$0x1] =	stream.indirect.gather [hbm4b:s1+s16], $0x80, s9, s16, $0xb8;
	[tilespmem:$0x1EF00] =	vst v63  }
0x131: {  	_ =	swait.ge [sflag:s22], $0x3000  }
0x132: {  	[sflag:s22] =	ssyncset.done $0x0  }
0x133: {  	s3 =	rddreg [dreg:$0x7];
	[sflag:s22] =	ssyncadd.s32 $0xFFFFD000  }
0x134: {  	[spmem:s2] =	stream.indirect.scatter.add.f32 [tilespmem:s18], [sflag:$0xA], $0x80, s3, s16, $0xb8;
	[tilespmem:$0x1EF00] =	vst v63  }
0x135: {  	_ =	swait.ge [sflag:s10], $0x3000  }
0x136: {  	[sflag:s10] =	ssyncset.done $0x0  }
0x137: {  	s3 =	sadd.s32 $0x140, s0;
	[sflag:s10] =	ssyncadd.s32 $0xFFFFD000  }
0x138: {  	[tilespmem:s14], [sflag:$0x8] =	stream.linear.gather [hbm4b:s3+s4], $0x100, $0x38;
	[tilespmem:$0x1EF00] =	vst v63  }
0x139: {  	_ =	swait.ge [sflag:s29], $0x100  }
0x13a: {  	[sflag:s29] =	ssyncset.done $0x0  }
0x13b: {  	[sflag:s29] =	ssyncadd.s32 $0xFFFFFF00  }
0x13c: {  	[tilespmem:s18], [sflag:$0x2] =	stream.indirect.gather [hbm4b:s1+s16], $0x80, s11, s16, $0xb8;
	[tilespmem:$0x1EF00] =	vst v63  }
0x13d: {  	_ =	swait.ge [sflag:s25], $0x3000  }
0x13e: {  	[sflag:s25] =	ssyncset.done $0x0  }
0x13f: {  	s3 =	rddreg [dreg:$0x8];
	[sflag:s25] =	ssyncadd.s32 $0xFFFFD000  }
0x140: {  	[spmem:s2] =	stream.indirect.scatter.add.f32 [tilespmem:s19], [sflag:$0xA], $0x80, s3, s16, $0xb8;
	[tilespmem:$0x1EF00] =	vst v63  }
0x141: {  	_ =	swait.ge [sflag:s10], $0x3000  }
0x142: {  	p0 =	sne.s32 s31, $0xC00;
	[sflag:s10] =	ssyncset.done $0x0  }
.Ltmp1:
0x143: {  	s0 =	sadd.s32 $0x160, s0;
	[sflag:s10] =	ssyncadd.s32 $0xFFFFD000;
	(pc) =	sbr.rel @p0 .LBB2_4-.Ltmp1, $4  }
0x144: {  	[tilespmem:s15], [sflag:$0x9] =	stream.linear.gather [hbm4b:s0+s4], $0x100, $0x38;
	[tilespmem:$0x1EF00] =	vst v63  }
0x145: {  	_ =	swait.ge [sflag:s30], $0x100  }
0x146: {  	[sflag:s30] =	ssyncset.done $0x0  }
0x147: {  	s31 =	sadd.s32 $0xC0, s31;
	[sflag:s30] =	ssyncadd.s32 $0xFFFFFF00  }
0x148: {  	[tilespmem:s19], [sflag:$0x3] =	stream.indirect.gather [hbm4b:s1+s16], $0x80, s12, s16, $0xb8;
	[tilespmem:$0x1EF00] =	vst v63  }
0x149: {  	_ =	swait.ge [sflag:s8], $0x3000  }
0x14a: {  	[sflag:s8] =	ssyncset.done $0x0  }
0x14b: {  	[sflag:s8] =	ssyncadd.s32 $0xFFFFD000  }
0x14c: {  	[spmem:s2] =	stream.indirect.scatter.add.f32 [tilespmem:s17], [sflag:$0xA], $0x80, s20, s16, $0xb8;
	[tilespmem:$0x1EF00] =	vst v63  }
0x14d: {  	_ =	swait.ge [sflag:s10], $0x3000  }
0x14e: {  	[sflag:s10] =	ssyncset.done $0x0  }
0x14f: {  	[sflag:s10] =	ssyncadd.s32 $0xFFFFD000  }
0x150: {  	_ =	swait.ge [sflag:s22], $0x3000  }
0x151: {  	[sflag:s22] =	ssyncset.done $0x0  }
0x152: {  	[sflag:s22] =	ssyncadd.s32 $0xFFFFD000  }
0x153: {  	[spmem:s2] =	stream.indirect.scatter.add.f32 [tilespmem:s18], [sflag:$0xA], $0x80, s23, s16, $0xb8;
	[tilespmem:$0x1EF00] =	vst v63  }
0x154: {  	_ =	swait.ge [sflag:s10], $0x3000  }
0x155: {  	[sflag:s10] =	ssyncset.done $0x0  }
0x156: {  	[sflag:s10] =	ssyncadd.s32 $0xFFFFD000  }
0x157: {  	_ =	swait.ge [sflag:s25], $0x3000  }
0x158: {  	[sflag:s25] =	ssyncset.done $0x0  }
0x159: {  	[sflag:s25] =	ssyncadd.s32 $0xFFFFD000  }
0x15a: {  	_ =	swait.ge [sflag:s21], $0x100  }
0x15b: {  	[sflag:s21] =	ssyncset.done $0x0  }
0x15c: {  	[sflag:s21] =	ssyncadd.s32 $0xFFFFFF00  }
0x15d: {  	_ =	swait.ge [sflag:s24], $0x100  }
0x15e: {  	[sflag:s24] =	ssyncset.done $0x0  }
0x15f: {  	[sflag:s24] =	ssyncadd.s32 $0xFFFFFF00  }
0x160: {  	_ =	swait.ge [sflag:s26], $0x100  }
0x161: {  	[sflag:s26] =	ssyncset.done $0x0  }
0x162: {  	s3 =	simm.s32 $0xA600;
	s0 =	rddreg [dreg:$0xe];
	[sflag:s26] =	ssyncadd.s32 $0xFFFFFF00  }
0x163: {  	[tilespmem:s3], [sflag:$0xA] =	stream.linear.gather [hbm4b:s0+s4], $0x100, $0x38;
	[tilespmem:$0x1EF00] =	vst v63  }
0x164: {  	_ =	swait.ge [sflag:s10], $0x100  }
0x165: {  	[sflag:s10] =	ssyncset.done $0x0  }
0x166: {  	s31 =	simm.s32 $0xA700;
	s0 =	simm.s32 $0x10;
	[sflag:s10] =	ssyncadd.s32 $0xFFFFFF00  }
0x167: {  	[tilespmem:s31], [sflag:$0x1] =	stream.indirect.gather [hbm4b:s1+s0], $0x80, s3, s0, $0xb8;
	[tilespmem:$0x1EF00] =	vst v63  }
0x168: {  	_ =	swait.ge [sflag:s8], $0x800  }
0x169: {  	[sflag:s8] =	ssyncset.done $0x0  }
0x16a: {  	s3 =	simm.s32 $0xA680;
	[sflag:s8] =	ssyncadd.s32 $0xFFFFF800  }
0x16b: {  	[spmem:s2] =	stream.indirect.scatter.add.f32 [tilespmem:s31], [sflag:$0xA], $0x80, s3, s0, $0xb8;
	[tilespmem:$0x1EF00] =	vst v63  }
0x16c: {  	_ =	swait.ge [sflag:s10], $0x800  }
0x16d: {  	[sflag:s10] =	ssyncset.done $0x0  }
0x16e: {  	s3 =	stileid.u32;
	[sflag:s10] =	ssyncadd.s32 $0xFFFFF800  }
0x16f: {  	s0 =	sshll.u32 s3, $0x6;
	[bflag:$0x0] =	sbarrier.arrive $0xFFFF  }
0x170: {  	s3 =	sshrl.u32 s6, $0x3;
	s0 =	sor.u32 $0x1C0A, s0;
	s31 =	rddreg [dreg:$0xf]  }
0x171: {  	[hbm:s31], [sflag:s0] =	dma.local [spmem:s3], $0x2800  }
0x172: {  	_ =	swait.ge [sflag:s10], $0x2800  }
0x173: {  	s7 =	sadd.s32 $0x1, s7;
	s31 =	rddreg [dreg:$0x10]  }
0x174: {  	p0 =	sne.s32 s7, s31  }
.Ltmp2:
0x175: {  	_ = 	snop;
	(pc) =	sbr.rel @p0 .LBB2_1-.Ltmp2, $3  }
0x176: {  	_ =	sdelay $0x1  }
0x177: {  	[sflag:s10] =	ssyncset.done $0x0  }
0x178: {  	[sflag:s10] =	ssyncadd.s32 $0xFFFFD800  }
0x179: {  	_ =	sfence.sel $0x180000  }
0x17a: {  	[bflag:$0x0] =	sbarrier.arrive $0xFFFF  }
0x17b: {  	_ =	strace $0x9000004A  }
0x17c: {  	s0 =	stileid.u32;
	[bflag:$0x2] =	sbarrier.arrive $0xFFFF  }
0x17d: {  	p0 =	sne.s32 s0, $0x0;
	s0 =	rddreg [dreg:$0x3]  }
0x17e: {  	s0 =	sadd.s32 @!p0 $0x100000, s0  }
0x17f: {  	[sflag:s0] =	ssyncadd.tile.s32 @!p0 $0x1;
	_ =	shalt  }
.Lfunc_end2:
_tile_overlayer_lowered:
.L_overlay_start_2:
0x180: {  	(tag) =	ssettag $0x2  }
0x181: {  	s0 =	rddreg [dreg:$0x0];
	s2 =	stileid.u32  }
0x182: {  	s1 =	rddreg [dreg:$0x1];
	p0 =	sne.s32 s2, $0x0  }
0x183: {  	s3 =	rddreg [dreg:$0x2];
	[bflag:$0x3] =	sbarrier.arrive $0xFFFF;
	s2 =	simm.s32 @!p0 $0x1C0A  }
0x184: {  	[timem:s3], [sflag:s2] =	dma.local @!p0 [hbm:s0], s1  }
0x185: {  	s0 =	simm.s32 @!p0 $0xA  }
0x186: {  	_ =	swait.ge @!p0 [sflag:s0], s1  }
0x187: {  	s1 =	ssub.s32 @!p0 $0x0, s1;
	[sflag:s0] =	ssyncset.done @!p0 $0x0  }
0x188: {  	[sflag:s0] =	ssyncadd.s32 @!p0 s1  }
0x189: {  	[bflag:$0x3] =	sbarrier.arrive $0xFFFF  }
0x18a: {  	_ =	shalt  }

// kernel: kernel.14.cloned.1.call-start
scs
__scs_entry_jumppad:
0x0: {  	(pc) =	sbr.rel $0x88, $3  }
0x1: {  	(tag) =	ssettag $0x0;
	lr =	simm.s32 $0x1  }
0x2: {  	[smem:$0x3F9A] =	sst lr;
	_ =	strace $0xD0000000  }
0x3: {  	_ = 	snop  }
0x4: {  	_ = 	snop  }
0x5: {  	_ = 	snop  }
0x6: {  	_ = 	snop  }
0x7: {  	_ = 	snop  }
__scs_overlays_trampoline_lowered:
0x8: {  	[smem:$0x3FA9] =	sst s0  }
0x9: {  	[smem:$0x3FAA] =	sst s1  }
0xa: {  	[smem:$0x3FAB] =	sst s2  }
0xb: {  	[smem:$0x3FAC] =	sst s3  }
0xc: {  	[smem:$0x3FAD] =	sst s4  }
0xd: {  	[smem:$0x3FAE] =	sst s5  }
0xe: {  	[smem:$0x3FAF] =	sst s6  }
0xf: {  	[smem:$0x3FB0] =	sst s7  }
0x10: {  	[smem:$0x3FB1] =	sst s8  }
0x11: {  	[smem:$0x3FB2] =	sst s9;
	s0 =	simm.s32 @!p0 $0x0  }
0x12: {  	s1 =	sld [smem:$0x3F98];
	s0 =	simm.s32 @p0 $0x1  }
0x13: {  	[smem:$0x3FB3] =	sst s0;
	s0 =	simm.s32 @!p1 $0x0  }
0x14: {  	s2 =	sld [smem:$0x3F97];
	s0 =	simm.s32 @p1 $0x1  }
0x15: {  	[smem:$0x3FB4] =	sst s0;
	s0 =	simm.s32 @!p2 $0x0  }
0x16: {  	s3 =	sld [smem:$0x3FDB];
	s0 =	simm.s32 @p2 $0x1  }
0x17: {  	s4 =	simm.s32 $0x1BF5;
	[smem:$0x3FB6] =	sst s0  }
0x18: {  	s0 =	sld [smem:$0x3F99];
	_ =	swait.ge [sflag:s4], $0x0  }
0x19: {  	s7 =	sld [smem:$0x3F9A]  }
0x1a: {  	s8 =	sadd.s32 $0xFFFFE003, lr  }
0x1b: {  	s9 =	sadd.s32 $0xFFFFFEF7, lr;
	s5 =	simm.s32 $0xFFFFFFFF;
	p2 =	slt.u32 s8, $0xFFFFF086  }
0x1c: {  	p1 =	slt.u32 s9, $0xF7A;
	s5 =	simm.s32 @!p2 $0x0  }
0x1d: {  	s5 =	simm.s32 @p1 $0x1;
	p0 =	seq.s32 s7, s2  }
0x1e: {  	s7 =	smul.u32 @!p0 $0xF7A, s2;
	p2 =	seq.s32 @!p0 s5, $0x0  }
0x1f: {  	s9 =	smul.u32 $0xF7A, s1;
	s8 =	simm.s32 @!p0 $0x1BF5;
	p2 =	por !p2, p0  }
0x20: {  	[sflag:s8] =	ssyncset.s32 @!p0 $0xFFFFF086;
	s6 =	sadd.s32 @!p0 s3, s7;
	s7 =	simm.s32 @!p0 $0x108  }
0x21: {  	s3 =	sadd.s32 s3, s9;
	s6 =	sadd.s32 @!p0 $0x88, s6;
	s7 =	simm.s32 @p2 $0x1082  }
0x22: {  	[simem:s7], [sflag:s8] =	dma.local @!p0 [hbm:s6], $0xF7A  }
0x23: {  	s9 =	sor.u32 $0xD0000000, s2;
	s6 =	simm.s32 $0x108;
	_ =	swait.ge @!p0 [sflag:s8], $0x0  }
0x24: {  	s3 =	sadd.s32 $0x88, s3;
	s6 =	simm.s32 @!p1 $0x1082;
	[sflag:s4] =	ssyncset.s32 $0xFFFFF086  }
0x25: {  	[simem:s6], [sflag:s4] =	dma.local [hbm:s3], $0xF7A  }
0x26: {  	[smem:$0x3F9A] =	sst s1;
	(tag) =	ssettag s2;
	_ =	strace s9  }
0x27: {  	s1 =	sld [smem:$0x3FAA]  }
0x28: {  	s2 =	sld [smem:$0x3FAB]  }
0x29: {  	s4 =	sld [smem:$0x3FAD]  }
0x2a: {  	p0 =	seq.s32 s5, $0x0;
	s5 =	sld [smem:$0x3FAE]  }
0x2b: {  	s6 =	sld [smem:$0x3FAF]  }
0x2c: {  	s7 =	sld [smem:$0x3FB0]  }
0x2d: {  	s3 =	simm.s32 $0x108;
	s8 =	sld [smem:$0x3FB1]  }
0x2e: {  	s3 =	simm.s32 @!p0 $0x1082;
	s9 =	sld [smem:$0x3FB2]  }
0x2f: {  	lr =	sadd.s32 s0, s3;
	s0 =	sld [smem:$0x3FA9]  }
0x30: {  	s3 =	sld [smem:$0x3FAC]  }
0x31: {  	[smem:$0x3FB5] =	sst s10  }
0x32: {  	s10 =	sld [smem:$0x3FB3];
	_ =	sdelay $0x3  }
0x33: {  	p0 =	seq.s32 s10, $0x1;
	s10 =	sld [smem:$0x3FB5];
	_ =	sdelay $0x3  }
0x34: {  	[smem:$0x3FB5] =	sst s10  }
0x35: {  	s10 =	sld [smem:$0x3FB4];
	_ =	sdelay $0x3  }
0x36: {  	p1 =	seq.s32 s10, $0x1;
	s10 =	sld [smem:$0x3FB5];
	_ =	sdelay $0x3  }
0x37: {  	[smem:$0x3FB5] =	sst s10  }
0x38: {  	s10 =	sld [smem:$0x3FB6]  }
0x39: {  	_ = 	snop;
	(pc) =	sbr.ind lr, $3  }
0x3a: {  	_ = 	snop  }
0x3b: {  	_ = 	snop  }
0x3c: {  	p2 =	seq.s32 s10, $0x1;
	s10 =	sld [smem:$0x3FB5]  }
0x3d: {  	_ =	shalt  }
0x3e: {  	_ =	shalt  }
0x3f: {  	_ =	shalt  }
0x40: {  	_ =	shalt  }
0x41: {  	_ =	shalt  }
0x42: {  	_ =	shalt  }
0x43: {  	_ =	shalt  }
0x44: {  	_ =	shalt  }
0x45: {  	_ =	shalt  }
0x46: {  	_ =	shalt  }
0x47: {  	_ =	shalt  }
0x48: {  	_ =	shalt  }
0x49: {  	_ =	shalt  }
0x4a: {  	_ =	shalt  }
0x4b: {  	_ =	shalt  }
0x4c: {  	_ =	shalt  }
0x4d: {  	_ =	shalt  }
0x4e: {  	_ =	shalt  }
0x4f: {  	_ =	shalt  }
0x50: {  	_ =	shalt  }
0x51: {  	_ =	shalt  }
0x52: {  	_ =	shalt  }
0x53: {  	_ =	shalt  }
0x54: {  	_ =	shalt  }
0x55: {  	_ =	shalt  }
0x56: {  	_ =	shalt  }
0x57: {  	_ =	shalt  }
0x58: {  	_ =	shalt  }
0x59: {  	_ =	shalt  }
0x5a: {  	_ =	shalt  }
0x5b: {  	_ =	shalt  }
0x5c: {  	_ =	shalt  }
0x5d: {  	_ =	shalt  }
0x5e: {  	_ =	shalt  }
0x5f: {  	_ =	shalt  }
0x60: {  	_ =	shalt  }
0x61: {  	_ =	shalt  }
0x62: {  	_ =	shalt  }
0x63: {  	_ =	shalt  }
0x64: {  	_ =	shalt  }
0x65: {  	_ =	shalt  }
0x66: {  	_ =	shalt  }
0x67: {  	_ =	shalt  }
0x68: {  	_ =	shalt  }
0x69: {  	_ =	shalt  }
0x6a: {  	_ =	shalt  }
0x6b: {  	_ =	shalt  }
0x6c: {  	_ =	shalt  }
0x6d: {  	_ =	shalt  }
0x6e: {  	_ =	shalt  }
0x6f: {  	_ =	shalt  }
0x70: {  	_ =	shalt  }
0x71: {  	_ =	shalt  }
0x72: {  	_ =	shalt  }
0x73: {  	_ =	shalt  }
0x74: {  	_ =	shalt  }
0x75: {  	_ =	shalt  }
0x76: {  	_ =	shalt  }
0x77: {  	_ =	shalt  }
0x78: {  	_ =	shalt  }
0x79: {  	_ =	shalt  }
0x7a: {  	_ =	shalt  }
0x7b: {  	_ =	shalt  }
0x7c: {  	_ =	shalt  }
0x7d: {  	_ =	shalt  }
0x7e: {  	_ =	shalt  }
0x7f: {  	_ =	shalt  }
0x80: {  	_ =	shalt  }
0x81: {  	_ =	shalt  }
0x82: {  	_ =	shalt  }
0x83: {  	_ =	shalt  }
0x84: {  	_ =	shalt  }
0x85: {  	_ =	shalt  }
0x86: {  	_ =	shalt  }
0x87: {  	_ =	shalt  }
.Lfunc_end0:
.L_simem_size_0:
called_computation.2_lowered:
.L_overlay_start_0:
0x88: {  	s2 =	sld [smem:$0x3FD9]  }
0x89: {  	s3 =	sld [smem:$0x3FFE];
	_ =	sdelay $0x1  }
0x8a: {  	s1 =	srdreg.scid  }
0x8b: {  	s0 =	sand.u32 $0x1, s1  }
0x8c: {  	s17 =	sshll.u32 s0, $0xA;
	s2 =	sadd.s32 s3, s2  }
0x8d: {  	s2 =	sadd.s32 s2, s17  }
0x8e: {  	[smem:$0x3FC1] =	sst s2  }
0x8f: {  	_ = 	snop  }
0x90: {  	s2 =	sld [smem:$0x3FD0];
	(tm) =	ssettm $0x1  }
0x91: {  	s18 =	sld [smem:$0x3FFB];
	_ =	sdelay $0x3  }
0x92: {  	_ =	strace s18  }
0x93: {  	s3 =	sld [smem:$0x3FFC];
	_ =	sdelay $0x3  }
0x94: {  	_ =	strace s3  }
0x95: {  	s3 =	sld [smem:$0x3FFD];
	_ =	sdelay $0x3  }
0x96: {  	_ =	strace s3  }
0x97: {  	_ =	strace $0x8FFFFFFF  }
0x98: {  	s19 =	sld [smem:$0x3FDB];
	_ =	sdelay $0x1  }
0x99: {  	s4 =	simm.s32 $_scs_section_size  }
0x9a: {  	s5 =	simm.s32 $_size__tile_overlayer_lowered;
	s6 =	simm.s32 $_tile_overlayer_lowered  }
0x9b: {  	s22 =	simm.s32 $0x1BFF;
	s21 =	sshll.u32 s6, $0x1;
	s3 =	sadd.s32 s4, s19  }
0x9c: {  	s7 =	simm.s32 $0x0;
	s20 =	sshll.u32 s5, $0x1;
	s5 =	sadd.s32 s21, s3  }
0x9d: {  	[timem:s7], [sflag:s22] =	dma.local [hbm:s5], s20  }
0x9e: {  	_ =	swait.ge [sflag:s22], s20  }
0x9f: {  	s4 =	ssub.s32 $0x0, s20;
	[sflag:s22] =	ssyncset.done $0x0  }
0xa0: {  	[sflag:s22] =	ssyncadd.s32 s4;
	_ =	sdelay $0x1  }
0xa1: {  	s23 =	simm.s32 $0x1B8B  }
0xa2: {  	_ =	swait.ge [sflag:s23], $0x1  }
0xa3: {  	[sflag:s23] =	ssyncset.done $0x0  }
0xa4: {  	s25 =	simm.s32 $0x1B8E;
	s24 =	sld [smem:$0x3FFE];
	[sflag:s23] =	ssyncadd.s32 $0xFFFFFFFF  }
0xa5: {  	s26 =	simm.s32 $execute0_lowered;
	[smem:$0x3FD2] =	sst s25  }
0xa6: {  	s5 =	sshll.u32 s26, $0x1;
	_ =	strace $0x8000004C;
	[dreg:$0x1] =	wrdreg $0xFFFFFFFF  }
0xa7: {  	s28 =	simm.s32 $_size_execute0_lowered;
	s3 =	sadd.s32 s3, s5;
	[dreg:$0x0] =	wrdreg $0x0  }
0xa8: {  	s5 =	sshll.u32 s28, $0x1;
	[dreg:$0x2] =	wrdreg s3  }
0xa9: {  	[dreg:$0x3] =	wrdreg s5  }
0xaa: {  	[dreg:$0x4] =	wrdreg $0xC0  }
0xab: {  	_ =	task [dreg:s7], $0x5FFFF  }
0xac: {  	[dreg:$0x1] =	wrdreg $0xFFFFFFFF  }
0xad: {  	[dreg:$0x0] =	wrdreg $0x60  }
0xae: {  	[dreg:$0x2] =	wrdreg s2  }
0xaf: {  	[dreg:$0x3] =	wrdreg s24  }
0xb0: {  	[dreg:$0x4] =	wrdreg $0xAF000  }
0xb1: {  	[dreg:$0x5] =	wrdreg $0x9  }
0xb2: {  	_ =	task.clear_ibuf [dreg:s7], $0x6FFFF;
	_ =	strace $0x9000004C  }
0xb3: {  	s29 =	simm.s32 $0x9;
	_ =	strace $0x8000004E  }
0xb4: {  	_ =	swait.ge [sflag:s29], $0x1  }
0xb5: {  	[sflag:s29] =	ssyncadd.s32 $0xFFFFFFFF  }
0xb6: {  	_ =	strace $0x9000004E  }
0xb7: {  	_ =	sfence  }
0xb8: {  	s30 =	sld [smem:$0x0];
	_ =	sdelay $0x2  }
0xb9: {  	s31 =	sshll.u32 s1, $0xD;
	s1 =	sshrl.u32 s1, $0x2  }
0xba: {  	s3 =	sand.u32 $0x4000, s31;
	s1 =	sadd.s32 s1, s30  }
0xbb: {  	s0 =	sor.u32 s3, s0;
	s1 =	sshll.u32 s1, $0x11  }
0xbc: {  	s0 =	sor.u32 s1, s0  }
0xbd: {  	s0 =	sadd.s32 $0x8F2B, s0  }
0xbe: {  	[sflag:s0] =	ssyncadd.remote.s32 $0x1  }
0xbf: {  	_ =	sfence.sel $0xFFFF  }
0xc0: {  	[dreg:$0x0] =	wrdreg $0xFFFFFFFF;
	(pc) =	sbr.abs _section_cstart, $3  }
0xc1: {  	[dreg:$0x1] =	wrdreg $0xFFFFFFFF  }
0xc2: {  	_ =	task.clear_ibuf [dreg:s7], $0x2FFFF;
	_ =	strace $0x9FFFFFFF  }
0xc3: {  	(tm) =	ssettm $0x7FFFFFFF  }
tec
execute0_lowered:
.L_overlay_start_1:
0x0: {  	(tag) =	ssettag $0x1  }
0x1: {  	s1 =	rddreg [dreg:$0x0]  }
0x2: {  	s0 =	rddreg [dreg:$0x1];
	s12 =	stileid.u32  }
0x3: {  	s2 =	rddreg [dreg:$0x2];
	s6 =	smul.u32 $0x14000, s12  }
0x4: {  	s3 =	srdreg.scid;
	s4 =	simm.s32 $0x0;
	s16 =	smul.u32 $0x50000, s12  }
0x5: {  	s14 =	simm.s32 $0x1480;
	s3 =	sand.u32 $0x1, s3;
	s24 =	smul.u32 $0xD00, s12  }
0x6: {  	[smem:$0x7FF] =	sst s4;
	s7 =	sadd.s32 $0x3A00, s0;
	s5 =	smul.u32 $0x140000, s3  }
0x7: {  	_ =	strace $0x8000004D;
	s8 =	sshll.u32 s3, $0x4;
	s10 =	ssub.s32 $0x2, s3  }
0x8: {  	[dreg:$0x7] =	wrdreg s14;
	s8 =	sor.u32 s12, s8;
	s11 =	sshrl.u32 s10, $0x1  }
0x9: {  	s12 =	simm.s32 $0x1380;
	s5 =	sadd.s32 s6, s5;
	s9 =	sshll.u32 s8, $0x5  }
0xa: {  	s17 =	ssub.s32 s10, s11;
	s10 =	simm.s32 $0x1280;
	[dreg:$0x6] =	wrdreg s12  }
0xb: {  	s6 =	sshrl.u32 s16, $0x2;
	s16 =	simm.s32 $0x1580;
	[dreg:$0x5] =	wrdreg s10  }
0xc: {  	s9 =	sadd.s32 s9, s0;
	s23 =	smax.u32 s17, $0x1;
	[dreg:$0x8] =	wrdreg s16  }
0xd: {  	s6 =	sadd.s32 s6, s2;
	s9 =	sadd.s32 $0x2C00, s9;
	[dreg:$0x10] =	wrdreg s23  }
0xe: {  	s8 =	smul.u32 $0xD00, s8;
	s25 =	sadd.s32 $0x1000, s6;
	[dreg:$0xe] =	wrdreg s9  }
0xf: {  	s5 =	sshrl.u32 s5, $0x3;
	s26 =	sadd.s32 $0x2000, s6;
	[dreg:$0x11] =	wrdreg s25  }
0x10: {  	s0 =	sadd.s32 s5, s0;
	s31 =	sadd.s32 $0x3000, s6;
	[dreg:$0x12] =	wrdreg s26  }
0x11: {  	s5 =	sadd.s32 s7, s8;
	s8 =	sadd.s32 $0x4000, s6;
	[dreg:$0x13] =	wrdreg s31  }
0x12: {  	s11 =	sadd.s32 $0x6000, s6;
	[dreg:$0x14] =	wrdreg s8  }
0x13: {  	s13 =	sadd.s32 $0x7000, s6;
	[dreg:$0x16] =	wrdreg s11  }
0x14: {  	s15 =	sadd.s32 $0x8000, s6;
	[dreg:$0x17] =	wrdreg s13  }
0x15: {  	s17 =	sadd.s32 $0x9000, s6;
	[dreg:$0x18] =	wrdreg s15  }
0x16: {  	s23 =	sadd.s32 $0xF000, s6;
	[dreg:$0x19] =	wrdreg s17  }
0x17: {  	s28 =	simm.s32 $0x4;
	s18 =	sadd.s32 $0x20, s5;
	[dreg:$0x1f] =	wrdreg s23  }
0x18: {  	s29 =	simm.s32 $0x5;
	s19 =	sadd.s32 $0x40, s5;
	[dreg:$0x9] =	wrdreg s18  }
0x19: {  	s30 =	simm.s32 $0x6;
	s20 =	sadd.s32 $0x60, s5;
	[dreg:$0xa] =	wrdreg s19  }
0x1a: {  	s3 =	smul.u32 $0xD000, s3;
	s21 =	sadd.s32 $0x80, s5;
	[dreg:$0xb] =	wrdreg s20  }
0x1b: {  	s14 =	simm.s32 $0x1400;
	s22 =	sadd.s32 $0xA0, s5;
	[dreg:$0xc] =	wrdreg s21  }
0x1c: {  	s3 =	sadd.s32 s3, s7;
	s0 =	sadd.s32 $0x1DC00, s0;
	[dreg:$0xd] =	wrdreg s22  }
0x1d: {  	s12 =	simm.s32 $0x1200;
	s9 =	sadd.s32 $0x5000, s6;
	[dreg:$0xf] =	wrdreg s0  }
0x1e: {  	s10 =	simm.s32 $0xA;
	s25 =	sadd.s32 $0x11000, s6;
	[dreg:$0x15] =	wrdreg s9  }
0x1f: {  	s16 =	simm.s32 $0x60;
	s26 =	sadd.s32 $0x12000, s6;
	[smem:$0x7FB] =	sst s25  }
0x20: {  	s7 =	simm.s32 $0x0;
	s31 =	sadd.s32 $0x13000, s6;
	[smem:$0x7FC] =	sst s26  }
0x21: {  	s8 =	simm.s32 $0x1;
	s0 =	sadd.s32 s24, s3;
	[smem:$0x7FD] =	sst s31  }
0x22: {  	s11 =	simm.s32 $0x1100;
	s18 =	sadd.s32 $0xA000, s6;
	[dreg:$0x4] =	wrdreg s0  }
0x23: {  	s13 =	simm.s32 $0x1300;
	s19 =	sadd.s32 $0xB000, s6;
	[dreg:$0x1a] =	wrdreg s18  }
0x24: {  	s15 =	simm.s32 $0x1500;
	s20 =	sadd.s32 $0xC000, s6;
	[dreg:$0x1b] =	wrdreg s19  }
0x25: {  	s17 =	simm.s32 $0x1600;
	s21 =	sadd.s32 $0xD000, s6;
	[dreg:$0x1c] =	wrdreg s20  }
0x26: {  	s23 =	simm.s32 $0x1180;
	s22 =	sadd.s32 $0xE000, s6;
	[dreg:$0x1d] =	wrdreg s21  }
0x27: {  	s24 =	sadd.s32 $0x10000, s6;
	s9 =	simm.s32 $0x1000;
	[dreg:$0x1e] =	wrdreg s22  }
0x28: {  	s25 =	simm.s32 $0x3;
	s26 =	simm.s32 $0x9;
	[smem:$0x7FA] =	sst s24  }
0x29: {  	s18 =	simm.s32 $0x4600;
	s19 =	simm.s32 $0x7600;
	s20 =	simm.s32 $0x1080  }
0x2a: {  	v0 =	vimm.f32 $0.0e+00;
	s21 =	simm.s32 $0x7;
	s22 =	simm.s32 $0x2;
	s24 =	simm.s32 $0x8  }
.LBB2_1:
0x2b: {  	s0 =	simm.s32 $0x0;
	s31 =	simm.s32 $0x200  }
.LBB2_2:
0x2c: {  	p0 =	sne.s32 s31, $0x3E00;
	[tilespmem:s0+$0x70] =	vst v0  }
0x2d: {  	[tilespmem:s0+$0x0] =	vst v0  }
0x2e: {  	[tilespmem:s0+$0x10] =	vst v0  }
.Ltmp0:
0x2f: {  	[tilespmem:s0+$0x20] =	vst v0;
	(pc) =	sbr.rel @p0 .LBB2_2-.Ltmp0, $4  }
0x30: {  	[tilespmem:s0+$0x30] =	vst v0  }
0x31: {  	[tilespmem:s0+$0x40] =	vst v0  }
0x32: {  	[tilespmem:s0+$0x50] =	vst v0  }
0x33: {  	[tilespmem:s0+$0x60] =	vst v0;
	s0 =	sshra.s32 s31, $0x2;
	s31 =	sadd.s32 $0x200, s31  }
0x34: {  	[tilespmem:s0+$0x70] =	vst v0  }
0x35: {  	[tilespmem:s0+$0x0] =	vst v0  }
0x36: {  	[tilespmem:s0+$0x10] =	vst v0  }
0x37: {  	[tilespmem:s0+$0x20] =	vst v0  }
0x38: {  	[tilespmem:s0+$0x30] =	vst v0  }
0x39: {  	[tilespmem:s0+$0x40] =	vst v0  }
0x3a: {  	[tilespmem:s0+$0x50] =	vst v0  }
0x3b: {  	[tilespmem:s0+$0x60] =	vst v0;
	s0 =	simm.s32 $0x0  }
0x3c: {  	[spmem:s6] =	stream.linear.scatter [tilespmem:s0], [sflag:$0x1], $0x1000, $0x38;
	[tilespmem:$0x1EF00] =	vst v63  }
0x3d: {  	s3 =	rddreg [dreg:$0x11]  }
0x3e: {  	[spmem:s3] =	stream.linear.scatter [tilespmem:s0], [sflag:$0x1], $0x1000, $0x38;
	[tilespmem:$0x1EF00] =	vst v63  }
0x3f: {  	s3 =	rddreg [dreg:$0x12]  }
0x40: {  	[spmem:s3] =	stream.linear.scatter [tilespmem:s0], [sflag:$0x1], $0x1000, $0x38;
	[tilespmem:$0x1EF00] =	vst v63  }
0x41: {  	s3 =	rddreg [dreg:$0x13]  }
0x42: {  	[spmem:s3] =	stream.linear.scatter [tilespmem:s0], [sflag:$0x1], $0x1000, $0x38;
	[tilespmem:$0x1EF00] =	vst v63  }
0x43: {  	s3 =	rddreg [dreg:$0x14]  }
0x44: {  	[spmem:s3] =	stream.linear.scatter [tilespmem:s0], [sflag:$0x1], $0x1000, $0x38;
	[tilespmem:$0x1EF00] =	vst v63  }
0x45: {  	s3 =	rddreg [dreg:$0x15]  }
0x46: {  	[spmem:s3] =	stream.linear.scatter [tilespmem:s0], [sflag:$0x1], $0x1000, $0x38;
	[tilespmem:$0x1EF00] =	vst v63  }
0x47: {  	s3 =	rddreg [dreg:$0x16]  }
0x48: {  	[spmem:s3] =	stream.linear.scatter [tilespmem:s0], [sflag:$0x1], $0x1000, $0x38;
	[tilespmem:$0x1EF00] =	vst v63  }
0x49: {  	s3 =	rddreg [dreg:$0x17]  }
0x4a: {  	[spmem:s3] =	stream.linear.scatter [tilespmem:s0], [sflag:$0x1], $0x1000, $0x38;
	[tilespmem:$0x1EF00] =	vst v63  }
0x4b: {  	s3 =	rddreg [dreg:$0x18]  }
0x4c: {  	[spmem:s3] =	stream.linear.scatter [tilespmem:s0], [sflag:$0x1], $0x1000, $0x38;
	[tilespmem:$0x1EF00] =	vst v63  }
0x4d: {  	s3 =	rddreg [dreg:$0x19]  }
0x4e: {  	[spmem:s3] =	stream.linear.scatter [tilespmem:s0], [sflag:$0x1], $0x1000, $0x38;
	[tilespmem:$0x1EF00] =	vst v63  }
0x4f: {  	s3 =	rddreg [dreg:$0x1a]  }
0x50: {  	[spmem:s3] =	stream.linear.scatter [tilespmem:s0], [sflag:$0x1], $0x1000, $0x38;
	[tilespmem:$0x1EF00] =	vst v63  }
0x51: {  	s3 =	rddreg [dreg:$0x1b]  }
0x52: {  	[spmem:s3] =	stream.linear.scatter [tilespmem:s0], [sflag:$0x1], $0x1000, $0x38;
	[tilespmem:$0x1EF00] =	vst v63  }
0x53: {  	s3 =	rddreg [dreg:$0x1c]  }
0x54: {  	[spmem:s3] =	stream.linear.scatter [tilespmem:s0], [sflag:$0x1], $0x1000, $0x38;
	[tilespmem:$0x1EF00] =	vst v63  }
0x55: {  	s3 =	rddreg [dreg:$0x1d]  }
0x56: {  	[spmem:s3] =	stream.linear.scatter [tilespmem:s0], [sflag:$0x1], $0x1000, $0x38;
	[tilespmem:$0x1EF00] =	vst v63  }
0x57: {  	s3 =	rddreg [dreg:$0x1e]  }
0x58: {  	[spmem:s3] =	stream.linear.scatter [tilespmem:s0], [sflag:$0x1], $0x1000, $0x38;
	[tilespmem:$0x1EF00] =	vst v63  }
0x59: {  	s3 =	rddreg [dreg:$0x1f]  }
0x5a: {  	[spmem:s3] =	stream.linear.scatter [tilespmem:s0], [sflag:$0x1], $0x1000, $0x38;
	[tilespmem:$0x1EF00] =	vst v63  }
0x5b: {  	s3 =	sld [smem:$0x7FA];
	_ =	sdelay $0x2  }
0x5c: {  	[spmem:s3] =	stream.linear.scatter [tilespmem:s0], [sflag:$0x1], $0x1000, $0x38;
	[tilespmem:$0x1EF00] =	vst v63  }
0x5d: {  	s3 =	sld [smem:$0x7FB];
	_ =	sdelay $0x2  }
0x5e: {  	[spmem:s3] =	stream.linear.scatter [tilespmem:s0], [sflag:$0x1], $0x1000, $0x38;
	[tilespmem:$0x1EF00] =	vst v63  }
0x5f: {  	s3 =	sld [smem:$0x7FC];
	_ =	sdelay $0x2  }
0x60: {  	[spmem:s3] =	stream.linear.scatter [tilespmem:s0], [sflag:$0x1], $0x1000, $0x38;
	[tilespmem:$0x1EF00] =	vst v63  }
0x61: {  	s3 =	sld [smem:$0x7FD];
	_ =	sdelay $0x2  }
0x62: {  	[spmem:s3] =	stream.linear.scatter [tilespmem:s0], [sflag:$0x1], $0x1000, $0x38;
	[tilespmem:$0x1EF00] =	vst v63  }
0x63: {  	_ =	swait.ge [sflag:s8], $0x1000  }
0x64: {  	[sflag:s8] =	ssyncset.done $0x0  }
0x65: {  	[sflag:s8] =	ssyncadd.s32 $0xFFFFF000  }
0x66: {  	_ =	swait.ge [sflag:s8], $0x1000  }
0x67: {  	[sflag:s8] =	ssyncset.done $0x0  }
0x68: {  	[sflag:s8] =	ssyncadd.s32 $0xFFFFF000  }
0x69: {  	_ =	swait.ge [sflag:s8], $0x1000  }
0x6a: {  	[sflag:s8] =	ssyncset.done $0x0  }
0x6b: {  	[sflag:s8] =	ssyncadd.s32 $0xFFFFF000  }
0x6c: {  	_ =	swait.ge [sflag:s8], $0x1000  }
0x6d: {  	[sflag:s8] =	ssyncset.done $0x0  }
0x6e: {  	[sflag:s8] =	ssyncadd.s32 $0xFFFFF000  }
0x6f: {  	_ =	swait.ge [sflag:s8], $0x1000  }
0x70: {  	[sflag:s8] =	ssyncset.done $0x0  }
0x71: {  	[sflag:s8] =	ssyncadd.s32 $0xFFFFF000  }
0x72: {  	_ =	swait.ge [sflag:s8], $0x1000  }
0x73: {  	[sflag:s8] =	ssyncset.done $0x0  }
0x74: {  	[sflag:s8] =	ssyncadd.s32 $0xFFFFF000  }
0x75: {  	_ =	swait.ge [sflag:s8], $0x1000  }
0x76: {  	[sflag:s8] =	ssyncset.done $0x0  }
0x77: {  	[sflag:s8] =	ssyncadd.s32 $0xFFFFF000  }
0x78: {  	_ =	swait.ge [sflag:s8], $0x1000  }
0x79: {  	[sflag:s8] =	ssyncset.done $0x0  }
0x7a: {  	[sflag:s8] =	ssyncadd.s32 $0xFFFFF000  }
0x7b: {  	_ =	swait.ge [sflag:s8], $0x1000  }
0x7c: {  	[sflag:s8] =	ssyncset.done $0x0  }
0x7d: {  	[sflag:s8] =	ssyncadd.s32 $0xFFFFF000  }
0x7e: {  	_ =	swait.ge [sflag:s8], $0x1000  }
0x7f: {  	[sflag:s8] =	ssyncset.done $0x0  }
0x80: {  	[sflag:s8] =	ssyncadd.s32 $0xFFFFF000  }
0x81: {  	_ =	swait.ge [sflag:s8], $0x1000  }
0x82: {  	[sflag:s8] =	ssyncset.done $0x0  }
0x83: {  	[sflag:s8] =	ssyncadd.s32 $0xFFFFF000  }
0x84: {  	_ =	swait.ge [sflag:s8], $0x1000  }
0x85: {  	[sflag:s8] =	ssyncset.done $0x0  }
0x86: {  	[sflag:s8] =	ssyncadd.s32 $0xFFFFF000  }
0x87: {  	_ =	swait.ge [sflag:s8], $0x1000  }
0x88: {  	[sflag:s8] =	ssyncset.done $0x0  }
0x89: {  	[sflag:s8] =	ssyncadd.s32 $0xFFFFF000  }
0x8a: {  	_ =	swait.ge [sflag:s8], $0x1000  }
0x8b: {  	[sflag:s8] =	ssyncset.done $0x0  }
0x8c: {  	[sflag:s8] =	ssyncadd.s32 $0xFFFFF000  }
0x8d: {  	_ =	swait.ge [sflag:s8], $0x1000  }
0x8e: {  	[sflag:s8] =	ssyncset.done $0x0  }
0x8f: {  	[sflag:s8] =	ssyncadd.s32 $0xFFFFF000  }
0x90: {  	_ =	swait.ge [sflag:s8], $0x1000  }
0x91: {  	[sflag:s8] =	ssyncset.done $0x0  }
0x92: {  	[sflag:s8] =	ssyncadd.s32 $0xFFFFF000  }
0x93: {  	_ =	swait.ge [sflag:s8], $0x1000  }
0x94: {  	[sflag:s8] =	ssyncset.done $0x0  }
0x95: {  	[sflag:s8] =	ssyncadd.s32 $0xFFFFF000  }
0x96: {  	_ =	swait.ge [sflag:s8], $0x1000  }
0x97: {  	[sflag:s8] =	ssyncset.done $0x0  }
0x98: {  	[sflag:s8] =	ssyncadd.s32 $0xFFFFF000  }
0x99: {  	_ =	swait.ge [sflag:s8], $0x1000  }
0x9a: {  	[sflag:s8] =	ssyncset.done $0x0  }
0x9b: {  	[sflag:s8] =	ssyncadd.s32 $0xFFFFF000  }
0x9c: {  	_ =	swait.ge [sflag:s8], $0x1000  }
0x9d: {  	[sflag:s8] =	ssyncset.done $0x0  }
0x9e: {  	[sflag:s8] =	ssyncadd.s32 $0xFFFFF000  }
0x9f: {  	[bflag:$0x0] =	sbarrier.arrive $0xFFFF  }
0xa0: {  	[tilespmem:s9], [sflag:$0xA] =	stream.linear.gather [hbm4b:s5+s0], $0x100, $0x38;
	[tilespmem:$0x1EF00] =	vst v63  }
0xa1: {  	_ =	swait.ge [sflag:s10], $0x100  }
0xa2: {  	[sflag:s10] =	ssyncset.done $0x0  }
0xa3: {  	s3 =	rddreg [dreg:$0x9];
	[sflag:s10] =	ssyncadd.s32 $0xFFFFFF00  }
0xa4: {  	[tilespmem:s11], [sflag:$0xA] =	stream.linear.gather [hbm4b:s3+s0], $0x100, $0x38;
	[tilespmem:$0x1EF00] =	vst v63  }
0xa5: {  	_ =	swait.ge [sflag:s10], $0x100  }
0xa6: {  	[sflag:s10] =	ssyncset.done $0x0  }
0xa7: {  	s3 =	rddreg [dreg:$0xa];
	[sflag:s10] =	ssyncadd.s32 $0xFFFFFF00  }
0xa8: {  	[tilespmem:s12], [sflag:$0xA] =	stream.linear.gather [hbm4b:s3+s0], $0x100, $0x38;
	[tilespmem:$0x1EF00] =	vst v63  }
0xa9: {  	_ =	swait.ge [sflag:s10], $0x100  }
0xaa: {  	[sflag:s10] =	ssyncset.done $0x0  }
0xab: {  	s3 =	rddreg [dreg:$0xb];
	[sflag:s10] =	ssyncadd.s32 $0xFFFFFF00  }
0xac: {  	[tilespmem:s13], [sflag:$0x7] =	stream.linear.gather [hbm4b:s3+s0], $0x100, $0x38;
	[tilespmem:$0x1EF00] =	vst v63  }
0xad: {  	s3 =	rddreg [dreg:$0xc]  }
0xae: {  	[tilespmem:s14], [sflag:$0x8] =	stream.linear.gather [hbm4b:s3+s0], $0x100, $0x38;
	[tilespmem:$0x1EF00] =	vst v63  }
0xaf: {  	s3 =	rddreg [dreg:$0xd]  }
0xb0: {  	[tilespmem:s15], [sflag:$0x9] =	stream.linear.gather [hbm4b:s3+s0], $0x100, $0x38;
	[tilespmem:$0x1EF00] =	vst v63  }
0xb1: {  	_ = 	snop  }
0xb2: {  	[tilespmem:s17], [sflag:$0x1] =	stream.indirect.gather [hbm4b:s1+s16], $0x80, s9, s16, $0xb8;
	[tilespmem:$0x1EF00] =	vst v63  }
0xb3: {  	_ = 	snop  }
0xb4: {  	[tilespmem:s18], [sflag:$0x2] =	stream.indirect.gather [hbm4b:s1+s16], $0x80, s11, s16, $0xb8;
	[tilespmem:$0x1EF00] =	vst v63  }
0xb5: {  	_ = 	snop  }
0xb6: {  	[tilespmem:s19], [sflag:$0x3] =	stream.indirect.gather [hbm4b:s1+s16], $0x80, s12, s16, $0xb8;
	[tilespmem:$0x1EF00] =	vst v63  }
0xb7: {  	_ =	swait.ge [sflag:s8], $0x3000  }
0xb8: {  	[sflag:s8] =	ssyncset.done $0x0  }
0xb9: {  	[sflag:s8] =	ssyncadd.s32 $0xFFFFD000  }
0xba: {  	[spmem:s2] =	stream.indirect.scatter.add.f32 [tilespmem:s17], [sflag:$0xA], $0x80, s20, s16, $0xb8;
	[tilespmem:$0x1EF00] =	vst v63  }
0xbb: {  	_ =	swait.ge [sflag:s10], $0x3000  }
0xbc: {  	s3 =	rddreg [dreg:$0x4]  }
0xbd: {  	[sflag:s10] =	ssyncset.done $0x0;
	s0 =	sadd.s32 $0x0, s3  }
0xbe: {  	[sflag:s10] =	ssyncadd.s32 $0xFFFFD000;
	s31 =	sadd.s32 $0xC0, s0  }
0xbf: {  	[tilespmem:s9], [sflag:$0x4] =	stream.linear.gather [hbm4b:s31+s4], $0x100, $0x38;
	[tilespmem:$0x1EF00] =	vst v63  }
0xc0: {  	_ =	swait.ge [sflag:s21], $0x100  }
0xc1: {  	[sflag:s21] =	ssyncset.done $0x0  }
0xc2: {  	[sflag:s21] =	ssyncadd.s32 $0xFFFFFF00  }
0xc3: {  	[tilespmem:s17], [sflag:$0x1] =	stream.indirect.gather [hbm4b:s1+s16], $0x80, s13, s16, $0xb8;
	[tilespmem:$0x1EF00] =	vst v63  }
0xc4: {  	_ =	swait.ge [sflag:s22], $0x3000  }
0xc5: {  	[sflag:s22] =	ssyncset.done $0x0  }
0xc6: {  	[sflag:s22] =	ssyncadd.s32 $0xFFFFD000  }
0xc7: {  	[spmem:s2] =	stream.indirect.scatter.add.f32 [tilespmem:s18], [sflag:$0xA], $0x80, s23, s16, $0xb8;
	[tilespmem:$0x1EF00] =	vst v63  }
0xc8: {  	_ =	swait.ge [sflag:s10], $0x3000  }
0xc9: {  	[sflag:s10] =	ssyncset.done $0x0  }
0xca: {  	s31 =	sadd.s32 $0xE0, s0;
	[sflag:s10] =	ssyncadd.s32 $0xFFFFD000  }
0xcb: {  	[tilespmem:s11], [sflag:$0x5] =	stream.linear.gather [hbm4b:s31+s4], $0x100, $0x38;
	[tilespmem:$0x1EF00] =	vst v63  }
0xcc: {  	_ =	swait.ge [sflag:s24], $0x100  }
0xcd: {  	[sflag:s24] =	ssyncset.done $0x0  }
0xce: {  	[sflag:s24] =	ssyncadd.s32 $0xFFFFFF00  }
0xcf: {  	[tilespmem:s18], [sflag:$0x2] =	stream.indirect.gather [hbm4b:s1+s16], $0x80, s14, s16, $0xb8;
	[tilespmem:$0x1EF00] =	vst v63  }
0xd0: {  	_ =	swait.ge [sflag:s25], $0x3000  }
0xd1: {  	[sflag:s25] =	ssyncset.done $0x0  }
0xd2: {  	s31 =	rddreg [dreg:$0x5];
	[sflag:s25] =	ssyncadd.s32 $0xFFFFD000  }
0xd3: {  	[spmem:s2] =	stream.indirect.scatter.add.f32 [tilespmem:s19], [sflag:$0xA], $0x80, s31, s16, $0xb8;
	[tilespmem:$0x1EF00] =	vst v63  }
0xd4: {  	_ =	swait.ge [sflag:s10], $0x3000  }
0xd5: {  	[sflag:s10] =	ssyncset.done $0x0  }
0xd6: {  	s31 =	sadd.s32 $0x100, s0;
	[sflag:s10] =	ssyncadd.s32 $0xFFFFD000  }
0xd7: {  	[tilespmem:s12], [sflag:$0x6] =	stream.linear.gather [hbm4b:s31+s4], $0x100, $0x38;
	[tilespmem:$0x1EF00] =	vst v63  }
0xd8: {  	_ =	swait.ge [sflag:s26], $0x100  }
0xd9: {  	[sflag:s26] =	ssyncset.done $0x0  }
0xda: {  	[sflag:s26] =	ssyncadd.s32 $0xFFFFFF00  }
0xdb: {  	[tilespmem:s19], [sflag:$0x3] =	stream.indirect.gather [hbm4b:s1+s16], $0x80, s15, s16, $0xb8;
	[tilespmem:$0x1EF00] =	vst v63  }
0xdc: {  	_ =	swait.ge [sflag:s8], $0x3000  }
0xdd: {  	[sflag:s8] =	ssyncset.done $0x0  }
0xde: {  	s31 =	rddreg [dreg:$0x6];
	[sflag:s8] =	ssyncadd.s32 $0xFFFFD000  }
0xdf: {  	[spmem:s2] =	stream.indirect.scatter.add.f32 [tilespmem:s17], [sflag:$0xA], $0x80, s31, s16, $0xb8;
	[tilespmem:$0x1EF00] =	vst v63  }
0xe0: {  	_ =	swait.ge [sflag:s10], $0x3000  }
0xe1: {  	[sflag:s10] =	ssyncset.done $0x0  }
0xe2: {  	s31 =	sadd.s32 $0x120, s0;
	[sflag:s10] =	ssyncadd.s32 $0xFFFFD000  }
0xe3: {  	[tilespmem:s13], [sflag:$0x7] =	stream.linear.gather [hbm4b:s31+s4], $0x100, $0x38;
	[tilespmem:$0x1EF00] =	vst v63  }
0xe4: {  	_ =	swait.ge [sflag:s28], $0x100  }
0xe5: {  	[sflag:s28] =	ssyncset.done $0x0  }
0xe6: {  	[sflag:s28] =	ssyncadd.s32 $0xFFFFFF00  }
0xe7: {  	[tilespmem:s17], [sflag:$0x1] =	stream.indirect.gather [hbm4b:s1+s16], $0x80, s9, s16, $0xb8;
	[tilespmem:$0x1EF00] =	vst v63  }
0xe8: {  	_ =	swait.ge [sflag:s22], $0x3000  }
0xe9: {  	[sflag:s22] =	ssyncset.done $0x0  }
0xea: {  	s31 =	rddreg [dreg:$0x7];
	[sflag:s22] =	ssyncadd.s32 $0xFFFFD000  }
0xeb: {  	[spmem:s2] =	stream.indirect.scatter.add.f32 [tilespmem:s18], [sflag:$0xA], $0x80, s31, s16, $0xb8;
	[tilespmem:$0x1EF00] =	vst v63  }
0xec: {  	_ =	swait.ge [sflag:s10], $0x3000  }
0xed: {  	[sflag:s10] =	ssyncset.done $0x0  }
0xee: {  	s31 =	sadd.s32 $0x140, s0;
	[sflag:s10] =	ssyncadd.s32 $0xFFFFD000  }
0xef: {  	[tilespmem:s14], [sflag:$0x8] =	stream.linear.gather [hbm4b:s31+s4], $0x100, $0x38;
	[tilespmem:$0x1EF00] =	vst v63  }
0xf0: {  	_ =	swait.ge [sflag:s29], $0x100  }
0xf1: {  	[sflag:s29] =	ssyncset.done $0x0  }
0xf2: {  	[sflag:s29] =	ssyncadd.s32 $0xFFFFFF00  }
0xf3: {  	[tilespmem:s18], [sflag:$0x2] =	stream.indirect.gather [hbm4b:s1+s16], $0x80, s11, s16, $0xb8;
	[tilespmem:$0x1EF00] =	vst v63  }
0xf4: {  	_ =	swait.ge [sflag:s25], $0x3000  }
0xf5: {  	[sflag:s25] =	ssyncset.done $0x0  }
0xf6: {  	s31 =	rddreg [dreg:$0x8];
	[sflag:s25] =	ssyncadd.s32 $0xFFFFD000  }
0xf7: {  	[spmem:s2] =	stream.indirect.scatter.add.f32 [tilespmem:s19], [sflag:$0xA], $0x80, s31, s16, $0xb8;
	[tilespmem:$0x1EF00] =	vst v63  }
0xf8: {  	_ =	swait.ge [sflag:s10], $0x3000  }
0xf9: {  	[sflag:s10] =	ssyncset.done $0x0  }
0xfa: {  	s0 =	sadd.s32 $0x160, s0;
	[sflag:s10] =	ssyncadd.s32 $0xFFFFD000  }
0xfb: {  	[tilespmem:s15], [sflag:$0x9] =	stream.linear.gather [hbm4b:s0+s4], $0x100, $0x38;
	[tilespmem:$0x1EF00] =	vst v63  }
0xfc: {  	_ =	swait.ge [sflag:s30], $0x100  }
0xfd: {  	[sflag:s30] =	ssyncset.done $0x0  }
0xfe: {  	s31 =	simm.s32 $0xC0;
	[sflag:s30] =	ssyncadd.s32 $0xFFFFFF00  }
.LBB2_4:
0xff: {  	[tilespmem:s19], [sflag:$0x3] =	stream.indirect.gather [hbm4b:s1+s16], $0x80, s12, s16, $0xb8;
	[tilespmem:$0x1EF00] =	vst v63  }
0x100: {  	_ =	swait.ge [sflag:s8], $0x3000  }
0x101: {  	[sflag:s8] =	ssyncset.done $0x0  }
0x102: {  	[sflag:s8] =	ssyncadd.s32 $0xFFFFD000  }
0x103: {  	[spmem:s2] =	stream.indirect.scatter.add.f32 [tilespmem:s17], [sflag:$0xA], $0x80, s20, s16, $0xb8;
	[tilespmem:$0x1EF00] =	vst v63  }
0x104: {  	_ =	swait.ge [sflag:s10], $0x3000  }
0x105: {  	s0 =	smov.u32 s31;
	s3 =	rddreg [dreg:$0x4]  }
0x106: {  	[sflag:s10] =	ssyncset.done $0x0;
	s0 =	sadd.s32 s0, s3  }
0x107: {  	[sflag:s10] =	ssyncadd.s32 $0xFFFFD000;
	s3 =	sadd.s32 $0xC0, s0  }
0x108: {  	[tilespmem:s9], [sflag:$0x4] =	stream.linear.gather [hbm4b:s3+s4], $0x100, $0x38;
	[tilespmem:$0x1EF00] =	vst v63  }
0x109: {  	_ =	swait.ge [sflag:s21], $0x100  }
0x10a: {  	[sflag:s21] =	ssyncset.done $0x0  }
0x10b: {  	[sflag:s21] =	ssyncadd.s32 $0xFFFFFF00  }
0x10c: {  	[tilespmem:s17], [sflag:$0x1] =	stream.indirect.gather [hbm4b:s1+s16], $0x80, s13, s16, $0xb8;
	[tilespmem:$0x1EF00] =	vst v63  }
0x10d: {  	_ =	swait.ge [sflag:s22], $0x3000  }
0x10e: {  	[sflag:s22] =	ssyncset.done $0x0  }
0x10f: {  	[sflag:s22] =	ssyncadd.s32 $0xFFFFD000  }
0x110: {  	[spmem:s2] =	stream.indirect.scatter.add.f32 [tilespmem:s18], [sflag:$0xA], $0x80, s23, s16, $0xb8;
	[tilespmem:$0x1EF00] =	vst v63  }
0x111: {  	_ =	swait.ge [sflag:s10], $0x3000  }
0x112: {  	[sflag:s10] =	ssyncset.done $0x0  }
0x113: {  	s3 =	sadd.s32 $0xE0, s0;
	[sflag:s10] =	ssyncadd.s32 $0xFFFFD000  }
0x114: {  	[tilespmem:s11], [sflag:$0x5] =	stream.linear.gather [hbm4b:s3+s4], $0x100, $0x38;
	[tilespmem:$0x1EF00] =	vst v63  }
0x115: {  	_ =	swait.ge [sflag:s24], $0x100  }
0x116: {  	[sflag:s24] =	ssyncset.done $0x0  }
0x117: {  	[sflag:s24] =	ssyncadd.s32 $0xFFFFFF00  }
0x118: {  	[tilespmem:s18], [sflag:$0x2] =	stream.indirect.gather [hbm4b:s1+s16], $0x80, s14, s16, $0xb8;
	[tilespmem:$0x1EF00] =	vst v63  }
0x119: {  	_ =	swait.ge [sflag:s25], $0x3000  }
0x11a: {  	[sflag:s25] =	ssyncset.done $0x0  }
0x11b: {  	s3 =	rddreg [dreg:$0x5];
	[sflag:s25] =	ssyncadd.s32 $0xFFFFD000  }
0x11c: {  	[spmem:s2] =	stream.indirect.scatter.add.f32 [tilespmem:s19], [sflag:$0xA], $0x80, s3, s16, $0xb8;
	[tilespmem:$0x1EF00] =	vst v63  }
0x11d: {  	_ =	swait.ge [sflag:s10], $0x3000  }
0x11e: {  	[sflag:s10] =	ssyncset.done $0x0  }
0x11f: {  	s3 =	sadd.s32 $0x100, s0;
	[sflag:s10] =	ssyncadd.s32 $0xFFFFD000  }
0x120: {  	[tilespmem:s12], [sflag:$0x6] =	stream.linear.gather [hbm4b:s3+s4], $0x100, $0x38;
	[tilespmem:$0x1EF00] =	vst v63  }
0x121: {  	_ =	swait.ge [sflag:s26], $0x100  }
0x122: {  	[sflag:s26] =	ssyncset.done $0x0  }
0x123: {  	[sflag:s26] =	ssyncadd.s32 $0xFFFFFF00  }
0x124: {  	[tilespmem:s19], [sflag:$0x3] =	stream.indirect.gather [hbm4b:s1+s16], $0x80, s15, s16, $0xb8;
	[tilespmem:$0x1EF00] =	vst v63  }
0x125: {  	_ =	swait.ge [sflag:s8], $0x3000  }
0x126: {  	[sflag:s8] =	ssyncset.done $0x0  }
0x127: {  	s3 =	rddreg [dreg:$0x6];
	[sflag:s8] =	ssyncadd.s32 $0xFFFFD000  }
0x128: {  	[spmem:s2] =	stream.indirect.scatter.add.f32 [tilespmem:s17], [sflag:$0xA], $0x80, s3, s16, $0xb8;
	[tilespmem:$0x1EF00] =	vst v63  }
0x129: {  	_ =	swait.ge [sflag:s10], $0x3000  }
0x12a: {  	[sflag:s10] =	ssyncset.done $0x0  }
0x12b: {  	s3 =	sadd.s32 $0x120, s0;
	[sflag:s10] =	ssyncadd.s32 $0xFFFFD000  }
0x12c: {  	[tilespmem:s13], [sflag:$0x7] =	stream.linear.gather [hbm4b:s3+s4], $0x100, $0x38;
	[tilespmem:$0x1EF00] =	vst v63  }
0x12d: {  	_ =	swait.ge [sflag:s28], $0x100  }
0x12e: {  	[sflag:s28] =	ssyncset.done $0x0  }
0x12f: {  	[sflag:s28] =	ssyncadd.s32 $0xFFFFFF00  }
0x130: {  	[tilespmem:s17], [sflag:$0x1] =	stream.indirect.gather [hbm4b:s1+s16], $0x80, s9, s16, $0xb8;
	[tilespmem:$0x1EF00] =	vst v63  }
0x131: {  	_ =	swait.ge [sflag:s22], $0x3000  }
0x132: {  	[sflag:s22] =	ssyncset.done $0x0  }
0x133: {  	s3 =	rddreg [dreg:$0x7];
	[sflag:s22] =	ssyncadd.s32 $0xFFFFD000  }
0x134: {  	[spmem:s2] =	stream.indirect.scatter.add.f32 [tilespmem:s18], [sflag:$0xA], $0x80, s3, s16, $0xb8;
	[tilespmem:$0x1EF00] =	vst v63  }
0x135: {  	_ =	swait.ge [sflag:s10], $0x3000  }
0x136: {  	[sflag:s10] =	ssyncset.done $0x0  }
0x137: {  	s3 =	sadd.s32 $0x140, s0;
	[sflag:s10] =	ssyncadd.s32 $0xFFFFD000  }
0x138: {  	[tilespmem:s14], [sflag:$0x8] =	stream.linear.gather [hbm4b:s3+s4], $0x100, $0x38;
	[tilespmem:$0x1EF00] =	vst v63  }
0x139: {  	_ =	swait.ge [sflag:s29], $0x100  }
0x13a: {  	[sflag:s29] =	ssyncset.done $0x0  }
0x13b: {  	[sflag:s29] =	ssyncadd.s32 $0xFFFFFF00  }
0x13c: {  	[tilespmem:s18], [sflag:$0x2] =	stream.indirect.gather [hbm4b:s1+s16], $0x80, s11, s16, $0xb8;
	[tilespmem:$0x1EF00] =	vst v63  }
0x13d: {  	_ =	swait.ge [sflag:s25], $0x3000  }
0x13e: {  	[sflag:s25] =	ssyncset.done $0x0  }
0x13f: {  	s3 =	rddreg [dreg:$0x8];
	[sflag:s25] =	ssyncadd.s32 $0xFFFFD000  }
0x140: {  	[spmem:s2] =	stream.indirect.scatter.add.f32 [tilespmem:s19], [sflag:$0xA], $0x80, s3, s16, $0xb8;
	[tilespmem:$0x1EF00] =	vst v63  }
0x141: {  	_ =	swait.ge [sflag:s10], $0x3000  }
0x142: {  	p0 =	sne.s32 s31, $0xC00;
	[sflag:s10] =	ssyncset.done $0x0  }
.Ltmp1:
0x143: {  	s0 =	sadd.s32 $0x160, s0;
	[sflag:s10] =	ssyncadd.s32 $0xFFFFD000;
	(pc) =	sbr.rel @p0 .LBB2_4-.Ltmp1, $4  }
0x144: {  	[tilespmem:s15], [sflag:$0x9] =	stream.linear.gather [hbm4b:s0+s4], $0x100, $0x38;
	[tilespmem:$0x1EF00] =	vst v63  }
0x145: {  	_ =	swait.ge [sflag:s30], $0x100  }
0x146: {  	[sflag:s30] =	ssyncset.done $0x0  }
0x147: {  	s31 =	sadd.s32 $0xC0, s31;
	[sflag:s30] =	ssyncadd.s32 $0xFFFFFF00  }
0x148: {  	[tilespmem:s19], [sflag:$0x3] =	stream.indirect.gather [hbm4b:s1+s16], $0x80, s12, s16, $0xb8;
	[tilespmem:$0x1EF00] =	vst v63  }
0x149: {  	_ =	swait.ge [sflag:s8], $0x3000  }
0x14a: {  	[sflag:s8] =	ssyncset.done $0x0  }
0x14b: {  	[sflag:s8] =	ssyncadd.s32 $0xFFFFD000  }
0x14c: {  	[spmem:s2] =	stream.indirect.scatter.add.f32 [tilespmem:s17], [sflag:$0xA], $0x80, s20, s16, $0xb8;
	[tilespmem:$0x1EF00] =	vst v63  }
0x14d: {  	_ =	swait.ge [sflag:s10], $0x3000  }
0x14e: {  	[sflag:s10] =	ssyncset.done $0x0  }
0x14f: {  	[sflag:s10] =	ssyncadd.s32 $0xFFFFD000  }
0x150: {  	_ =	swait.ge [sflag:s22], $0x3000  }
0x151: {  	[sflag:s22] =	ssyncset.done $0x0  }
0x152: {  	[sflag:s22] =	ssyncadd.s32 $0xFFFFD000  }
0x153: {  	[spmem:s2] =	stream.indirect.scatter.add.f32 [tilespmem:s18], [sflag:$0xA], $0x80, s23, s16, $0xb8;
	[tilespmem:$0x1EF00] =	vst v63  }
0x154: {  	_ =	swait.ge [sflag:s10], $0x3000  }
0x155: {  	[sflag:s10] =	ssyncset.done $0x0  }
0x156: {  	[sflag:s10] =	ssyncadd.s32 $0xFFFFD000  }
0x157: {  	_ =	swait.ge [sflag:s25], $0x3000  }
0x158: {  	[sflag:s25] =	ssyncset.done $0x0  }
0x159: {  	[sflag:s25] =	ssyncadd.s32 $0xFFFFD000  }
0x15a: {  	_ =	swait.ge [sflag:s21], $0x100  }
0x15b: {  	[sflag:s21] =	ssyncset.done $0x0  }
0x15c: {  	[sflag:s21] =	ssyncadd.s32 $0xFFFFFF00  }
0x15d: {  	_ =	swait.ge [sflag:s24], $0x100  }
0x15e: {  	[sflag:s24] =	ssyncset.done $0x0  }
0x15f: {  	[sflag:s24] =	ssyncadd.s32 $0xFFFFFF00  }
0x160: {  	_ =	swait.ge [sflag:s26], $0x100  }
0x161: {  	[sflag:s26] =	ssyncset.done $0x0  }
0x162: {  	s3 =	simm.s32 $0xA600;
	s0 =	rddreg [dreg:$0xe];
	[sflag:s26] =	ssyncadd.s32 $0xFFFFFF00  }
0x163: {  	[tilespmem:s3], [sflag:$0xA] =	stream.linear.gather [hbm4b:s0+s4], $0x100, $0x38;
	[tilespmem:$0x1EF00] =	vst v63  }
0x164: {  	_ =	swait.ge [sflag:s10], $0x100  }
0x165: {  	[sflag:s10] =	ssyncset.done $0x0  }
0x166: {  	s31 =	simm.s32 $0xA700;
	s0 =	simm.s32 $0x10;
	[sflag:s10] =	ssyncadd.s32 $0xFFFFFF00  }
0x167: {  	[tilespmem:s31], [sflag:$0x1] =	stream.indirect.gather [hbm4b:s1+s0], $0x80, s3, s0, $0xb8;
	[tilespmem:$0x1EF00] =	vst v63  }
0x168: {  	_ =	swait.ge [sflag:s8], $0x800  }
0x169: {  	[sflag:s8] =	ssyncset.done $0x0  }
0x16a: {  	s3 =	simm.s32 $0xA680;
	[sflag:s8] =	ssyncadd.s32 $0xFFFFF800  }
0x16b: {  	[spmem:s2] =	stream.indirect.scatter.add.f32 [tilespmem:s31], [sflag:$0xA], $0x80, s3, s0, $0xb8;
	[tilespmem:$0x1EF00] =	vst v63  }
0x16c: {  	_ =	swait.ge [sflag:s10], $0x800  }
0x16d: {  	[sflag:s10] =	ssyncset.done $0x0  }
0x16e: {  	s3 =	stileid.u32;
	[sflag:s10] =	ssyncadd.s32 $0xFFFFF800  }
0x16f: {  	s0 =	sshll.u32 s3, $0x6;
	[bflag:$0x0] =	sbarrier.arrive $0xFFFF  }
0x170: {  	s3 =	sshrl.u32 s6, $0x3;
	s0 =	sor.u32 $0x1C0A, s0;
	s31 =	rddreg [dreg:$0xf]  }
0x171: {  	[hbm:s31], [sflag:s0] =	dma.local [spmem:s3], $0x2800  }
0x172: {  	_ =	swait.ge [sflag:s10], $0x2800  }
0x173: {  	s7 =	sadd.s32 $0x1, s7;
	s31 =	rddreg [dreg:$0x10]  }
0x174: {  	p0 =	sne.s32 s7, s31  }
.Ltmp2:
0x175: {  	_ = 	snop;
	(pc) =	sbr.rel @p0 .LBB2_1-.Ltmp2, $3  }
0x176: {  	_ =	sdelay $0x1  }
0x177: {  	[sflag:s10] =	ssyncset.done $0x0  }
0x178: {  	[sflag:s10] =	ssyncadd.s32 $0xFFFFD800  }
0x179: {  	_ =	sfence.sel $0x180000  }
0x17a: {  	[bflag:$0x0] =	sbarrier.arrive $0xFFFF  }
0x17b: {  	_ =	strace $0x9000004D  }
0x17c: {  	s0 =	stileid.u32;
	[bflag:$0x2] =	sbarrier.arrive $0xFFFF  }
0x17d: {  	p0 =	sne.s32 s0, $0x0;
	s0 =	rddreg [dreg:$0x3]  }
0x17e: {  	s0 =	sadd.s32 @!p0 $0x100000, s0  }
0x17f: {  	[sflag:s0] =	ssyncadd.tile.s32 @!p0 $0x1;
	_ =	shalt  }
.Lfunc_end2:
_tile_overlayer_lowered:
.L_overlay_start_2:
0x180: {  	(tag) =	ssettag $0x2  }
0x181: {  	s0 =	rddreg [dreg:$0x0];
	s2 =	stileid.u32  }
0x182: {  	s1 =	rddreg [dreg:$0x1];
	p0 =	sne.s32 s2, $0x0  }
0x183: {  	s3 =	rddreg [dreg:$0x2];
	[bflag:$0x3] =	sbarrier.arrive $0xFFFF;
	s2 =	simm.s32 @!p0 $0x1C0A  }
0x184: {  	[timem:s3], [sflag:s2] =	dma.local @!p0 [hbm:s0], s1  }
0x185: {  	s0 =	simm.s32 @!p0 $0xA  }
0x186: {  	_ =	swait.ge @!p0 [sflag:s0], s1  }
0x187: {  	s1 =	ssub.s32 @!p0 $0x0, s1;
	[sflag:s0] =	ssyncset.done @!p0 $0x0  }
0x188: {  	[sflag:s0] =	ssyncadd.s32 @!p0 s1  }
0x189: {  	[bflag:$0x3] =	sbarrier.arrive $0xFFFF  }
0x18a: {  	_ =	shalt  }

// kernel: kernel.8.cloned.1.call-start
scs
__scs_entry_jumppad:
0x0: {  	(pc) =	sbr.rel $0x88, $3  }
0x1: {  	(tag) =	ssettag $0x0;
	lr =	simm.s32 $0x1  }
0x2: {  	[smem:$0x3F9A] =	sst lr;
	_ =	strace $0xD0000000  }
0x3: {  	_ = 	snop  }
0x4: {  	_ = 	snop  }
0x5: {  	_ = 	snop  }
0x6: {  	_ = 	snop  }
0x7: {  	_ = 	snop  }
__scs_overlays_trampoline_lowered:
0x8: {  	[smem:$0x3FA9] =	sst s0  }
0x9: {  	[smem:$0x3FAA] =	sst s1  }
0xa: {  	[smem:$0x3FAB] =	sst s2  }
0xb: {  	[smem:$0x3FAC] =	sst s3  }
0xc: {  	[smem:$0x3FAD] =	sst s4  }
0xd: {  	[smem:$0x3FAE] =	sst s5  }
0xe: {  	[smem:$0x3FAF] =	sst s6  }
0xf: {  	[smem:$0x3FB0] =	sst s7  }
0x10: {  	[smem:$0x3FB1] =	sst s8  }
0x11: {  	[smem:$0x3FB2] =	sst s9;
	s0 =	simm.s32 @!p0 $0x0  }
0x12: {  	s1 =	sld [smem:$0x3F98];
	s0 =	simm.s32 @p0 $0x1  }
0x13: {  	[smem:$0x3FB3] =	sst s0;
	s0 =	simm.s32 @!p1 $0x0  }
0x14: {  	s2 =	sld [smem:$0x3F97];
	s0 =	simm.s32 @p1 $0x1  }
0x15: {  	[smem:$0x3FB4] =	sst s0;
	s0 =	simm.s32 @!p2 $0x0  }
0x16: {  	s3 =	sld [smem:$0x3FDB];
	s0 =	simm.s32 @p2 $0x1  }
0x17: {  	s4 =	simm.s32 $0x1BF5;
	[smem:$0x3FB6] =	sst s0  }
0x18: {  	s0 =	sld [smem:$0x3F99];
	_ =	swait.ge [sflag:s4], $0x0  }
0x19: {  	s7 =	sld [smem:$0x3F9A]  }
0x1a: {  	s8 =	sadd.s32 $0xFFFFE003, lr  }
0x1b: {  	s9 =	sadd.s32 $0xFFFFFEF7, lr;
	s5 =	simm.s32 $0xFFFFFFFF;
	p2 =	slt.u32 s8, $0xFFFFF086  }
0x1c: {  	p1 =	slt.u32 s9, $0xF7A;
	s5 =	simm.s32 @!p2 $0x0  }
0x1d: {  	s5 =	simm.s32 @p1 $0x1;
	p0 =	seq.s32 s7, s2  }
0x1e: {  	s7 =	smul.u32 @!p0 $0xF7A, s2;
	p2 =	seq.s32 @!p0 s5, $0x0  }
0x1f: {  	s9 =	smul.u32 $0xF7A, s1;
	s8 =	simm.s32 @!p0 $0x1BF5;
	p2 =	por !p2, p0  }
0x20: {  	[sflag:s8] =	ssyncset.s32 @!p0 $0xFFFFF086;
	s6 =	sadd.s32 @!p0 s3, s7;
	s7 =	simm.s32 @!p0 $0x108  }
0x21: {  	s3 =	sadd.s32 s3, s9;
	s6 =	sadd.s32 @!p0 $0x88, s6;
	s7 =	simm.s32 @p2 $0x1082  }
0x22: {  	[simem:s7], [sflag:s8] =	dma.local @!p0 [hbm:s6], $0xF7A  }
0x23: {  	s9 =	sor.u32 $0xD0000000, s2;
	s6 =	simm.s32 $0x108;
	_ =	swait.ge @!p0 [sflag:s8], $0x0  }
0x24: {  	s3 =	sadd.s32 $0x88, s3;
	s6 =	simm.s32 @!p1 $0x1082;
	[sflag:s4] =	ssyncset.s32 $0xFFFFF086  }
0x25: {  	[simem:s6], [sflag:s4] =	dma.local [hbm:s3], $0xF7A  }
0x26: {  	[smem:$0x3F9A] =	sst s1;
	(tag) =	ssettag s2;
	_ =	strace s9  }
0x27: {  	s1 =	sld [smem:$0x3FAA]  }
0x28: {  	s2 =	sld [smem:$0x3FAB]  }
0x29: {  	s4 =	sld [smem:$0x3FAD]  }
0x2a: {  	p0 =	seq.s32 s5, $0x0;
	s5 =	sld [smem:$0x3FAE]  }
0x2b: {  	s6 =	sld [smem:$0x3FAF]  }
0x2c: {  	s7 =	sld [smem:$0x3FB0]  }
0x2d: {  	s3 =	simm.s32 $0x108;
	s8 =	sld [smem:$0x3FB1]  }
0x2e: {  	s3 =	simm.s32 @!p0 $0x1082;
	s9 =	sld [smem:$0x3FB2]  }
0x2f: {  	lr =	sadd.s32 s0, s3;
	s0 =	sld [smem:$0x3FA9]  }
0x30: {  	s3 =	sld [smem:$0x3FAC]  }
0x31: {  	[smem:$0x3FB5] =	sst s10  }
0x32: {  	s10 =	sld [smem:$0x3FB3];
	_ =	sdelay $0x3  }
0x33: {  	p0 =	seq.s32 s10, $0x1;
	s10 =	sld [smem:$0x3FB5];
	_ =	sdelay $0x3  }
0x34: {  	[smem:$0x3FB5] =	sst s10  }
0x35: {  	s10 =	sld [smem:$0x3FB4];
	_ =	sdelay $0x3  }
0x36: {  	p1 =	seq.s32 s10, $0x1;
	s10 =	sld [smem:$0x3FB5];
	_ =	sdelay $0x3  }
0x37: {  	[smem:$0x3FB5] =	sst s10  }
0x38: {  	s10 =	sld [smem:$0x3FB6]  }
0x39: {  	_ = 	snop;
	(pc) =	sbr.ind lr, $3  }
0x3a: {  	_ = 	snop  }
0x3b: {  	_ = 	snop  }
0x3c: {  	p2 =	seq.s32 s10, $0x1;
	s10 =	sld [smem:$0x3FB5]  }
0x3d: {  	_ =	shalt  }
0x3e: {  	_ =	shalt  }
0x3f: {  	_ =	shalt  }
0x40: {  	_ =	shalt  }
0x41: {  	_ =	shalt  }
0x42: {  	_ =	shalt  }
0x43: {  	_ =	shalt  }
0x44: {  	_ =	shalt  }
0x45: {  	_ =	shalt  }
0x46: {  	_ =	shalt  }
0x47: {  	_ =	shalt  }
0x48: {  	_ =	shalt  }
0x49: {  	_ =	shalt  }
0x4a: {  	_ =	shalt  }
0x4b: {  	_ =	shalt  }
0x4c: {  	_ =	shalt  }
0x4d: {  	_ =	shalt  }
0x4e: {  	_ =	shalt  }
0x4f: {  	_ =	shalt  }
0x50: {  	_ =	shalt  }
0x51: {  	_ =	shalt  }
0x52: {  	_ =	shalt  }
0x53: {  	_ =	shalt  }
0x54: {  	_ =	shalt  }
0x55: {  	_ =	shalt  }
0x56: {  	_ =	shalt  }
0x57: {  	_ =	shalt  }
0x58: {  	_ =	shalt  }
0x59: {  	_ =	shalt  }
0x5a: {  	_ =	shalt  }
0x5b: {  	_ =	shalt  }
0x5c: {  	_ =	shalt  }
0x5d: {  	_ =	shalt  }
0x5e: {  	_ =	shalt  }
0x5f: {  	_ =	shalt  }
0x60: {  	_ =	shalt  }
0x61: {  	_ =	shalt  }
0x62: {  	_ =	shalt  }
0x63: {  	_ =	shalt  }
0x64: {  	_ =	shalt  }
0x65: {  	_ =	shalt  }
0x66: {  	_ =	shalt  }
0x67: {  	_ =	shalt  }
0x68: {  	_ =	shalt  }
0x69: {  	_ =	shalt  }
0x6a: {  	_ =	shalt  }
0x6b: {  	_ =	shalt  }
0x6c: {  	_ =	shalt  }
0x6d: {  	_ =	shalt  }
0x6e: {  	_ =	shalt  }
0x6f: {  	_ =	shalt  }
0x70: {  	_ =	shalt  }
0x71: {  	_ =	shalt  }
0x72: {  	_ =	shalt  }
0x73: {  	_ =	shalt  }
0x74: {  	_ =	shalt  }
0x75: {  	_ =	shalt  }
0x76: {  	_ =	shalt  }
0x77: {  	_ =	shalt  }
0x78: {  	_ =	shalt  }
0x79: {  	_ =	shalt  }
0x7a: {  	_ =	shalt  }
0x7b: {  	_ =	shalt  }
0x7c: {  	_ =	shalt  }
0x7d: {  	_ =	shalt  }
0x7e: {  	_ =	shalt  }
0x7f: {  	_ =	shalt  }
0x80: {  	_ =	shalt  }
0x81: {  	_ =	shalt  }
0x82: {  	_ =	shalt  }
0x83: {  	_ =	shalt  }
0x84: {  	_ =	shalt  }
0x85: {  	_ =	shalt  }
0x86: {  	_ =	shalt  }
0x87: {  	_ =	shalt  }
.Lfunc_end0:
.L_simem_size_0:
called_computation_lowered:
.L_overlay_start_0:
0x88: {  	s2 =	sld [smem:$0x3FD9]  }
0x89: {  	s3 =	sld [smem:$0x3FFE];
	_ =	sdelay $0x1  }
0x8a: {  	s1 =	srdreg.scid  }
0x8b: {  	s0 =	sand.u32 $0x1, s1  }
0x8c: {  	s17 =	sshll.u32 s0, $0xA;
	s2 =	sadd.s32 s3, s2  }
0x8d: {  	s2 =	sadd.s32 s2, s17  }
0x8e: {  	[smem:$0x3FC1] =	sst s2  }
0x8f: {  	_ = 	snop  }
0x90: {  	s2 =	sld [smem:$0x3FD0];
	(tm) =	ssettm $0x1  }
0x91: {  	s18 =	sld [smem:$0x3FFB];
	_ =	sdelay $0x3  }
0x92: {  	_ =	strace s18  }
0x93: {  	s3 =	sld [smem:$0x3FFC];
	_ =	sdelay $0x3  }
0x94: {  	_ =	strace s3  }
0x95: {  	s3 =	sld [smem:$0x3FFD];
	_ =	sdelay $0x3  }
0x96: {  	_ =	strace s3  }
0x97: {  	_ =	strace $0x8FFFFFFF  }
0x98: {  	s19 =	sld [smem:$0x3FDB];
	_ =	sdelay $0x1  }
0x99: {  	s4 =	simm.s32 $_scs_section_size  }
0x9a: {  	s5 =	simm.s32 $_size__tile_overlayer_lowered;
	s6 =	simm.s32 $_tile_overlayer_lowered  }
0x9b: {  	s22 =	simm.s32 $0x1BFF;
	s21 =	sshll.u32 s6, $0x1;
	s3 =	sadd.s32 s4, s19  }
0x9c: {  	s7 =	simm.s32 $0x0;
	s20 =	sshll.u32 s5, $0x1;
	s5 =	sadd.s32 s21, s3  }
0x9d: {  	[timem:s7], [sflag:s22] =	dma.local [hbm:s5], s20  }
0x9e: {  	_ =	swait.ge [sflag:s22], s20  }
0x9f: {  	s4 =	ssub.s32 $0x0, s20;
	[sflag:s22] =	ssyncset.done $0x0  }
0xa0: {  	[sflag:s22] =	ssyncadd.s32 s4;
	_ =	sdelay $0x1  }
0xa1: {  	s23 =	simm.s32 $0x1B8B  }
0xa2: {  	_ =	swait.ge [sflag:s23], $0x1  }
0xa3: {  	[sflag:s23] =	ssyncset.done $0x0  }
0xa4: {  	s25 =	simm.s32 $0x1B8E;
	s24 =	sld [smem:$0x3FFE];
	[sflag:s23] =	ssyncadd.s32 $0xFFFFFFFF  }
0xa5: {  	s26 =	simm.s32 $execute0_lowered;
	[smem:$0x3FD2] =	sst s25  }
0xa6: {  	s5 =	sshll.u32 s26, $0x1;
	_ =	strace $0x80000046;
	[dreg:$0x1] =	wrdreg $0xFFFFFFFF  }
0xa7: {  	s28 =	simm.s32 $_size_execute0_lowered;
	s3 =	sadd.s32 s3, s5;
	[dreg:$0x0] =	wrdreg $0x0  }
0xa8: {  	s5 =	sshll.u32 s28, $0x1;
	[dreg:$0x2] =	wrdreg s3  }
0xa9: {  	[dreg:$0x3] =	wrdreg s5  }
0xaa: {  	[dreg:$0x4] =	wrdreg $0xC0  }
0xab: {  	_ =	task [dreg:s7], $0x5FFFF  }
0xac: {  	[dreg:$0x1] =	wrdreg $0xFFFFFFFF  }
0xad: {  	[dreg:$0x0] =	wrdreg $0x60  }
0xae: {  	[dreg:$0x2] =	wrdreg s2  }
0xaf: {  	[dreg:$0x3] =	wrdreg s24  }
0xb0: {  	[dreg:$0x4] =	wrdreg $0x38000  }
0xb1: {  	[dreg:$0x5] =	wrdreg $0x9  }
0xb2: {  	_ =	task.clear_ibuf [dreg:s7], $0x6FFFF;
	_ =	strace $0x90000046  }
0xb3: {  	s29 =	simm.s32 $0x9;
	_ =	strace $0x80000048  }
0xb4: {  	_ =	swait.ge [sflag:s29], $0x1  }
0xb5: {  	[sflag:s29] =	ssyncadd.s32 $0xFFFFFFFF  }
0xb6: {  	_ =	strace $0x90000048  }
0xb7: {  	_ =	sfence  }
0xb8: {  	s30 =	sld [smem:$0x0];
	_ =	sdelay $0x2  }
0xb9: {  	s31 =	sshll.u32 s1, $0xD;
	s1 =	sshrl.u32 s1, $0x2  }
0xba: {  	s3 =	sand.u32 $0x4000, s31;
	s1 =	sadd.s32 s1, s30  }
0xbb: {  	s0 =	sor.u32 s3, s0;
	s1 =	sshll.u32 s1, $0x11  }
0xbc: {  	s0 =	sor.u32 s1, s0  }
0xbd: {  	s0 =	sadd.s32 $0x8F2B, s0  }
0xbe: {  	[sflag:s0] =	ssyncadd.remote.s32 $0x1  }
0xbf: {  	_ =	sfence.sel $0xFFFF  }
0xc0: {  	[dreg:$0x0] =	wrdreg $0xFFFFFFFF;
	(pc) =	sbr.abs _section_cstart, $3  }
0xc1: {  	[dreg:$0x1] =	wrdreg $0xFFFFFFFF  }
0xc2: {  	_ =	task.clear_ibuf [dreg:s7], $0x2FFFF;
	_ =	strace $0x9FFFFFFF  }
0xc3: {  	(tm) =	ssettm $0x7FFFFFFF  }
tec
execute0_lowered:
.L_overlay_start_1:
0x0: {  	(tag) =	ssettag $0x1  }
0x1: {  	s4 =	rddreg [dreg:$0x0]  }
0x2: {  	s5 =	rddreg [dreg:$0x1]  }
0x3: {  	s2 =	rddreg [dreg:$0x2]  }
0x4: {  	s0 =	rddreg [dreg:$0x3];
	s6 =	srdreg.scid  }
0x5: {  	s3 =	simm.s32 $0x0;
	s1 =	stileid.u32;
	s12 =	simm.s32 $0x60  }
0x6: {  	s13 =	simm.s32 $0x280;
	s14 =	simm.s32 $0x400;
	s15 =	simm.s32 $0x480  }
0x7: {  	s16 =	simm.s32 $0x500;
	s17 =	simm.s32 $0x580;
	s18 =	simm.s32 $0x600  }
0x8: {  	s19 =	simm.s32 $0x680;
	s20 =	simm.s32 $0x700;
	s21 =	simm.s32 $0x1  }
0x9: {  	s22 =	simm.s32 $0x10;
	s23 =	simm.s32 $0x300;
	s26 =	simm.s32 $0x20  }
0xa: {  	s28 =	simm.s32 $0x0;
	s6 =	sand.u32 $0x1, s6;
	s8 =	smul.u32 $0x500, s1  }
0xb: {  	[smem:$0x7FF] =	sst s3;
	s29 =	smul.u32 $0xA00, s1;
	s24 =	sshll.u32 s1, $0x6  }
0xc: {  	s7 =	sshll.u32 s6, $0x4;
	_ =	strace $0x80000047;
	s9 =	sshll.u32 s6, $0x7  }
0xd: {  	s6 =	ssub.s32 $0x2, s6;
	s24 =	sor.u32 $0x1C02, s24;
	s7 =	sor.u32 s1, s7  }
0xe: {  	s8 =	sor.u32 s9, s8;
	s30 =	sshrl.u32 s6, $0x1;
	s31 =	sshrl.u32 s29, $0x2  }
0xf: {  	s9 =	simm.s32 $0x380;
	s10 =	sshll.u32 s7, $0x5;
	s7 =	smul.u32 $0x680, s7  }
0x10: {  	s8 =	sshrl.u32 s8, $0x3;
	s11 =	ssub.s32 s6, s30;
	s6 =	sadd.s32 s31, s2  }
0x11: {  	s10 =	sadd.s32 s10, s5;
	s8 =	sadd.s32 s8, s5;
	s25 =	sshrl.u32 s6, $0x3  }
0x12: {  	s4 =	sadd.s32 s4, s7;
	s5 =	sadd.s32 $0x2C10, s10;
	s7 =	sadd.s32 $0x3000, s8  }
0x13: {  	v0 =	vimm.f32 $0.0e+00;
	v1 =	vimm.f32 $1.000000000e+00;
	s8 =	smax.u32 s11, $0x1;
	s10 =	simm.s32 $0x2;
	s11 =	simm.s32 $0x3780  }
.LBB2_1:
0x14: {  	[tilespmem:$0x0] =	vst v0  }
0x15: {  	[tilespmem:$0x10] =	vst v0  }
0x16: {  	[tilespmem:$0x20] =	vst v0  }
0x17: {  	[tilespmem:$0x30] =	vst v0  }
0x18: {  	[tilespmem:$0x40] =	vst v0  }
0x19: {  	[tilespmem:$0x50] =	vst v0  }
0x1a: {  	[tilespmem:$0x60] =	vst v0  }
0x1b: {  	[tilespmem:$0x70] =	vst v0  }
0x1c: {  	[tilespmem:$0x80] =	vst v0  }
0x1d: {  	[tilespmem:$0x90] =	vst v0  }
0x1e: {  	[tilespmem:$0xA0] =	vst v0  }
0x1f: {  	[tilespmem:$0xB0] =	vst v0  }
0x20: {  	[tilespmem:$0xC0] =	vst v0  }
0x21: {  	[tilespmem:$0xD0] =	vst v0  }
0x22: {  	[tilespmem:$0xE0] =	vst v0  }
0x23: {  	[tilespmem:$0xF0] =	vst v0  }
0x24: {  	[tilespmem:$0x100] =	vst v0  }
0x25: {  	[tilespmem:$0x110] =	vst v0  }
0x26: {  	[tilespmem:$0x120] =	vst v0  }
0x27: {  	[tilespmem:$0x130] =	vst v0  }
0x28: {  	[tilespmem:$0x140] =	vst v0  }
0x29: {  	[tilespmem:$0x150] =	vst v0  }
0x2a: {  	[tilespmem:$0x160] =	vst v0  }
0x2b: {  	[tilespmem:$0x170] =	vst v0  }
0x2c: {  	[tilespmem:$0x180] =	vst v0  }
0x2d: {  	[tilespmem:$0x190] =	vst v0  }
0x2e: {  	[tilespmem:$0x1A0] =	vst v0  }
0x2f: {  	[tilespmem:$0x1B0] =	vst v0  }
0x30: {  	[tilespmem:$0x1C0] =	vst v0  }
0x31: {  	[tilespmem:$0x1D0] =	vst v0  }
0x32: {  	[tilespmem:$0x1E0] =	vst v0  }
0x33: {  	[tilespmem:$0x1F0] =	vst v0  }
0x34: {  	[tilespmem:$0x200] =	vst v0  }
0x35: {  	[tilespmem:$0x210] =	vst v0  }
0x36: {  	[tilespmem:$0x220] =	vst v0  }
0x37: {  	[tilespmem:$0x230] =	vst v0  }
0x38: {  	[tilespmem:$0x240] =	vst v0  }
0x39: {  	[tilespmem:$0x250] =	vst v0  }
0x3a: {  	[tilespmem:$0x260] =	vst v0  }
0x3b: {  	[tilespmem:$0x270] =	vst v0  }
0x3c: {  	[tilespmem:$0x280] =	vst v1  }
0x3d: {  	[tilespmem:$0x290] =	vst v1  }
0x3e: {  	[tilespmem:$0x2A0] =	vst v1  }
0x3f: {  	[tilespmem:$0x2B0] =	vst v1  }
0x40: {  	[tilespmem:$0x2C0] =	vst v1  }
0x41: {  	[tilespmem:$0x2D0] =	vst v1  }
0x42: {  	[tilespmem:$0x300] =	vst v1  }
0x43: {  	[tilespmem:s9], [sflag:$0x2] =	stream.linear.gather [hbm4b:s4+s3], $0x3400, $0x38;
	[tilespmem:$0x3A80] =	vst v63  }
0x44: {  	_ =	swait.ge [sflag:s10], $0x3400  }
0x45: {  	[sflag:s10] =	ssyncset.done $0x0  }
0x46: {  	[sflag:s10] =	ssyncadd.s32 $0xFFFFCC00  }
0x47: {  	[tilespmem:s11], [sflag:$0x2] =	stream.linear.gather [hbm4b:s5+s3], $0x80, $0x38;
	[tilespmem:$0x3A80] =	vst v63  }
0x48: {  	_ =	swait.ge [sflag:s10], $0x80  }
0x49: {  	[sflag:s10] =	ssyncset.done $0x0  }
0x4a: {  	[sflag:s10] =	ssyncadd.s32 $0xFFFFFF80  }
0x4b: {  	[spmem:s6] =	stream.linear.scatter [tilespmem:s3], [sflag:$0x2], $0x280, $0x38;
	[tilespmem:$0x3A80] =	vst v63  }
0x4c: {  	_ =	swait.ge [sflag:s10], $0x280  }
0x4d: {  	[sflag:s10] =	ssyncset.done $0x0  }
0x4e: {  	[sflag:s10] =	ssyncadd.s32 $0xFFFFFD80  }
0x4f: {  	[bflag:$0x0] =	sbarrier.arrive $0xFFFF  }
0x50: {  	[spmem:s2] =	stream.indirect.scatter.add.f32 [tilespmem:s13], [sflag:$0x1], $0x1, s9, s12, $0xb8;
	[tilespmem:$0x3A80] =	vst v63  }
0x51: {  	_ = 	snop  }
0x52: {  	[spmem:s2] =	stream.indirect.scatter.add.f32 [tilespmem:s13], [sflag:$0x1], $0x1, s14, s12, $0xb8;
	[tilespmem:$0x3A80] =	vst v63  }
0x53: {  	_ = 	snop  }
0x54: {  	[spmem:s2] =	stream.indirect.scatter.add.f32 [tilespmem:s13], [sflag:$0x1], $0x1, s15, s12, $0xb8;
	[tilespmem:$0x3A80] =	vst v63  }
0x55: {  	_ = 	snop  }
0x56: {  	[spmem:s2] =	stream.indirect.scatter.add.f32 [tilespmem:s13], [sflag:$0x1], $0x1, s16, s12, $0xb8;
	[tilespmem:$0x3A80] =	vst v63  }
0x57: {  	_ = 	snop  }
0x58: {  	[spmem:s2] =	stream.indirect.scatter.add.f32 [tilespmem:s13], [sflag:$0x1], $0x1, s17, s12, $0xb8;
	[tilespmem:$0x3A80] =	vst v63  }
0x59: {  	_ = 	snop  }
0x5a: {  	[spmem:s2] =	stream.indirect.scatter.add.f32 [tilespmem:s13], [sflag:$0x1], $0x1, s18, s12, $0xb8;
	[tilespmem:$0x3A80] =	vst v63  }
0x5b: {  	_ = 	snop  }
0x5c: {  	[spmem:s2] =	stream.indirect.scatter.add.f32 [tilespmem:s13], [sflag:$0x1], $0x1, s19, s12, $0xb8;
	[tilespmem:$0x3A80] =	vst v63  }
0x5d: {  	_ = 	snop  }
0x5e: {  	[spmem:s2] =	stream.indirect.scatter.add.f32 [tilespmem:s13], [sflag:$0x1], $0x1, s20, s12, $0xb8;
	[tilespmem:$0x3A80] =	vst v63  }
0x5f: {  	_ =	swait.ge [sflag:s21], $0x60  }
0x60: {  	[sflag:s21] =	ssyncset.done $0x0  }
0x61: {  	s29 =	simm.s32 $0x1200;
	s30 =	simm.s32 $0x780;
	[sflag:s21] =	ssyncadd.s32 $0xFFFFFFA0  }
.LBB2_2:
0x62: {  	[spmem:s2] =	stream.indirect.scatter.add.f32 [tilespmem:s13], [sflag:$0x1], $0x1, s30, s12, $0xb8;
	[tilespmem:$0x3A80] =	vst v63  }
0x63: {  	s30 =	smov.u32 s29;
	p0 =	sne.s32 s29, $0xCE00  }
.Ltmp0:
0x64: {  	s29 =	sadd.s32 $0x200, s29;
	(pc) =	sbr.rel @p0 .LBB2_2-.Ltmp0, $4  }
0x65: {  	_ = 	snop  }
0x66: {  	_ =	swait.ge [sflag:s21], $0x60  }
0x67: {  	s30 =	sshra.s32 s30, $0x2;
	[sflag:s21] =	ssyncset.done $0x0  }
0x68: {  	s30 =	sadd.s32 $0x380, s30;
	[sflag:s21] =	ssyncadd.s32 $0xFFFFFFA0  }
0x69: {  	[spmem:s2] =	stream.indirect.scatter.add.f32 [tilespmem:s13], [sflag:$0x1], $0x1, s30, s12, $0xb8;
	[tilespmem:$0x3A80] =	vst v63  }
0x6a: {  	_ =	swait.ge [sflag:s21], $0x60  }
0x6b: {  	[sflag:s21] =	ssyncset.done $0x0  }
0x6c: {  	[sflag:s21] =	ssyncadd.s32 $0xFFFFFFA0  }
0x6d: {  	_ =	swait.ge [sflag:s21], $0x60  }
0x6e: {  	[sflag:s21] =	ssyncset.done $0x0  }
0x6f: {  	[sflag:s21] =	ssyncadd.s32 $0xFFFFFFA0  }
0x70: {  	_ =	swait.ge [sflag:s21], $0x60  }
0x71: {  	[sflag:s21] =	ssyncset.done $0x0  }
0x72: {  	[sflag:s21] =	ssyncadd.s32 $0xFFFFFFA0  }
0x73: {  	_ =	swait.ge [sflag:s21], $0x60  }
0x74: {  	[sflag:s21] =	ssyncset.done $0x0  }
0x75: {  	[sflag:s21] =	ssyncadd.s32 $0xFFFFFFA0  }
0x76: {  	_ =	swait.ge [sflag:s21], $0x60  }
0x77: {  	[sflag:s21] =	ssyncset.done $0x0  }
0x78: {  	[sflag:s21] =	ssyncadd.s32 $0xFFFFFFA0  }
0x79: {  	_ =	swait.ge [sflag:s21], $0x60  }
0x7a: {  	[sflag:s21] =	ssyncset.done $0x0  }
0x7b: {  	[sflag:s21] =	ssyncadd.s32 $0xFFFFFFA0  }
0x7c: {  	_ =	swait.ge [sflag:s21], $0x60  }
0x7d: {  	[sflag:s21] =	ssyncset.done $0x0  }
0x7e: {  	[sflag:s21] =	ssyncadd.s32 $0xFFFFFFA0  }
0x7f: {  	_ =	swait.ge [sflag:s21], $0x60  }
0x80: {  	[sflag:s21] =	ssyncset.done $0x0  }
0x81: {  	[sflag:s21] =	ssyncadd.s32 $0xFFFFFFA0  }
0x82: {  	[spmem:s2] =	stream.indirect.scatter.add.f32 [tilespmem:s23], [sflag:$0x2], $0x1, s11, s22, $0xb8;
	[tilespmem:$0x3A80] =	vst v63  }
0x83: {  	_ =	swait.ge [sflag:s10], $0x10  }
0x84: {  	s28 =	sadd.s32 $0x1, s28;
	[sflag:s10] =	ssyncset.done $0x0  }
0x85: {  	p0 =	sne.s32 s28, s8;
	[sflag:s10] =	ssyncadd.s32 $0xFFFFFFF0  }
.Ltmp1:
0x86: {  	[bflag:$0x0] =	sbarrier.arrive $0xFFFF;
	(pc) =	sbr.rel @p0 .LBB2_1-.Ltmp1, $4  }
0x87: {  	[hbm:s7@s26], [sflag:s24] =	dma.strided [spmem:s25@s22], $0x50, s21, $0x10   }
0x88: {  	_ =	swait.ge [sflag:s10], $0x50  }
0x89: {  	[sflag:s10] =	ssyncset.done $0x0  }
0x8a: {  	[sflag:s10] =	ssyncadd.s32 $0xFFFFFFB0  }
0x8b: {  	_ =	sfence.sel $0x180000  }
0x8c: {  	[bflag:$0x0] =	sbarrier.arrive $0xFFFF  }
0x8d: {  	p0 =	sne.s32 s1, $0x0;
	_ =	strace $0x90000047  }
0x8e: {  	s0 =	sadd.s32 @!p0 $0x100000, s0;
	[bflag:$0x2] =	sbarrier.arrive $0xFFFF  }
0x8f: {  	[sflag:s0] =	ssyncadd.tile.s32 @!p0 $0x1;
	_ =	shalt  }
.Lfunc_end2:
_tile_overlayer_lowered:
.L_overlay_start_2:
0x90: {  	(tag) =	ssettag $0x2  }
0x91: {  	s0 =	rddreg [dreg:$0x0];
	s2 =	stileid.u32  }
0x92: {  	s1 =	rddreg [dreg:$0x1];
	p0 =	sne.s32 s2, $0x0  }
0x93: {  	s3 =	rddreg [dreg:$0x2];
	[bflag:$0x3] =	sbarrier.arrive $0xFFFF;
	s2 =	simm.s32 @!p0 $0x1C02  }
0x94: {  	[timem:s3], [sflag:s2] =	dma.local @!p0 [hbm:s0], s1  }
0x95: {  	s0 =	simm.s32 @!p0 $0x2  }
0x96: {  	_ =	swait.ge @!p0 [sflag:s0], s1  }
0x97: {  	s1 =	ssub.s32 @!p0 $0x0, s1;
	[sflag:s0] =	ssyncset.done @!p0 $0x0  }
0x98: {  	[sflag:s0] =	ssyncadd.s32 @!p0 s1  }
0x99: {  	[bflag:$0x3] =	sbarrier.arrive $0xFFFF  }
0x9a: {  	_ =	shalt  }

</sc_bundles>
